<compile_context>
chip_gen: v7x
topology: tpu7x:2x2x1
jax: 0.10.2.dev20260603
libtpu: 0.0.44.dev20260713+nightly
codegen_flags: <defaults>
</compile_context>

<pallas_src>
import functools

import jax
import jax.numpy as jnp
from jax import lax
from jax.experimental import pallas as pl
from jax.experimental.pallas import tpu as pltpu
from jax.experimental.pallas import tpu_sc as plsc

V_IN = 128
E_IN = 16
H = 64
NG = 256
N1 = 10000
N2 = 20000
N2P = 20480
E1 = 320000
E2 = 640000
K = 128
CH = 157
EPT = K * CH
NTILES = 32
E2P = EPT * NTILES
NB = N2P // 1024
EB = 4096
NBE = E2P // EB
STRIPE = N2P // 16


def _bspec(shape, imap):
    return pl.BlockSpec(shape, imap)


def _full(shape):
    return pl.BlockSpec(shape, lambda i: tuple(0 for _ in shape))



def _pre_body(x_ref, b_ref, u8_ref, w1a_ref, w1b_ref, w1u_ref, b1_ref,
              *ab_ref):
    bb = b_ref[...]
    oneh = (bb == lax.broadcasted_iota(jnp.int32, (1024, NG), 1).astype(jnp.float32)).astype(jnp.float32)
    u1 = _dot(u8_ref[...], w1u_ref[...]) + b1_ref[...]
    x = x_ref[...]
    ab_ref[0][...] = _dot(x, w1a_ref[...]) + \
        _dot(oneh, u1)
    ab_ref[1][...] = _dot(x, w1b_ref[...])


def _tc_pre(x, batchf2d, u8, w1a, w1b, w1u8, b1r):
    return pl.pallas_call(
        _pre_body,
        grid=(NB,),
        in_specs=[
            _bspec((1024, V_IN), lambda i: (i, 0)),
            _bspec((1024, 1), lambda i: (i, 0)),
            _full((NG, 8)), _full((V_IN, H)), _full((V_IN, H)),
            _full((8, H)), _full((1, H)),
        ],
        out_shape=[jax.ShapeDtypeStruct((N2P, H), jnp.float32),
                   jax.ShapeDtypeStruct((N2P, H), jnp.float32)],
        out_specs=[_bspec((1024, H), lambda i: (i, 0)),
                   _bspec((1024, H), lambda i: (i, 0))],
    )(x, batchf2d, u8, w1a, w1b, w1u8, b1r)


def _c1_body(ea_ref, w_ref, o_ref):
    o_ref[...] = _dot(ea_ref[...], w_ref[...])


def _tc_c1(ea, w1c):
    return pl.pallas_call(
        _c1_body,
        grid=(NBE,),
        in_specs=[_bspec((EB, E_IN), lambda i: (i, 0)), _full((E_IN, H))],
        out_shape=jax.ShapeDtypeStruct((E2P, H), jnp.float32),
        out_specs=_bspec((EB, H), lambda i: (i, 0)),
    )(ea, w1c)


def _r1m_body(r_ref, w21_ref, w2c_ref, o_ref):
    m2 = _dot(w21_ref[...], w2c_ref[...])
    o_ref[...] = _dot(r_ref[...], m2)


def _tc_r1m(r1, w21, w2c):
    return pl.pallas_call(
        _r1m_body,
        grid=(NBE,),
        in_specs=[_bspec((EB, H), lambda i: (i, 0)), _full((H, H)), _full((H, H))],
        out_shape=jax.ShapeDtypeStruct((E2P, H), jnp.float32),
        out_specs=_bspec((EB, H), lambda i: (i, 0)),
    )(r1, w21, w2c)


def _dot(a, b):
    return jnp.dot(a, b, preferred_element_type=jnp.float32,
                   precision=lax.Precision.HIGHEST)


def _dotT(a, b):
    return lax.dot_general(a, b, (((0,), (0,)), ((), ())),
                           preferred_element_type=jnp.float32,
                           precision=lax.Precision.HIGHEST)


def _stage1_body(x_ref, b_ref, s_ref, cnt_ref, u8_ref,
                 w21_ref, b21_ref,
                 wnx_ref, wna_ref, wnu_ref, bn_ref, wn2_ref, bn2_ref,
                 wgu_ref, wgn_ref, wge_ref, bg_ref, wg2_ref, bg2_ref,
                 ms_ref, gw_ref,
                 w2u_ref, b2e_ref, w2c_ref,
                 x1_ref, msc_ref, rw_ref, u1_ref, u2t_ref, gst_ref,
                 acc_sum, acc_sq, acc_eg, acc_g):
    i = pl.program_id(0)

    @pl.when(i == 0)
    def _():
        acc_sum[...] = jnp.zeros_like(acc_sum)
        acc_sq[...] = jnp.zeros_like(acc_sq)
        acc_eg[...] = jnp.zeros_like(acc_eg)
        acc_g[...] = jnp.zeros_like(acc_g)

    bb = b_ref[...]
    oneh = (bb == lax.broadcasted_iota(jnp.int32, (1024, NG), 1).astype(jnp.float32)).astype(jnp.float32)
    s = s_ref[0] + s_ref[1]
    cnt = (cnt_ref[0, :, 0:1] + cnt_ref[1, :, 0:1])
    agg = _dot(s, w21_ref[...]) + cnt * b21_ref[...]
    un = _dot(u8_ref[...], wnu_ref[...]) + bn_ref[...]
    nh = jnp.maximum(_dot(x_ref[...], wnx_ref[...]) + _dot(agg, wna_ref[...]) +
                     _dot(oneh, un), 0.0)
    x1 = _dot(nh, wn2_ref[...]) + bn2_ref[...]
    x1_ref[...] = x1

    acc_sum[...] += _dotT(oneh, x1)
    acc_sq[...] += _dotT(oneh, x1 * x1)
    acc_eg[...] += _dotT(oneh, s)
    ones_col = jnp.ones((1024, 1), jnp.float32)
    acc_g[:, 0:1] += _dotT(oneh, cnt)
    acc_g[:, 1:2] += _dotT(oneh, ones_col)

    @pl.when(i == NB - 1)
    def _():
        ecnt = acc_g[:, 0:1]
        ncnt = jnp.maximum(acc_g[:, 1:2], 1.0)
        m = acc_sum[...] / ncnt
        q = acc_sq[...] / ncnt
        ms = ms_ref[...]
        var = q - (2.0 * ms - ms * ms) * m * m
        rstd = lax.rsqrt(var + 1e-5)
        edge_agg = (_dot(acc_eg[...], w21_ref[...]) + ecnt * b21_ref[...]) / \
            jnp.maximum(ecnt, 1.0)
        gh = jnp.maximum(_dot(u8_ref[...], wgu_ref[...]) + _dot(m, wgn_ref[...]) +
                         _dot(edge_agg, wge_ref[...]) + bg_ref[...], 0.0)
        u1 = _dot(gh, wg2_ref[...]) + bg2_ref[...]
        u1_ref[...] = u1
        msc_ref[...] = m * ms
        rw_ref[...] = rstd * gw_ref[...]
        u2t_ref[...] = _dot(u1, w2u_ref[...]) + b2e_ref[...] + \
            _dot(b21_ref[...], w2c_ref[...])
        gst_ref[...] = acc_g[...]


def _tc_stage1(x, batchf2d, s2p, cnt2p, u8, p8):
    outs = pl.pallas_call(
        _stage1_body,
        grid=(NB,),
        in_specs=[
            _bspec((1024, V_IN), lambda i: (i, 0)),
            _bspec((1024, 1), lambda i: (i, 0)),
            _bspec((2, 1024, H), lambda i: (0, i, 0)),
            _bspec((2, 1024, 16), lambda i: (0, i, 0)),
            _full((NG, 8)),
            _full((H, H)), _full((1, H)),
            _full((V_IN, H)), _full((H, H)), _full((8, H)), _full((1, H)),
            _full((H, H)), _full((1, H)),
            _full((8, H)), _full((H, H)), _full((H, H)), _full((1, H)),
            _full((H, H)), _full((1, H)),
            _full((1, H)), _full((1, H)),
            _full((H, H)), _full((1, H)), _full((H, H)),
        ],
        out_shape=[jax.ShapeDtypeStruct((N2P, H), jnp.float32),
                   jax.ShapeDtypeStruct((NG, H), jnp.float32),
                   jax.ShapeDtypeStruct((NG, H), jnp.float32),
                   jax.ShapeDtypeStruct((NG, H), jnp.float32),
                   jax.ShapeDtypeStruct((NG, H), jnp.float32),
                   jax.ShapeDtypeStruct((NG, 128), jnp.float32)],
        out_specs=[_bspec((1024, H), lambda i: (i, 0)),
                   _full((NG, H)), _full((NG, H)), _full((NG, H)),
                   _full((NG, H)), _full((NG, 128))],
        scratch_shapes=[pltpu.VMEM((NG, H), jnp.float32),
                        pltpu.VMEM((NG, H), jnp.float32),
                        pltpu.VMEM((NG, H), jnp.float32),
                        pltpu.VMEM((NG, 128), jnp.float32)],
    )(x, batchf2d, s2p, cnt2p, u8, *p8)
    return outs


def _stage1b_body(x1_ref, b_ref, msc_ref, rw_ref, bgn_ref, w2a_ref, w2b_ref,
                  u2t_ref, xn1_ref, *ab2_ref):
    bb = b_ref[...]
    oneh = (bb == lax.broadcasted_iota(jnp.int32, (1024, NG), 1).astype(jnp.float32)).astype(jnp.float32)
    xn1 = (x1_ref[...] - _dot(oneh, msc_ref[...])) * _dot(oneh, rw_ref[...]) + \
        bgn_ref[...]
    xn1_ref[...] = xn1
    ab2_ref[0][...] = _dot(xn1, w2a_ref[...]) + _dot(oneh, u2t_ref[...])
    ab2_ref[1][...] = _dot(xn1, w2b_ref[...])


def _tc_stage1b(x1, batchf2d, msc, rw, bgn, w2a, w2b, u2t):
    return pl.pallas_call(
        _stage1b_body,
        grid=(NB,),
        in_specs=[
            _bspec((1024, H), lambda i: (i, 0)),
            _bspec((1024, 1), lambda i: (i, 0)),
            _full((NG, H)), _full((NG, H)), _full((1, H)),
            _full((H, H)), _full((H, H)), _full((NG, H)),
        ],
        out_shape=[jax.ShapeDtypeStruct((N2P, H), jnp.float32),
                   jax.ShapeDtypeStruct((N2P, H), jnp.float32),
                   jax.ShapeDtypeStruct((N2P, H), jnp.float32)],
        out_specs=[_bspec((1024, H), lambda i: (i, 0)),
                   _bspec((1024, H), lambda i: (i, 0)),
                   _bspec((1024, H), lambda i: (i, 0))],
    )(x1, batchf2d, msc, rw, bgn, w2a, w2b, u2t)


def _stage2_body(xn1_ref, b_ref, s_ref, cnt_ref, u1_ref, gst_ref,
                 w22_ref, b22_ref,
                 wnx_ref, wna_ref, wnu_ref, bn_ref, wn2_ref, bn2_ref,
                 wgu_ref, wgn_ref, wge_ref, bg_ref, wg2_ref, bg2_ref,
                 ms_ref, gw_ref,
                 x2_ref, msc_ref, rw_ref, u2_ref,
                 acc_sum, acc_sq, acc_eg):
    i = pl.program_id(0)

    @pl.when(i == 0)
    def _():
        acc_sum[...] = jnp.zeros_like(acc_sum)
        acc_sq[...] = jnp.zeros_like(acc_sq)
        acc_eg[...] = jnp.zeros_like(acc_eg)

    bb = b_ref[...]
    oneh = (bb == lax.broadcasted_iota(jnp.int32, (1024, NG), 1).astype(jnp.float32)).astype(jnp.float32)
    s = s_ref[0] + s_ref[1]
    cnt = (cnt_ref[0, :, 0:1] + cnt_ref[1, :, 0:1])
    agg = _dot(s, w22_ref[...]) + cnt * b22_ref[...]
    un = _dot(u1_ref[...], wnu_ref[...]) + bn_ref[...]
    nh = jnp.maximum(_dot(xn1_ref[...], wnx_ref[...]) + _dot(agg, wna_ref[...]) +
                     _dot(oneh, un), 0.0)
    x2 = _dot(nh, wn2_ref[...]) + bn2_ref[...]
    x2_ref[...] = x2

    acc_sum[...] += _dotT(oneh, x2)
    acc_sq[...] += _dotT(oneh, x2 * x2)
    acc_eg[...] += _dotT(oneh, s)

    @pl.when(i == NB - 1)
    def _():
        ecnt = gst_ref[:, 0:1]
        ncnt = jnp.maximum(gst_ref[:, 1:2], 1.0)
        m = acc_sum[...] / ncnt
        q = acc_sq[...] / ncnt
        ms = ms_ref[...]
        var = q - (2.0 * ms - ms * ms) * m * m
        rstd = lax.rsqrt(var + 1e-5)
        edge_agg = (_dot(acc_eg[...], w22_ref[...]) + ecnt * b22_ref[...]) / \
            jnp.maximum(ecnt, 1.0)
        gh = jnp.maximum(_dot(u1_ref[...], wgu_ref[...]) + _dot(m, wgn_ref[...]) +
                         _dot(edge_agg, wge_ref[...]) + bg_ref[...], 0.0)
        u2 = _dot(gh, wg2_ref[...]) + bg2_ref[...]
        u2_ref[...] = u2
        msc_ref[...] = m * ms
        rw_ref[...] = rstd * gw_ref[...]


def _tc_stage2(xn1, batchf2d, s2p, cnt2p, u1, gstats, p8):
    return pl.pallas_call(
        _stage2_body,
        grid=(NB,),
        in_specs=[
            _bspec((1024, H), lambda i: (i, 0)),
            _bspec((1024, 1), lambda i: (i, 0)),
            _bspec((2, 1024, H), lambda i: (0, i, 0)),
            _bspec((2, 1024, 16), lambda i: (0, i, 0)),
            _full((NG, H)), _full((NG, 128)),
            _full((H, H)), _full((1, H)),
            _full((H, H)), _full((H, H)), _full((H, H)), _full((1, H)),
            _full((H, H)), _full((1, H)),
            _full((H, H)), _full((H, H)), _full((H, H)), _full((1, H)),
            _full((H, H)), _full((1, H)),
            _full((1, H)), _full((1, H)),
        ],
        out_shape=[jax.ShapeDtypeStruct((N2P, H), jnp.float32),
                   jax.ShapeDtypeStruct((NG, H), jnp.float32),
                   jax.ShapeDtypeStruct((NG, H), jnp.float32),
                   jax.ShapeDtypeStruct((NG, H), jnp.float32)],
        out_specs=[_bspec((1024, H), lambda i: (i, 0)),
                   _full((NG, H)), _full((NG, H)), _full((NG, H))],
        scratch_shapes=[pltpu.VMEM((NG, H), jnp.float32),
                        pltpu.VMEM((NG, H), jnp.float32),
                        pltpu.VMEM((NG, H), jnp.float32)],
    )(xn1, batchf2d, s2p, cnt2p, u1, gstats, *p8)


def _stage2b_body(x2_ref, b_ref, msc_ref, rw_ref, bgn_ref, u2_ref, gst_ref,
                  nf_ref, acc_xg):
    i = pl.program_id(0)

    @pl.when(i == 0)
    def _():
        acc_xg[...] = jnp.zeros_like(acc_xg)

    bb = b_ref[...]
    oneh = (bb == lax.broadcasted_iota(jnp.int32, (1024, NG), 1).astype(jnp.float32)).astype(jnp.float32)
    xn2 = (x2_ref[...] - _dot(oneh, msc_ref[...])) * _dot(oneh, rw_ref[...]) + \
        bgn_ref[...]
    acc_xg[...] += _dotT(oneh, xn2)

    @pl.when(i == NB - 1)
    def _():
        ncnt = jnp.maximum(gst_ref[:, 1:2], 1.0)
        xg = acc_xg[...] / ncnt
        nf_ref[:, 0:H] = xg
        nf_ref[:, H:2 * H] = u2_ref[...]


def _tc_stage2b(x2, batchf2d, msc2, rw2, bgn2, u2, gstats):
    return pl.pallas_call(
        _stage2b_body,
        grid=(NB,),
        in_specs=[
            _bspec((1024, H), lambda i: (i, 0)),
            _bspec((1024, 1), lambda i: (i, 0)),
            _full((NG, H)), _full((NG, H)), _full((1, H)),
            _full((NG, H)), _full((NG, 128)),
        ],
        out_shape=jax.ShapeDtypeStruct((NG, 128), jnp.float32),
        out_specs=_full((NG, 128)),
        scratch_shapes=[pltpu.VMEM((NG, H), jnp.float32)],
    )(x2, batchf2d, msc2, rw2, bgn2, u2, gstats)


def _system_body(nf_ref, sih_ref, tih_ref,
                 pw_ref, pb_ref, e1w_ref, e1b_ref, e2w_ref, e2br_ref,
                 root_ref, mb_ref, wih_ref, whh_ref, bih_ref, bhh_ref,
                 out_ref):
    D = 128
    h = jnp.maximum(_dot(nf_ref[...], pw_ref[...]) + pb_ref[...], 0.0)
    efa = jnp.concatenate([sih_ref[...], sih_ref[...]], axis=0)
    efb = jnp.concatenate([sih_ref[...], tih_ref[...]], axis=0)
    eha = jnp.maximum(efa * e1w_ref[...] + e1b_ref[...], 0.0)
    ehb = jnp.maximum(efb * e1w_ref[...] + e1b_ref[...], 0.0)
    hb = _dot(h, e2br_ref[...])
    msga = hb
    msgb = hb
    for k in range(32):
        qk = _dot(h, e2w_ref[pl.ds(k * D, D), :])
        msga = msga + eha[:, k:k + 1] * qk
        msgb = msgb + ehb[:, k:k + 1] * qk
    aggm = jnp.concatenate([msga[128:256], msga[0:128]], axis=0) + msgb
    out = jnp.maximum(_dot(h, root_ref[...]) + aggm + mb_ref[...], 0.0)
    gi = lax.dot_general(out, wih_ref[...], (((1,), (1,)), ((), ())),
                         preferred_element_type=jnp.float32,
                         precision=lax.Precision.HIGHEST) + bih_ref[...]
    gh = lax.dot_general(h, whh_ref[...], (((1,), (1,)), ((), ())),
                         preferred_element_type=jnp.float32,
                         precision=lax.Precision.HIGHEST) + bhh_ref[...]
    r = jax.nn.sigmoid(gi[:, 0:D] + gh[:, 0:D])
    z = jax.nn.sigmoid(gi[:, D:2 * D] + gh[:, D:2 * D])
    nh = jnp.tanh(gi[:, 2 * D:3 * D] + r * gh[:, 2 * D:3 * D])
    out_ref[...] = (1.0 - z) * nh + z * h


def _tc_system(nf, sih2, tih2, pw, pb, e1w, e1b, e2w, e2br, root, mb,
               wih, whh, bih, bhh):
    return pl.pallas_call(
        _system_body,
        grid=(1,),
        in_specs=[
            _full((NG, 128)), _full((128, 1)), _full((128, 1)),
            _full((128, 128)), _full((1, 128)), _full((1, 32)), _full((1, 32)),
            _full((4096, 128)), _full((128, 128)),
            _full((128, 128)), _full((1, 128)),
            _full((384, 128)), _full((384, 128)), _full((1, 384)), _full((1, 384)),
        ],
        out_shape=jax.ShapeDtypeStruct((NG, 128), jnp.float32),
        out_specs=_full((NG, 128)),
    )(nf, sih2, tih2, pw, pb, e1w, e1b, e2w, e2br, root, mb, wih, whh, bih, bhh)



@functools.lru_cache(maxsize=None)
def _make_sc_fused(store_r: bool):
    mesh = plsc.VectorSubcoreMesh(core_axis_name="c", subcore_axis_name="s")
    outs = [jax.ShapeDtypeStruct((2, N2P, H), jnp.float32)]
    if store_r:
        outs.append(jax.ShapeDtypeStruct((E2P, H), jnp.float32))

    @functools.partial(
        pl.kernel, mesh=mesh, out_type=outs,
        compiler_params=pltpu.CompilerParams(use_tc_tiling_on_sc=False),
        scratch_types=[
            pltpu.VMEM((K,), jnp.int32),
            pltpu.VMEM((K,), jnp.int32),
            pltpu.VMEM((K, H), jnp.float32),
            pltpu.VMEM((K, H), jnp.float32),
            pltpu.VMEM((K, H), jnp.float32),
            pltpu.VMEM_SHARED((N2P, H), jnp.float32),
            pltpu.SemaphoreType.DMA,
            pltpu.SemaphoreType.DMA,
            pltpu.SemaphoreType.DMA,
        ])
    def sc_fused(a_hbm, b_hbm, c_hbm, row_hbm, col_hbm, *rest):
        it = iter(rest)
        s_out = next(it)
        r_out = next(it) if store_r else None
        idx_r = next(it); idx_c = next(it)
        abuf = next(it); bbuf = next(it); obuf = next(it)
        s_sh = next(it)
        sem = next(it); sem2 = next(it); sem3 = next(it)

        c = lax.axis_index("c")
        sid = lax.axis_index("s")
        wid = sid * 2 + c

        def zrow(i, _):
            for j in range(H // 16):
                obuf[i, pl.ds(j * 16, 16)] = jnp.zeros((16,), jnp.float32)
            return 0
        lax.fori_loop(0, K, zrow, 0)
        r0 = sid * STRIPE
        for t in range(STRIPE // K):
            pltpu.sync_copy(obuf, s_sh.at[pl.ds(r0 + t * K, K)])
        plsc.subcore_barrier()

        def chunk(ch, _):
            base = pl.multiple_of(wid * EPT + ch * K, K)
            i1 = pltpu.async_copy(row_hbm.at[pl.ds(base, K)], idx_r, sem)
            i2 = pltpu.async_copy(col_hbm.at[pl.ds(base, K)], idx_c, sem2)
            g3 = pltpu.async_copy(c_hbm.at[pl.ds(base, K)], obuf, sem3)
            i1.wait(); i2.wait()
            g1 = pltpu.async_copy(a_hbm.at[idx_r], abuf, sem)
            g2 = pltpu.async_copy(b_hbm.at[idx_c], bbuf, sem2)
            g1.wait(); g2.wait(); g3.wait()

            def erow(i, _):
                for j in range(H // 16):
                    sl = pl.ds(j * 16, 16)
                    obuf[i, sl] = jnp.maximum(
                        abuf[i, sl] + bbuf[i, sl] + obuf[i, sl], 0.0)
                return 0
            lax.fori_loop(0, K, erow, 0)
            if store_r:
                s1 = pltpu.async_copy(obuf, r_out.at[pl.ds(base, K)], sem)
            s2 = pltpu.async_copy(obuf, s_sh.at[idx_c], sem2, add=True)
            if store_r:
                s1.wait()
            s2.wait()
            return 0
        lax.fori_loop(0, CH, chunk, 0)

        plsc.subcore_barrier()
        pltpu.sync_copy(s_sh.at[pl.ds(r0, STRIPE)], s_out.at[c, pl.ds(r0, STRIPE)])

    return sc_fused


@functools.lru_cache(maxsize=None)
def _make_sc_cnt():
    mesh = plsc.VectorSubcoreMesh(core_axis_name="c", subcore_axis_name="s")

    @functools.partial(
        pl.kernel, mesh=mesh,
        out_type=jax.ShapeDtypeStruct((2, N2P, 16), jnp.float32),
        compiler_params=pltpu.CompilerParams(use_tc_tiling_on_sc=False),
        scratch_types=[
            pltpu.VMEM((K,), jnp.int32),
            pltpu.VMEM((K, 16), jnp.float32),
            pltpu.VMEM((K, 16), jnp.float32),
            pltpu.VMEM_SHARED((N2P, 16), jnp.float32),
        ])
    def sc_cnt(col_hbm, cnt_out, idx_c, ones, zc, cnt_sh):
        c = lax.axis_index("c")
        sid = lax.axis_index("s")
        wid = sid * 2 + c

        def zrow(i, _):
            zc[i, pl.ds(0, 16)] = jnp.zeros((16,), jnp.float32)
            ones[i, pl.ds(0, 16)] = jnp.full((16,), 1.0, jnp.float32)
            return 0
        lax.fori_loop(0, K, zrow, 0)
        r0 = sid * STRIPE
        for t in range(STRIPE // K):
            pltpu.sync_copy(zc, cnt_sh.at[pl.ds(r0 + t * K, K)])
        plsc.subcore_barrier()

        def chunk(ch, _):
            base = pl.multiple_of(wid * EPT + ch * K, K)
            pltpu.sync_copy(col_hbm.at[pl.ds(base, K)], idx_c)
            pltpu.sync_copy(ones, cnt_sh.at[idx_c], add=True)
            return 0
        lax.fori_loop(0, CH, chunk, 0)

        plsc.subcore_barrier()
        pltpu.sync_copy(cnt_sh.at[pl.ds(r0, STRIPE)],
                        cnt_out.at[c, pl.ds(r0, STRIPE)])

    return sc_cnt


def _sc_pass1(a, b, cc, row, col):
    s, r = _make_sc_fused(True)(a, b, cc, row, col)
    return s, r


def _sc_pass2(a, b, cc, row, col):
    s, _ = _make_sc_fused(True)(a, b, cc, row, col)
    return s


def _sc_cnt(col):
    return _make_sc_cnt()(col)



def _pad8(w):
    return jnp.pad(w, ((0, 8 - w.shape[0]), (0, 0)))


def kernel(solvent_x, solvent_edge_index, solvent_edge_attr, solvent_batch,
           solvent_ap, solvent_bp, solvent_topopsa, solvent_inter_hb,
           solute_x, solute_edge_index, solute_edge_attr, solute_batch,
           solute_ap, solute_bp, solute_topopsa, solute_inter_hb, T, params):
    p = params
    f32 = jnp.float32

    x = jnp.concatenate([solvent_x, solute_x], axis=0)
    x = jnp.pad(x, ((0, N2P - N2), (0, 0)))
    batchf = jnp.concatenate([solvent_batch.astype(f32),
                              solute_batch.astype(f32) + 128.0])
    batchf2d = jnp.pad(batchf, (0, N2P - N2),
                       constant_values=float(NG)).reshape(N2P, 1)
    ea = jnp.concatenate([solvent_edge_attr, solute_edge_attr], axis=0)
    ea = jnp.pad(ea, ((0, E2P - E2), (0, 0)))
    row = jnp.concatenate([solvent_edge_index[0],
                           solute_edge_index[0] + N1]).astype(jnp.int32)
    col = jnp.concatenate([solvent_edge_index[1],
                           solute_edge_index[1] + N1]).astype(jnp.int32)
    row = jnp.pad(row, (0, E2P - E2), constant_values=N2)
    col = jnp.pad(col, (0, E2P - E2), constant_values=N2)
    u = jnp.concatenate([
        jnp.stack([solvent_ap, solvent_bp, solvent_topopsa], axis=1),
        jnp.stack([solute_ap, solute_bp, solute_topopsa], axis=1)], axis=0)
    u8 = jnp.pad(u, ((0, 0), (0, 5)))

    w1 = p["edge1"]["l1"]["w"]
    w1a, w1b, w1c = w1[0:128], w1[128:256], w1[256:272]
    w1u8 = _pad8(w1[272:275])
    b1r = p["edge1"]["l1"]["b"][None, :]
    w21 = p["edge1"]["l2"]["w"]
    b21 = p["edge1"]["l2"]["b"][None, :]

    wn = p["node1"]["l1"]["w"]
    n1w = (wn[0:128], wn[128:192], _pad8(wn[192:195]),
           p["node1"]["l1"]["b"][None, :], p["node1"]["l2"]["w"],
           p["node1"]["l2"]["b"][None, :])
    wg = p["glob1"]["l1"]["w"]
    g1w = (_pad8(wg[0:3]), wg[3:67], wg[67:131], p["glob1"]["l1"]["b"][None, :],
           p["glob1"]["l2"]["w"], p["glob1"]["l2"]["b"][None, :])
    gn1 = p["gnorm1"]
    w2 = p["edge2"]["l1"]["w"]
    w2a, w2b, w2c, w2u = w2[0:64], w2[64:128], w2[128:192], w2[192:256]
    b2e = p["edge2"]["l1"]["b"][None, :]
    w22 = p["edge2"]["l2"]["w"]
    b22 = p["edge2"]["l2"]["b"][None, :]
    wn2 = p["node2"]["l1"]["w"]
    n2w = (wn2[0:64], wn2[64:128], wn2[128:192],
           p["node2"]["l1"]["b"][None, :], p["node2"]["l2"]["w"],
           p["node2"]["l2"]["b"][None, :])
    wg2 = p["glob2"]["l1"]["w"]
    g2w = (wg2[0:64], wg2[64:128], wg2[128:192], p["glob2"]["l1"]["b"][None, :],
           p["glob2"]["l2"]["w"], p["glob2"]["l2"]["b"][None, :])
    gn2 = p["gnorm2"]

    a1p, b1t = _tc_pre(x, batchf2d, u8, w1a, w1b, w1u8, b1r)
    c1 = _tc_c1(ea, w1c)
    s1, r1 = _sc_pass1(a1p, b1t, c1, row, col)
    cnt = _sc_cnt(col)

    p8 = (w21, b21, *n1w, *g1w,
          gn1["mean_scale"][None, :], gn1["weight"][None, :],
          w2u, b2e, w2c)
    x1, msc, rw, u1, u2t, gstats = _tc_stage1(x, batchf2d, s1, cnt, u8, p8)

    xn1, a2p, b2t = _tc_stage1b(x1, batchf2d, msc, rw,
                                gn1["bias"][None, :], w2a, w2b, u2t)
    r1m = _tc_r1m(r1, w21, w2c)
    s2 = _sc_pass2(a2p, b2t, r1m, row, col)

    p8b = (w22, b22, *n2w, *g2w,
           gn2["mean_scale"][None, :], gn2["weight"][None, :])
    x2, msc2, rw2, u2 = _tc_stage2(xn1, batchf2d, s2, cnt, u1, gstats, p8b)

    nf = _tc_stage2b(x2, batchf2d, msc2, rw2, gn2["bias"][None, :], u2, gstats)

    return _tc_system(
        nf, solvent_inter_hb[:, None], solute_inter_hb[:, None],
        p["mpnn_proj"]["w"], p["mpnn_proj"]["b"][None, :],
        p["mpnn_e1"]["w"], p["mpnn_e1"]["b"][None, :],
        p["mpnn_e2"]["w"].reshape(32 * 128, 128),
        p["mpnn_e2"]["b"].reshape(128, 128),
        p["mpnn_root"], p["mpnn_bias"][None, :],
        p["gru_w_ih"], p["gru_w_hh"],
        p["gru_b_ih"][None, :], p["gru_b_hh"][None, :])

# --- scband reference (transcript-rebuilt; emitter-appended) ---
"""Pipeline reference for scband-ghgnn-model-20203526160535 (READ-ONLY COPY).

The authoritative reference and input builder live on the scoring server;
editing this copy changes nothing except your own understanding.
"""

import jax, jax.numpy as jnp
import numpy as np

N_NODES = 10000
N_EDGES = 320000
V_IN = 128
E_IN = 16
U_IN = 3
HID = 64
BATCH = 128
D = 2 * HID

def _lin(key, fin, fout):
    k1, k2 = jax.random.split(key)
    s = 1.0 / np.sqrt(fin)
    return {"w": jax.random.uniform(k1, (fin, fout), minval=-s, maxval=s, dtype=jnp.float32),
            "b": jax.random.uniform(k2, (fout,), minval=-s, maxval=s, dtype=jnp.float32)}

def _mlp2(key, fin, hid):
    k1, k2 = jax.random.split(key)
    return {"l1": _lin(k1, fin, hid), "l2": _lin(k2, hid, hid)}

def make_params(key):
    ks = jax.random.split(key, 14)
    p = {}
    p["edge1"] = _mlp2(ks[0], 2 * V_IN + E_IN + U_IN, HID)
    p["node1"] = _mlp2(ks[1], V_IN + HID + U_IN, HID)
    p["glob1"] = _mlp2(ks[2], 2 * HID + U_IN, HID)
    p["edge2"] = _mlp2(ks[3], 4 * HID, HID)
    p["node2"] = _mlp2(ks[4], 3 * HID, HID)
    p["glob2"] = _mlp2(ks[5], 3 * HID, HID)
    p["gnorm1"] = {"weight": jnp.ones((HID,), jnp.float32), "bias": jnp.zeros((HID,), jnp.float32), "mean_scale": jnp.ones((HID,), jnp.float32)}
    p["gnorm2"] = {"weight": jnp.ones((HID,), jnp.float32), "bias": jnp.zeros((HID,), jnp.float32), "mean_scale": jnp.ones((HID,), jnp.float32)}
    p["mpnn_proj"] = _lin(ks[6], D, D)
    p["mpnn_e1"] = _lin(ks[7], 1, 32)
    p["mpnn_e2"] = _lin(ks[8], 32, D * D)
    s = 1.0 / np.sqrt(D)
    p["mpnn_root"] = jax.random.uniform(ks[9], (D, D), minval=-s, maxval=s, dtype=jnp.float32)
    p["mpnn_bias"] = jnp.zeros((D,), jnp.float32)
    p["gru_w_ih"] = jax.random.uniform(ks[10], (3 * D, D), minval=-s, maxval=s, dtype=jnp.float32)
    p["gru_w_hh"] = jax.random.uniform(ks[11], (3 * D, D), minval=-s, maxval=s, dtype=jnp.float32)
    p["gru_b_ih"] = jax.random.uniform(ks[12], (3 * D,), minval=-s, maxval=s, dtype=jnp.float32)
    p["gru_b_hh"] = jax.random.uniform(ks[13], (3 * D,), minval=-s, maxval=s, dtype=jnp.float32)
    return p

def _mlp(p, x):
    h = jax.nn.relu(x @ p["l1"]["w"] + p["l1"]["b"])
    return h @ p["l2"]["w"] + p["l2"]["b"]

def _seg_sum(d, s, n):
    return jax.ops.segment_sum(d, s, num_segments=n)

def _seg_mean(d, s, n):
    tot = jax.ops.segment_sum(d, s, num_segments=n)
    cnt = jax.ops.segment_sum(jnp.ones((d.shape[0],), d.dtype), s, num_segments=n)
    return tot / jnp.maximum(cnt, 1.0)[:, None]

def _graph_norm(p, x, batch, n, eps=1e-5):
    mean = _seg_mean(x, batch, n)
    out = x - mean[batch] * p["mean_scale"]
    var = _seg_mean(out * out, batch, n)
    return p["weight"] * out / jnp.sqrt(var[batch] + eps) + p["bias"]

def _meta_layer(pe, pn, pg, x, edge_index, edge_attr, u, batch, n_graphs):
    row, col = edge_index[0], edge_index[1]
    edge_attr = _mlp(pe, jnp.concatenate([x[row], x[col], edge_attr, u[batch[row]]], axis=1))
    agg = _seg_sum(edge_attr, col, x.shape[0])
    x = _mlp(pn, jnp.concatenate([x, agg, u[batch]], axis=1))
    node_agg = _seg_mean(x, batch, n_graphs)
    edge_agg = _seg_mean(edge_attr, batch[col], n_graphs)
    u = _mlp(pg, jnp.concatenate([u, node_agg, edge_agg], axis=1))
    return x, edge_attr, u

def _mpnn(p, x, edge_index, edge_attr):
    h = jax.nn.relu(x @ p["mpnn_proj"]["w"] + p["mpnn_proj"]["b"])
    hidden = h
    eh = jax.nn.relu(edge_attr @ p["mpnn_e1"]["w"] + p["mpnn_e1"]["b"])
    eW = (eh @ p["mpnn_e2"]["w"] + p["mpnn_e2"]["b"]).reshape(-1, D, D)
    src, dst = edge_index[0], edge_index[1]
    msg = jnp.einsum('ei,eio->eo', h[src], eW)
    agg = _seg_sum(msg, dst, h.shape[0])
    out = jax.nn.relu(h @ p["mpnn_root"] + agg + p["mpnn_bias"])
    gi = out @ p["gru_w_ih"].T + p["gru_b_ih"]
    gh = hidden @ p["gru_w_hh"].T + p["gru_b_hh"]
    ir, iz, inn = jnp.split(gi, 3, axis=1)
    hr, hz, hn = jnp.split(gh, 3, axis=1)
    r = jax.nn.sigmoid(ir + hr)
    z = jax.nn.sigmoid(iz + hz)
    nh = jnp.tanh(inn + r * hn)
    return (1.0 - z) * nh + z * hidden

def _forward(params, sx, sei, sea, sb, sap, sbp, stp, sih, tx, tei, tea, tb, tap, tbp, ttp, tih, T):
    u1 = jnp.stack([sap, sbp, stp], axis=1)
    u2 = jnp.stack([tap, tbp, ttp], axis=1)
    def branch(x, ei, ea, batch, u):
        x, ea, u = _meta_layer(params["edge1"], params["node1"], params["glob1"], x, ei, ea, u, batch, BATCH)
        x = _graph_norm(params["gnorm1"], x, batch, BATCH)
        x, ea, u = _meta_layer(params["edge2"], params["node2"], params["glob2"], x, ei, ea, u, batch, BATCH)
        x = _graph_norm(params["gnorm2"], x, batch, BATCH)
        return _seg_mean(x, batch, BATCH), u
    xg1, u1o = branch(sx, sei, sea, sb, u1)
    xg2, u2o = branch(tx, tei, tea, tb, u2)
    node_feat = jnp.concatenate([jnp.concatenate([xg1, u1o], axis=1), jnp.concatenate([xg2, u2o], axis=1)], axis=0)
    edge_feat = jnp.concatenate([jnp.tile(sih, 2), sih, tih])[:, None]
    srcn = np.arange(BATCH)
    dstn = np.arange(BATCH, 2 * BATCH)
    selfc = np.arange(2 * BATCH)
    sys_ei = jnp.asarray(np.stack([np.concatenate([srcn, dstn, selfc]), np.concatenate([dstn, srcn, selfc])]))
    return _mpnn(params, node_feat, sys_ei, edge_feat)

def setup_inputs(seed: int = 0):
    key = jax.random.key(seed)
    ks = jax.random.split(key, 20)
    inp = {
        "solvent_x": jax.random.normal(ks[0], (N_NODES, V_IN), dtype=jnp.float32),
        "solvent_edge_index": jax.random.randint(ks[1], (2, N_EDGES), 0, N_NODES),
        "solvent_edge_attr": jax.random.normal(ks[2], (N_EDGES, E_IN), dtype=jnp.float32),
        "solvent_batch": jnp.sort(jax.random.randint(ks[3], (N_NODES,), 0, BATCH)),
        "solvent_ap": jax.random.normal(ks[4], (BATCH,), dtype=jnp.float32),
        "solvent_bp": jax.random.normal(ks[5], (BATCH,), dtype=jnp.float32),
        "solvent_topopsa": jax.random.normal(ks[6], (BATCH,), dtype=jnp.float32),
        "solvent_inter_hb": jax.random.uniform(ks[7], (BATCH,), dtype=jnp.float32),
        "solute_x": jax.random.normal(ks[8], (N_NODES, V_IN), dtype=jnp.float32),
        "solute_edge_index": jax.random.randint(ks[9], (2, N_EDGES), 0, N_NODES),
        "solute_edge_attr": jax.random.normal(ks[10], (N_EDGES, E_IN), dtype=jnp.float32),
        "solute_batch": jnp.sort(jax.random.randint(ks[11], (N_NODES,), 0, BATCH)),
        "solute_ap": jax.random.normal(ks[12], (BATCH,), dtype=jnp.float32),
        "solute_bp": jax.random.normal(ks[13], (BATCH,), dtype=jnp.float32),
        "solute_topopsa": jax.random.normal(ks[14], (BATCH,), dtype=jnp.float32),
        "solute_inter_hb": jax.random.uniform(ks[15], (BATCH,), dtype=jnp.float32),
        "T": jax.random.uniform(ks[16], (BATCH,), dtype=jnp.float32) * 100.0 + 273.0,
        "params": make_params(ks[17]),
    }
    return inp

def reference(solvent_x, solvent_edge_index, solvent_edge_attr, solvent_batch, solvent_ap, solvent_bp, solvent_topopsa, solvent_inter_hb, solute_x, solute_edge_index, solute_edge_attr, solute_batch, solute_ap, solute_bp, solute_topopsa, solute_inter_hb, T, params):
    return _forward(params, solvent_x, solvent_edge_index, solvent_edge_attr, solvent_batch, solvent_ap, solvent_bp, solvent_topopsa, solvent_inter_hb, solute_x, solute_edge_index, solute_edge_attr, solute_batch, solute_ap, solute_bp, solute_topopsa, solute_inter_hb, T)

if __name__ == "__main__":
    import jax
    _d = setup_inputs()
    print(jax.jit(kernel)(*tuple(_d.values())))

</pallas_src>

<mosaic_0001>
#map = affine_map<(d0, d1) -> (0)>
#map1 = affine_map<(d0, d1) -> (0, 0, 0)>
module attributes {stable_mosaic.version = 14 : i64} {
  func.func @sc_cnt(%arg0: i32, %arg1: i32, %arg2: memref<643072xi32, #tpu.memory_space<hbm>>, %arg3: memref<2x20480x16xf32, #tpu.memory_space<hbm>>, %arg4: memref<128xi32, #tpu.memory_space<vmem>>, %arg5: memref<128x16xf32, #tpu.memory_space<vmem>>, %arg6: memref<128x16xf32, #tpu.memory_space<vmem>>, %arg7: memref<20480x16xf32, #tpu.memory_space<vmem_shared>>) attributes {dimension_semantics = [#tpu.dimension_semantics<core_parallel>, #tpu.dimension_semantics<subcore_parallel>], iteration_bounds = array<i64: 2, 16>, scalar_prefetch = 0 : i64, scratch_operands = 4 : i64, tpu.core_type = #tpu.core_type<sc_vector_subcore>, window_params = [{transform_indices = #map}, {transform_indices = #map1}]} {
    %mul3A = arith.constant 2 : i32
    %mul3A_0 = arith.muli %arg1, %mul3A : i32
    %add3A = arith.addi %mul3A_0, %arg0 : i32
    %scan3A = arith.constant 0 : i32
    %scan3A_1 = arith.constant 0 : i32
    %scan3A_2 = arith.constant 128 : i32
    %scan3A_3 = arith.addi %scan3A_1, %scan3A_2 : i32
    %scan3A_4 = arith.constant 1 : i32
    %scan3A_5 = scf.for %scan3A_37 = %scan3A_1 to %scan3A_3 step %scan3A_4 iter_args(%scan3A_38 = %scan3A) -> (i32)  : i32 {
      %broadcast_in_dim3A = arith.constant 0.000000e+00 : f32
      %broadcast_in_dim3A_39 = vector.broadcast %broadcast_in_dim3A : f32 to vector<16xf32>
      %swap3A = arith.index_cast %scan3A_37 : i32 to index
      %swap3A_40 = arith.constant 0 : index
      %swap3A_41 = tpu.vector_load %arg6[%swap3A, %swap3A_40] {strides = array<i32>} : memref<128x16xf32, #tpu.memory_space<vmem>>, vector<1x16xf32>,
      %swap3A_42 = vector.shape_cast %swap3A_41 : vector<1x16xf32> to vector<16xf32>
      %swap3A_43 = vector.shape_cast %broadcast_in_dim3A_39 : vector<16xf32> to vector<1x16xf32>
      tpu.vector_store %arg6[%swap3A, %swap3A_40], %swap3A_43 {strides = array<i32>} : memref<128x16xf32, #tpu.memory_space<vmem>>, vector<1x16xf32>,
      %broadcast_in_dim3A_44 = arith.constant 1.000000e+00 : f32
      %broadcast_in_dim3A_45 = vector.broadcast %broadcast_in_dim3A_44 : f32 to vector<16xf32>
      %swap3A_46 = arith.index_cast %scan3A_37 : i32 to index
      %swap3A_47 = arith.constant 0 : index
      %swap3A_48 = tpu.vector_load %arg5[%swap3A_46, %swap3A_47] {strides = array<i32>} : memref<128x16xf32, #tpu.memory_space<vmem>>, vector<1x16xf32>,
      %swap3A_49 = vector.shape_cast %swap3A_48 : vector<1x16xf32> to vector<16xf32>
      %swap3A_50 = vector.shape_cast %broadcast_in_dim3A_45 : vector<16xf32> to vector<1x16xf32>
      tpu.vector_store %arg5[%swap3A_46, %swap3A_47], %swap3A_50 {strides = array<i32>} : memref<128x16xf32, #tpu.memory_space<vmem>>, vector<1x16xf32>,
      %scan3A_51 = arith.constant 0 : i32
      scf.yield %scan3A_51 : i32
    }
    %scan3A_6 = arith.constant 128 : i32
    %mul3A_7 = arith.constant 1280 : i32
    %mul3A_8 = arith.muli %arg1, %mul3A_7 : i32
    %add3A_9 = arith.constant 0 : i32
    %add3A_10 = arith.addi %mul3A_8, %add3A_9 : i32
    "tpu.region"() ({
      %run_scoped3A = tpu.sem_alloc : memref<!tpu.dma_semaphore, #tpu.memory_space<semaphore_mem>>
      %dma_start3A = arith.constant 0 : i32
      %dma_start3A_37 = tpu.memref_slice %arg7[%add3A_10, %dma_start3A] : memref<20480x16xf32, #tpu.memory_space<vmem_shared>> -> memref<128x16xf32, #tpu.memory_space<vmem_shared>>
      %dma_start3A_38 = arith.constant 0 : i32
      %dma_start3A_39 = tpu.memref_slice %arg7[%add3A_10, %dma_start3A_38] : memref<20480x16xf32, #tpu.memory_space<vmem_shared>> -> memref<128x16xf32, #tpu.memory_space<vmem_shared>>
      tpu.enqueue_dma source(%arg6 : memref<128x16xf32, #tpu.memory_space<vmem>>) target(%dma_start3A_39 : memref<128x16xf32, #tpu.memory_space<vmem_shared>>) target_semaphore(%run_scoped3A : memref<!tpu.dma_semaphore, #tpu.memory_space<semaphore_mem>>)
      %dma_wait3A = arith.constant 0 : i32
      %dma_wait3A_40 = tpu.memref_slice %arg7[%add3A_10, %dma_wait3A] : memref<20480x16xf32, #tpu.memory_space<vmem_shared>> -> memref<128x16xf32, #tpu.memory_space<vmem_shared>>
      %dma_wait3A_41 = arith.constant 0 : i32
      %dma_wait3A_42 = tpu.memref_slice %arg7[%add3A_10, %dma_wait3A_41] : memref<20480x16xf32, #tpu.memory_space<vmem_shared>> -> memref<128x16xf32, #tpu.memory_space<vmem_shared>>
      tpu.wait_dma2 semaphore(%run_scoped3A : memref<!tpu.dma_semaphore, #tpu.memory_space<semaphore_mem>>) src(%arg6 : memref<128x16xf32, #tpu.memory_space<vmem>>) dst(%dma_wait3A_42 : memref<128x16xf32, #tpu.memory_space<vmem_shared>>)
      tpu.yield
    }) : () -> ()
    %add3A_11 = arith.constant 128 : i32
    %add3A_12 = arith.addi %mul3A_8, %add3A_11 : i32
    "tpu.region"() ({
      %run_scoped3A = tpu.sem_alloc : memref<!tpu.dma_semaphore, #tpu.memory_space<semaphore_mem>>
      %dma_start3A = arith.constant 0 : i32
      %dma_start3A_37 = tpu.memref_slice %arg7[%add3A_12, %dma_start3A] : memref<20480x16xf32, #tpu.memory_space<vmem_shared>> -> memref<128x16xf32, #tpu.memory_space<vmem_shared>>
      %dma_start3A_38 = arith.constant 0 : i32
      %dma_start3A_39 = tpu.memref_slice %arg7[%add3A_12, %dma_start3A_38] : memref<20480x16xf32, #tpu.memory_space<vmem_shared>> -> memref<128x16xf32, #tpu.memory_space<vmem_shared>>
      tpu.enqueue_dma source(%arg6 : memref<128x16xf32, #tpu.memory_space<vmem>>) target(%dma_start3A_39 : memref<128x16xf32, #tpu.memory_space<vmem_shared>>) target_semaphore(%run_scoped3A : memref<!tpu.dma_semaphore, #tpu.memory_space<semaphore_mem>>)
      %dma_wait3A = arith.constant 0 : i32
      %dma_wait3A_40 = tpu.memref_slice %arg7[%add3A_12, %dma_wait3A] : memref<20480x16xf32, #tpu.memory_space<vmem_shared>> -> memref<128x16xf32, #tpu.memory_space<vmem_shared>>
      %dma_wait3A_41 = arith.constant 0 : i32
      %dma_wait3A_42 = tpu.memref_slice %arg7[%add3A_12, %dma_wait3A_41] : memref<20480x16xf32, #tpu.memory_space<vmem_shared>> -> memref<128x16xf32, #tpu.memory_space<vmem_shared>>
      tpu.wait_dma2 semaphore(%run_scoped3A : memref<!tpu.dma_semaphore, #tpu.memory_space<semaphore_mem>>) src(%arg6 : memref<128x16xf32, #tpu.memory_space<vmem>>) dst(%dma_wait3A_42 : memref<128x16xf32, #tpu.memory_space<vmem_shared>>)
      tpu.yield
    }) : () -> ()
    %add3A_13 = arith.constant 256 : i32
    %add3A_14 = arith.addi %mul3A_8, %add3A_13 : i32
    "tpu.region"() ({
      %run_scoped3A = tpu.sem_alloc : memref<!tpu.dma_semaphore, #tpu.memory_space<semaphore_mem>>
      %dma_start3A = arith.constant 0 : i32
      %dma_start3A_37 = tpu.memref_slice %arg7[%add3A_14, %dma_start3A] : memref<20480x16xf32, #tpu.memory_space<vmem_shared>> -> memref<128x16xf32, #tpu.memory_space<vmem_shared>>
      %dma_start3A_38 = arith.constant 0 : i32
      %dma_start3A_39 = tpu.memref_slice %arg7[%add3A_14, %dma_start3A_38] : memref<20480x16xf32, #tpu.memory_space<vmem_shared>> -> memref<128x16xf32, #tpu.memory_space<vmem_shared>>
      tpu.enqueue_dma source(%arg6 : memref<128x16xf32, #tpu.memory_space<vmem>>) target(%dma_start3A_39 : memref<128x16xf32, #tpu.memory_space<vmem_shared>>) target_semaphore(%run_scoped3A : memref<!tpu.dma_semaphore, #tpu.memory_space<semaphore_mem>>)
      %dma_wait3A = arith.constant 0 : i32
      %dma_wait3A_40 = tpu.memref_slice %arg7[%add3A_14, %dma_wait3A] : memref<20480x16xf32, #tpu.memory_space<vmem_shared>> -> memref<128x16xf32, #tpu.memory_space<vmem_shared>>
      %dma_wait3A_41 = arith.constant 0 : i32
      %dma_wait3A_42 = tpu.memref_slice %arg7[%add3A_14, %dma_wait3A_41] : memref<20480x16xf32, #tpu.memory_space<vmem_shared>> -> memref<128x16xf32, #tpu.memory_space<vmem_shared>>
      tpu.wait_dma2 semaphore(%run_scoped3A : memref<!tpu.dma_semaphore, #tpu.memory_space<semaphore_mem>>) src(%arg6 : memref<128x16xf32, #tpu.memory_space<vmem>>) dst(%dma_wait3A_42 : memref<128x16xf32, #tpu.memory_space<vmem_shared>>)
      tpu.yield
    }) : () -> ()
    %add3A_15 = arith.constant 384 : i32
    %add3A_16 = arith.addi %mul3A_8, %add3A_15 : i32
    "tpu.region"() ({
      %run_scoped3A = tpu.sem_alloc : memref<!tpu.dma_semaphore, #tpu.memory_space<semaphore_mem>>
      %dma_start3A = arith.constant 0 : i32
      %dma_start3A_37 = tpu.memref_slice %arg7[%add3A_16, %dma_start3A] : memref<20480x16xf32, #tpu.memory_space<vmem_shared>> -> memref<128x16xf32, #tpu.memory_space<vmem_shared>>
      %dma_start3A_38 = arith.constant 0 : i32
      %dma_start3A_39 = tpu.memref_slice %arg7[%add3A_16, %dma_start3A_38] : memref<20480x16xf32, #tpu.memory_space<vmem_shared>> -> memref<128x16xf32, #tpu.memory_space<vmem_shared>>
      tpu.enqueue_dma source(%arg6 : memref<128x16xf32, #tpu.memory_space<vmem>>) target(%dma_start3A_39 : memref<128x16xf32, #tpu.memory_space<vmem_shared>>) target_semaphore(%run_scoped3A : memref<!tpu.dma_semaphore, #tpu.memory_space<semaphore_mem>>)
      %dma_wait3A = arith.constant 0 : i32
      %dma_wait3A_40 = tpu.memref_slice %arg7[%add3A_16, %dma_wait3A] : memref<20480x16xf32, #tpu.memory_space<vmem_shared>> -> memref<128x16xf32, #tpu.memory_space<vmem_shared>>
      %dma_wait3A_41 = arith.constant 0 : i32
      %dma_wait3A_42 = tpu.memref_slice %arg7[%add3A_16, %dma_wait3A_41] : memref<20480x16xf32, #tpu.memory_space<vmem_shared>> -> memref<128x16xf32, #tpu.memory_space<vmem_shared>>
      tpu.wait_dma2 semaphore(%run_scoped3A : memref<!tpu.dma_semaphore, #tpu.memory_space<semaphore_mem>>) src(%arg6 : memref<128x16xf32, #tpu.memory_space<vmem>>) dst(%dma_wait3A_42 : memref<128x16xf32, #tpu.memory_space<vmem_shared>>)
      tpu.yield
    }) : () -> ()
    %add3A_17 = arith.constant 512 : i32
    %add3A_18 = arith.addi %mul3A_8, %add3A_17 : i32
    "tpu.region"() ({
      %run_scoped3A = tpu.sem_alloc : memref<!tpu.dma_semaphore, #tpu.memory_space<semaphore_mem>>
      %dma_start3A = arith.constant 0 : i32
      %dma_start3A_37 = tpu.memref_slice %arg7[%add3A_18, %dma_start3A] : memref<20480x16xf32, #tpu.memory_space<vmem_shared>> -> memref<128x16xf32, #tpu.memory_space<vmem_shared>>
      %dma_start3A_38 = arith.constant 0 : i32
      %dma_start3A_39 = tpu.memref_slice %arg7[%add3A_18, %dma_start3A_38] : memref<20480x16xf32, #tpu.memory_space<vmem_shared>> -> memref<128x16xf32, #tpu.memory_space<vmem_shared>>
      tpu.enqueue_dma source(%arg6 : memref<128x16xf32, #tpu.memory_space<vmem>>) target(%dma_start3A_39 : memref<128x16xf32, #tpu.memory_space<vmem_shared>>) target_semaphore(%run_scoped3A : memref<!tpu.dma_semaphore, #tpu.memory_space<semaphore_mem>>)
      %dma_wait3A = arith.constant 0 : i32
      %dma_wait3A_40 = tpu.memref_slice %arg7[%add3A_18, %dma_wait3A] : memref<20480x16xf32, #tpu.memory_space<vmem_shared>> -> memref<128x16xf32, #tpu.memory_space<vmem_shared>>
      %dma_wait3A_41 = arith.constant 0 : i32
      %dma_wait3A_42 = tpu.memref_slice %arg7[%add3A_18, %dma_wait3A_41] : memref<20480x16xf32, #tpu.memory_space<vmem_shared>> -> memref<128x16xf32, #tpu.memory_space<vmem_shared>>
      tpu.wait_dma2 semaphore(%run_scoped3A : memref<!tpu.dma_semaphore, #tpu.memory_space<semaphore_mem>>) src(%arg6 : memref<128x16xf32, #tpu.memory_space<vmem>>) dst(%dma_wait3A_42 : memref<128x16xf32, #tpu.memory_space<vmem_shared>>)
      tpu.yield
    }) : () -> ()
    %add3A_19 = arith.constant 640 : i32
    %add3A_20 = arith.addi %mul3A_8, %add3A_19 : i32
    "tpu.region"() ({
      %run_scoped3A = tpu.sem_alloc : memref<!tpu.dma_semaphore, #tpu.memory_space<semaphore_mem>>
      %dma_start3A = arith.constant 0 : i32
      %dma_start3A_37 = tpu.memref_slice %arg7[%add3A_20, %dma_start3A] : memref<20480x16xf32, #tpu.memory_space<vmem_shared>> -> memref<128x16xf32, #tpu.memory_space<vmem_shared>>
      %dma_start3A_38 = arith.constant 0 : i32
      %dma_start3A_39 = tpu.memref_slice %arg7[%add3A_20, %dma_start3A_38] : memref<20480x16xf32, #tpu.memory_space<vmem_shared>> -> memref<128x16xf32, #tpu.memory_space<vmem_shared>>
      tpu.enqueue_dma source(%arg6 : memref<128x16xf32, #tpu.memory_space<vmem>>) target(%dma_start3A_39 : memref<128x16xf32, #tpu.memory_space<vmem_shared>>) target_semaphore(%run_scoped3A : memref<!tpu.dma_semaphore, #tpu.memory_space<semaphore_mem>>)
      %dma_wait3A = arith.constant 0 : i32
      %dma_wait3A_40 = tpu.memref_slice %arg7[%add3A_20, %dma_wait3A] : memref<20480x16xf32, #tpu.memory_space<vmem_shared>> -> memref<128x16xf32, #tpu.memory_space<vmem_shared>>
      %dma_wait3A_41 = arith.constant 0 : i32
      %dma_wait3A_42 = tpu.memref_slice %arg7[%add3A_20, %dma_wait3A_41] : memref<20480x16xf32, #tpu.memory_space<vmem_shared>> -> memref<128x16xf32, #tpu.memory_space<vmem_shared>>
      tpu.wait_dma2 semaphore(%run_scoped3A : memref<!tpu.dma_semaphore, #tpu.memory_space<semaphore_mem>>) src(%arg6 : memref<128x16xf32, #tpu.memory_space<vmem>>) dst(%dma_wait3A_42 : memref<128x16xf32, #tpu.memory_space<vmem_shared>>)
      tpu.yield
    }) : () -> ()
    %add3A_21 = arith.constant 768 : i32
    %add3A_22 = arith.addi %mul3A_8, %add3A_21 : i32
    "tpu.region"() ({
      %run_scoped3A = tpu.sem_alloc : memref<!tpu.dma_semaphore, #tpu.memory_space<semaphore_mem>>
      %dma_start3A = arith.constant 0 : i32
      %dma_start3A_37 = tpu.memref_slice %arg7[%add3A_22, %dma_start3A] : memref<20480x16xf32, #tpu.memory_space<vmem_shared>> -> memref<128x16xf32, #tpu.memory_space<vmem_shared>>
      %dma_start3A_38 = arith.constant 0 : i32
      %dma_start3A_39 = tpu.memref_slice %arg7[%add3A_22, %dma_start3A_38] : memref<20480x16xf32, #tpu.memory_space<vmem_shared>> -> memref<128x16xf32, #tpu.memory_space<vmem_shared>>
      tpu.enqueue_dma source(%arg6 : memref<128x16xf32, #tpu.memory_space<vmem>>) target(%dma_start3A_39 : memref<128x16xf32, #tpu.memory_space<vmem_shared>>) target_semaphore(%run_scoped3A : memref<!tpu.dma_semaphore, #tpu.memory_space<semaphore_mem>>)
      %dma_wait3A = arith.constant 0 : i32
      %dma_wait3A_40 = tpu.memref_slice %arg7[%add3A_22, %dma_wait3A] : memref<20480x16xf32, #tpu.memory_space<vmem_shared>> -> memref<128x16xf32, #tpu.memory_space<vmem_shared>>
      %dma_wait3A_41 = arith.constant 0 : i32
      %dma_wait3A_42 = tpu.memref_slice %arg7[%add3A_22, %dma_wait3A_41] : memref<20480x16xf32, #tpu.memory_space<vmem_shared>> -> memref<128x16xf32, #tpu.memory_space<vmem_shared>>
      tpu.wait_dma2 semaphore(%run_scoped3A : memref<!tpu.dma_semaphore, #tpu.memory_space<semaphore_mem>>) src(%arg6 : memref<128x16xf32, #tpu.memory_space<vmem>>) dst(%dma_wait3A_42 : memref<128x16xf32, #tpu.memory_space<vmem_shared>>)
      tpu.yield
    }) : () -> ()
    %add3A_23 = arith.constant 896 : i32
    %add3A_24 = arith.addi %mul3A_8, %add3A_23 : i32
    "tpu.region"() ({
      %run_scoped3A = tpu.sem_alloc : memref<!tpu.dma_semaphore, #tpu.memory_space<semaphore_mem>>
      %dma_start3A = arith.constant 0 : i32
      %dma_start3A_37 = tpu.memref_slice %arg7[%add3A_24, %dma_start3A] : memref<20480x16xf32, #tpu.memory_space<vmem_shared>> -> memref<128x16xf32, #tpu.memory_space<vmem_shared>>
      %dma_start3A_38 = arith.constant 0 : i32
      %dma_start3A_39 = tpu.memref_slice %arg7[%add3A_24, %dma_start3A_38] : memref<20480x16xf32, #tpu.memory_space<vmem_shared>> -> memref<128x16xf32, #tpu.memory_space<vmem_shared>>
      tpu.enqueue_dma source(%arg6 : memref<128x16xf32, #tpu.memory_space<vmem>>) target(%dma_start3A_39 : memref<128x16xf32, #tpu.memory_space<vmem_shared>>) target_semaphore(%run_scoped3A : memref<!tpu.dma_semaphore, #tpu.memory_space<semaphore_mem>>)
      %dma_wait3A = arith.constant 0 : i32
      %dma_wait3A_40 = tpu.memref_slice %arg7[%add3A_24, %dma_wait3A] : memref<20480x16xf32, #tpu.memory_space<vmem_shared>> -> memref<128x16xf32, #tpu.memory_space<vmem_shared>>
      %dma_wait3A_41 = arith.constant 0 : i32
      %dma_wait3A_42 = tpu.memref_slice %arg7[%add3A_24, %dma_wait3A_41] : memref<20480x16xf32, #tpu.memory_space<vmem_shared>> -> memref<128x16xf32, #tpu.memory_space<vmem_shared>>
      tpu.wait_dma2 semaphore(%run_scoped3A : memref<!tpu.dma_semaphore, #tpu.memory_space<semaphore_mem>>) src(%arg6 : memref<128x16xf32, #tpu.memory_space<vmem>>) dst(%dma_wait3A_42 : memref<128x16xf32, #tpu.memory_space<vmem_shared>>)
      tpu.yield
    }) : () -> ()
    %add3A_25 = arith.constant 1024 : i32
    %add3A_26 = arith.addi %mul3A_8, %add3A_25 : i32
    "tpu.region"() ({
      %run_scoped3A = tpu.sem_alloc : memref<!tpu.dma_semaphore, #tpu.memory_space<semaphore_mem>>
      %dma_start3A = arith.constant 0 : i32
      %dma_start3A_37 = tpu.memref_slice %arg7[%add3A_26, %dma_start3A] : memref<20480x16xf32, #tpu.memory_space<vmem_shared>> -> memref<128x16xf32, #tpu.memory_space<vmem_shared>>
      %dma_start3A_38 = arith.constant 0 : i32
      %dma_start3A_39 = tpu.memref_slice %arg7[%add3A_26, %dma_start3A_38] : memref<20480x16xf32, #tpu.memory_space<vmem_shared>> -> memref<128x16xf32, #tpu.memory_space<vmem_shared>>
      tpu.enqueue_dma source(%arg6 : memref<128x16xf32, #tpu.memory_space<vmem>>) target(%dma_start3A_39 : memref<128x16xf32, #tpu.memory_space<vmem_shared>>) target_semaphore(%run_scoped3A : memref<!tpu.dma_semaphore, #tpu.memory_space<semaphore_mem>>)
      %dma_wait3A = arith.constant 0 : i32
      %dma_wait3A_40 = tpu.memref_slice %arg7[%add3A_26, %dma_wait3A] : memref<20480x16xf32, #tpu.memory_space<vmem_shared>> -> memref<128x16xf32, #tpu.memory_space<vmem_shared>>
      %dma_wait3A_41 = arith.constant 0 : i32
      %dma_wait3A_42 = tpu.memref_slice %arg7[%add3A_26, %dma_wait3A_41] : memref<20480x16xf32, #tpu.memory_space<vmem_shared>> -> memref<128x16xf32, #tpu.memory_space<vmem_shared>>
      tpu.wait_dma2 semaphore(%run_scoped3A : memref<!tpu.dma_semaphore, #tpu.memory_space<semaphore_mem>>) src(%arg6 : memref<128x16xf32, #tpu.memory_space<vmem>>) dst(%dma_wait3A_42 : memref<128x16xf32, #tpu.memory_space<vmem_shared>>)
      tpu.yield
    }) : () -> ()
    %add3A_27 = arith.constant 1152 : i32
    %add3A_28 = arith.addi %mul3A_8, %add3A_27 : i32
    "tpu.region"() ({
      %run_scoped3A = tpu.sem_alloc : memref<!tpu.dma_semaphore, #tpu.memory_space<semaphore_mem>>
      %dma_start3A = arith.constant 0 : i32
      %dma_start3A_37 = tpu.memref_slice %arg7[%add3A_28, %dma_start3A] : memref<20480x16xf32, #tpu.memory_space<vmem_shared>> -> memref<128x16xf32, #tpu.memory_space<vmem_shared>>
      %dma_start3A_38 = arith.constant 0 : i32
      %dma_start3A_39 = tpu.memref_slice %arg7[%add3A_28, %dma_start3A_38] : memref<20480x16xf32, #tpu.memory_space<vmem_shared>> -> memref<128x16xf32, #tpu.memory_space<vmem_shared>>
      tpu.enqueue_dma source(%arg6 : memref<128x16xf32, #tpu.memory_space<vmem>>) target(%dma_start3A_39 : memref<128x16xf32, #tpu.memory_space<vmem_shared>>) target_semaphore(%run_scoped3A : memref<!tpu.dma_semaphore, #tpu.memory_space<semaphore_mem>>)
      %dma_wait3A = arith.constant 0 : i32
      %dma_wait3A_40 = tpu.memref_slice %arg7[%add3A_28, %dma_wait3A] : memref<20480x16xf32, #tpu.memory_space<vmem_shared>> -> memref<128x16xf32, #tpu.memory_space<vmem_shared>>
      %dma_wait3A_41 = arith.constant 0 : i32
      %dma_wait3A_42 = tpu.memref_slice %arg7[%add3A_28, %dma_wait3A_41] : memref<20480x16xf32, #tpu.memory_space<vmem_shared>> -> memref<128x16xf32, #tpu.memory_space<vmem_shared>>
      tpu.wait_dma2 semaphore(%run_scoped3A : memref<!tpu.dma_semaphore, #tpu.memory_space<semaphore_mem>>) src(%arg6 : memref<128x16xf32, #tpu.memory_space<vmem>>) dst(%dma_wait3A_42 : memref<128x16xf32, #tpu.memory_space<vmem_shared>>)
      tpu.yield
    }) : () -> ()
    %barrier3A = arith.constant 0 : index
    tpu.barrier barrier_id(%barrier3A)
    %scan3A_29 = arith.constant 0 : i32
    %scan3A_30 = arith.constant 0 : i32
    %scan3A_31 = arith.constant 157 : i32
    %scan3A_32 = arith.addi %scan3A_30, %scan3A_31 : i32
    %scan3A_33 = arith.constant 1 : i32
    %scan3A_34 = scf.for %scan3A_37 = %scan3A_30 to %scan3A_32 step %scan3A_33 iter_args(%scan3A_38 = %scan3A_29) -> (i32)  : i32 {
      %mul3A_39 = arith.constant 20096 : i32
      %mul3A_40 = arith.muli %add3A, %mul3A_39 : i32
      %mul3A_41 = arith.constant 128 : i32
      %mul3A_42 = arith.muli %scan3A_37, %mul3A_41 : i32
      %add3A_43 = arith.addi %mul3A_40, %mul3A_42 : i32
      %multiple_of3A = tpu.assume_multiple %add3A_43, 128 : i32
      "tpu.region"() ({
        %run_scoped3A = tpu.sem_alloc : memref<!tpu.dma_semaphore, #tpu.memory_space<semaphore_mem>>
        %dma_start3A = tpu.memref_slice %arg2[%multiple_of3A] : memref<643072xi32, #tpu.memory_space<hbm>> -> memref<128xi32, #tpu.memory_space<hbm>>
        %dma_start3A_45 = tpu.memref_slice %arg2[%multiple_of3A] : memref<643072xi32, #tpu.memory_space<hbm>> -> memref<128xi32, #tpu.memory_space<hbm>>
        tpu.enqueue_dma source(%dma_start3A_45 : memref<128xi32, #tpu.memory_space<hbm>>) target(%arg4 : memref<128xi32, #tpu.memory_space<vmem>>) target_semaphore(%run_scoped3A : memref<!tpu.dma_semaphore, #tpu.memory_space<semaphore_mem>>)
        %dma_wait3A = tpu.memref_slice %arg2[%multiple_of3A] : memref<643072xi32, #tpu.memory_space<hbm>> -> memref<128xi32, #tpu.memory_space<hbm>>
        %dma_wait3A_46 = tpu.memref_slice %arg2[%multiple_of3A] : memref<643072xi32, #tpu.memory_space<hbm>> -> memref<128xi32, #tpu.memory_space<hbm>>
        tpu.wait_dma2 semaphore(%run_scoped3A : memref<!tpu.dma_semaphore, #tpu.memory_space<semaphore_mem>>) src(%dma_wait3A_46 : memref<128xi32, #tpu.memory_space<hbm>>) dst(%arg4 : memref<128xi32, #tpu.memory_space<vmem>>)
        tpu.yield
      }) : () -> ()
      "tpu.region"() ({
        %run_scoped3A = tpu.sem_alloc : memref<!tpu.dma_semaphore, #tpu.memory_space<semaphore_mem>>
        %dma_start3A = arith.constant 0 : i32
        %dma_start3A_45 = arith.constant 0 : i32
        %dma_start3A_46 = tpu.memref_slice %arg7[%dma_start3A, %dma_start3A_45] : memref<20480x16xf32, #tpu.memory_space<vmem_shared>> -> memref<20480x16xf32, #tpu.memory_space<vmem_shared>>
        tpu.enqueue_indirect_dma source(%arg5 : memref<128x16xf32, #tpu.memory_space<vmem>>) target(%dma_start3A_46 : memref<20480x16xf32, #tpu.memory_space<vmem_shared>>) offsets(%arg4 : memref<128xi32, #tpu.memory_space<vmem>>) semaphore(%run_scoped3A : memref<!tpu.dma_semaphore, #tpu.memory_space<semaphore_mem>>) {add = true}
        %dma_wait3A = arith.constant 0 : i32
        %dma_wait3A_47 = arith.constant 0 : i32
        %dma_wait3A_48 = tpu.memref_slice %arg7[%dma_wait3A, %dma_wait3A_47] : memref<20480x16xf32, #tpu.memory_space<vmem_shared>> -> memref<20480x16xf32, #tpu.memory_space<vmem_shared>>
        tpu.wait_indirect_dma semaphore(%run_scoped3A : memref<!tpu.dma_semaphore, #tpu.memory_space<semaphore_mem>>) src(%arg5 : memref<128x16xf32, #tpu.memory_space<vmem>>) dst(%dma_wait3A_48 : memref<20480x16xf32, #tpu.memory_space<vmem_shared>>)
        tpu.yield
      }) : () -> ()
      %scan3A_44 = arith.constant 0 : i32
      scf.yield %scan3A_44 : i32
    }
    %scan3A_35 = arith.constant 157 : i32
    %barrier3A_36 = arith.constant 0 : index
    tpu.barrier barrier_id(%barrier3A_36)
    "tpu.region"() ({
      %run_scoped3A = tpu.sem_alloc : memref<!tpu.dma_semaphore, #tpu.memory_space<semaphore_mem>>
      %dma_start3A = arith.constant 0 : i32
      %dma_start3A_37 = tpu.memref_slice %arg3[%arg0, %mul3A_8, %dma_start3A] : memref<2x20480x16xf32, #tpu.memory_space<hbm>> -> memref<1x1280x16xf32, #tpu.memory_space<hbm>>
      %dma_start3A_38 = tpu.memref_squeeze %dma_start3A_37 : memref<1x1280x16xf32, #tpu.memory_space<hbm>> -> memref<1280x16xf32, #tpu.memory_space<hbm>>
      %dma_start3A_39 = arith.constant 0 : i32
      %dma_start3A_40 = tpu.memref_slice %arg7[%mul3A_8, %dma_start3A_39] : memref<20480x16xf32, #tpu.memory_space<vmem_shared>> -> memref<1280x16xf32, #tpu.memory_space<vmem_shared>>
      tpu.enqueue_dma source(%dma_start3A_40 : memref<1280x16xf32, #tpu.memory_space<vmem_shared>>) target(%dma_start3A_38 : memref<1280x16xf32, #tpu.memory_space<hbm>>) target_semaphore(%run_scoped3A : memref<!tpu.dma_semaphore, #tpu.memory_space<semaphore_mem>>)
      %dma_wait3A = arith.constant 0 : i32
      %dma_wait3A_41 = tpu.memref_slice %arg3[%arg0, %mul3A_8, %dma_wait3A] : memref<2x20480x16xf32, #tpu.memory_space<hbm>> -> memref<1x1280x16xf32, #tpu.memory_space<hbm>>
      %dma_wait3A_42 = tpu.memref_squeeze %dma_wait3A_41 : memref<1x1280x16xf32, #tpu.memory_space<hbm>> -> memref<1280x16xf32, #tpu.memory_space<hbm>>
      %dma_wait3A_43 = arith.constant 0 : i32
      %dma_wait3A_44 = tpu.memref_slice %arg7[%mul3A_8, %dma_wait3A_43] : memref<20480x16xf32, #tpu.memory_space<vmem_shared>> -> memref<1280x16xf32, #tpu.memory_space<vmem_shared>>
      tpu.wait_dma2 semaphore(%run_scoped3A : memref<!tpu.dma_semaphore, #tpu.memory_space<semaphore_mem>>) src(%dma_wait3A_44 : memref<1280x16xf32, #tpu.memory_space<vmem_shared>>) dst(%dma_wait3A_42 : memref<1280x16xf32, #tpu.memory_space<hbm>>)
      tpu.yield
    }) : () -> ()
    return
  }
}

#map = affine_map<(d0, d1) -> (0, 0)>
#map1 = affine_map<(d0, d1) -> (0)>
#map2 = affine_map<(d0, d1) -> (0, 0, 0)>
module attributes {stable_mosaic.version = 14 : i64} {
  func.func @sc_fused(%arg0: i32, %arg1: i32, %arg2: memref<20480x64xf32, #tpu.memory_space<hbm>>, %arg3: memref<20480x64xf32, #tpu.memory_space<hbm>>, %arg4: memref<643072x64xf32, #tpu.memory_space<hbm>>, %arg5: memref<643072xi32, #tpu.memory_space<hbm>>, %arg6: memref<643072xi32, #tpu.memory_space<hbm>>, %arg7: memref<2x20480x64xf32, #tpu.memory_space<hbm>>, %arg8: memref<643072x64xf32, #tpu.memory_space<hbm>>, %arg9: memref<128xi32, #tpu.memory_space<vmem>>, %arg10: memref<128xi32, #tpu.memory_space<vmem>>, %arg11: memref<128x64xf32, #tpu.memory_space<vmem>>, %arg12: memref<128x64xf32, #tpu.memory_space<vmem>>, %arg13: memref<128x64xf32, #tpu.memory_space<vmem>>, %arg14: memref<20480x64xf32, #tpu.memory_space<vmem_shared>>, %arg15: memref<!tpu.dma_semaphore, #tpu.memory_space<semaphore_mem>>, %arg16: memref<!tpu.dma_semaphore, #tpu.memory_space<semaphore_mem>>, %arg17: memref<!tpu.dma_semaphore, #tpu.memory_space<semaphore_mem>>) attributes {dimension_semantics = [#tpu.dimension_semantics<core_parallel>, #tpu.dimension_semantics<subcore_parallel>], iteration_bounds = array<i64: 2, 16>, scalar_prefetch = 0 : i64, scratch_operands = 9 : i64, tpu.core_type = #tpu.core_type<sc_vector_subcore>, window_params = [{transform_indices = #map}, {transform_indices = #map}, {transform_indices = #map}, {transform_indices = #map1}, {transform_indices = #map1}, {transform_indices = #map2}, {transform_indices = #map}]} {
    %mul3A = arith.constant 2 : i32
    %mul3A_0 = arith.muli %arg1, %mul3A : i32
    %add3A = arith.addi %mul3A_0, %arg0 : i32
    %scan3A = arith.constant 0 : i32
    %scan3A_1 = arith.constant 0 : i32
    %scan3A_2 = arith.constant 128 : i32
    %scan3A_3 = arith.addi %scan3A_1, %scan3A_2 : i32
    %scan3A_4 = arith.constant 1 : i32
    %scan3A_5 = scf.for %scan3A_37 = %scan3A_1 to %scan3A_3 step %scan3A_4 iter_args(%scan3A_38 = %scan3A) -> (i32)  : i32 {
      %broadcast_in_dim3A = arith.constant 0.000000e+00 : f32
      %broadcast_in_dim3A_39 = vector.broadcast %broadcast_in_dim3A : f32 to vector<16xf32>
      %swap3A = arith.index_cast %scan3A_37 : i32 to index
      %swap3A_40 = arith.constant 0 : index
      %swap3A_41 = tpu.vector_load %arg13[%swap3A, %swap3A_40] {strides = array<i32>} : memref<128x64xf32, #tpu.memory_space<vmem>>, vector<1x16xf32>,
      %swap3A_42 = vector.shape_cast %swap3A_41 : vector<1x16xf32> to vector<16xf32>
      %swap3A_43 = vector.shape_cast %broadcast_in_dim3A_39 : vector<16xf32> to vector<1x16xf32>
      tpu.vector_store %arg13[%swap3A, %swap3A_40], %swap3A_43 {strides = array<i32>} : memref<128x64xf32, #tpu.memory_space<vmem>>, vector<1x16xf32>,
      %broadcast_in_dim3A_44 = arith.constant 0.000000e+00 : f32
      %broadcast_in_dim3A_45 = vector.broadcast %broadcast_in_dim3A_44 : f32 to vector<16xf32>
      %swap3A_46 = arith.index_cast %scan3A_37 : i32 to index
      %swap3A_47 = arith.constant 16 : index
      %swap3A_48 = tpu.vector_load %arg13[%swap3A_46, %swap3A_47] {strides = array<i32>} : memref<128x64xf32, #tpu.memory_space<vmem>>, vector<1x16xf32>,
      %swap3A_49 = vector.shape_cast %swap3A_48 : vector<1x16xf32> to vector<16xf32>
      %swap3A_50 = vector.shape_cast %broadcast_in_dim3A_45 : vector<16xf32> to vector<1x16xf32>
      tpu.vector_store %arg13[%swap3A_46, %swap3A_47], %swap3A_50 {strides = array<i32>} : memref<128x64xf32, #tpu.memory_space<vmem>>, vector<1x16xf32>,
      %broadcast_in_dim3A_51 = arith.constant 0.000000e+00 : f32
      %broadcast_in_dim3A_52 = vector.broadcast %broadcast_in_dim3A_51 : f32 to vector<16xf32>
      %swap3A_53 = arith.index_cast %scan3A_37 : i32 to index
      %swap3A_54 = arith.constant 32 : index
      %swap3A_55 = tpu.vector_load %arg13[%swap3A_53, %swap3A_54] {strides = array<i32>} : memref<128x64xf32, #tpu.memory_space<vmem>>, vector<1x16xf32>,
      %swap3A_56 = vector.shape_cast %swap3A_55 : vector<1x16xf32> to vector<16xf32>
      %swap3A_57 = vector.shape_cast %broadcast_in_dim3A_52 : vector<16xf32> to vector<1x16xf32>
      tpu.vector_store %arg13[%swap3A_53, %swap3A_54], %swap3A_57 {strides = array<i32>} : memref<128x64xf32, #tpu.memory_space<vmem>>, vector<1x16xf32>,
      %broadcast_in_dim3A_58 = arith.constant 0.000000e+00 : f32
      %broadcast_in_dim3A_59 = vector.broadcast %broadcast_in_dim3A_58 : f32 to vector<16xf32>
      %swap3A_60 = arith.index_cast %scan3A_37 : i32 to index
      %swap3A_61 = arith.constant 48 : index
      %swap3A_62 = tpu.vector_load %arg13[%swap3A_60, %swap3A_61] {strides = array<i32>} : memref<128x64xf32, #tpu.memory_space<vmem>>, vector<1x16xf32>,
      %swap3A_63 = vector.shape_cast %swap3A_62 : vector<1x16xf32> to vector<16xf32>
      %swap3A_64 = vector.shape_cast %broadcast_in_dim3A_59 : vector<16xf32> to vector<1x16xf32>
      tpu.vector_store %arg13[%swap3A_60, %swap3A_61], %swap3A_64 {strides = array<i32>} : memref<128x64xf32, #tpu.memory_space<vmem>>, vector<1x16xf32>,
      %scan3A_65 = arith.constant 0 : i32
      scf.yield %scan3A_65 : i32
    }
    %scan3A_6 = arith.constant 128 : i32
    %mul3A_7 = arith.constant 1280 : i32
    %mul3A_8 = arith.muli %arg1, %mul3A_7 : i32
    %add3A_9 = arith.constant 0 : i32
    %add3A_10 = arith.addi %mul3A_8, %add3A_9 : i32
    "tpu.region"() ({
      %run_scoped3A = tpu.sem_alloc : memref<!tpu.dma_semaphore, #tpu.memory_space<semaphore_mem>>
      %dma_start3A = arith.constant 0 : i32
      %dma_start3A_37 = tpu.memref_slice %arg14[%add3A_10, %dma_start3A] : memref<20480x64xf32, #tpu.memory_space<vmem_shared>> -> memref<128x64xf32, #tpu.memory_space<vmem_shared>>
      %dma_start3A_38 = arith.constant 0 : i32
      %dma_start3A_39 = tpu.memref_slice %arg14[%add3A_10, %dma_start3A_38] : memref<20480x64xf32, #tpu.memory_space<vmem_shared>> -> memref<128x64xf32, #tpu.memory_space<vmem_shared>>
      tpu.enqueue_dma source(%arg13 : memref<128x64xf32, #tpu.memory_space<vmem>>) target(%dma_start3A_39 : memref<128x64xf32, #tpu.memory_space<vmem_shared>>) target_semaphore(%run_scoped3A : memref<!tpu.dma_semaphore, #tpu.memory_space<semaphore_mem>>)
      %dma_wait3A = arith.constant 0 : i32
      %dma_wait3A_40 = tpu.memref_slice %arg14[%add3A_10, %dma_wait3A] : memref<20480x64xf32, #tpu.memory_space<vmem_shared>> -> memref<128x64xf32, #tpu.memory_space<vmem_shared>>
      %dma_wait3A_41 = arith.constant 0 : i32
      %dma_wait3A_42 = tpu.memref_slice %arg14[%add3A_10, %dma_wait3A_41] : memref<20480x64xf32, #tpu.memory_space<vmem_shared>> -> memref<128x64xf32, #tpu.memory_space<vmem_shared>>
      tpu.wait_dma2 semaphore(%run_scoped3A : memref<!tpu.dma_semaphore, #tpu.memory_space<semaphore_mem>>) src(%arg13 : memref<128x64xf32, #tpu.memory_space<vmem>>) dst(%dma_wait3A_42 : memref<128x64xf32, #tpu.memory_space<vmem_shared>>)
      tpu.yield
    }) : () -> ()
    %add3A_11 = arith.constant 128 : i32
    %add3A_12 = arith.addi %mul3A_8, %add3A_11 : i32
    "tpu.region"() ({
      %run_scoped3A = tpu.sem_alloc : memref<!tpu.dma_semaphore, #tpu.memory_space<semaphore_mem>>
      %dma_start3A = arith.constant 0 : i32
      %dma_start3A_37 = tpu.memref_slice %arg14[%add3A_12, %dma_start3A] : memref<20480x64xf32, #tpu.memory_space<vmem_shared>> -> memref<128x64xf32, #tpu.memory_space<vmem_shared>>
      %dma_start3A_38 = arith.constant 0 : i32
      %dma_start3A_39 = tpu.memref_slice %arg14[%add3A_12, %dma_start3A_38] : memref<20480x64xf32, #tpu.memory_space<vmem_shared>> -> memref<128x64xf32, #tpu.memory_space<vmem_shared>>
      tpu.enqueue_dma source(%arg13 : memref<128x64xf32, #tpu.memory_space<vmem>>) target(%dma_start3A_39 : memref<128x64xf32, #tpu.memory_space<vmem_shared>>) target_semaphore(%run_scoped3A : memref<!tpu.dma_semaphore, #tpu.memory_space<semaphore_mem>>)
      %dma_wait3A = arith.constant 0 : i32
      %dma_wait3A_40 = tpu.memref_slice %arg14[%add3A_12, %dma_wait3A] : memref<20480x64xf32, #tpu.memory_space<vmem_shared>> -> memref<128x64xf32, #tpu.memory_space<vmem_shared>>
      %dma_wait3A_41 = arith.constant 0 : i32
      %dma_wait3A_42 = tpu.memref_slice %arg14[%add3A_12, %dma_wait3A_41] : memref<20480x64xf32, #tpu.memory_space<vmem_shared>> -> memref<128x64xf32, #tpu.memory_space<vmem_shared>>
      tpu.wait_dma2 semaphore(%run_scoped3A : memref<!tpu.dma_semaphore, #tpu.memory_space<semaphore_mem>>) src(%arg13 : memref<128x64xf32, #tpu.memory_space<vmem>>) dst(%dma_wait3A_42 : memref<128x64xf32, #tpu.memory_space<vmem_shared>>)
      tpu.yield
    }) : () -> ()
    %add3A_13 = arith.constant 256 : i32
    %add3A_14 = arith.addi %mul3A_8, %add3A_13 : i32
    "tpu.region"() ({
      %run_scoped3A = tpu.sem_alloc : memref<!tpu.dma_semaphore, #tpu.memory_space<semaphore_mem>>
      %dma_start3A = arith.constant 0 : i32
      %dma_start3A_37 = tpu.memref_slice %arg14[%add3A_14, %dma_start3A] : memref<20480x64xf32, #tpu.memory_space<vmem_shared>> -> memref<128x64xf32, #tpu.memory_space<vmem_shared>>
      %dma_start3A_38 = arith.constant 0 : i32
      %dma_start3A_39 = tpu.memref_slice %arg14[%add3A_14, %dma_start3A_38] : memref<20480x64xf32, #tpu.memory_space<vmem_shared>> -> memref<128x64xf32, #tpu.memory_space<vmem_shared>>
      tpu.enqueue_dma source(%arg13 : memref<128x64xf32, #tpu.memory_space<vmem>>) target(%dma_start3A_39 : memref<128x64xf32, #tpu.memory_space<vmem_shared>>) target_semaphore(%run_scoped3A : memref<!tpu.dma_semaphore, #tpu.memory_space<semaphore_mem>>)
      %dma_wait3A = arith.constant 0 : i32
      %dma_wait3A_40 = tpu.memref_slice %arg14[%add3A_14, %dma_wait3A] : memref<20480x64xf32, #tpu.memory_space<vmem_shared>> -> memref<128x64xf32, #tpu.memory_space<vmem_shared>>
      %dma_wait3A_41 = arith.constant 0 : i32
      %dma_wait3A_42 = tpu.memref_slice %arg14[%add3A_14, %dma_wait3A_41] : memref<20480x64xf32, #tpu.memory_space<vmem_shared>> -> memref<128x64xf32, #tpu.memory_space<vmem_shared>>
      tpu.wait_dma2 semaphore(%run_scoped3A : memref<!tpu.dma_semaphore, #tpu.memory_space<semaphore_mem>>) src(%arg13 : memref<128x64xf32, #tpu.memory_space<vmem>>) dst(%dma_wait3A_42 : memref<128x64xf32, #tpu.memory_space<vmem_shared>>)
      tpu.yield
    }) : () -> ()
    %add3A_15 = arith.constant 384 : i32
    %add3A_16 = arith.addi %mul3A_8, %add3A_15 : i32
    "tpu.region"() ({
      %run_scoped3A = tpu.sem_alloc : memref<!tpu.dma_semaphore, #tpu.memory_space<semaphore_mem>>
      %dma_start3A = arith.constant 0 : i32
      %dma_start3A_37 = tpu.memref_slice %arg14[%add3A_16, %dma_start3A] : memref<20480x64xf32, #tpu.memory_space<vmem_shared>> -> memref<128x64xf32, #tpu.memory_space<vmem_shared>>
      %dma_start3A_38 = arith.constant 0 : i32
      %dma_start3A_39 = tpu.memref_slice %arg14[%add3A_16, %dma_start3A_38] : memref<20480x64xf32, #tpu.memory_space<vmem_shared>> -> memref<128x64xf32, #tpu.memory_space<vmem_shared>>
      tpu.enqueue_dma source(%arg13 : memref<128x64xf32, #tpu.memory_space<vmem>>) target(%dma_start3A_39 : memref<128x64xf32, #tpu.memory_space<vmem_shared>>) target_semaphore(%run_scoped3A : memref<!tpu.dma_semaphore, #tpu.memory_space<semaphore_mem>>)
      %dma_wait3A = arith.constant 0 : i32
      %dma_wait3A_40 = tpu.memref_slice %arg14[%add3A_16, %dma_wait3A] : memref<20480x64xf32, #tpu.memory_space<vmem_shared>> -> memref<128x64xf32, #tpu.memory_space<vmem_shared>>
      %dma_wait3A_41 = arith.constant 0 : i32
      %dma_wait3A_42 = tpu.memref_slice %arg14[%add3A_16, %dma_wait3A_41] : memref<20480x64xf32, #tpu.memory_space<vmem_shared>> -> memref<128x64xf32, #tpu.memory_space<vmem_shared>>
      tpu.wait_dma2 semaphore(%run_scoped3A : memref<!tpu.dma_semaphore, #tpu.memory_space<semaphore_mem>>) src(%arg13 : memref<128x64xf32, #tpu.memory_space<vmem>>) dst(%dma_wait3A_42 : memref<128x64xf32, #tpu.memory_space<vmem_shared>>)
      tpu.yield
    }) : () -> ()
    %add3A_17 = arith.constant 512 : i32
    %add3A_18 = arith.addi %mul3A_8, %add3A_17 : i32
    "tpu.region"() ({
      %run_scoped3A = tpu.sem_alloc : memref<!tpu.dma_semaphore, #tpu.memory_space<semaphore_mem>>
      %dma_start3A = arith.constant 0 : i32
      %dma_start3A_37 = tpu.memref_slice %arg14[%add3A_18, %dma_start3A] : memref<20480x64xf32, #tpu.memory_space<vmem_shared>> -> memref<128x64xf32, #tpu.memory_space<vmem_shared>>
      %dma_start3A_38 = arith.constant 0 : i32
      %dma_start3A_39 = tpu.memref_slice %arg14[%add3A_18, %dma_start3A_38] : memref<20480x64xf32, #tpu.memory_space<vmem_shared>> -> memref<128x64xf32, #tpu.memory_space<vmem_shared>>
      tpu.enqueue_dma source(%arg13 : memref<128x64xf32, #tpu.memory_space<vmem>>) target(%dma_start3A_39 : memref<128x64xf32, #tpu.memory_space<vmem_shared>>) target_semaphore(%run_scoped3A : memref<!tpu.dma_semaphore, #tpu.memory_space<semaphore_mem>>)
      %dma_wait3A = arith.constant 0 : i32
      %dma_wait3A_40 = tpu.memref_slice %arg14[%add3A_18, %dma_wait3A] : memref<20480x64xf32, #tpu.memory_space<vmem_shared>> -> memref<128x64xf32, #tpu.memory_space<vmem_shared>>
      %dma_wait3A_41 = arith.constant 0 : i32
      %dma_wait3A_42 = tpu.memref_slice %arg14[%add3A_18, %dma_wait3A_41] : memref<20480x64xf32, #tpu.memory_space<vmem_shared>> -> memref<128x64xf32, #tpu.memory_space<vmem_shared>>
      tpu.wait_dma2 semaphore(%run_scoped3A : memref<!tpu.dma_semaphore, #tpu.memory_space<semaphore_mem>>) src(%arg13 : memref<128x64xf32, #tpu.memory_space<vmem>>) dst(%dma_wait3A_42 : memref<128x64xf32, #tpu.memory_space<vmem_shared>>)
      tpu.yield
    }) : () -> ()
    %add3A_19 = arith.constant 640 : i32
    %add3A_20 = arith.addi %mul3A_8, %add3A_19 : i32
    "tpu.region"() ({
      %run_scoped3A = tpu.sem_alloc : memref<!tpu.dma_semaphore, #tpu.memory_space<semaphore_mem>>
      %dma_start3A = arith.constant 0 : i32
      %dma_start3A_37 = tpu.memref_slice %arg14[%add3A_20, %dma_start3A] : memref<20480x64xf32, #tpu.memory_space<vmem_shared>> -> memref<128x64xf32, #tpu.memory_space<vmem_shared>>
      %dma_start3A_38 = arith.constant 0 : i32
      %dma_start3A_39 = tpu.memref_slice %arg14[%add3A_20, %dma_start3A_38] : memref<20480x64xf32, #tpu.memory_space<vmem_shared>> -> memref<128x64xf32, #tpu.memory_space<vmem_shared>>
      tpu.enqueue_dma source(%arg13 : memref<128x64xf32, #tpu.memory_space<vmem>>) target(%dma_start3A_39 : memref<128x64xf32, #tpu.memory_space<vmem_shared>>) target_semaphore(%run_scoped3A : memref<!tpu.dma_semaphore, #tpu.memory_space<semaphore_mem>>)
      %dma_wait3A = arith.constant 0 : i32
      %dma_wait3A_40 = tpu.memref_slice %arg14[%add3A_20, %dma_wait3A] : memref<20480x64xf32, #tpu.memory_space<vmem_shared>> -> memref<128x64xf32, #tpu.memory_space<vmem_shared>>
      %dma_wait3A_41 = arith.constant 0 : i32
      %dma_wait3A_42 = tpu.memref_slice %arg14[%add3A_20, %dma_wait3A_41] : memref<20480x64xf32, #tpu.memory_space<vmem_shared>> -> memref<128x64xf32, #tpu.memory_space<vmem_shared>>
      tpu.wait_dma2 semaphore(%run_scoped3A : memref<!tpu.dma_semaphore, #tpu.memory_space<semaphore_mem>>) src(%arg13 : memref<128x64xf32, #tpu.memory_space<vmem>>) dst(%dma_wait3A_42 : memref<128x64xf32, #tpu.memory_space<vmem_shared>>)
      tpu.yield
    }) : () -> ()
    %add3A_21 = arith.constant 768 : i32
    %add3A_22 = arith.addi %mul3A_8, %add3A_21 : i32
    "tpu.region"() ({
      %run_scoped3A = tpu.sem_alloc : memref<!tpu.dma_semaphore, #tpu.memory_space<semaphore_mem>>
      %dma_start3A = arith.constant 0 : i32
      %dma_start3A_37 = tpu.memref_slice %arg14[%add3A_22, %dma_start3A] : memref<20480x64xf32, #tpu.memory_space<vmem_shared>> -> memref<128x64xf32, #tpu.memory_space<vmem_shared>>
      %dma_start3A_38 = arith.constant 0 : i32
      %dma_start3A_39 = tpu.memref_slice %arg14[%add3A_22, %dma_start3A_38] : memref<20480x64xf32, #tpu.memory_space<vmem_shared>> -> memref<128x64xf32, #tpu.memory_space<vmem_shared>>
      tpu.enqueue_dma source(%arg13 : memref<128x64xf32, #tpu.memory_space<vmem>>) target(%dma_start3A_39 : memref<128x64xf32, #tpu.memory_space<vmem_shared>>) target_semaphore(%run_scoped3A : memref<!tpu.dma_semaphore, #tpu.memory_space<semaphore_mem>>)
      %dma_wait3A = arith.constant 0 : i32
      %dma_wait3A_40 = tpu.memref_slice %arg14[%add3A_22, %dma_wait3A] : memref<20480x64xf32, #tpu.memory_space<vmem_shared>> -> memref<128x64xf32, #tpu.memory_space<vmem_shared>>
      %dma_wait3A_41 = arith.constant 0 : i32
      %dma_wait3A_42 = tpu.memref_slice %arg14[%add3A_22, %dma_wait3A_41] : memref<20480x64xf32, #tpu.memory_space<vmem_shared>> -> memref<128x64xf32, #tpu.memory_space<vmem_shared>>
      tpu.wait_dma2 semaphore(%run_scoped3A : memref<!tpu.dma_semaphore, #tpu.memory_space<semaphore_mem>>) src(%arg13 : memref<128x64xf32, #tpu.memory_space<vmem>>) dst(%dma_wait3A_42 : memref<128x64xf32, #tpu.memory_space<vmem_shared>>)
      tpu.yield
    }) : () -> ()
    %add3A_23 = arith.constant 896 : i32
    %add3A_24 = arith.addi %mul3A_8, %add3A_23 : i32
    "tpu.region"() ({
      %run_scoped3A = tpu.sem_alloc : memref<!tpu.dma_semaphore, #tpu.memory_space<semaphore_mem>>
      %dma_start3A = arith.constant 0 : i32
      %dma_start3A_37 = tpu.memref_slice %arg14[%add3A_24, %dma_start3A] : memref<20480x64xf32, #tpu.memory_space<vmem_shared>> -> memref<128x64xf32, #tpu.memory_space<vmem_shared>>
      %dma_start3A_38 = arith.constant 0 : i32
      %dma_start3A_39 = tpu.memref_slice %arg14[%add3A_24, %dma_start3A_38] : memref<20480x64xf32, #tpu.memory_space<vmem_shared>> -> memref<128x64xf32, #tpu.memory_space<vmem_shared>>
      tpu.enqueue_dma source(%arg13 : memref<128x64xf32, #tpu.memory_space<vmem>>) target(%dma_start3A_39 : memref<128x64xf32, #tpu.memory_space<vmem_shared>>) target_semaphore(%run_scoped3A : memref<!tpu.dma_semaphore, #tpu.memory_space<semaphore_mem>>)
      %dma_wait3A = arith.constant 0 : i32
      %dma_wait3A_40 = tpu.memref_slice %arg14[%add3A_24, %dma_wait3A] : memref<20480x64xf32, #tpu.memory_space<vmem_shared>> -> memref<128x64xf32, #tpu.memory_space<vmem_shared>>
      %dma_wait3A_41 = arith.constant 0 : i32
      %dma_wait3A_42 = tpu.memref_slice %arg14[%add3A_24, %dma_wait3A_41] : memref<20480x64xf32, #tpu.memory_space<vmem_shared>> -> memref<128x64xf32, #tpu.memory_space<vmem_shared>>
      tpu.wait_dma2 semaphore(%run_scoped3A : memref<!tpu.dma_semaphore, #tpu.memory_space<semaphore_mem>>) src(%arg13 : memref<128x64xf32, #tpu.memory_space<vmem>>) dst(%dma_wait3A_42 : memref<128x64xf32, #tpu.memory_space<vmem_shared>>)
      tpu.yield
    }) : () -> ()
    %add3A_25 = arith.constant 1024 : i32
    %add3A_26 = arith.addi %mul3A_8, %add3A_25 : i32
    "tpu.region"() ({
      %run_scoped3A = tpu.sem_alloc : memref<!tpu.dma_semaphore, #tpu.memory_space<semaphore_mem>>
      %dma_start3A = arith.constant 0 : i32
      %dma_start3A_37 = tpu.memref_slice %arg14[%add3A_26, %dma_start3A] : memref<20480x64xf32, #tpu.memory_space<vmem_shared>> -> memref<128x64xf32, #tpu.memory_space<vmem_shared>>
      %dma_start3A_38 = arith.constant 0 : i32
      %dma_start3A_39 = tpu.memref_slice %arg14[%add3A_26, %dma_start3A_38] : memref<20480x64xf32, #tpu.memory_space<vmem_shared>> -> memref<128x64xf32, #tpu.memory_space<vmem_shared>>
      tpu.enqueue_dma source(%arg13 : memref<128x64xf32, #tpu.memory_space<vmem>>) target(%dma_start3A_39 : memref<128x64xf32, #tpu.memory_space<vmem_shared>>) target_semaphore(%run_scoped3A : memref<!tpu.dma_semaphore, #tpu.memory_space<semaphore_mem>>)
      %dma_wait3A = arith.constant 0 : i32
      %dma_wait3A_40 = tpu.memref_slice %arg14[%add3A_26, %dma_wait3A] : memref<20480x64xf32, #tpu.memory_space<vmem_shared>> -> memref<128x64xf32, #tpu.memory_space<vmem_shared>>
      %dma_wait3A_41 = arith.constant 0 : i32
      %dma_wait3A_42 = tpu.memref_slice %arg14[%add3A_26, %dma_wait3A_41] : memref<20480x64xf32, #tpu.memory_space<vmem_shared>> -> memref<128x64xf32, #tpu.memory_space<vmem_shared>>
      tpu.wait_dma2 semaphore(%run_scoped3A : memref<!tpu.dma_semaphore, #tpu.memory_space<semaphore_mem>>) src(%arg13 : memref<128x64xf32, #tpu.memory_space<vmem>>) dst(%dma_wait3A_42 : memref<128x64xf32, #tpu.memory_space<vmem_shared>>)
      tpu.yield
    }) : () -> ()
    %add3A_27 = arith.constant 1152 : i32
    %add3A_28 = arith.addi %mul3A_8, %add3A_27 : i32
    "tpu.region"() ({
      %run_scoped3A = tpu.sem_alloc : memref<!tpu.dma_semaphore, #tpu.memory_space<semaphore_mem>>
      %dma_start3A = arith.constant 0 : i32
      %dma_start3A_37 = tpu.memref_slice %arg14[%add3A_28, %dma_start3A] : memref<20480x64xf32, #tpu.memory_space<vmem_shared>> -> memref<128x64xf32, #tpu.memory_space<vmem_shared>>
      %dma_start3A_38 = arith.constant 0 : i32
      %dma_start3A_39 = tpu.memref_slice %arg14[%add3A_28, %dma_start3A_38] : memref<20480x64xf32, #tpu.memory_space<vmem_shared>> -> memref<128x64xf32, #tpu.memory_space<vmem_shared>>
      tpu.enqueue_dma source(%arg13 : memref<128x64xf32, #tpu.memory_space<vmem>>) target(%dma_start3A_39 : memref<128x64xf32, #tpu.memory_space<vmem_shared>>) target_semaphore(%run_scoped3A : memref<!tpu.dma_semaphore, #tpu.memory_space<semaphore_mem>>)
      %dma_wait3A = arith.constant 0 : i32
      %dma_wait3A_40 = tpu.memref_slice %arg14[%add3A_28, %dma_wait3A] : memref<20480x64xf32, #tpu.memory_space<vmem_shared>> -> memref<128x64xf32, #tpu.memory_space<vmem_shared>>
      %dma_wait3A_41 = arith.constant 0 : i32
      %dma_wait3A_42 = tpu.memref_slice %arg14[%add3A_28, %dma_wait3A_41] : memref<20480x64xf32, #tpu.memory_space<vmem_shared>> -> memref<128x64xf32, #tpu.memory_space<vmem_shared>>
      tpu.wait_dma2 semaphore(%run_scoped3A : memref<!tpu.dma_semaphore, #tpu.memory_space<semaphore_mem>>) src(%arg13 : memref<128x64xf32, #tpu.memory_space<vmem>>) dst(%dma_wait3A_42 : memref<128x64xf32, #tpu.memory_space<vmem_shared>>)
      tpu.yield
    }) : () -> ()
    %barrier3A = arith.constant 0 : index
    tpu.barrier barrier_id(%barrier3A)
    %scan3A_29 = arith.constant 0 : i32
    %scan3A_30 = arith.constant 0 : i32
    %scan3A_31 = arith.constant 157 : i32
    %scan3A_32 = arith.addi %scan3A_30, %scan3A_31 : i32
    %scan3A_33 = arith.constant 1 : i32
    %scan3A_34 = scf.for %scan3A_37 = %scan3A_30 to %scan3A_32 step %scan3A_33 iter_args(%scan3A_38 = %scan3A_29) -> (i32)  : i32 {
      %mul3A_39 = arith.constant 20096 : i32
      %mul3A_40 = arith.muli %add3A, %mul3A_39 : i32
      %mul3A_41 = arith.constant 128 : i32
      %mul3A_42 = arith.muli %scan3A_37, %mul3A_41 : i32
      %add3A_43 = arith.addi %mul3A_40, %mul3A_42 : i32
      %multiple_of3A = tpu.assume_multiple %add3A_43, 128 : i32
      %dma_start3A = tpu.memref_slice %arg5[%multiple_of3A] : memref<643072xi32, #tpu.memory_space<hbm>> -> memref<128xi32, #tpu.memory_space<hbm>>
      %dma_start3A_44 = tpu.memref_slice %arg5[%multiple_of3A] : memref<643072xi32, #tpu.memory_space<hbm>> -> memref<128xi32, #tpu.memory_space<hbm>>
      tpu.enqueue_dma source(%dma_start3A_44 : memref<128xi32, #tpu.memory_space<hbm>>) target(%arg9 : memref<128xi32, #tpu.memory_space<vmem>>) target_semaphore(%arg15 : memref<!tpu.dma_semaphore, #tpu.memory_space<semaphore_mem>>)
      %dma_start3A_45 = tpu.memref_slice %arg6[%multiple_of3A] : memref<643072xi32, #tpu.memory_space<hbm>> -> memref<128xi32, #tpu.memory_space<hbm>>
      %dma_start3A_46 = tpu.memref_slice %arg6[%multiple_of3A] : memref<643072xi32, #tpu.memory_space<hbm>> -> memref<128xi32, #tpu.memory_space<hbm>>
      tpu.enqueue_dma source(%dma_start3A_46 : memref<128xi32, #tpu.memory_space<hbm>>) target(%arg10 : memref<128xi32, #tpu.memory_space<vmem>>) target_semaphore(%arg16 : memref<!tpu.dma_semaphore, #tpu.memory_space<semaphore_mem>>)
      %dma_start3A_47 = arith.constant 0 : i32
      %dma_start3A_48 = tpu.memref_slice %arg4[%multiple_of3A, %dma_start3A_47] : memref<643072x64xf32, #tpu.memory_space<hbm>> -> memref<128x64xf32, #tpu.memory_space<hbm>>
      %dma_start3A_49 = arith.constant 0 : i32
      %dma_start3A_50 = tpu.memref_slice %arg4[%multiple_of3A, %dma_start3A_49] : memref<643072x64xf32, #tpu.memory_space<hbm>> -> memref<128x64xf32, #tpu.memory_space<hbm>>
      tpu.enqueue_dma source(%dma_start3A_50 : memref<128x64xf32, #tpu.memory_space<hbm>>) target(%arg13 : memref<128x64xf32, #tpu.memory_space<vmem>>) target_semaphore(%arg17 : memref<!tpu.dma_semaphore, #tpu.memory_space<semaphore_mem>>)
      %dma_wait3A = tpu.memref_slice %arg5[%multiple_of3A] : memref<643072xi32, #tpu.memory_space<hbm>> -> memref<128xi32, #tpu.memory_space<hbm>>
      %dma_wait3A_51 = tpu.memref_slice %arg5[%multiple_of3A] : memref<643072xi32, #tpu.memory_space<hbm>> -> memref<128xi32, #tpu.memory_space<hbm>>
      tpu.wait_dma2 semaphore(%arg15 : memref<!tpu.dma_semaphore, #tpu.memory_space<semaphore_mem>>) src(%dma_wait3A_51 : memref<128xi32, #tpu.memory_space<hbm>>) dst(%arg9 : memref<128xi32, #tpu.memory_space<vmem>>)
      %dma_wait3A_52 = tpu.memref_slice %arg6[%multiple_of3A] : memref<643072xi32, #tpu.memory_space<hbm>> -> memref<128xi32, #tpu.memory_space<hbm>>
      %dma_wait3A_53 = tpu.memref_slice %arg6[%multiple_of3A] : memref<643072xi32, #tpu.memory_space<hbm>> -> memref<128xi32, #tpu.memory_space<hbm>>
      tpu.wait_dma2 semaphore(%arg16 : memref<!tpu.dma_semaphore, #tpu.memory_space<semaphore_mem>>) src(%dma_wait3A_53 : memref<128xi32, #tpu.memory_space<hbm>>) dst(%arg10 : memref<128xi32, #tpu.memory_space<vmem>>)
      %dma_start3A_54 = arith.constant 0 : i32
      %dma_start3A_55 = arith.constant 0 : i32
      %dma_start3A_56 = tpu.memref_slice %arg2[%dma_start3A_54, %dma_start3A_55] : memref<20480x64xf32, #tpu.memory_space<hbm>> -> memref<20480x64xf32, #tpu.memory_space<hbm>>
      tpu.enqueue_indirect_dma source(%dma_start3A_56 : memref<20480x64xf32, #tpu.memory_space<hbm>>) target(%arg11 : memref<128x64xf32, #tpu.memory_space<vmem>>) offsets(%arg9 : memref<128xi32, #tpu.memory_space<vmem>>) semaphore(%arg15 : memref<!tpu.dma_semaphore, #tpu.memory_space<semaphore_mem>>)
      %dma_start3A_57 = arith.constant 0 : i32
      %dma_start3A_58 = arith.constant 0 : i32
      %dma_start3A_59 = tpu.memref_slice %arg3[%dma_start3A_57, %dma_start3A_58] : memref<20480x64xf32, #tpu.memory_space<hbm>> -> memref<20480x64xf32, #tpu.memory_space<hbm>>
      tpu.enqueue_indirect_dma source(%dma_start3A_59 : memref<20480x64xf32, #tpu.memory_space<hbm>>) target(%arg12 : memref<128x64xf32, #tpu.memory_space<vmem>>) offsets(%arg10 : memref<128xi32, #tpu.memory_space<vmem>>) semaphore(%arg16 : memref<!tpu.dma_semaphore, #tpu.memory_space<semaphore_mem>>)
      %dma_wait3A_60 = arith.constant 0 : i32
      %dma_wait3A_61 = arith.constant 0 : i32
      %dma_wait3A_62 = tpu.memref_slice %arg2[%dma_wait3A_60, %dma_wait3A_61] : memref<20480x64xf32, #tpu.memory_space<hbm>> -> memref<20480x64xf32, #tpu.memory_space<hbm>>
      tpu.wait_indirect_dma semaphore(%arg15 : memref<!tpu.dma_semaphore, #tpu.memory_space<semaphore_mem>>) src(%dma_wait3A_62 : memref<20480x64xf32, #tpu.memory_space<hbm>>) dst(%arg11 : memref<128x64xf32, #tpu.memory_space<vmem>>)
      %dma_wait3A_63 = arith.constant 0 : i32
      %dma_wait3A_64 = arith.constant 0 : i32
      %dma_wait3A_65 = tpu.memref_slice %arg3[%dma_wait3A_63, %dma_wait3A_64] : memref<20480x64xf32, #tpu.memory_space<hbm>> -> memref<20480x64xf32, #tpu.memory_space<hbm>>
      tpu.wait_indirect_dma semaphore(%arg16 : memref<!tpu.dma_semaphore, #tpu.memory_space<semaphore_mem>>) src(%dma_wait3A_65 : memref<20480x64xf32, #tpu.memory_space<hbm>>) dst(%arg12 : memref<128x64xf32, #tpu.memory_space<vmem>>)
      %dma_wait3A_66 = arith.constant 0 : i32
      %dma_wait3A_67 = tpu.memref_slice %arg4[%multiple_of3A, %dma_wait3A_66] : memref<643072x64xf32, #tpu.memory_space<hbm>> -> memref<128x64xf32, #tpu.memory_space<hbm>>
      %dma_wait3A_68 = arith.constant 0 : i32
      %dma_wait3A_69 = tpu.memref_slice %arg4[%multiple_of3A, %dma_wait3A_68] : memref<643072x64xf32, #tpu.memory_space<hbm>> -> memref<128x64xf32, #tpu.memory_space<hbm>>
      tpu.wait_dma2 semaphore(%arg17 : memref<!tpu.dma_semaphore, #tpu.memory_space<semaphore_mem>>) src(%dma_wait3A_69 : memref<128x64xf32, #tpu.memory_space<hbm>>) dst(%arg13 : memref<128x64xf32, #tpu.memory_space<vmem>>)
      %scan3A_70 = arith.constant 0 : i32
      %scan3A_71 = arith.constant 0 : i32
      %scan3A_72 = arith.constant 128 : i32
      %scan3A_73 = arith.addi %scan3A_71, %scan3A_72 : i32
      %scan3A_74 = arith.constant 1 : i32
      %scan3A_75 = scf.for %scan3A_92 = %scan3A_71 to %scan3A_73 step %scan3A_74 iter_args(%scan3A_93 = %scan3A_70) -> (i32)  : i32 {
        %get3A = arith.index_cast %scan3A_92 : i32 to index
        %get3A_94 = arith.constant 0 : index
        %get3A_95 = tpu.vector_load %arg11[%get3A, %get3A_94] {strides = array<i32>} : memref<128x64xf32, #tpu.memory_space<vmem>>, vector<1x16xf32>,
        %get3A_96 = vector.shape_cast %get3A_95 : vector<1x16xf32> to vector<16xf32>
        %get3A_97 = arith.index_cast %scan3A_92 : i32 to index
        %get3A_98 = arith.constant 0 : index
        %get3A_99 = tpu.vector_load %arg12[%get3A_97, %get3A_98] {strides = array<i32>} : memref<128x64xf32, #tpu.memory_space<vmem>>, vector<1x16xf32>,
        %get3A_100 = vector.shape_cast %get3A_99 : vector<1x16xf32> to vector<16xf32>
        %add3A_101 = arith.addf %get3A_96, %get3A_100 : vector<16xf32>
        %get3A_102 = arith.index_cast %scan3A_92 : i32 to index
        %get3A_103 = arith.constant 0 : index
        %get3A_104 = tpu.vector_load %arg13[%get3A_102, %get3A_103] {strides = array<i32>} : memref<128x64xf32, #tpu.memory_space<vmem>>, vector<1x16xf32>,
        %get3A_105 = vector.shape_cast %get3A_104 : vector<1x16xf32> to vector<16xf32>
        %add3A_106 = arith.addf %add3A_101, %get3A_105 : vector<16xf32>
        %max3A = arith.constant 0.000000e+00 : f32
        %max3A_107 = vector.broadcast %max3A : f32 to vector<16xf32>
        %max3A_108 = arith.maximumf %add3A_106, %max3A_107 : vector<16xf32>
        %swap3A = arith.index_cast %scan3A_92 : i32 to index
        %swap3A_109 = arith.constant 0 : index
        %swap3A_110 = tpu.vector_load %arg13[%swap3A, %swap3A_109] {strides = array<i32>} : memref<128x64xf32, #tpu.memory_space<vmem>>, vector<1x16xf32>,
        %swap3A_111 = vector.shape_cast %swap3A_110 : vector<1x16xf32> to vector<16xf32>
        %swap3A_112 = vector.shape_cast %max3A_108 : vector<16xf32> to vector<1x16xf32>
        tpu.vector_store %arg13[%swap3A, %swap3A_109], %swap3A_112 {strides = array<i32>} : memref<128x64xf32, #tpu.memory_space<vmem>>, vector<1x16xf32>,
        %get3A_113 = arith.index_cast %scan3A_92 : i32 to index
        %get3A_114 = arith.constant 16 : index
        %get3A_115 = tpu.vector_load %arg11[%get3A_113, %get3A_114] {strides = array<i32>} : memref<128x64xf32, #tpu.memory_space<vmem>>, vector<1x16xf32>,
        %get3A_116 = vector.shape_cast %get3A_115 : vector<1x16xf32> to vector<16xf32>
        %get3A_117 = arith.index_cast %scan3A_92 : i32 to index
        %get3A_118 = arith.constant 16 : index
        %get3A_119 = tpu.vector_load %arg12[%get3A_117, %get3A_118] {strides = array<i32>} : memref<128x64xf32, #tpu.memory_space<vmem>>, vector<1x16xf32>,
        %get3A_120 = vector.shape_cast %get3A_119 : vector<1x16xf32> to vector<16xf32>
        %add3A_121 = arith.addf %get3A_116, %get3A_120 : vector<16xf32>
        %get3A_122 = arith.index_cast %scan3A_92 : i32 to index
        %get3A_123 = arith.constant 16 : index
        %get3A_124 = tpu.vector_load %arg13[%get3A_122, %get3A_123] {strides = array<i32>} : memref<128x64xf32, #tpu.memory_space<vmem>>, vector<1x16xf32>,
        %get3A_125 = vector.shape_cast %get3A_124 : vector<1x16xf32> to vector<16xf32>
        %add3A_126 = arith.addf %add3A_121, %get3A_125 : vector<16xf32>
        %max3A_127 = arith.constant 0.000000e+00 : f32
        %max3A_128 = vector.broadcast %max3A_127 : f32 to vector<16xf32>
        %max3A_129 = arith.maximumf %add3A_126, %max3A_128 : vector<16xf32>
        %swap3A_130 = arith.index_cast %scan3A_92 : i32 to index
        %swap3A_131 = arith.constant 16 : index
        %swap3A_132 = tpu.vector_load %arg13[%swap3A_130, %swap3A_131] {strides = array<i32>} : memref<128x64xf32, #tpu.memory_space<vmem>>, vector<1x16xf32>,
        %swap3A_133 = vector.shape_cast %swap3A_132 : vector<1x16xf32> to vector<16xf32>
        %swap3A_134 = vector.shape_cast %max3A_129 : vector<16xf32> to vector<1x16xf32>
        tpu.vector_store %arg13[%swap3A_130, %swap3A_131], %swap3A_134 {strides = array<i32>} : memref<128x64xf32, #tpu.memory_space<vmem>>, vector<1x16xf32>,
        %get3A_135 = arith.index_cast %scan3A_92 : i32 to index
        %get3A_136 = arith.constant 32 : index
        %get3A_137 = tpu.vector_load %arg11[%get3A_135, %get3A_136] {strides = array<i32>} : memref<128x64xf32, #tpu.memory_space<vmem>>, vector<1x16xf32>,
        %get3A_138 = vector.shape_cast %get3A_137 : vector<1x16xf32> to vector<16xf32>
        %get3A_139 = arith.index_cast %scan3A_92 : i32 to index
        %get3A_140 = arith.constant 32 : index
        %get3A_141 = tpu.vector_load %arg12[%get3A_139, %get3A_140] {strides = array<i32>} : memref<128x64xf32, #tpu.memory_space<vmem>>, vector<1x16xf32>,
        %get3A_142 = vector.shape_cast %get3A_141 : vector<1x16xf32> to vector<16xf32>
        %add3A_143 = arith.addf %get3A_138, %get3A_142 : vector<16xf32>
        %get3A_144 = arith.index_cast %scan3A_92 : i32 to index
        %get3A_145 = arith.constant 32 : index
        %get3A_146 = tpu.vector_load %arg13[%get3A_144, %get3A_145] {strides = array<i32>} : memref<128x64xf32, #tpu.memory_space<vmem>>, vector<1x16xf32>,
        %get3A_147 = vector.shape_cast %get3A_146 : vector<1x16xf32> to vector<16xf32>
        %add3A_148 = arith.addf %add3A_143, %get3A_147 : vector<16xf32>
        %max3A_149 = arith.constant 0.000000e+00 : f32
        %max3A_150 = vector.broadcast %max3A_149 : f32 to vector<16xf32>
        %max3A_151 = arith.maximumf %add3A_148, %max3A_150 : vector<16xf32>
        %swap3A_152 = arith.index_cast %scan3A_92 : i32 to index
        %swap3A_153 = arith.constant 32 : index
        %swap3A_154 = tpu.vector_load %arg13[%swap3A_152, %swap3A_153] {strides = array<i32>} : memref<128x64xf32, #tpu.memory_space<vmem>>, vector<1x16xf32>,
        %swap3A_155 = vector.shape_cast %swap3A_154 : vector<1x16xf32> to vector<16xf32>
        %swap3A_156 = vector.shape_cast %max3A_151 : vector<16xf32> to vector<1x16xf32>
        tpu.vector_store %arg13[%swap3A_152, %swap3A_153], %swap3A_156 {strides = array<i32>} : memref<128x64xf32, #tpu.memory_space<vmem>>, vector<1x16xf32>,
        %get3A_157 = arith.index_cast %scan3A_92 : i32 to index
        %get3A_158 = arith.constant 48 : index
        %get3A_159 = tpu.vector_load %arg11[%get3A_157, %get3A_158] {strides = array<i32>} : memref<128x64xf32, #tpu.memory_space<vmem>>, vector<1x16xf32>,
        %get3A_160 = vector.shape_cast %get3A_159 : vector<1x16xf32> to vector<16xf32>
        %get3A_161 = arith.index_cast %scan3A_92 : i32 to index
        %get3A_162 = arith.constant 48 : index
        %get3A_163 = tpu.vector_load %arg12[%get3A_161, %get3A_162] {strides = array<i32>} : memref<128x64xf32, #tpu.memory_space<vmem>>, vector<1x16xf32>,
        %get3A_164 = vector.shape_cast %get3A_163 : vector<1x16xf32> to vector<16xf32>
        %add3A_165 = arith.addf %get3A_160, %get3A_164 : vector<16xf32>
        %get3A_166 = arith.index_cast %scan3A_92 : i32 to index
        %get3A_167 = arith.constant 48 : index
        %get3A_168 = tpu.vector_load %arg13[%get3A_166, %get3A_167] {strides = array<i32>} : memref<128x64xf32, #tpu.memory_space<vmem>>, vector<1x16xf32>,
        %get3A_169 = vector.shape_cast %get3A_168 : vector<1x16xf32> to vector<16xf32>
        %add3A_170 = arith.addf %add3A_165, %get3A_169 : vector<16xf32>
        %max3A_171 = arith.constant 0.000000e+00 : f32
        %max3A_172 = vector.broadcast %max3A_171 : f32 to vector<16xf32>
        %max3A_173 = arith.maximumf %add3A_170, %max3A_172 : vector<16xf32>
        %swap3A_174 = arith.index_cast %scan3A_92 : i32 to index
        %swap3A_175 = arith.constant 48 : index
        %swap3A_176 = tpu.vector_load %arg13[%swap3A_174, %swap3A_175] {strides = array<i32>} : memref<128x64xf32, #tpu.memory_space<vmem>>, vector<1x16xf32>,
        %swap3A_177 = vector.shape_cast %swap3A_176 : vector<1x16xf32> to vector<16xf32>
        %swap3A_178 = vector.shape_cast %max3A_173 : vector<16xf32> to vector<1x16xf32>
        tpu.vector_store %arg13[%swap3A_174, %swap3A_175], %swap3A_178 {strides = array<i32>} : memref<128x64xf32, #tpu.memory_space<vmem>>, vector<1x16xf32>,
        %scan3A_179 = arith.constant 0 : i32
        scf.yield %scan3A_179 : i32
      }
      %scan3A_76 = arith.constant 128 : i32
      %dma_start3A_77 = arith.constant 0 : i32
      %dma_start3A_78 = tpu.memref_slice %arg8[%multiple_of3A, %dma_start3A_77] : memref<643072x64xf32, #tpu.memory_space<hbm>> -> memref<128x64xf32, #tpu.memory_space<hbm>>
      %dma_start3A_79 = arith.constant 0 : i32
      %dma_start3A_80 = tpu.memref_slice %arg8[%multiple_of3A, %dma_start3A_79] : memref<643072x64xf32, #tpu.memory_space<hbm>> -> memref<128x64xf32, #tpu.memory_space<hbm>>
      tpu.enqueue_dma source(%arg13 : memref<128x64xf32, #tpu.memory_space<vmem>>) target(%dma_start3A_80 : memref<128x64xf32, #tpu.memory_space<hbm>>) target_semaphore(%arg15 : memref<!tpu.dma_semaphore, #tpu.memory_space<semaphore_mem>>)
      %dma_start3A_81 = arith.constant 0 : i32
      %dma_start3A_82 = arith.constant 0 : i32
      %dma_start3A_83 = tpu.memref_slice %arg14[%dma_start3A_81, %dma_start3A_82] : memref<20480x64xf32, #tpu.memory_space<vmem_shared>> -> memref<20480x64xf32, #tpu.memory_space<vmem_shared>>
      tpu.enqueue_indirect_dma source(%arg13 : memref<128x64xf32, #tpu.memory_space<vmem>>) target(%dma_start3A_83 : memref<20480x64xf32, #tpu.memory_space<vmem_shared>>) offsets(%arg10 : memref<128xi32, #tpu.memory_space<vmem>>) semaphore(%arg16 : memref<!tpu.dma_semaphore, #tpu.memory_space<semaphore_mem>>) {add = true}
      %dma_wait3A_84 = arith.constant 0 : i32
      %dma_wait3A_85 = tpu.memref_slice %arg8[%multiple_of3A, %dma_wait3A_84] : memref<643072x64xf32, #tpu.memory_space<hbm>> -> memref<128x64xf32, #tpu.memory_space<hbm>>
      %dma_wait3A_86 = arith.constant 0 : i32
      %dma_wait3A_87 = tpu.memref_slice %arg8[%multiple_of3A, %dma_wait3A_86] : memref<643072x64xf32, #tpu.memory_space<hbm>> -> memref<128x64xf32, #tpu.memory_space<hbm>>
      tpu.wait_dma2 semaphore(%arg15 : memref<!tpu.dma_semaphore, #tpu.memory_space<semaphore_mem>>) src(%arg13 : memref<128x64xf32, #tpu.memory_space<vmem>>) dst(%dma_wait3A_87 : memref<128x64xf32, #tpu.memory_space<hbm>>)
      %dma_wait3A_88 = arith.constant 0 : i32
      %dma_wait3A_89 = arith.constant 0 : i32
      %dma_wait3A_90 = tpu.memref_slice %arg14[%dma_wait3A_88, %dma_wait3A_89] : memref<20480x64xf32, #tpu.memory_space<vmem_shared>> -> memref<20480x64xf32, #tpu.memory_space<vmem_shared>>
      tpu.wait_indirect_dma semaphore(%arg16 : memref<!tpu.dma_semaphore, #tpu.memory_space<semaphore_mem>>) src(%arg13 : memref<128x64xf32, #tpu.memory_space<vmem>>) dst(%dma_wait3A_90 : memref<20480x64xf32, #tpu.memory_space<vmem_shared>>)
      %scan3A_91 = arith.constant 0 : i32
      scf.yield %scan3A_91 : i32
    }
    %scan3A_35 = arith.constant 157 : i32
    %barrier3A_36 = arith.constant 0 : index
    tpu.barrier barrier_id(%barrier3A_36)
    "tpu.region"() ({
      %run_scoped3A = tpu.sem_alloc : memref<!tpu.dma_semaphore, #tpu.memory_space<semaphore_mem>>
      %dma_start3A = arith.constant 0 : i32
      %dma_start3A_37 = tpu.memref_slice %arg7[%arg0, %mul3A_8, %dma_start3A] : memref<2x20480x64xf32, #tpu.memory_space<hbm>> -> memref<1x1280x64xf32, #tpu.memory_space<hbm>>
      %dma_start3A_38 = tpu.memref_squeeze %dma_start3A_37 : memref<1x1280x64xf32, #tpu.memory_space<hbm>> -> memref<1280x64xf32, #tpu.memory_space<hbm>>
      %dma_start3A_39 = arith.constant 0 : i32
      %dma_start3A_40 = tpu.memref_slice %arg14[%mul3A_8, %dma_start3A_39] : memref<20480x64xf32, #tpu.memory_space<vmem_shared>> -> memref<1280x64xf32, #tpu.memory_space<vmem_shared>>
      tpu.enqueue_dma source(%dma_start3A_40 : memref<1280x64xf32, #tpu.memory_space<vmem_shared>>) target(%dma_start3A_38 : memref<1280x64xf32, #tpu.memory_space<hbm>>) target_semaphore(%run_scoped3A : memref<!tpu.dma_semaphore, #tpu.memory_space<semaphore_mem>>)
      %dma_wait3A = arith.constant 0 : i32
      %dma_wait3A_41 = tpu.memref_slice %arg7[%arg0, %mul3A_8, %dma_wait3A] : memref<2x20480x64xf32, #tpu.memory_space<hbm>> -> memref<1x1280x64xf32, #tpu.memory_space<hbm>>
      %dma_wait3A_42 = tpu.memref_squeeze %dma_wait3A_41 : memref<1x1280x64xf32, #tpu.memory_space<hbm>> -> memref<1280x64xf32, #tpu.memory_space<hbm>>
      %dma_wait3A_43 = arith.constant 0 : i32
      %dma_wait3A_44 = tpu.memref_slice %arg14[%mul3A_8, %dma_wait3A_43] : memref<20480x64xf32, #tpu.memory_space<vmem_shared>> -> memref<1280x64xf32, #tpu.memory_space<vmem_shared>>
      tpu.wait_dma2 semaphore(%run_scoped3A : memref<!tpu.dma_semaphore, #tpu.memory_space<semaphore_mem>>) src(%dma_wait3A_44 : memref<1280x64xf32, #tpu.memory_space<vmem_shared>>) dst(%dma_wait3A_42 : memref<1280x64xf32, #tpu.memory_space<hbm>>)
      tpu.yield
    }) : () -> ()
    return
  }
}

#map = affine_map<(d0, d1) -> (0, 0)>
#map1 = affine_map<(d0, d1) -> (0)>
#map2 = affine_map<(d0, d1) -> (0, 0, 0)>
module attributes {stable_mosaic.version = 14 : i64} {
  func.func @sc_fused(%arg0: i32, %arg1: i32, %arg2: memref<20480x64xf32, #tpu.memory_space<hbm>>, %arg3: memref<20480x64xf32, #tpu.memory_space<hbm>>, %arg4: memref<643072x64xf32, #tpu.memory_space<hbm>>, %arg5: memref<643072xi32, #tpu.memory_space<hbm>>, %arg6: memref<643072xi32, #tpu.memory_space<hbm>>, %arg7: memref<2x20480x64xf32, #tpu.memory_space<hbm>>, %arg8: memref<643072x64xf32, #tpu.memory_space<hbm>>, %arg9: memref<128xi32, #tpu.memory_space<vmem>>, %arg10: memref<128xi32, #tpu.memory_space<vmem>>, %arg11: memref<128x64xf32, #tpu.memory_space<vmem>>, %arg12: memref<128x64xf32, #tpu.memory_space<vmem>>, %arg13: memref<128x64xf32, #tpu.memory_space<vmem>>, %arg14: memref<20480x64xf32, #tpu.memory_space<vmem_shared>>, %arg15: memref<!tpu.dma_semaphore, #tpu.memory_space<semaphore_mem>>, %arg16: memref<!tpu.dma_semaphore, #tpu.memory_space<semaphore_mem>>, %arg17: memref<!tpu.dma_semaphore, #tpu.memory_space<semaphore_mem>>) attributes {dimension_semantics = [#tpu.dimension_semantics<core_parallel>, #tpu.dimension_semantics<subcore_parallel>], iteration_bounds = array<i64: 2, 16>, scalar_prefetch = 0 : i64, scratch_operands = 9 : i64, tpu.core_type = #tpu.core_type<sc_vector_subcore>, window_params = [{transform_indices = #map}, {transform_indices = #map}, {transform_indices = #map}, {transform_indices = #map1}, {transform_indices = #map1}, {transform_indices = #map2}, {transform_indices = #map}]} {
    %mul3A = arith.constant 2 : i32
    %mul3A_0 = arith.muli %arg1, %mul3A : i32
    %add3A = arith.addi %mul3A_0, %arg0 : i32
    %scan3A = arith.constant 0 : i32
    %scan3A_1 = arith.constant 0 : i32
    %scan3A_2 = arith.constant 128 : i32
    %scan3A_3 = arith.addi %scan3A_1, %scan3A_2 : i32
    %scan3A_4 = arith.constant 1 : i32
    %scan3A_5 = scf.for %scan3A_37 = %scan3A_1 to %scan3A_3 step %scan3A_4 iter_args(%scan3A_38 = %scan3A) -> (i32)  : i32 {
      %broadcast_in_dim3A = arith.constant 0.000000e+00 : f32
      %broadcast_in_dim3A_39 = vector.broadcast %broadcast_in_dim3A : f32 to vector<16xf32>
      %swap3A = arith.index_cast %scan3A_37 : i32 to index
      %swap3A_40 = arith.constant 0 : index
      %swap3A_41 = tpu.vector_load %arg13[%swap3A, %swap3A_40] {strides = array<i32>} : memref<128x64xf32, #tpu.memory_space<vmem>>, vector<1x16xf32>,
      %swap3A_42 = vector.shape_cast %swap3A_41 : vector<1x16xf32> to vector<16xf32>
      %swap3A_43 = vector.shape_cast %broadcast_in_dim3A_39 : vector<16xf32> to vector<1x16xf32>
      tpu.vector_store %arg13[%swap3A, %swap3A_40], %swap3A_43 {strides = array<i32>} : memref<128x64xf32, #tpu.memory_space<vmem>>, vector<1x16xf32>,
      %broadcast_in_dim3A_44 = arith.constant 0.000000e+00 : f32
      %broadcast_in_dim3A_45 = vector.broadcast %broadcast_in_dim3A_44 : f32 to vector<16xf32>
      %swap3A_46 = arith.index_cast %scan3A_37 : i32 to index
      %swap3A_47 = arith.constant 16 : index
      %swap3A_48 = tpu.vector_load %arg13[%swap3A_46, %swap3A_47] {strides = array<i32>} : memref<128x64xf32, #tpu.memory_space<vmem>>, vector<1x16xf32>,
      %swap3A_49 = vector.shape_cast %swap3A_48 : vector<1x16xf32> to vector<16xf32>
      %swap3A_50 = vector.shape_cast %broadcast_in_dim3A_45 : vector<16xf32> to vector<1x16xf32>
      tpu.vector_store %arg13[%swap3A_46, %swap3A_47], %swap3A_50 {strides = array<i32>} : memref<128x64xf32, #tpu.memory_space<vmem>>, vector<1x16xf32>,
      %broadcast_in_dim3A_51 = arith.constant 0.000000e+00 : f32
      %broadcast_in_dim3A_52 = vector.broadcast %broadcast_in_dim3A_51 : f32 to vector<16xf32>
      %swap3A_53 = arith.index_cast %scan3A_37 : i32 to index
      %swap3A_54 = arith.constant 32 : index
      %swap3A_55 = tpu.vector_load %arg13[%swap3A_53, %swap3A_54] {strides = array<i32>} : memref<128x64xf32, #tpu.memory_space<vmem>>, vector<1x16xf32>,
      %swap3A_56 = vector.shape_cast %swap3A_55 : vector<1x16xf32> to vector<16xf32>
      %swap3A_57 = vector.shape_cast %broadcast_in_dim3A_52 : vector<16xf32> to vector<1x16xf32>
      tpu.vector_store %arg13[%swap3A_53, %swap3A_54], %swap3A_57 {strides = array<i32>} : memref<128x64xf32, #tpu.memory_space<vmem>>, vector<1x16xf32>,
      %broadcast_in_dim3A_58 = arith.constant 0.000000e+00 : f32
      %broadcast_in_dim3A_59 = vector.broadcast %broadcast_in_dim3A_58 : f32 to vector<16xf32>
      %swap3A_60 = arith.index_cast %scan3A_37 : i32 to index
      %swap3A_61 = arith.constant 48 : index
      %swap3A_62 = tpu.vector_load %arg13[%swap3A_60, %swap3A_61] {strides = array<i32>} : memref<128x64xf32, #tpu.memory_space<vmem>>, vector<1x16xf32>,
      %swap3A_63 = vector.shape_cast %swap3A_62 : vector<1x16xf32> to vector<16xf32>
      %swap3A_64 = vector.shape_cast %broadcast_in_dim3A_59 : vector<16xf32> to vector<1x16xf32>
      tpu.vector_store %arg13[%swap3A_60, %swap3A_61], %swap3A_64 {strides = array<i32>} : memref<128x64xf32, #tpu.memory_space<vmem>>, vector<1x16xf32>,
      %scan3A_65 = arith.constant 0 : i32
      scf.yield %scan3A_65 : i32
    }
    %scan3A_6 = arith.constant 128 : i32
    %mul3A_7 = arith.constant 1280 : i32
    %mul3A_8 = arith.muli %arg1, %mul3A_7 : i32
    %add3A_9 = arith.constant 0 : i32
    %add3A_10 = arith.addi %mul3A_8, %add3A_9 : i32
    "tpu.region"() ({
      %run_scoped3A = tpu.sem_alloc : memref<!tpu.dma_semaphore, #tpu.memory_space<semaphore_mem>>
      %dma_start3A = arith.constant 0 : i32
      %dma_start3A_37 = tpu.memref_slice %arg14[%add3A_10, %dma_start3A] : memref<20480x64xf32, #tpu.memory_space<vmem_shared>> -> memref<128x64xf32, #tpu.memory_space<vmem_shared>>
      %dma_start3A_38 = arith.constant 0 : i32
      %dma_start3A_39 = tpu.memref_slice %arg14[%add3A_10, %dma_start3A_38] : memref<20480x64xf32, #tpu.memory_space<vmem_shared>> -> memref<128x64xf32, #tpu.memory_space<vmem_shared>>
      tpu.enqueue_dma source(%arg13 : memref<128x64xf32, #tpu.memory_space<vmem>>) target(%dma_start3A_39 : memref<128x64xf32, #tpu.memory_space<vmem_shared>>) target_semaphore(%run_scoped3A : memref<!tpu.dma_semaphore, #tpu.memory_space<semaphore_mem>>)
      %dma_wait3A = arith.constant 0 : i32
      %dma_wait3A_40 = tpu.memref_slice %arg14[%add3A_10, %dma_wait3A] : memref<20480x64xf32, #tpu.memory_space<vmem_shared>> -> memref<128x64xf32, #tpu.memory_space<vmem_shared>>
      %dma_wait3A_41 = arith.constant 0 : i32
      %dma_wait3A_42 = tpu.memref_slice %arg14[%add3A_10, %dma_wait3A_41] : memref<20480x64xf32, #tpu.memory_space<vmem_shared>> -> memref<128x64xf32, #tpu.memory_space<vmem_shared>>
      tpu.wait_dma2 semaphore(%run_scoped3A : memref<!tpu.dma_semaphore, #tpu.memory_space<semaphore_mem>>) src(%arg13 : memref<128x64xf32, #tpu.memory_space<vmem>>) dst(%dma_wait3A_42 : memref<128x64xf32, #tpu.memory_space<vmem_shared>>)
      tpu.yield
    }) : () -> ()
    %add3A_11 = arith.constant 128 : i32
    %add3A_12 = arith.addi %mul3A_8, %add3A_11 : i32
    "tpu.region"() ({
      %run_scoped3A = tpu.sem_alloc : memref<!tpu.dma_semaphore, #tpu.memory_space<semaphore_mem>>
      %dma_start3A = arith.constant 0 : i32
      %dma_start3A_37 = tpu.memref_slice %arg14[%add3A_12, %dma_start3A] : memref<20480x64xf32, #tpu.memory_space<vmem_shared>> -> memref<128x64xf32, #tpu.memory_space<vmem_shared>>
      %dma_start3A_38 = arith.constant 0 : i32
      %dma_start3A_39 = tpu.memref_slice %arg14[%add3A_12, %dma_start3A_38] : memref<20480x64xf32, #tpu.memory_space<vmem_shared>> -> memref<128x64xf32, #tpu.memory_space<vmem_shared>>
      tpu.enqueue_dma source(%arg13 : memref<128x64xf32, #tpu.memory_space<vmem>>) target(%dma_start3A_39 : memref<128x64xf32, #tpu.memory_space<vmem_shared>>) target_semaphore(%run_scoped3A : memref<!tpu.dma_semaphore, #tpu.memory_space<semaphore_mem>>)
      %dma_wait3A = arith.constant 0 : i32
      %dma_wait3A_40 = tpu.memref_slice %arg14[%add3A_12, %dma_wait3A] : memref<20480x64xf32, #tpu.memory_space<vmem_shared>> -> memref<128x64xf32, #tpu.memory_space<vmem_shared>>
      %dma_wait3A_41 = arith.constant 0 : i32
      %dma_wait3A_42 = tpu.memref_slice %arg14[%add3A_12, %dma_wait3A_41] : memref<20480x64xf32, #tpu.memory_space<vmem_shared>> -> memref<128x64xf32, #tpu.memory_space<vmem_shared>>
      tpu.wait_dma2 semaphore(%run_scoped3A : memref<!tpu.dma_semaphore, #tpu.memory_space<semaphore_mem>>) src(%arg13 : memref<128x64xf32, #tpu.memory_space<vmem>>) dst(%dma_wait3A_42 : memref<128x64xf32, #tpu.memory_space<vmem_shared>>)
      tpu.yield
    }) : () -> ()
    %add3A_13 = arith.constant 256 : i32
    %add3A_14 = arith.addi %mul3A_8, %add3A_13 : i32
    "tpu.region"() ({
      %run_scoped3A = tpu.sem_alloc : memref<!tpu.dma_semaphore, #tpu.memory_space<semaphore_mem>>
      %dma_start3A = arith.constant 0 : i32
      %dma_start3A_37 = tpu.memref_slice %arg14[%add3A_14, %dma_start3A] : memref<20480x64xf32, #tpu.memory_space<vmem_shared>> -> memref<128x64xf32, #tpu.memory_space<vmem_shared>>
      %dma_start3A_38 = arith.constant 0 : i32
      %dma_start3A_39 = tpu.memref_slice %arg14[%add3A_14, %dma_start3A_38] : memref<20480x64xf32, #tpu.memory_space<vmem_shared>> -> memref<128x64xf32, #tpu.memory_space<vmem_shared>>
      tpu.enqueue_dma source(%arg13 : memref<128x64xf32, #tpu.memory_space<vmem>>) target(%dma_start3A_39 : memref<128x64xf32, #tpu.memory_space<vmem_shared>>) target_semaphore(%run_scoped3A : memref<!tpu.dma_semaphore, #tpu.memory_space<semaphore_mem>>)
      %dma_wait3A = arith.constant 0 : i32
      %dma_wait3A_40 = tpu.memref_slice %arg14[%add3A_14, %dma_wait3A] : memref<20480x64xf32, #tpu.memory_space<vmem_shared>> -> memref<128x64xf32, #tpu.memory_space<vmem_shared>>
      %dma_wait3A_41 = arith.constant 0 : i32
      %dma_wait3A_42 = tpu.memref_slice %arg14[%add3A_14, %dma_wait3A_41] : memref<20480x64xf32, #tpu.memory_space<vmem_shared>> -> memref<128x64xf32, #tpu.memory_space<vmem_shared>>
      tpu.wait_dma2 semaphore(%run_scoped3A : memref<!tpu.dma_semaphore, #tpu.memory_space<semaphore_mem>>) src(%arg13 : memref<128x64xf32, #tpu.memory_space<vmem>>) dst(%dma_wait3A_42 : memref<128x64xf32, #tpu.memory_space<vmem_shared>>)
      tpu.yield
    }) : () -> ()
    %add3A_15 = arith.constant 384 : i32
    %add3A_16 = arith.addi %mul3A_8, %add3A_15 : i32
    "tpu.region"() ({
      %run_scoped3A = tpu.sem_alloc : memref<!tpu.dma_semaphore, #tpu.memory_space<semaphore_mem>>
      %dma_start3A = arith.constant 0 : i32
      %dma_start3A_37 = tpu.memref_slice %arg14[%add3A_16, %dma_start3A] : memref<20480x64xf32, #tpu.memory_space<vmem_shared>> -> memref<128x64xf32, #tpu.memory_space<vmem_shared>>
      %dma_start3A_38 = arith.constant 0 : i32
      %dma_start3A_39 = tpu.memref_slice %arg14[%add3A_16, %dma_start3A_38] : memref<20480x64xf32, #tpu.memory_space<vmem_shared>> -> memref<128x64xf32, #tpu.memory_space<vmem_shared>>
      tpu.enqueue_dma source(%arg13 : memref<128x64xf32, #tpu.memory_space<vmem>>) target(%dma_start3A_39 : memref<128x64xf32, #tpu.memory_space<vmem_shared>>) target_semaphore(%run_scoped3A : memref<!tpu.dma_semaphore, #tpu.memory_space<semaphore_mem>>)
      %dma_wait3A = arith.constant 0 : i32
      %dma_wait3A_40 = tpu.memref_slice %arg14[%add3A_16, %dma_wait3A] : memref<20480x64xf32, #tpu.memory_space<vmem_shared>> -> memref<128x64xf32, #tpu.memory_space<vmem_shared>>
      %dma_wait3A_41 = arith.constant 0 : i32
      %dma_wait3A_42 = tpu.memref_slice %arg14[%add3A_16, %dma_wait3A_41] : memref<20480x64xf32, #tpu.memory_space<vmem_shared>> -> memref<128x64xf32, #tpu.memory_space<vmem_shared>>
      tpu.wait_dma2 semaphore(%run_scoped3A : memref<!tpu.dma_semaphore, #tpu.memory_space<semaphore_mem>>) src(%arg13 : memref<128x64xf32, #tpu.memory_space<vmem>>) dst(%dma_wait3A_42 : memref<128x64xf32, #tpu.memory_space<vmem_shared>>)
      tpu.yield
    }) : () -> ()
    %add3A_17 = arith.constant 512 : i32
    %add3A_18 = arith.addi %mul3A_8, %add3A_17 : i32
    "tpu.region"() ({
      %run_scoped3A = tpu.sem_alloc : memref<!tpu.dma_semaphore, #tpu.memory_space<semaphore_mem>>
      %dma_start3A = arith.constant 0 : i32
      %dma_start3A_37 = tpu.memref_slice %arg14[%add3A_18, %dma_start3A] : memref<20480x64xf32, #tpu.memory_space<vmem_shared>> -> memref<128x64xf32, #tpu.memory_space<vmem_shared>>
      %dma_start3A_38 = arith.constant 0 : i32
      %dma_start3A_39 = tpu.memref_slice %arg14[%add3A_18, %dma_start3A_38] : memref<20480x64xf32, #tpu.memory_space<vmem_shared>> -> memref<128x64xf32, #tpu.memory_space<vmem_shared>>
      tpu.enqueue_dma source(%arg13 : memref<128x64xf32, #tpu.memory_space<vmem>>) target(%dma_start3A_39 : memref<128x64xf32, #tpu.memory_space<vmem_shared>>) target_semaphore(%run_scoped3A : memref<!tpu.dma_semaphore, #tpu.memory_space<semaphore_mem>>)
      %dma_wait3A = arith.constant 0 : i32
      %dma_wait3A_40 = tpu.memref_slice %arg14[%add3A_18, %dma_wait3A] : memref<20480x64xf32, #tpu.memory_space<vmem_shared>> -> memref<128x64xf32, #tpu.memory_space<vmem_shared>>
      %dma_wait3A_41 = arith.constant 0 : i32
      %dma_wait3A_42 = tpu.memref_slice %arg14[%add3A_18, %dma_wait3A_41] : memref<20480x64xf32, #tpu.memory_space<vmem_shared>> -> memref<128x64xf32, #tpu.memory_space<vmem_shared>>
      tpu.wait_dma2 semaphore(%run_scoped3A : memref<!tpu.dma_semaphore, #tpu.memory_space<semaphore_mem>>) src(%arg13 : memref<128x64xf32, #tpu.memory_space<vmem>>) dst(%dma_wait3A_42 : memref<128x64xf32, #tpu.memory_space<vmem_shared>>)
      tpu.yield
    }) : () -> ()
    %add3A_19 = arith.constant 640 : i32
    %add3A_20 = arith.addi %mul3A_8, %add3A_19 : i32
    "tpu.region"() ({
      %run_scoped3A = tpu.sem_alloc : memref<!tpu.dma_semaphore, #tpu.memory_space<semaphore_mem>>
      %dma_start3A = arith.constant 0 : i32
      %dma_start3A_37 = tpu.memref_slice %arg14[%add3A_20, %dma_start3A] : memref<20480x64xf32, #tpu.memory_space<vmem_shared>> -> memref<128x64xf32, #tpu.memory_space<vmem_shared>>
      %dma_start3A_38 = arith.constant 0 : i32
      %dma_start3A_39 = tpu.memref_slice %arg14[%add3A_20, %dma_start3A_38] : memref<20480x64xf32, #tpu.memory_space<vmem_shared>> -> memref<128x64xf32, #tpu.memory_space<vmem_shared>>
      tpu.enqueue_dma source(%arg13 : memref<128x64xf32, #tpu.memory_space<vmem>>) target(%dma_start3A_39 : memref<128x64xf32, #tpu.memory_space<vmem_shared>>) target_semaphore(%run_scoped3A : memref<!tpu.dma_semaphore, #tpu.memory_space<semaphore_mem>>)
      %dma_wait3A = arith.constant 0 : i32
      %dma_wait3A_40 = tpu.memref_slice %arg14[%add3A_20, %dma_wait3A] : memref<20480x64xf32, #tpu.memory_space<vmem_shared>> -> memref<128x64xf32, #tpu.memory_space<vmem_shared>>
      %dma_wait3A_41 = arith.constant 0 : i32
      %dma_wait3A_42 = tpu.memref_slice %arg14[%add3A_20, %dma_wait3A_41] : memref<20480x64xf32, #tpu.memory_space<vmem_shared>> -> memref<128x64xf32, #tpu.memory_space<vmem_shared>>
      tpu.wait_dma2 semaphore(%run_scoped3A : memref<!tpu.dma_semaphore, #tpu.memory_space<semaphore_mem>>) src(%arg13 : memref<128x64xf32, #tpu.memory_space<vmem>>) dst(%dma_wait3A_42 : memref<128x64xf32, #tpu.memory_space<vmem_shared>>)
      tpu.yield
    }) : () -> ()
    %add3A_21 = arith.constant 768 : i32
    %add3A_22 = arith.addi %mul3A_8, %add3A_21 : i32
    "tpu.region"() ({
      %run_scoped3A = tpu.sem_alloc : memref<!tpu.dma_semaphore, #tpu.memory_space<semaphore_mem>>
      %dma_start3A = arith.constant 0 : i32
      %dma_start3A_37 = tpu.memref_slice %arg14[%add3A_22, %dma_start3A] : memref<20480x64xf32, #tpu.memory_space<vmem_shared>> -> memref<128x64xf32, #tpu.memory_space<vmem_shared>>
      %dma_start3A_38 = arith.constant 0 : i32
      %dma_start3A_39 = tpu.memref_slice %arg14[%add3A_22, %dma_start3A_38] : memref<20480x64xf32, #tpu.memory_space<vmem_shared>> -> memref<128x64xf32, #tpu.memory_space<vmem_shared>>
      tpu.enqueue_dma source(%arg13 : memref<128x64xf32, #tpu.memory_space<vmem>>) target(%dma_start3A_39 : memref<128x64xf32, #tpu.memory_space<vmem_shared>>) target_semaphore(%run_scoped3A : memref<!tpu.dma_semaphore, #tpu.memory_space<semaphore_mem>>)
      %dma_wait3A = arith.constant 0 : i32
      %dma_wait3A_40 = tpu.memref_slice %arg14[%add3A_22, %dma_wait3A] : memref<20480x64xf32, #tpu.memory_space<vmem_shared>> -> memref<128x64xf32, #tpu.memory_space<vmem_shared>>
      %dma_wait3A_41 = arith.constant 0 : i32
      %dma_wait3A_42 = tpu.memref_slice %arg14[%add3A_22, %dma_wait3A_41] : memref<20480x64xf32, #tpu.memory_space<vmem_shared>> -> memref<128x64xf32, #tpu.memory_space<vmem_shared>>
      tpu.wait_dma2 semaphore(%run_scoped3A : memref<!tpu.dma_semaphore, #tpu.memory_space<semaphore_mem>>) src(%arg13 : memref<128x64xf32, #tpu.memory_space<vmem>>) dst(%dma_wait3A_42 : memref<128x64xf32, #tpu.memory_space<vmem_shared>>)
      tpu.yield
    }) : () -> ()
    %add3A_23 = arith.constant 896 : i32
    %add3A_24 = arith.addi %mul3A_8, %add3A_23 : i32
    "tpu.region"() ({
      %run_scoped3A = tpu.sem_alloc : memref<!tpu.dma_semaphore, #tpu.memory_space<semaphore_mem>>
      %dma_start3A = arith.constant 0 : i32
      %dma_start3A_37 = tpu.memref_slice %arg14[%add3A_24, %dma_start3A] : memref<20480x64xf32, #tpu.memory_space<vmem_shared>> -> memref<128x64xf32, #tpu.memory_space<vmem_shared>>
      %dma_start3A_38 = arith.constant 0 : i32
      %dma_start3A_39 = tpu.memref_slice %arg14[%add3A_24, %dma_start3A_38] : memref<20480x64xf32, #tpu.memory_space<vmem_shared>> -> memref<128x64xf32, #tpu.memory_space<vmem_shared>>
      tpu.enqueue_dma source(%arg13 : memref<128x64xf32, #tpu.memory_space<vmem>>) target(%dma_start3A_39 : memref<128x64xf32, #tpu.memory_space<vmem_shared>>) target_semaphore(%run_scoped3A : memref<!tpu.dma_semaphore, #tpu.memory_space<semaphore_mem>>)
      %dma_wait3A = arith.constant 0 : i32
      %dma_wait3A_40 = tpu.memref_slice %arg14[%add3A_24, %dma_wait3A] : memref<20480x64xf32, #tpu.memory_space<vmem_shared>> -> memref<128x64xf32, #tpu.memory_space<vmem_shared>>
      %dma_wait3A_41 = arith.constant 0 : i32
      %dma_wait3A_42 = tpu.memref_slice %arg14[%add3A_24, %dma_wait3A_41] : memref<20480x64xf32, #tpu.memory_space<vmem_shared>> -> memref<128x64xf32, #tpu.memory_space<vmem_shared>>
      tpu.wait_dma2 semaphore(%run_scoped3A : memref<!tpu.dma_semaphore, #tpu.memory_space<semaphore_mem>>) src(%arg13 : memref<128x64xf32, #tpu.memory_space<vmem>>) dst(%dma_wait3A_42 : memref<128x64xf32, #tpu.memory_space<vmem_shared>>)
      tpu.yield
    }) : () -> ()
    %add3A_25 = arith.constant 1024 : i32
    %add3A_26 = arith.addi %mul3A_8, %add3A_25 : i32
    "tpu.region"() ({
      %run_scoped3A = tpu.sem_alloc : memref<!tpu.dma_semaphore, #tpu.memory_space<semaphore_mem>>
      %dma_start3A = arith.constant 0 : i32
      %dma_start3A_37 = tpu.memref_slice %arg14[%add3A_26, %dma_start3A] : memref<20480x64xf32, #tpu.memory_space<vmem_shared>> -> memref<128x64xf32, #tpu.memory_space<vmem_shared>>
      %dma_start3A_38 = arith.constant 0 : i32
      %dma_start3A_39 = tpu.memref_slice %arg14[%add3A_26, %dma_start3A_38] : memref<20480x64xf32, #tpu.memory_space<vmem_shared>> -> memref<128x64xf32, #tpu.memory_space<vmem_shared>>
      tpu.enqueue_dma source(%arg13 : memref<128x64xf32, #tpu.memory_space<vmem>>) target(%dma_start3A_39 : memref<128x64xf32, #tpu.memory_space<vmem_shared>>) target_semaphore(%run_scoped3A : memref<!tpu.dma_semaphore, #tpu.memory_space<semaphore_mem>>)
      %dma_wait3A = arith.constant 0 : i32
      %dma_wait3A_40 = tpu.memref_slice %arg14[%add3A_26, %dma_wait3A] : memref<20480x64xf32, #tpu.memory_space<vmem_shared>> -> memref<128x64xf32, #tpu.memory_space<vmem_shared>>
      %dma_wait3A_41 = arith.constant 0 : i32
      %dma_wait3A_42 = tpu.memref_slice %arg14[%add3A_26, %dma_wait3A_41] : memref<20480x64xf32, #tpu.memory_space<vmem_shared>> -> memref<128x64xf32, #tpu.memory_space<vmem_shared>>
      tpu.wait_dma2 semaphore(%run_scoped3A : memref<!tpu.dma_semaphore, #tpu.memory_space<semaphore_mem>>) src(%arg13 : memref<128x64xf32, #tpu.memory_space<vmem>>) dst(%dma_wait3A_42 : memref<128x64xf32, #tpu.memory_space<vmem_shared>>)
      tpu.yield
    }) : () -> ()
    %add3A_27 = arith.constant 1152 : i32
    %add3A_28 = arith.addi %mul3A_8, %add3A_27 : i32
    "tpu.region"() ({
      %run_scoped3A = tpu.sem_alloc : memref<!tpu.dma_semaphore, #tpu.memory_space<semaphore_mem>>
      %dma_start3A = arith.constant 0 : i32
      %dma_start3A_37 = tpu.memref_slice %arg14[%add3A_28, %dma_start3A] : memref<20480x64xf32, #tpu.memory_space<vmem_shared>> -> memref<128x64xf32, #tpu.memory_space<vmem_shared>>
      %dma_start3A_38 = arith.constant 0 : i32
      %dma_start3A_39 = tpu.memref_slice %arg14[%add3A_28, %dma_start3A_38] : memref<20480x64xf32, #tpu.memory_space<vmem_shared>> -> memref<128x64xf32, #tpu.memory_space<vmem_shared>>
      tpu.enqueue_dma source(%arg13 : memref<128x64xf32, #tpu.memory_space<vmem>>) target(%dma_start3A_39 : memref<128x64xf32, #tpu.memory_space<vmem_shared>>) target_semaphore(%run_scoped3A : memref<!tpu.dma_semaphore, #tpu.memory_space<semaphore_mem>>)
      %dma_wait3A = arith.constant 0 : i32
      %dma_wait3A_40 = tpu.memref_slice %arg14[%add3A_28, %dma_wait3A] : memref<20480x64xf32, #tpu.memory_space<vmem_shared>> -> memref<128x64xf32, #tpu.memory_space<vmem_shared>>
      %dma_wait3A_41 = arith.constant 0 : i32
      %dma_wait3A_42 = tpu.memref_slice %arg14[%add3A_28, %dma_wait3A_41] : memref<20480x64xf32, #tpu.memory_space<vmem_shared>> -> memref<128x64xf32, #tpu.memory_space<vmem_shared>>
      tpu.wait_dma2 semaphore(%run_scoped3A : memref<!tpu.dma_semaphore, #tpu.memory_space<semaphore_mem>>) src(%arg13 : memref<128x64xf32, #tpu.memory_space<vmem>>) dst(%dma_wait3A_42 : memref<128x64xf32, #tpu.memory_space<vmem_shared>>)
      tpu.yield
    }) : () -> ()
    %barrier3A = arith.constant 0 : index
    tpu.barrier barrier_id(%barrier3A)
    %scan3A_29 = arith.constant 0 : i32
    %scan3A_30 = arith.constant 0 : i32
    %scan3A_31 = arith.constant 157 : i32
    %scan3A_32 = arith.addi %scan3A_30, %scan3A_31 : i32
    %scan3A_33 = arith.constant 1 : i32
    %scan3A_34 = scf.for %scan3A_37 = %scan3A_30 to %scan3A_32 step %scan3A_33 iter_args(%scan3A_38 = %scan3A_29) -> (i32)  : i32 {
      %mul3A_39 = arith.constant 20096 : i32
      %mul3A_40 = arith.muli %add3A, %mul3A_39 : i32
      %mul3A_41 = arith.constant 128 : i32
      %mul3A_42 = arith.muli %scan3A_37, %mul3A_41 : i32
      %add3A_43 = arith.addi %mul3A_40, %mul3A_42 : i32
      %multiple_of3A = tpu.assume_multiple %add3A_43, 128 : i32
      %dma_start3A = tpu.memref_slice %arg5[%multiple_of3A] : memref<643072xi32, #tpu.memory_space<hbm>> -> memref<128xi32, #tpu.memory_space<hbm>>
      %dma_start3A_44 = tpu.memref_slice %arg5[%multiple_of3A] : memref<643072xi32, #tpu.memory_space<hbm>> -> memref<128xi32, #tpu.memory_space<hbm>>
      tpu.enqueue_dma source(%dma_start3A_44 : memref<128xi32, #tpu.memory_space<hbm>>) target(%arg9 : memref<128xi32, #tpu.memory_space<vmem>>) target_semaphore(%arg15 : memref<!tpu.dma_semaphore, #tpu.memory_space<semaphore_mem>>)
      %dma_start3A_45 = tpu.memref_slice %arg6[%multiple_of3A] : memref<643072xi32, #tpu.memory_space<hbm>> -> memref<128xi32, #tpu.memory_space<hbm>>
      %dma_start3A_46 = tpu.memref_slice %arg6[%multiple_of3A] : memref<643072xi32, #tpu.memory_space<hbm>> -> memref<128xi32, #tpu.memory_space<hbm>>
      tpu.enqueue_dma source(%dma_start3A_46 : memref<128xi32, #tpu.memory_space<hbm>>) target(%arg10 : memref<128xi32, #tpu.memory_space<vmem>>) target_semaphore(%arg16 : memref<!tpu.dma_semaphore, #tpu.memory_space<semaphore_mem>>)
      %dma_start3A_47 = arith.constant 0 : i32
      %dma_start3A_48 = tpu.memref_slice %arg4[%multiple_of3A, %dma_start3A_47] : memref<643072x64xf32, #tpu.memory_space<hbm>> -> memref<128x64xf32, #tpu.memory_space<hbm>>
      %dma_start3A_49 = arith.constant 0 : i32
      %dma_start3A_50 = tpu.memref_slice %arg4[%multiple_of3A, %dma_start3A_49] : memref<643072x64xf32, #tpu.memory_space<hbm>> -> memref<128x64xf32, #tpu.memory_space<hbm>>
      tpu.enqueue_dma source(%dma_start3A_50 : memref<128x64xf32, #tpu.memory_space<hbm>>) target(%arg13 : memref<128x64xf32, #tpu.memory_space<vmem>>) target_semaphore(%arg17 : memref<!tpu.dma_semaphore, #tpu.memory_space<semaphore_mem>>)
      %dma_wait3A = tpu.memref_slice %arg5[%multiple_of3A] : memref<643072xi32, #tpu.memory_space<hbm>> -> memref<128xi32, #tpu.memory_space<hbm>>
      %dma_wait3A_51 = tpu.memref_slice %arg5[%multiple_of3A] : memref<643072xi32, #tpu.memory_space<hbm>> -> memref<128xi32, #tpu.memory_space<hbm>>
      tpu.wait_dma2 semaphore(%arg15 : memref<!tpu.dma_semaphore, #tpu.memory_space<semaphore_mem>>) src(%dma_wait3A_51 : memref<128xi32, #tpu.memory_space<hbm>>) dst(%arg9 : memref<128xi32, #tpu.memory_space<vmem>>)
      %dma_wait3A_52 = tpu.memref_slice %arg6[%multiple_of3A] : memref<643072xi32, #tpu.memory_space<hbm>> -> memref<128xi32, #tpu.memory_space<hbm>>
      %dma_wait3A_53 = tpu.memref_slice %arg6[%multiple_of3A] : memref<643072xi32, #tpu.memory_space<hbm>> -> memref<128xi32, #tpu.memory_space<hbm>>
      tpu.wait_dma2 semaphore(%arg16 : memref<!tpu.dma_semaphore, #tpu.memory_space<semaphore_mem>>) src(%dma_wait3A_53 : memref<128xi32, #tpu.memory_space<hbm>>) dst(%arg10 : memref<128xi32, #tpu.memory_space<vmem>>)
      %dma_start3A_54 = arith.constant 0 : i32
      %dma_start3A_55 = arith.constant 0 : i32
      %dma_start3A_56 = tpu.memref_slice %arg2[%dma_start3A_54, %dma_start3A_55] : memref<20480x64xf32, #tpu.memory_space<hbm>> -> memref<20480x64xf32, #tpu.memory_space<hbm>>
      tpu.enqueue_indirect_dma source(%dma_start3A_56 : memref<20480x64xf32, #tpu.memory_space<hbm>>) target(%arg11 : memref<128x64xf32, #tpu.memory_space<vmem>>) offsets(%arg9 : memref<128xi32, #tpu.memory_space<vmem>>) semaphore(%arg15 : memref<!tpu.dma_semaphore, #tpu.memory_space<semaphore_mem>>)
      %dma_start3A_57 = arith.constant 0 : i32
      %dma_start3A_58 = arith.constant 0 : i32
      %dma_start3A_59 = tpu.memref_slice %arg3[%dma_start3A_57, %dma_start3A_58] : memref<20480x64xf32, #tpu.memory_space<hbm>> -> memref<20480x64xf32, #tpu.memory_space<hbm>>
      tpu.enqueue_indirect_dma source(%dma_start3A_59 : memref<20480x64xf32, #tpu.memory_space<hbm>>) target(%arg12 : memref<128x64xf32, #tpu.memory_space<vmem>>) offsets(%arg10 : memref<128xi32, #tpu.memory_space<vmem>>) semaphore(%arg16 : memref<!tpu.dma_semaphore, #tpu.memory_space<semaphore_mem>>)
      %dma_wait3A_60 = arith.constant 0 : i32
      %dma_wait3A_61 = arith.constant 0 : i32
      %dma_wait3A_62 = tpu.memref_slice %arg2[%dma_wait3A_60, %dma_wait3A_61] : memref<20480x64xf32, #tpu.memory_space<hbm>> -> memref<20480x64xf32, #tpu.memory_space<hbm>>
      tpu.wait_indirect_dma semaphore(%arg15 : memref<!tpu.dma_semaphore, #tpu.memory_space<semaphore_mem>>) src(%dma_wait3A_62 : memref<20480x64xf32, #tpu.memory_space<hbm>>) dst(%arg11 : memref<128x64xf32, #tpu.memory_space<vmem>>)
      %dma_wait3A_63 = arith.constant 0 : i32
      %dma_wait3A_64 = arith.constant 0 : i32
      %dma_wait3A_65 = tpu.memref_slice %arg3[%dma_wait3A_63, %dma_wait3A_64] : memref<20480x64xf32, #tpu.memory_space<hbm>> -> memref<20480x64xf32, #tpu.memory_space<hbm>>
      tpu.wait_indirect_dma semaphore(%arg16 : memref<!tpu.dma_semaphore, #tpu.memory_space<semaphore_mem>>) src(%dma_wait3A_65 : memref<20480x64xf32, #tpu.memory_space<hbm>>) dst(%arg12 : memref<128x64xf32, #tpu.memory_space<vmem>>)
      %dma_wait3A_66 = arith.constant 0 : i32
      %dma_wait3A_67 = tpu.memref_slice %arg4[%multiple_of3A, %dma_wait3A_66] : memref<643072x64xf32, #tpu.memory_space<hbm>> -> memref<128x64xf32, #tpu.memory_space<hbm>>
      %dma_wait3A_68 = arith.constant 0 : i32
      %dma_wait3A_69 = tpu.memref_slice %arg4[%multiple_of3A, %dma_wait3A_68] : memref<643072x64xf32, #tpu.memory_space<hbm>> -> memref<128x64xf32, #tpu.memory_space<hbm>>
      tpu.wait_dma2 semaphore(%arg17 : memref<!tpu.dma_semaphore, #tpu.memory_space<semaphore_mem>>) src(%dma_wait3A_69 : memref<128x64xf32, #tpu.memory_space<hbm>>) dst(%arg13 : memref<128x64xf32, #tpu.memory_space<vmem>>)
      %scan3A_70 = arith.constant 0 : i32
      %scan3A_71 = arith.constant 0 : i32
      %scan3A_72 = arith.constant 128 : i32
      %scan3A_73 = arith.addi %scan3A_71, %scan3A_72 : i32
      %scan3A_74 = arith.constant 1 : i32
      %scan3A_75 = scf.for %scan3A_92 = %scan3A_71 to %scan3A_73 step %scan3A_74 iter_args(%scan3A_93 = %scan3A_70) -> (i32)  : i32 {
        %get3A = arith.index_cast %scan3A_92 : i32 to index
        %get3A_94 = arith.constant 0 : index
        %get3A_95 = tpu.vector_load %arg11[%get3A, %get3A_94] {strides = array<i32>} : memref<128x64xf32, #tpu.memory_space<vmem>>, vector<1x16xf32>,
        %get3A_96 = vector.shape_cast %get3A_95 : vector<1x16xf32> to vector<16xf32>
        %get3A_97 = arith.index_cast %scan3A_92 : i32 to index
        %get3A_98 = arith.constant 0 : index
        %get3A_99 = tpu.vector_load %arg12[%get3A_97, %get3A_98] {strides = array<i32>} : memref<128x64xf32, #tpu.memory_space<vmem>>, vector<1x16xf32>,
        %get3A_100 = vector.shape_cast %get3A_99 : vector<1x16xf32> to vector<16xf32>
        %add3A_101 = arith.addf %get3A_96, %get3A_100 : vector<16xf32>
        %get3A_102 = arith.index_cast %scan3A_92 : i32 to index
        %get3A_103 = arith.constant 0 : index
        %get3A_104 = tpu.vector_load %arg13[%get3A_102, %get3A_103] {strides = array<i32>} : memref<128x64xf32, #tpu.memory_space<vmem>>, vector<1x16xf32>,
        %get3A_105 = vector.shape_cast %get3A_104 : vector<1x16xf32> to vector<16xf32>
        %add3A_106 = arith.addf %add3A_101, %get3A_105 : vector<16xf32>
        %max3A = arith.constant 0.000000e+00 : f32
        %max3A_107 = vector.broadcast %max3A : f32 to vector<16xf32>
        %max3A_108 = arith.maximumf %add3A_106, %max3A_107 : vector<16xf32>
        %swap3A = arith.index_cast %scan3A_92 : i32 to index
        %swap3A_109 = arith.constant 0 : index
        %swap3A_110 = tpu.vector_load %arg13[%swap3A, %swap3A_109] {strides = array<i32>} : memref<128x64xf32, #tpu.memory_space<vmem>>, vector<1x16xf32>,
        %swap3A_111 = vector.shape_cast %swap3A_110 : vector<1x16xf32> to vector<16xf32>
        %swap3A_112 = vector.shape_cast %max3A_108 : vector<16xf32> to vector<1x16xf32>
        tpu.vector_store %arg13[%swap3A, %swap3A_109], %swap3A_112 {strides = array<i32>} : memref<128x64xf32, #tpu.memory_space<vmem>>, vector<1x16xf32>,
        %get3A_113 = arith.index_cast %scan3A_92 : i32 to index
        %get3A_114 = arith.constant 16 : index
        %get3A_115 = tpu.vector_load %arg11[%get3A_113, %get3A_114] {strides = array<i32>} : memref<128x64xf32, #tpu.memory_space<vmem>>, vector<1x16xf32>,
        %get3A_116 = vector.shape_cast %get3A_115 : vector<1x16xf32> to vector<16xf32>
        %get3A_117 = arith.index_cast %scan3A_92 : i32 to index
        %get3A_118 = arith.constant 16 : index
        %get3A_119 = tpu.vector_load %arg12[%get3A_117, %get3A_118] {strides = array<i32>} : memref<128x64xf32, #tpu.memory_space<vmem>>, vector<1x16xf32>,
        %get3A_120 = vector.shape_cast %get3A_119 : vector<1x16xf32> to vector<16xf32>
        %add3A_121 = arith.addf %get3A_116, %get3A_120 : vector<16xf32>
        %get3A_122 = arith.index_cast %scan3A_92 : i32 to index
        %get3A_123 = arith.constant 16 : index
        %get3A_124 = tpu.vector_load %arg13[%get3A_122, %get3A_123] {strides = array<i32>} : memref<128x64xf32, #tpu.memory_space<vmem>>, vector<1x16xf32>,
        %get3A_125 = vector.shape_cast %get3A_124 : vector<1x16xf32> to vector<16xf32>
        %add3A_126 = arith.addf %add3A_121, %get3A_125 : vector<16xf32>
        %max3A_127 = arith.constant 0.000000e+00 : f32
        %max3A_128 = vector.broadcast %max3A_127 : f32 to vector<16xf32>
        %max3A_129 = arith.maximumf %add3A_126, %max3A_128 : vector<16xf32>
        %swap3A_130 = arith.index_cast %scan3A_92 : i32 to index
        %swap3A_131 = arith.constant 16 : index
        %swap3A_132 = tpu.vector_load %arg13[%swap3A_130, %swap3A_131] {strides = array<i32>} : memref<128x64xf32, #tpu.memory_space<vmem>>, vector<1x16xf32>,
        %swap3A_133 = vector.shape_cast %swap3A_132 : vector<1x16xf32> to vector<16xf32>
        %swap3A_134 = vector.shape_cast %max3A_129 : vector<16xf32> to vector<1x16xf32>
        tpu.vector_store %arg13[%swap3A_130, %swap3A_131], %swap3A_134 {strides = array<i32>} : memref<128x64xf32, #tpu.memory_space<vmem>>, vector<1x16xf32>,
        %get3A_135 = arith.index_cast %scan3A_92 : i32 to index
        %get3A_136 = arith.constant 32 : index
        %get3A_137 = tpu.vector_load %arg11[%get3A_135, %get3A_136] {strides = array<i32>} : memref<128x64xf32, #tpu.memory_space<vmem>>, vector<1x16xf32>,
        %get3A_138 = vector.shape_cast %get3A_137 : vector<1x16xf32> to vector<16xf32>
        %get3A_139 = arith.index_cast %scan3A_92 : i32 to index
        %get3A_140 = arith.constant 32 : index
        %get3A_141 = tpu.vector_load %arg12[%get3A_139, %get3A_140] {strides = array<i32>} : memref<128x64xf32, #tpu.memory_space<vmem>>, vector<1x16xf32>,
        %get3A_142 = vector.shape_cast %get3A_141 : vector<1x16xf32> to vector<16xf32>
        %add3A_143 = arith.addf %get3A_138, %get3A_142 : vector<16xf32>
        %get3A_144 = arith.index_cast %scan3A_92 : i32 to index
        %get3A_145 = arith.constant 32 : index
        %get3A_146 = tpu.vector_load %arg13[%get3A_144, %get3A_145] {strides = array<i32>} : memref<128x64xf32, #tpu.memory_space<vmem>>, vector<1x16xf32>,
        %get3A_147 = vector.shape_cast %get3A_146 : vector<1x16xf32> to vector<16xf32>
        %add3A_148 = arith.addf %add3A_143, %get3A_147 : vector<16xf32>
        %max3A_149 = arith.constant 0.000000e+00 : f32
        %max3A_150 = vector.broadcast %max3A_149 : f32 to vector<16xf32>
        %max3A_151 = arith.maximumf %add3A_148, %max3A_150 : vector<16xf32>
        %swap3A_152 = arith.index_cast %scan3A_92 : i32 to index
        %swap3A_153 = arith.constant 32 : index
        %swap3A_154 = tpu.vector_load %arg13[%swap3A_152, %swap3A_153] {strides = array<i32>} : memref<128x64xf32, #tpu.memory_space<vmem>>, vector<1x16xf32>,
        %swap3A_155 = vector.shape_cast %swap3A_154 : vector<1x16xf32> to vector<16xf32>
        %swap3A_156 = vector.shape_cast %max3A_151 : vector<16xf32> to vector<1x16xf32>
        tpu.vector_store %arg13[%swap3A_152, %swap3A_153], %swap3A_156 {strides = array<i32>} : memref<128x64xf32, #tpu.memory_space<vmem>>, vector<1x16xf32>,
        %get3A_157 = arith.index_cast %scan3A_92 : i32 to index
        %get3A_158 = arith.constant 48 : index
        %get3A_159 = tpu.vector_load %arg11[%get3A_157, %get3A_158] {strides = array<i32>} : memref<128x64xf32, #tpu.memory_space<vmem>>, vector<1x16xf32>,
        %get3A_160 = vector.shape_cast %get3A_159 : vector<1x16xf32> to vector<16xf32>
        %get3A_161 = arith.index_cast %scan3A_92 : i32 to index
        %get3A_162 = arith.constant 48 : index
        %get3A_163 = tpu.vector_load %arg12[%get3A_161, %get3A_162] {strides = array<i32>} : memref<128x64xf32, #tpu.memory_space<vmem>>, vector<1x16xf32>,
        %get3A_164 = vector.shape_cast %get3A_163 : vector<1x16xf32> to vector<16xf32>
        %add3A_165 = arith.addf %get3A_160, %get3A_164 : vector<16xf32>
        %get3A_166 = arith.index_cast %scan3A_92 : i32 to index
        %get3A_167 = arith.constant 48 : index
        %get3A_168 = tpu.vector_load %arg13[%get3A_166, %get3A_167] {strides = array<i32>} : memref<128x64xf32, #tpu.memory_space<vmem>>, vector<1x16xf32>,
        %get3A_169 = vector.shape_cast %get3A_168 : vector<1x16xf32> to vector<16xf32>
        %add3A_170 = arith.addf %add3A_165, %get3A_169 : vector<16xf32>
        %max3A_171 = arith.constant 0.000000e+00 : f32
        %max3A_172 = vector.broadcast %max3A_171 : f32 to vector<16xf32>
        %max3A_173 = arith.maximumf %add3A_170, %max3A_172 : vector<16xf32>
        %swap3A_174 = arith.index_cast %scan3A_92 : i32 to index
        %swap3A_175 = arith.constant 48 : index
        %swap3A_176 = tpu.vector_load %arg13[%swap3A_174, %swap3A_175] {strides = array<i32>} : memref<128x64xf32, #tpu.memory_space<vmem>>, vector<1x16xf32>,
        %swap3A_177 = vector.shape_cast %swap3A_176 : vector<1x16xf32> to vector<16xf32>
        %swap3A_178 = vector.shape_cast %max3A_173 : vector<16xf32> to vector<1x16xf32>
        tpu.vector_store %arg13[%swap3A_174, %swap3A_175], %swap3A_178 {strides = array<i32>} : memref<128x64xf32, #tpu.memory_space<vmem>>, vector<1x16xf32>,
        %scan3A_179 = arith.constant 0 : i32
        scf.yield %scan3A_179 : i32
      }
      %scan3A_76 = arith.constant 128 : i32
      %dma_start3A_77 = arith.constant 0 : i32
      %dma_start3A_78 = tpu.memref_slice %arg8[%multiple_of3A, %dma_start3A_77] : memref<643072x64xf32, #tpu.memory_space<hbm>> -> memref<128x64xf32, #tpu.memory_space<hbm>>
      %dma_start3A_79 = arith.constant 0 : i32
      %dma_start3A_80 = tpu.memref_slice %arg8[%multiple_of3A, %dma_start3A_79] : memref<643072x64xf32, #tpu.memory_space<hbm>> -> memref<128x64xf32, #tpu.memory_space<hbm>>
      tpu.enqueue_dma source(%arg13 : memref<128x64xf32, #tpu.memory_space<vmem>>) target(%dma_start3A_80 : memref<128x64xf32, #tpu.memory_space<hbm>>) target_semaphore(%arg15 : memref<!tpu.dma_semaphore, #tpu.memory_space<semaphore_mem>>)
      %dma_start3A_81 = arith.constant 0 : i32
      %dma_start3A_82 = arith.constant 0 : i32
      %dma_start3A_83 = tpu.memref_slice %arg14[%dma_start3A_81, %dma_start3A_82] : memref<20480x64xf32, #tpu.memory_space<vmem_shared>> -> memref<20480x64xf32, #tpu.memory_space<vmem_shared>>
      tpu.enqueue_indirect_dma source(%arg13 : memref<128x64xf32, #tpu.memory_space<vmem>>) target(%dma_start3A_83 : memref<20480x64xf32, #tpu.memory_space<vmem_shared>>) offsets(%arg10 : memref<128xi32, #tpu.memory_space<vmem>>) semaphore(%arg16 : memref<!tpu.dma_semaphore, #tpu.memory_space<semaphore_mem>>) {add = true}
      %dma_wait3A_84 = arith.constant 0 : i32
      %dma_wait3A_85 = tpu.memref_slice %arg8[%multiple_of3A, %dma_wait3A_84] : memref<643072x64xf32, #tpu.memory_space<hbm>> -> memref<128x64xf32, #tpu.memory_space<hbm>>
      %dma_wait3A_86 = arith.constant 0 : i32
      %dma_wait3A_87 = tpu.memref_slice %arg8[%multiple_of3A, %dma_wait3A_86] : memref<643072x64xf32, #tpu.memory_space<hbm>> -> memref<128x64xf32, #tpu.memory_space<hbm>>
      tpu.wait_dma2 semaphore(%arg15 : memref<!tpu.dma_semaphore, #tpu.memory_space<semaphore_mem>>) src(%arg13 : memref<128x64xf32, #tpu.memory_space<vmem>>) dst(%dma_wait3A_87 : memref<128x64xf32, #tpu.memory_space<hbm>>)
      %dma_wait3A_88 = arith.constant 0 : i32
      %dma_wait3A_89 = arith.constant 0 : i32
      %dma_wait3A_90 = tpu.memref_slice %arg14[%dma_wait3A_88, %dma_wait3A_89] : memref<20480x64xf32, #tpu.memory_space<vmem_shared>> -> memref<20480x64xf32, #tpu.memory_space<vmem_shared>>
      tpu.wait_indirect_dma semaphore(%arg16 : memref<!tpu.dma_semaphore, #tpu.memory_space<semaphore_mem>>) src(%arg13 : memref<128x64xf32, #tpu.memory_space<vmem>>) dst(%dma_wait3A_90 : memref<20480x64xf32, #tpu.memory_space<vmem_shared>>)
      %scan3A_91 = arith.constant 0 : i32
      scf.yield %scan3A_91 : i32
    }
    %scan3A_35 = arith.constant 157 : i32
    %barrier3A_36 = arith.constant 0 : index
    tpu.barrier barrier_id(%barrier3A_36)
    "tpu.region"() ({
      %run_scoped3A = tpu.sem_alloc : memref<!tpu.dma_semaphore, #tpu.memory_space<semaphore_mem>>
      %dma_start3A = arith.constant 0 : i32
      %dma_start3A_37 = tpu.memref_slice %arg7[%arg0, %mul3A_8, %dma_start3A] : memref<2x20480x64xf32, #tpu.memory_space<hbm>> -> memref<1x1280x64xf32, #tpu.memory_space<hbm>>
      %dma_start3A_38 = tpu.memref_squeeze %dma_start3A_37 : memref<1x1280x64xf32, #tpu.memory_space<hbm>> -> memref<1280x64xf32, #tpu.memory_space<hbm>>
      %dma_start3A_39 = arith.constant 0 : i32
      %dma_start3A_40 = tpu.memref_slice %arg14[%mul3A_8, %dma_start3A_39] : memref<20480x64xf32, #tpu.memory_space<vmem_shared>> -> memref<1280x64xf32, #tpu.memory_space<vmem_shared>>
      tpu.enqueue_dma source(%dma_start3A_40 : memref<1280x64xf32, #tpu.memory_space<vmem_shared>>) target(%dma_start3A_38 : memref<1280x64xf32, #tpu.memory_space<hbm>>) target_semaphore(%run_scoped3A : memref<!tpu.dma_semaphore, #tpu.memory_space<semaphore_mem>>)
      %dma_wait3A = arith.constant 0 : i32
      %dma_wait3A_41 = tpu.memref_slice %arg7[%arg0, %mul3A_8, %dma_wait3A] : memref<2x20480x64xf32, #tpu.memory_space<hbm>> -> memref<1x1280x64xf32, #tpu.memory_space<hbm>>
      %dma_wait3A_42 = tpu.memref_squeeze %dma_wait3A_41 : memref<1x1280x64xf32, #tpu.memory_space<hbm>> -> memref<1280x64xf32, #tpu.memory_space<hbm>>
      %dma_wait3A_43 = arith.constant 0 : i32
      %dma_wait3A_44 = tpu.memref_slice %arg14[%mul3A_8, %dma_wait3A_43] : memref<20480x64xf32, #tpu.memory_space<vmem_shared>> -> memref<1280x64xf32, #tpu.memory_space<vmem_shared>>
      tpu.wait_dma2 semaphore(%run_scoped3A : memref<!tpu.dma_semaphore, #tpu.memory_space<semaphore_mem>>) src(%dma_wait3A_44 : memref<1280x64xf32, #tpu.memory_space<vmem_shared>>) dst(%dma_wait3A_42 : memref<1280x64xf32, #tpu.memory_space<hbm>>)
      tpu.yield
    }) : () -> ()
    return
  }
}

module attributes {stable_mosaic.version = 14 : i64} {
  func.func @_pre_body(%arg0: i32, %arg1: memref<1024x128xf32, #tpu.memory_space<vmem>>, %arg2: memref<1024x1xf32, #tpu.memory_space<vmem>>, %arg3: memref<256x8xf32, #tpu.memory_space<vmem>>, %arg4: memref<128x64xf32, #tpu.memory_space<vmem>>, %arg5: memref<128x64xf32, #tpu.memory_space<vmem>>, %arg6: memref<8x64xf32, #tpu.memory_space<vmem>>, %arg7: memref<1x64xf32, #tpu.memory_space<vmem>>, %arg8: memref<1024x64xf32, #tpu.memory_space<vmem>>, %arg9: memref<1024x64xf32, #tpu.memory_space<vmem>>) attributes {dimension_semantics = [#tpu.dimension_semantics<arbitrary>], iteration_bounds = array<i64: 20>, scalar_prefetch = 0 : i64, scratch_operands = 0 : i64, tpu.core_type = #tpu.core_type<tc>, window_params = [{transform_indices = @transform_0, window_bounds = array<i64: 1024, 128>}, {transform_indices = @transform_1, window_bounds = array<i64: 1024, 1>}, {pipeline_mode = #tpu.pipeline_mode<synchronous>, transform_indices = @transform_2, window_bounds = array<i64: 256, 8>}, {pipeline_mode = #tpu.pipeline_mode<synchronous>, transform_indices = @transform_3, window_bounds = array<i64: 128, 64>}, {pipeline_mode = #tpu.pipeline_mode<synchronous>, transform_indices = @transform_4, window_bounds = array<i64: 128, 64>}, {pipeline_mode = #tpu.pipeline_mode<synchronous>, transform_indices = @transform_5, window_bounds = array<i64: 8, 64>}, {pipeline_mode = #tpu.pipeline_mode<synchronous>, transform_indices = @transform_6, window_bounds = array<i64: 1, 64>}, {transform_indices = @transform_7, window_bounds = array<i64: 1024, 64>}, {transform_indices = @transform_8, window_bounds = array<i64: 1024, 64>}]} {
    %get3A = arith.constant 0 : index
    %get3A_0 = arith.constant 0 : index
    %get3A_1 = vector.load %arg2[%get3A, %get3A_0] : memref<1024x1xf32, #tpu.memory_space<vmem>>, vector<1024x1xf32>
    %iota3A = tpu.iota {dimensions = array<i32: 1>} : vector<1024x256xi32>
    %convert_element_type3A = arith.sitofp %iota3A : vector<1024x256xi32> to vector<1024x256xf32>
    %eq3A = vector.broadcast %get3A_1 : vector<1024x1xf32> to vector<1024x256xf32>
    %eq3A_2 = arith.cmpf oeq, %eq3A, %convert_element_type3A : vector<1024x256xf32>
    %convert_element_type3A_3 = arith.extui %eq3A_2 : vector<1024x256xi1> to vector<1024x256xi32>
    %convert_element_type3A_4 = arith.sitofp %convert_element_type3A_3 : vector<1024x256xi32> to vector<1024x256xf32>
    %get3A_5 = arith.constant 0 : index
    %get3A_6 = arith.constant 0 : index
    %get3A_7 = vector.load %arg3[%get3A_5, %get3A_6] : memref<256x8xf32, #tpu.memory_space<vmem>>, vector<256x8xf32>
    %get3A_8 = arith.constant 0 : index
    %get3A_9 = arith.constant 0 : index
    %get3A_10 = vector.load %arg6[%get3A_8, %get3A_9] : memref<8x64xf32, #tpu.memory_space<vmem>>, vector<8x64xf32>
    %dot_general3A = arith.constant dense<0.000000e+00> : vector<256x64xf32>
    %dot_general3A_11 = tpu.matmul %get3A_7, %get3A_10, %dot_general3A {dimension_numbers = #tpu.dot_dimension_numbers<[1], [0], [0], [1], [0, 0, 1, 1], [], []>, precision = #tpu.contract_precision<fp32>, transpose_lhs_hint = false} : vector<256x8xf32>, vector<8x64xf32>, vector<256x64xf32> -> vector<256x64xf32>
    %get3A_12 = arith.constant 0 : index
    %get3A_13 = arith.constant 0 : index
    %get3A_14 = vector.load %arg7[%get3A_12, %get3A_13] : memref<1x64xf32, #tpu.memory_space<vmem>>, vector<1x64xf32>
    %add3A = vector.broadcast %get3A_14 : vector<1x64xf32> to vector<256x64xf32>
    %add3A_15 = arith.addf %dot_general3A_11, %add3A : vector<256x64xf32>
    %get3A_16 = arith.constant 0 : index
    %get3A_17 = arith.constant 0 : index
    %get3A_18 = vector.load %arg1[%get3A_16, %get3A_17] : memref<1024x128xf32, #tpu.memory_space<vmem>>, vector<1024x128xf32>
    %get3A_19 = arith.constant 0 : index
    %get3A_20 = arith.constant 0 : index
    %get3A_21 = vector.load %arg4[%get3A_19, %get3A_20] : memref<128x64xf32, #tpu.memory_space<vmem>>, vector<128x64xf32>
    %dot_general3A_22 = arith.constant dense<0.000000e+00> : vector<1024x64xf32>
    %dot_general3A_23 = tpu.matmul %get3A_18, %get3A_21, %dot_general3A_22 {dimension_numbers = #tpu.dot_dimension_numbers<[1], [0], [0], [1], [0, 0, 1, 1], [], []>, precision = #tpu.contract_precision<fp32>, transpose_lhs_hint = false} : vector<1024x128xf32>, vector<128x64xf32>, vector<1024x64xf32> -> vector<1024x64xf32>
    %dot_general3A_24 = arith.constant dense<0.000000e+00> : vector<1024x64xf32>
    %dot_general3A_25 = tpu.matmul %convert_element_type3A_4, %add3A_15, %dot_general3A_24 {dimension_numbers = #tpu.dot_dimension_numbers<[1], [0], [0], [1], [0, 0, 1, 1], [], []>, precision = #tpu.contract_precision<fp32>, transpose_lhs_hint = false} : vector<1024x256xf32>, vector<256x64xf32>, vector<1024x64xf32> -> vector<1024x64xf32>
    %add3A_26 = arith.addf %dot_general3A_23, %dot_general3A_25 : vector<1024x64xf32>
    %swap3A = arith.constant 0 : index
    %swap3A_27 = arith.constant 0 : index
    %swap3A_28 = vector.load %arg8[%swap3A, %swap3A_27] : memref<1024x64xf32, #tpu.memory_space<vmem>>, vector<1024x64xf32>
    tpu.vector_store %arg8[%swap3A, %swap3A_27], %add3A_26 {strides = array<i32>} : memref<1024x64xf32, #tpu.memory_space<vmem>>, vector<1024x64xf32>,
    %get3A_29 = arith.constant 0 : index
    %get3A_30 = arith.constant 0 : index
    %get3A_31 = vector.load %arg5[%get3A_29, %get3A_30] : memref<128x64xf32, #tpu.memory_space<vmem>>, vector<128x64xf32>
    %dot_general3A_32 = arith.constant dense<0.000000e+00> : vector<1024x64xf32>
    %dot_general3A_33 = tpu.matmul %get3A_18, %get3A_31, %dot_general3A_32 {dimension_numbers = #tpu.dot_dimension_numbers<[1], [0], [0], [1], [0, 0, 1, 1], [], []>, precision = #tpu.contract_precision<fp32>, transpose_lhs_hint = false} : vector<1024x128xf32>, vector<128x64xf32>, vector<1024x64xf32> -> vector<1024x64xf32>
    %swap3A_34 = arith.constant 0 : index
    %swap3A_35 = arith.constant 0 : index
    %swap3A_36 = vector.load %arg9[%swap3A_34, %swap3A_35] : memref<1024x64xf32, #tpu.memory_space<vmem>>, vector<1024x64xf32>
    tpu.vector_store %arg9[%swap3A_34, %swap3A_35], %dot_general3A_33 {strides = array<i32>} : memref<1024x64xf32, #tpu.memory_space<vmem>>, vector<1024x64xf32>,
    return
  }
  func.func @transform_0(%arg0: i32) -> (i32, i32) {
    %c0_i32 = arith.constant 0 : i32
    %c0_i32_0 = arith.constant 0 : i32
    return %arg0, %c0_i32 : i32, i32
  }
  func.func @transform_1(%arg0: i32) -> (i32, i32) {
    %c0_i32 = arith.constant 0 : i32
    %c0_i32_0 = arith.constant 0 : i32
    return %arg0, %c0_i32 : i32, i32
  }
  func.func @transform_2(%arg0: i32) -> (i32, i32) {
    %c0_i32 = arith.constant 0 : i32
    %c0_i32_0 = arith.constant 0 : i32
    %c0_i32_1 = arith.constant 0 : i32
    return %c0_i32, %c0_i32_0 : i32, i32
  }
  func.func @transform_3(%arg0: i32) -> (i32, i32) {
    %c0_i32 = arith.constant 0 : i32
    %c0_i32_0 = arith.constant 0 : i32
    %c0_i32_1 = arith.constant 0 : i32
    return %c0_i32, %c0_i32_0 : i32, i32
  }
  func.func @transform_4(%arg0: i32) -> (i32, i32) {
    %c0_i32 = arith.constant 0 : i32
    %c0_i32_0 = arith.constant 0 : i32
    %c0_i32_1 = arith.constant 0 : i32
    return %c0_i32, %c0_i32_0 : i32, i32
  }
  func.func @transform_5(%arg0: i32) -> (i32, i32) {
    %c0_i32 = arith.constant 0 : i32
    %c0_i32_0 = arith.constant 0 : i32
    %c0_i32_1 = arith.constant 0 : i32
    return %c0_i32, %c0_i32_0 : i32, i32
  }
  func.func @transform_6(%arg0: i32) -> (i32, i32) {
    %c0_i32 = arith.constant 0 : i32
    %c0_i32_0 = arith.constant 0 : i32
    %c0_i32_1 = arith.constant 0 : i32
    return %c0_i32, %c0_i32_0 : i32, i32
  }
  func.func @transform_7(%arg0: i32) -> (i32, i32) {
    %c0_i32 = arith.constant 0 : i32
    %c0_i32_0 = arith.constant 0 : i32
    return %arg0, %c0_i32 : i32, i32
  }
  func.func @transform_8(%arg0: i32) -> (i32, i32) {
    %c0_i32 = arith.constant 0 : i32
    %c0_i32_0 = arith.constant 0 : i32
    return %arg0, %c0_i32 : i32, i32
  }
}

module attributes {stable_mosaic.version = 14 : i64} {
  func.func @_c1_body(%arg0: i32, %arg1: memref<4096x16xf32, #tpu.memory_space<vmem>>, %arg2: memref<16x64xf32, #tpu.memory_space<vmem>>, %arg3: memref<4096x64xf32, #tpu.memory_space<vmem>>) attributes {dimension_semantics = [#tpu.dimension_semantics<arbitrary>], iteration_bounds = array<i64: 157>, scalar_prefetch = 0 : i64, scratch_operands = 0 : i64, tpu.core_type = #tpu.core_type<tc>, window_params = [{transform_indices = @transform_0, window_bounds = array<i64: 4096, 16>}, {pipeline_mode = #tpu.pipeline_mode<synchronous>, transform_indices = @transform_1, window_bounds = array<i64: 16, 64>}, {transform_indices = @transform_2, window_bounds = array<i64: 4096, 64>}]} {
    %get3A = arith.constant 0 : index
    %get3A_0 = arith.constant 0 : index
    %get3A_1 = vector.load %arg1[%get3A, %get3A_0] : memref<4096x16xf32, #tpu.memory_space<vmem>>, vector<4096x16xf32>
    %get3A_2 = arith.constant 0 : index
    %get3A_3 = arith.constant 0 : index
    %get3A_4 = vector.load %arg2[%get3A_2, %get3A_3] : memref<16x64xf32, #tpu.memory_space<vmem>>, vector<16x64xf32>
    %dot_general3A = arith.constant dense<0.000000e+00> : vector<4096x64xf32>
    %dot_general3A_5 = tpu.matmul %get3A_1, %get3A_4, %dot_general3A {dimension_numbers = #tpu.dot_dimension_numbers<[1], [0], [0], [1], [0, 0, 1, 1], [], []>, precision = #tpu.contract_precision<fp32>, transpose_lhs_hint = false} : vector<4096x16xf32>, vector<16x64xf32>, vector<4096x64xf32> -> vector<4096x64xf32>
    %swap3A = arith.constant 0 : index
    %swap3A_6 = arith.constant 0 : index
    %swap3A_7 = vector.load %arg3[%swap3A, %swap3A_6] : memref<4096x64xf32, #tpu.memory_space<vmem>>, vector<4096x64xf32>
    tpu.vector_store %arg3[%swap3A, %swap3A_6], %dot_general3A_5 {strides = array<i32>} : memref<4096x64xf32, #tpu.memory_space<vmem>>, vector<4096x64xf32>,
    return
  }
  func.func @transform_0(%arg0: i32) -> (i32, i32) {
    %c0_i32 = arith.constant 0 : i32
    %c0_i32_0 = arith.constant 0 : i32
    return %arg0, %c0_i32 : i32, i32
  }
  func.func @transform_1(%arg0: i32) -> (i32, i32) {
    %c0_i32 = arith.constant 0 : i32
    %c0_i32_0 = arith.constant 0 : i32
    %c0_i32_1 = arith.constant 0 : i32
    return %c0_i32, %c0_i32_0 : i32, i32
  }
  func.func @transform_2(%arg0: i32) -> (i32, i32) {
    %c0_i32 = arith.constant 0 : i32
    %c0_i32_0 = arith.constant 0 : i32
    return %arg0, %c0_i32 : i32, i32
  }
}

module attributes {stable_mosaic.version = 14 : i64} {
  func.func @_stage1_body(%arg0: i32, %arg1: memref<1024x128xf32, #tpu.memory_space<vmem>>, %arg2: memref<1024x1xf32, #tpu.memory_space<vmem>>, %arg3: memref<2x1024x64xf32, #tpu.memory_space<vmem>>, %arg4: memref<2x1024x16xf32, #tpu.memory_space<vmem>>, %arg5: memref<256x8xf32, #tpu.memory_space<vmem>>, %arg6: memref<64x64xf32, #tpu.memory_space<vmem>>, %arg7: memref<1x64xf32, #tpu.memory_space<vmem>>, %arg8: memref<128x64xf32, #tpu.memory_space<vmem>>, %arg9: memref<64x64xf32, #tpu.memory_space<vmem>>, %arg10: memref<8x64xf32, #tpu.memory_space<vmem>>, %arg11: memref<1x64xf32, #tpu.memory_space<vmem>>, %arg12: memref<64x64xf32, #tpu.memory_space<vmem>>, %arg13: memref<1x64xf32, #tpu.memory_space<vmem>>, %arg14: memref<8x64xf32, #tpu.memory_space<vmem>>, %arg15: memref<64x64xf32, #tpu.memory_space<vmem>>, %arg16: memref<64x64xf32, #tpu.memory_space<vmem>>, %arg17: memref<1x64xf32, #tpu.memory_space<vmem>>, %arg18: memref<64x64xf32, #tpu.memory_space<vmem>>, %arg19: memref<1x64xf32, #tpu.memory_space<vmem>>, %arg20: memref<1x64xf32, #tpu.memory_space<vmem>>, %arg21: memref<1x64xf32, #tpu.memory_space<vmem>>, %arg22: memref<64x64xf32, #tpu.memory_space<vmem>>, %arg23: memref<1x64xf32, #tpu.memory_space<vmem>>, %arg24: memref<64x64xf32, #tpu.memory_space<vmem>>, %arg25: memref<1024x64xf32, #tpu.memory_space<vmem>>, %arg26: memref<256x64xf32, #tpu.memory_space<vmem>>, %arg27: memref<256x64xf32, #tpu.memory_space<vmem>>, %arg28: memref<256x64xf32, #tpu.memory_space<vmem>>, %arg29: memref<256x64xf32, #tpu.memory_space<vmem>>, %arg30: memref<256x128xf32, #tpu.memory_space<vmem>>, %arg31: memref<256x64xf32, #tpu.memory_space<vmem>>, %arg32: memref<256x64xf32, #tpu.memory_space<vmem>>, %arg33: memref<256x64xf32, #tpu.memory_space<vmem>>, %arg34: memref<256x128xf32, #tpu.memory_space<vmem>>) attributes {dimension_semantics = [#tpu.dimension_semantics<arbitrary>], iteration_bounds = array<i64: 20>, scalar_prefetch = 0 : i64, scratch_operands = 4 : i64, tpu.core_type = #tpu.core_type<tc>, window_params = [{transform_indices = @transform_0, window_bounds = array<i64: 1024, 128>}, {transform_indices = @transform_1, window_bounds = array<i64: 1024, 1>}, {transform_indices = @transform_2, window_bounds = array<i64: 2, 1024, 64>}, {transform_indices = @transform_3, window_bounds = array<i64: 2, 1024, 16>}, {pipeline_mode = #tpu.pipeline_mode<synchronous>, transform_indices = @transform_4, window_bounds = array<i64: 256, 8>}, {pipeline_mode = #tpu.pipeline_mode<synchronous>, transform_indices = @transform_5, window_bounds = array<i64: 64, 64>}, {pipeline_mode = #tpu.pipeline_mode<synchronous>, transform_indices = @transform_6, window_bounds = array<i64: 1, 64>}, {pipeline_mode = #tpu.pipeline_mode<synchronous>, transform_indices = @transform_7, window_bounds = array<i64: 128, 64>}, {pipeline_mode = #tpu.pipeline_mode<synchronous>, transform_indices = @transform_8, window_bounds = array<i64: 64, 64>}, {pipeline_mode = #tpu.pipeline_mode<synchronous>, transform_indices = @transform_9, window_bounds = array<i64: 8, 64>}, {pipeline_mode = #tpu.pipeline_mode<synchronous>, transform_indices = @transform_10, window_bounds = array<i64: 1, 64>}, {pipeline_mode = #tpu.pipeline_mode<synchronous>, transform_indices = @transform_11, window_bounds = array<i64: 64, 64>}, {pipeline_mode = #tpu.pipeline_mode<synchronous>, transform_indices = @transform_12, window_bounds = array<i64: 1, 64>}, {pipeline_mode = #tpu.pipeline_mode<synchronous>, transform_indices = @transform_13, window_bounds = array<i64: 8, 64>}, {pipeline_mode = #tpu.pipeline_mode<synchronous>, transform_indices = @transform_14, window_bounds = array<i64: 64, 64>}, {pipeline_mode = #tpu.pipeline_mode<synchronous>, transform_indices = @transform_15, window_bounds = array<i64: 64, 64>}, {pipeline_mode = #tpu.pipeline_mode<synchronous>, transform_indices = @transform_16, window_bounds = array<i64: 1, 64>}, {pipeline_mode = #tpu.pipeline_mode<synchronous>, transform_indices = @transform_17, window_bounds = array<i64: 64, 64>}, {pipeline_mode = #tpu.pipeline_mode<synchronous>, transform_indices = @transform_18, window_bounds = array<i64: 1, 64>}, {pipeline_mode = #tpu.pipeline_mode<synchronous>, transform_indices = @transform_19, window_bounds = array<i64: 1, 64>}, {pipeline_mode = #tpu.pipeline_mode<synchronous>, transform_indices = @transform_20, window_bounds = array<i64: 1, 64>}, {pipeline_mode = #tpu.pipeline_mode<synchronous>, transform_indices = @transform_21, window_bounds = array<i64: 64, 64>}, {pipeline_mode = #tpu.pipeline_mode<synchronous>, transform_indices = @transform_22, window_bounds = array<i64: 1, 64>}, {pipeline_mode = #tpu.pipeline_mode<synchronous>, transform_indices = @transform_23, window_bounds = array<i64: 64, 64>}, {transform_indices = @transform_24, window_bounds = array<i64: 1024, 64>}, {pipeline_mode = #tpu.pipeline_mode<synchronous>, transform_indices = @transform_25, window_bounds = array<i64: 256, 64>}, {pipeline_mode = #tpu.pipeline_mode<synchronous>, transform_indices = @transform_26, window_bounds = array<i64: 256, 64>}, {pipeline_mode = #tpu.pipeline_mode<synchronous>, transform_indices = @transform_27, window_bounds = array<i64: 256, 64>}, {pipeline_mode = #tpu.pipeline_mode<synchronous>, transform_indices = @transform_28, window_bounds = array<i64: 256, 64>}, {pipeline_mode = #tpu.pipeline_mode<synchronous>, transform_indices = @transform_29, window_bounds = array<i64: 256, 128>}]} {
    %eq3A = arith.constant 0 : i32
    %eq3A_0 = arith.cmpi eq, %arg0, %eq3A : i32
    %convert_element_type3A = arith.extui %eq3A_0 : i1 to i32
    %cond3A = arith.constant 0 : i32
    %cond3A_1 = arith.cmpi ne, %convert_element_type3A, %cond3A : i32
    scf.if %cond3A_1 {
      %broadcast_in_dim3A_136 = arith.constant 0.000000e+00 : f32
      %broadcast_in_dim3A_137 = vector.broadcast %broadcast_in_dim3A_136 : f32 to vector<256x64xf32>
      %swap3A_138 = arith.constant 0 : index
      %swap3A_139 = arith.constant 0 : index
      %swap3A_140 = vector.load %arg31[%swap3A_138, %swap3A_139] : memref<256x64xf32, #tpu.memory_space<vmem>>, vector<256x64xf32>
      tpu.vector_store %arg31[%swap3A_138, %swap3A_139], %broadcast_in_dim3A_137 {strides = array<i32>} : memref<256x64xf32, #tpu.memory_space<vmem>>, vector<256x64xf32>,
      %broadcast_in_dim3A_141 = arith.constant 0.000000e+00 : f32
      %broadcast_in_dim3A_142 = vector.broadcast %broadcast_in_dim3A_141 : f32 to vector<256x64xf32>
      %swap3A_143 = arith.constant 0 : index
      %swap3A_144 = arith.constant 0 : index
      %swap3A_145 = vector.load %arg32[%swap3A_143, %swap3A_144] : memref<256x64xf32, #tpu.memory_space<vmem>>, vector<256x64xf32>
      tpu.vector_store %arg32[%swap3A_143, %swap3A_144], %broadcast_in_dim3A_142 {strides = array<i32>} : memref<256x64xf32, #tpu.memory_space<vmem>>, vector<256x64xf32>,
      %broadcast_in_dim3A_146 = arith.constant 0.000000e+00 : f32
      %broadcast_in_dim3A_147 = vector.broadcast %broadcast_in_dim3A_146 : f32 to vector<256x64xf32>
      %swap3A_148 = arith.constant 0 : index
      %swap3A_149 = arith.constant 0 : index
      %swap3A_150 = vector.load %arg33[%swap3A_148, %swap3A_149] : memref<256x64xf32, #tpu.memory_space<vmem>>, vector<256x64xf32>
      tpu.vector_store %arg33[%swap3A_148, %swap3A_149], %broadcast_in_dim3A_147 {strides = array<i32>} : memref<256x64xf32, #tpu.memory_space<vmem>>, vector<256x64xf32>,
      %broadcast_in_dim3A_151 = arith.constant 0.000000e+00 : f32
      %broadcast_in_dim3A_152 = vector.broadcast %broadcast_in_dim3A_151 : f32 to vector<256x128xf32>
      %swap3A_153 = arith.constant 0 : index
      %swap3A_154 = arith.constant 0 : index
      %swap3A_155 = vector.load %arg34[%swap3A_153, %swap3A_154] : memref<256x128xf32, #tpu.memory_space<vmem>>, vector<256x128xf32>
      tpu.vector_store %arg34[%swap3A_153, %swap3A_154], %broadcast_in_dim3A_152 {strides = array<i32>} : memref<256x128xf32, #tpu.memory_space<vmem>>, vector<256x128xf32>,
    } else {
    }
    %get3A = arith.constant 0 : index
    %get3A_2 = arith.constant 0 : index
    %get3A_3 = vector.load %arg2[%get3A, %get3A_2] : memref<1024x1xf32, #tpu.memory_space<vmem>>, vector<1024x1xf32>
    %iota3A = tpu.iota {dimensions = array<i32: 1>} : vector<1024x256xi32>
    %convert_element_type3A_4 = arith.sitofp %iota3A : vector<1024x256xi32> to vector<1024x256xf32>
    %eq3A_5 = vector.broadcast %get3A_3 : vector<1024x1xf32> to vector<1024x256xf32>
    %eq3A_6 = arith.cmpf oeq, %eq3A_5, %convert_element_type3A_4 : vector<1024x256xf32>
    %convert_element_type3A_7 = arith.extui %eq3A_6 : vector<1024x256xi1> to vector<1024x256xi32>
    %convert_element_type3A_8 = arith.sitofp %convert_element_type3A_7 : vector<1024x256xi32> to vector<1024x256xf32>
    %get3A_9 = arith.constant 0 : index
    %get3A_10 = arith.constant 0 : index
    %get3A_11 = arith.constant 0 : index
    %get3A_12 = vector.load %arg3[%get3A_9, %get3A_10, %get3A_11] : memref<2x1024x64xf32, #tpu.memory_space<vmem>>, vector<1x1024x64xf32>
    %get3A_13 = vector.shape_cast %get3A_12 : vector<1x1024x64xf32> to vector<1024x64xf32>
    %get3A_14 = arith.constant 1 : index
    %get3A_15 = arith.constant 0 : index
    %get3A_16 = arith.constant 0 : index
    %get3A_17 = vector.load %arg3[%get3A_14, %get3A_15, %get3A_16] : memref<2x1024x64xf32, #tpu.memory_space<vmem>>, vector<1x1024x64xf32>
    %get3A_18 = vector.shape_cast %get3A_17 : vector<1x1024x64xf32> to vector<1024x64xf32>
    %add3A = arith.addf %get3A_13, %get3A_18 : vector<1024x64xf32>
    %get3A_19 = arith.constant 0 : index
    %get3A_20 = arith.constant 0 : index
    %get3A_21 = arith.constant 0 : index
    %get3A_22 = vector.load %arg4[%get3A_19, %get3A_20, %get3A_21] : memref<2x1024x16xf32, #tpu.memory_space<vmem>>, vector<1x1024x1xf32>
    %get3A_23 = vector.shape_cast %get3A_22 : vector<1x1024x1xf32> to vector<1024x1xf32>
    %get3A_24 = arith.constant 1 : index
    %get3A_25 = arith.constant 0 : index
    %get3A_26 = arith.constant 0 : index
    %get3A_27 = vector.load %arg4[%get3A_24, %get3A_25, %get3A_26] : memref<2x1024x16xf32, #tpu.memory_space<vmem>>, vector<1x1024x1xf32>
    %get3A_28 = vector.shape_cast %get3A_27 : vector<1x1024x1xf32> to vector<1024x1xf32>
    %add3A_29 = arith.addf %get3A_23, %get3A_28 : vector<1024x1xf32>
    %get3A_30 = arith.constant 0 : index
    %get3A_31 = arith.constant 0 : index
    %get3A_32 = vector.load %arg6[%get3A_30, %get3A_31] : memref<64x64xf32, #tpu.memory_space<vmem>>, vector<64x64xf32>
    %dot_general3A = arith.constant dense<0.000000e+00> : vector<1024x64xf32>
    %dot_general3A_33 = tpu.matmul %add3A, %get3A_32, %dot_general3A {dimension_numbers = #tpu.dot_dimension_numbers<[1], [0], [0], [1], [0, 0, 1, 1], [], []>, precision = #tpu.contract_precision<fp32>, transpose_lhs_hint = false} : vector<1024x64xf32>, vector<64x64xf32>, vector<1024x64xf32> -> vector<1024x64xf32>
    %get3A_34 = arith.constant 0 : index
    %get3A_35 = arith.constant 0 : index
    %get3A_36 = vector.load %arg7[%get3A_34, %get3A_35] : memref<1x64xf32, #tpu.memory_space<vmem>>, vector<1x64xf32>
    %mul3A = vector.broadcast %add3A_29 : vector<1024x1xf32> to vector<1024x64xf32>
    %mul3A_37 = vector.broadcast %get3A_36 : vector<1x64xf32> to vector<1024x64xf32>
    %mul3A_38 = arith.mulf %mul3A, %mul3A_37 : vector<1024x64xf32>
    %add3A_39 = arith.addf %dot_general3A_33, %mul3A_38 : vector<1024x64xf32>
    %get3A_40 = arith.constant 0 : index
    %get3A_41 = arith.constant 0 : index
    %get3A_42 = vector.load %arg5[%get3A_40, %get3A_41] : memref<256x8xf32, #tpu.memory_space<vmem>>, vector<256x8xf32>
    %get3A_43 = arith.constant 0 : index
    %get3A_44 = arith.constant 0 : index
    %get3A_45 = vector.load %arg10[%get3A_43, %get3A_44] : memref<8x64xf32, #tpu.memory_space<vmem>>, vector<8x64xf32>
    %dot_general3A_46 = arith.constant dense<0.000000e+00> : vector<256x64xf32>
    %dot_general3A_47 = tpu.matmul %get3A_42, %get3A_45, %dot_general3A_46 {dimension_numbers = #tpu.dot_dimension_numbers<[1], [0], [0], [1], [0, 0, 1, 1], [], []>, precision = #tpu.contract_precision<fp32>, transpose_lhs_hint = false} : vector<256x8xf32>, vector<8x64xf32>, vector<256x64xf32> -> vector<256x64xf32>
    %get3A_48 = arith.constant 0 : index
    %get3A_49 = arith.constant 0 : index
    %get3A_50 = vector.load %arg11[%get3A_48, %get3A_49] : memref<1x64xf32, #tpu.memory_space<vmem>>, vector<1x64xf32>
    %add3A_51 = vector.broadcast %get3A_50 : vector<1x64xf32> to vector<256x64xf32>
    %add3A_52 = arith.addf %dot_general3A_47, %add3A_51 : vector<256x64xf32>
    %get3A_53 = arith.constant 0 : index
    %get3A_54 = arith.constant 0 : index
    %get3A_55 = vector.load %arg1[%get3A_53, %get3A_54] : memref<1024x128xf32, #tpu.memory_space<vmem>>, vector<1024x128xf32>
    %get3A_56 = arith.constant 0 : index
    %get3A_57 = arith.constant 0 : index
    %get3A_58 = vector.load %arg8[%get3A_56, %get3A_57] : memref<128x64xf32, #tpu.memory_space<vmem>>, vector<128x64xf32>
    %dot_general3A_59 = arith.constant dense<0.000000e+00> : vector<1024x64xf32>
    %dot_general3A_60 = tpu.matmul %get3A_55, %get3A_58, %dot_general3A_59 {dimension_numbers = #tpu.dot_dimension_numbers<[1], [0], [0], [1], [0, 0, 1, 1], [], []>, precision = #tpu.contract_precision<fp32>, transpose_lhs_hint = false} : vector<1024x128xf32>, vector<128x64xf32>, vector<1024x64xf32> -> vector<1024x64xf32>
    %get3A_61 = arith.constant 0 : index
    %get3A_62 = arith.constant 0 : index
    %get3A_63 = vector.load %arg9[%get3A_61, %get3A_62] : memref<64x64xf32, #tpu.memory_space<vmem>>, vector<64x64xf32>
    %dot_general3A_64 = arith.constant dense<0.000000e+00> : vector<1024x64xf32>
    %dot_general3A_65 = tpu.matmul %add3A_39, %get3A_63, %dot_general3A_64 {dimension_numbers = #tpu.dot_dimension_numbers<[1], [0], [0], [1], [0, 0, 1, 1], [], []>, precision = #tpu.contract_precision<fp32>, transpose_lhs_hint = false} : vector<1024x64xf32>, vector<64x64xf32>, vector<1024x64xf32> -> vector<1024x64xf32>
    %add3A_66 = arith.addf %dot_general3A_60, %dot_general3A_65 : vector<1024x64xf32>
    %dot_general3A_67 = arith.constant dense<0.000000e+00> : vector<1024x64xf32>
    %dot_general3A_68 = tpu.matmul %convert_element_type3A_8, %add3A_52, %dot_general3A_67 {dimension_numbers = #tpu.dot_dimension_numbers<[1], [0], [0], [1], [0, 0, 1, 1], [], []>, precision = #tpu.contract_precision<fp32>, transpose_lhs_hint = false} : vector<1024x256xf32>, vector<256x64xf32>, vector<1024x64xf32> -> vector<1024x64xf32>
    %add3A_69 = arith.addf %add3A_66, %dot_general3A_68 : vector<1024x64xf32>
    %max3A = arith.constant 0.000000e+00 : f32
    %max3A_70 = vector.broadcast %max3A : f32 to vector<1024x64xf32>
    %max3A_71 = arith.maximumf %add3A_69, %max3A_70 : vector<1024x64xf32>
    %get3A_72 = arith.constant 0 : index
    %get3A_73 = arith.constant 0 : index
    %get3A_74 = vector.load %arg12[%get3A_72, %get3A_73] : memref<64x64xf32, #tpu.memory_space<vmem>>, vector<64x64xf32>
    %dot_general3A_75 = arith.constant dense<0.000000e+00> : vector<1024x64xf32>
    %dot_general3A_76 = tpu.matmul %max3A_71, %get3A_74, %dot_general3A_75 {dimension_numbers = #tpu.dot_dimension_numbers<[1], [0], [0], [1], [0, 0, 1, 1], [], []>, precision = #tpu.contract_precision<fp32>, transpose_lhs_hint = false} : vector<1024x64xf32>, vector<64x64xf32>, vector<1024x64xf32> -> vector<1024x64xf32>
    %get3A_77 = arith.constant 0 : index
    %get3A_78 = arith.constant 0 : index
    %get3A_79 = vector.load %arg13[%get3A_77, %get3A_78] : memref<1x64xf32, #tpu.memory_space<vmem>>, vector<1x64xf32>
    %add3A_80 = vector.broadcast %get3A_79 : vector<1x64xf32> to vector<1024x64xf32>
    %add3A_81 = arith.addf %dot_general3A_76, %add3A_80 : vector<1024x64xf32>
    %swap3A = arith.constant 0 : index
    %swap3A_82 = arith.constant 0 : index
    %swap3A_83 = vector.load %arg25[%swap3A, %swap3A_82] : memref<1024x64xf32, #tpu.memory_space<vmem>>, vector<1024x64xf32>
    tpu.vector_store %arg25[%swap3A, %swap3A_82], %add3A_81 {strides = array<i32>} : memref<1024x64xf32, #tpu.memory_space<vmem>>, vector<1024x64xf32>,
    %get3A_84 = arith.constant 0 : index
    %get3A_85 = arith.constant 0 : index
    %get3A_86 = vector.load %arg31[%get3A_84, %get3A_85] : memref<256x64xf32, #tpu.memory_space<vmem>>, vector<256x64xf32>
    %dot_general3A_87 = arith.constant dense<0.000000e+00> : vector<256x64xf32>
    %dot_general3A_88 = tpu.matmul %convert_element_type3A_8, %add3A_81, %dot_general3A_87 {dimension_numbers = #tpu.dot_dimension_numbers<[0], [0], [1], [1], [0, 1, 1, 1], [], []>, precision = #tpu.contract_precision<fp32>, transpose_lhs_hint = false} : vector<1024x256xf32>, vector<1024x64xf32>, vector<256x64xf32> -> vector<256x64xf32>
    %add3A_89 = arith.addf %get3A_86, %dot_general3A_88 : vector<256x64xf32>
    %swap3A_90 = arith.constant 0 : index
    %swap3A_91 = arith.constant 0 : index
    %swap3A_92 = vector.load %arg31[%swap3A_90, %swap3A_91] : memref<256x64xf32, #tpu.memory_space<vmem>>, vector<256x64xf32>
    tpu.vector_store %arg31[%swap3A_90, %swap3A_91], %add3A_89 {strides = array<i32>} : memref<256x64xf32, #tpu.memory_space<vmem>>, vector<256x64xf32>,
    %get3A_93 = arith.constant 0 : index
    %get3A_94 = arith.constant 0 : index
    %get3A_95 = vector.load %arg32[%get3A_93, %get3A_94] : memref<256x64xf32, #tpu.memory_space<vmem>>, vector<256x64xf32>
    %mul3A_96 = arith.mulf %add3A_81, %add3A_81 : vector<1024x64xf32>
    %dot_general3A_97 = arith.constant dense<0.000000e+00> : vector<256x64xf32>
    %dot_general3A_98 = tpu.matmul %convert_element_type3A_8, %mul3A_96, %dot_general3A_97 {dimension_numbers = #tpu.dot_dimension_numbers<[0], [0], [1], [1], [0, 1, 1, 1], [], []>, precision = #tpu.contract_precision<fp32>, transpose_lhs_hint = false} : vector<1024x256xf32>, vector<1024x64xf32>, vector<256x64xf32> -> vector<256x64xf32>
    %add3A_99 = arith.addf %get3A_95, %dot_general3A_98 : vector<256x64xf32>
    %swap3A_100 = arith.constant 0 : index
    %swap3A_101 = arith.constant 0 : index
    %swap3A_102 = vector.load %arg32[%swap3A_100, %swap3A_101] : memref<256x64xf32, #tpu.memory_space<vmem>>, vector<256x64xf32>
    tpu.vector_store %arg32[%swap3A_100, %swap3A_101], %add3A_99 {strides = array<i32>} : memref<256x64xf32, #tpu.memory_space<vmem>>, vector<256x64xf32>,
    %get3A_103 = arith.constant 0 : index
    %get3A_104 = arith.constant 0 : index
    %get3A_105 = vector.load %arg33[%get3A_103, %get3A_104] : memref<256x64xf32, #tpu.memory_space<vmem>>, vector<256x64xf32>
    %dot_general3A_106 = arith.constant dense<0.000000e+00> : vector<256x64xf32>
    %dot_general3A_107 = tpu.matmul %convert_element_type3A_8, %add3A, %dot_general3A_106 {dimension_numbers = #tpu.dot_dimension_numbers<[0], [0], [1], [1], [0, 1, 1, 1], [], []>, precision = #tpu.contract_precision<fp32>, transpose_lhs_hint = false} : vector<1024x256xf32>, vector<1024x64xf32>, vector<256x64xf32> -> vector<256x64xf32>
    %add3A_108 = arith.addf %get3A_105, %dot_general3A_107 : vector<256x64xf32>
    %swap3A_109 = arith.constant 0 : index
    %swap3A_110 = arith.constant 0 : index
    %swap3A_111 = vector.load %arg33[%swap3A_109, %swap3A_110] : memref<256x64xf32, #tpu.memory_space<vmem>>, vector<256x64xf32>
    tpu.vector_store %arg33[%swap3A_109, %swap3A_110], %add3A_108 {strides = array<i32>} : memref<256x64xf32, #tpu.memory_space<vmem>>, vector<256x64xf32>,
    %broadcast_in_dim3A = arith.constant 1.000000e+00 : f32
    %broadcast_in_dim3A_112 = vector.broadcast %broadcast_in_dim3A : f32 to vector<1024x1xf32>
    %get3A_113 = arith.constant 0 : index
    %get3A_114 = arith.constant 0 : index
    %get3A_115 = vector.load %arg34[%get3A_113, %get3A_114] : memref<256x128xf32, #tpu.memory_space<vmem>>, vector<256x1xf32>
    %dot_general3A_116 = arith.constant dense<0.000000e+00> : vector<256x1xf32>
    %dot_general3A_117 = tpu.matmul %convert_element_type3A_8, %add3A_29, %dot_general3A_116 {dimension_numbers = #tpu.dot_dimension_numbers<[0], [0], [1], [1], [0, 1, 1, 1], [], []>, precision = #tpu.contract_precision<fp32>, transpose_lhs_hint = false} : vector<1024x256xf32>, vector<1024x1xf32>, vector<256x1xf32> -> vector<256x1xf32>
    %add3A_118 = arith.addf %get3A_115, %dot_general3A_117 : vector<256x1xf32>
    %swap3A_119 = arith.constant 0 : index
    %swap3A_120 = arith.constant 0 : index
    %swap3A_121 = vector.load %arg34[%swap3A_119, %swap3A_120] : memref<256x128xf32, #tpu.memory_space<vmem>>, vector<256x1xf32>
    tpu.vector_store %arg34[%swap3A_119, %swap3A_120], %add3A_118 {strides = array<i32>} : memref<256x128xf32, #tpu.memory_space<vmem>>, vector<256x1xf32>,
    %get3A_122 = arith.constant 0 : index
    %get3A_123 = arith.constant 1 : index
    %get3A_124 = vector.load %arg34[%get3A_122, %get3A_123] : memref<256x128xf32, #tpu.memory_space<vmem>>, vector<256x1xf32>
    %dot_general3A_125 = arith.constant dense<0.000000e+00> : vector<256x1xf32>
    %dot_general3A_126 = tpu.matmul %convert_element_type3A_8, %broadcast_in_dim3A_112, %dot_general3A_125 {dimension_numbers = #tpu.dot_dimension_numbers<[0], [0], [1], [1], [0, 1, 1, 1], [], []>, precision = #tpu.contract_precision<fp32>, transpose_lhs_hint = false} : vector<1024x256xf32>, vector<1024x1xf32>, vector<256x1xf32> -> vector<256x1xf32>
    %add3A_127 = arith.addf %get3A_124, %dot_general3A_126 : vector<256x1xf32>
    %swap3A_128 = arith.constant 0 : index
    %swap3A_129 = arith.constant 1 : index
    %swap3A_130 = vector.load %arg34[%swap3A_128, %swap3A_129] : memref<256x128xf32, #tpu.memory_space<vmem>>, vector<256x1xf32>
    tpu.vector_store %arg34[%swap3A_128, %swap3A_129], %add3A_127 {strides = array<i32>} : memref<256x128xf32, #tpu.memory_space<vmem>>, vector<256x1xf32>,
    %eq3A_131 = arith.constant 19 : i32
    %eq3A_132 = arith.cmpi eq, %arg0, %eq3A_131 : i32
    %convert_element_type3A_133 = arith.extui %eq3A_132 : i1 to i32
    %cond3A_134 = arith.constant 0 : i32
    %cond3A_135 = arith.cmpi ne, %convert_element_type3A_133, %cond3A_134 : i32
    scf.if %cond3A_135 {
      %get3A_136 = arith.constant 0 : index
      %get3A_137 = arith.constant 0 : index
      %get3A_138 = vector.load %arg34[%get3A_136, %get3A_137] : memref<256x128xf32, #tpu.memory_space<vmem>>, vector<256x1xf32>
      %get3A_139 = arith.constant 0 : index
      %get3A_140 = arith.constant 1 : index
      %get3A_141 = vector.load %arg34[%get3A_139, %get3A_140] : memref<256x128xf32, #tpu.memory_space<vmem>>, vector<256x1xf32>
      %max3A_142 = arith.constant 1.000000e+00 : f32
      %max3A_143 = vector.broadcast %max3A_142 : f32 to vector<256x1xf32>
      %max3A_144 = arith.maximumf %get3A_141, %max3A_143 : vector<256x1xf32>
      %get3A_145 = arith.constant 0 : index
      %get3A_146 = arith.constant 0 : index
      %get3A_147 = vector.load %arg31[%get3A_145, %get3A_146] : memref<256x64xf32, #tpu.memory_space<vmem>>, vector<256x64xf32>
      %div3A = vector.broadcast %max3A_144 : vector<256x1xf32> to vector<256x64xf32>
      %div3A_148 = arith.divf %get3A_147, %div3A : vector<256x64xf32>
      %get3A_149 = arith.constant 0 : index
      %get3A_150 = arith.constant 0 : index
      %get3A_151 = vector.load %arg32[%get3A_149, %get3A_150] : memref<256x64xf32, #tpu.memory_space<vmem>>, vector<256x64xf32>
      %div3A_152 = vector.broadcast %max3A_144 : vector<256x1xf32> to vector<256x64xf32>
      %div3A_153 = arith.divf %get3A_151, %div3A_152 : vector<256x64xf32>
      %get3A_154 = arith.constant 0 : index
      %get3A_155 = arith.constant 0 : index
      %get3A_156 = vector.load %arg20[%get3A_154, %get3A_155] : memref<1x64xf32, #tpu.memory_space<vmem>>, vector<1x64xf32>
      %mul3A_157 = arith.constant 2.000000e+00 : f32
      %mul3A_158 = vector.broadcast %mul3A_157 : f32 to vector<1x64xf32>
      %mul3A_159 = arith.mulf %mul3A_158, %get3A_156 : vector<1x64xf32>
      %mul3A_160 = arith.mulf %get3A_156, %get3A_156 : vector<1x64xf32>
      %sub3A = arith.subf %mul3A_159, %mul3A_160 : vector<1x64xf32>
      %mul3A_161 = vector.broadcast %sub3A : vector<1x64xf32> to vector<256x64xf32>
      %mul3A_162 = arith.mulf %mul3A_161, %div3A_148 : vector<256x64xf32>
      %mul3A_163 = arith.mulf %mul3A_162, %div3A_148 : vector<256x64xf32>
      %sub3A_164 = arith.subf %div3A_153, %mul3A_163 : vector<256x64xf32>
      %add3A_165 = arith.constant 9.99999974E-6 : f32
      %add3A_166 = vector.broadcast %add3A_165 : f32 to vector<256x64xf32>
      %add3A_167 = arith.addf %sub3A_164, %add3A_166 : vector<256x64xf32>
      %rsqrt3A = math.rsqrt %add3A_167 : vector<256x64xf32>
      %get3A_168 = arith.constant 0 : index
      %get3A_169 = arith.constant 0 : index
      %get3A_170 = vector.load %arg33[%get3A_168, %get3A_169] : memref<256x64xf32, #tpu.memory_space<vmem>>, vector<256x64xf32>
      %get3A_171 = arith.constant 0 : index
      %get3A_172 = arith.constant 0 : index
      %get3A_173 = vector.load %arg6[%get3A_171, %get3A_172] : memref<64x64xf32, #tpu.memory_space<vmem>>, vector<64x64xf32>
      %dot_general3A_174 = arith.constant dense<0.000000e+00> : vector<256x64xf32>
      %dot_general3A_175 = tpu.matmul %get3A_170, %get3A_173, %dot_general3A_174 {dimension_numbers = #tpu.dot_dimension_numbers<[1], [0], [0], [1], [0, 0, 1, 1], [], []>, precision = #tpu.contract_precision<fp32>, transpose_lhs_hint = false} : vector<256x64xf32>, vector<64x64xf32>, vector<256x64xf32> -> vector<256x64xf32>
      %get3A_176 = arith.constant 0 : index
      %get3A_177 = arith.constant 0 : index
      %get3A_178 = vector.load %arg7[%get3A_176, %get3A_177] : memref<1x64xf32, #tpu.memory_space<vmem>>, vector<1x64xf32>
      %mul3A_179 = vector.broadcast %get3A_138 : vector<256x1xf32> to vector<256x64xf32>
      %mul3A_180 = vector.broadcast %get3A_178 : vector<1x64xf32> to vector<256x64xf32>
      %mul3A_181 = arith.mulf %mul3A_179, %mul3A_180 : vector<256x64xf32>
      %add3A_182 = arith.addf %dot_general3A_175, %mul3A_181 : vector<256x64xf32>
      %max3A_183 = arith.constant 1.000000e+00 : f32
      %max3A_184 = vector.broadcast %max3A_183 : f32 to vector<256x1xf32>
      %max3A_185 = arith.maximumf %get3A_138, %max3A_184 : vector<256x1xf32>
      %div3A_186 = vector.broadcast %max3A_185 : vector<256x1xf32> to vector<256x64xf32>
      %div3A_187 = arith.divf %add3A_182, %div3A_186 : vector<256x64xf32>
      %get3A_188 = arith.constant 0 : index
      %get3A_189 = arith.constant 0 : index
      %get3A_190 = vector.load %arg5[%get3A_188, %get3A_189] : memref<256x8xf32, #tpu.memory_space<vmem>>, vector<256x8xf32>
      %get3A_191 = arith.constant 0 : index
      %get3A_192 = arith.constant 0 : index
      %get3A_193 = vector.load %arg14[%get3A_191, %get3A_192] : memref<8x64xf32, #tpu.memory_space<vmem>>, vector<8x64xf32>
      %dot_general3A_194 = arith.constant dense<0.000000e+00> : vector<256x64xf32>
      %dot_general3A_195 = tpu.matmul %get3A_190, %get3A_193, %dot_general3A_194 {dimension_numbers = #tpu.dot_dimension_numbers<[1], [0], [0], [1], [0, 0, 1, 1], [], []>, precision = #tpu.contract_precision<fp32>, transpose_lhs_hint = false} : vector<256x8xf32>, vector<8x64xf32>, vector<256x64xf32> -> vector<256x64xf32>
      %get3A_196 = arith.constant 0 : index
      %get3A_197 = arith.constant 0 : index
      %get3A_198 = vector.load %arg15[%get3A_196, %get3A_197] : memref<64x64xf32, #tpu.memory_space<vmem>>, vector<64x64xf32>
      %dot_general3A_199 = arith.constant dense<0.000000e+00> : vector<256x64xf32>
      %dot_general3A_200 = tpu.matmul %div3A_148, %get3A_198, %dot_general3A_199 {dimension_numbers = #tpu.dot_dimension_numbers<[1], [0], [0], [1], [0, 0, 1, 1], [], []>, precision = #tpu.contract_precision<fp32>, transpose_lhs_hint = false} : vector<256x64xf32>, vector<64x64xf32>, vector<256x64xf32> -> vector<256x64xf32>
      %add3A_201 = arith.addf %dot_general3A_195, %dot_general3A_200 : vector<256x64xf32>
      %get3A_202 = arith.constant 0 : index
      %get3A_203 = arith.constant 0 : index
      %get3A_204 = vector.load %arg16[%get3A_202, %get3A_203] : memref<64x64xf32, #tpu.memory_space<vmem>>, vector<64x64xf32>
      %dot_general3A_205 = arith.constant dense<0.000000e+00> : vector<256x64xf32>
      %dot_general3A_206 = tpu.matmul %div3A_187, %get3A_204, %dot_general3A_205 {dimension_numbers = #tpu.dot_dimension_numbers<[1], [0], [0], [1], [0, 0, 1, 1], [], []>, precision = #tpu.contract_precision<fp32>, transpose_lhs_hint = false} : vector<256x64xf32>, vector<64x64xf32>, vector<256x64xf32> -> vector<256x64xf32>
      %add3A_207 = arith.addf %add3A_201, %dot_general3A_206 : vector<256x64xf32>
      %get3A_208 = arith.constant 0 : index
      %get3A_209 = arith.constant 0 : index
      %get3A_210 = vector.load %arg17[%get3A_208, %get3A_209] : memref<1x64xf32, #tpu.memory_space<vmem>>, vector<1x64xf32>
      %add3A_211 = vector.broadcast %get3A_210 : vector<1x64xf32> to vector<256x64xf32>
      %add3A_212 = arith.addf %add3A_207, %add3A_211 : vector<256x64xf32>
      %max3A_213 = arith.constant 0.000000e+00 : f32
      %max3A_214 = vector.broadcast %max3A_213 : f32 to vector<256x64xf32>
      %max3A_215 = arith.maximumf %add3A_212, %max3A_214 : vector<256x64xf32>
      %get3A_216 = arith.constant 0 : index
      %get3A_217 = arith.constant 0 : index
      %get3A_218 = vector.load %arg18[%get3A_216, %get3A_217] : memref<64x64xf32, #tpu.memory_space<vmem>>, vector<64x64xf32>
      %dot_general3A_219 = arith.constant dense<0.000000e+00> : vector<256x64xf32>
      %dot_general3A_220 = tpu.matmul %max3A_215, %get3A_218, %dot_general3A_219 {dimension_numbers = #tpu.dot_dimension_numbers<[1], [0], [0], [1], [0, 0, 1, 1], [], []>, precision = #tpu.contract_precision<fp32>, transpose_lhs_hint = false} : vector<256x64xf32>, vector<64x64xf32>, vector<256x64xf32> -> vector<256x64xf32>
      %get3A_221 = arith.constant 0 : index
      %get3A_222 = arith.constant 0 : index
      %get3A_223 = vector.load %arg19[%get3A_221, %get3A_222] : memref<1x64xf32, #tpu.memory_space<vmem>>, vector<1x64xf32>
      %add3A_224 = vector.broadcast %get3A_223 : vector<1x64xf32> to vector<256x64xf32>
      %add3A_225 = arith.addf %dot_general3A_220, %add3A_224 : vector<256x64xf32>
      %swap3A_226 = arith.constant 0 : index
      %swap3A_227 = arith.constant 0 : index
      %swap3A_228 = vector.load %arg28[%swap3A_226, %swap3A_227] : memref<256x64xf32, #tpu.memory_space<vmem>>, vector<256x64xf32>
      tpu.vector_store %arg28[%swap3A_226, %swap3A_227], %add3A_225 {strides = array<i32>} : memref<256x64xf32, #tpu.memory_space<vmem>>, vector<256x64xf32>,
      %mul3A_229 = vector.broadcast %get3A_156 : vector<1x64xf32> to vector<256x64xf32>
      %mul3A_230 = arith.mulf %div3A_148, %mul3A_229 : vector<256x64xf32>
      %swap3A_231 = arith.constant 0 : index
      %swap3A_232 = arith.constant 0 : index
      %swap3A_233 = vector.load %arg26[%swap3A_231, %swap3A_232] : memref<256x64xf32, #tpu.memory_space<vmem>>, vector<256x64xf32>
      tpu.vector_store %arg26[%swap3A_231, %swap3A_232], %mul3A_230 {strides = array<i32>} : memref<256x64xf32, #tpu.memory_space<vmem>>, vector<256x64xf32>,
      %get3A_234 = arith.constant 0 : index
      %get3A_235 = arith.constant 0 : index
      %get3A_236 = vector.load %arg21[%get3A_234, %get3A_235] : memref<1x64xf32, #tpu.memory_space<vmem>>, vector<1x64xf32>
      %mul3A_237 = vector.broadcast %get3A_236 : vector<1x64xf32> to vector<256x64xf32>
      %mul3A_238 = arith.mulf %rsqrt3A, %mul3A_237 : vector<256x64xf32>
      %swap3A_239 = arith.constant 0 : index
      %swap3A_240 = arith.constant 0 : index
      %swap3A_241 = vector.load %arg27[%swap3A_239, %swap3A_240] : memref<256x64xf32, #tpu.memory_space<vmem>>, vector<256x64xf32>
      tpu.vector_store %arg27[%swap3A_239, %swap3A_240], %mul3A_238 {strides = array<i32>} : memref<256x64xf32, #tpu.memory_space<vmem>>, vector<256x64xf32>,
      %get3A_242 = arith.constant 0 : index
      %get3A_243 = arith.constant 0 : index
      %get3A_244 = vector.load %arg22[%get3A_242, %get3A_243] : memref<64x64xf32, #tpu.memory_space<vmem>>, vector<64x64xf32>
      %dot_general3A_245 = arith.constant dense<0.000000e+00> : vector<256x64xf32>
      %dot_general3A_246 = tpu.matmul %add3A_225, %get3A_244, %dot_general3A_245 {dimension_numbers = #tpu.dot_dimension_numbers<[1], [0], [0], [1], [0, 0, 1, 1], [], []>, precision = #tpu.contract_precision<fp32>, transpose_lhs_hint = false} : vector<256x64xf32>, vector<64x64xf32>, vector<256x64xf32> -> vector<256x64xf32>
      %get3A_247 = arith.constant 0 : index
      %get3A_248 = arith.constant 0 : index
      %get3A_249 = vector.load %arg23[%get3A_247, %get3A_248] : memref<1x64xf32, #tpu.memory_space<vmem>>, vector<1x64xf32>
      %add3A_250 = vector.broadcast %get3A_249 : vector<1x64xf32> to vector<256x64xf32>
      %add3A_251 = arith.addf %dot_general3A_246, %add3A_250 : vector<256x64xf32>
      %get3A_252 = arith.constant 0 : index
      %get3A_253 = arith.constant 0 : index
      %get3A_254 = vector.load %arg7[%get3A_252, %get3A_253] : memref<1x64xf32, #tpu.memory_space<vmem>>, vector<1x64xf32>
      %get3A_255 = arith.constant 0 : index
      %get3A_256 = arith.constant 0 : index
      %get3A_257 = vector.load %arg24[%get3A_255, %get3A_256] : memref<64x64xf32, #tpu.memory_space<vmem>>, vector<64x64xf32>
      %dot_general3A_258 = arith.constant dense<0.000000e+00> : vector<1x64xf32>
      %dot_general3A_259 = tpu.matmul %get3A_254, %get3A_257, %dot_general3A_258 {dimension_numbers = #tpu.dot_dimension_numbers<[1], [0], [0], [1], [0, 0, 1, 1], [], []>, precision = #tpu.contract_precision<fp32>, transpose_lhs_hint = false} : vector<1x64xf32>, vector<64x64xf32>, vector<1x64xf32> -> vector<1x64xf32>
      %add3A_260 = vector.broadcast %dot_general3A_259 : vector<1x64xf32> to vector<256x64xf32>
      %add3A_261 = arith.addf %add3A_251, %add3A_260 : vector<256x64xf32>
      %swap3A_262 = arith.constant 0 : index
      %swap3A_263 = arith.constant 0 : index
      %swap3A_264 = vector.load %arg29[%swap3A_262, %swap3A_263] : memref<256x64xf32, #tpu.memory_space<vmem>>, vector<256x64xf32>
      tpu.vector_store %arg29[%swap3A_262, %swap3A_263], %add3A_261 {strides = array<i32>} : memref<256x64xf32, #tpu.memory_space<vmem>>, vector<256x64xf32>,
      %get3A_265 = arith.constant 0 : index
      %get3A_266 = arith.constant 0 : index
      %get3A_267 = vector.load %arg34[%get3A_265, %get3A_266] : memref<256x128xf32, #tpu.memory_space<vmem>>, vector<256x128xf32>
      %swap3A_268 = arith.constant 0 : index
      %swap3A_269 = arith.constant 0 : index
      %swap3A_270 = vector.load %arg30[%swap3A_268, %swap3A_269] : memref<256x128xf32, #tpu.memory_space<vmem>>, vector<256x128xf32>
      tpu.vector_store %arg30[%swap3A_268, %swap3A_269], %get3A_267 {strides = array<i32>} : memref<256x128xf32, #tpu.memory_space<vmem>>, vector<256x128xf32>,
    } else {
    }
    return
  }
  func.func @transform_0(%arg0: i32) -> (i32, i32) {
    %c0_i32 = arith.constant 0 : i32
    %c0_i32_0 = arith.constant 0 : i32
    return %arg0, %c0_i32 : i32, i32
  }
  func.func @transform_1(%arg0: i32) -> (i32, i32) {
    %c0_i32 = arith.constant 0 : i32
    %c0_i32_0 = arith.constant 0 : i32
    return %arg0, %c0_i32 : i32, i32
  }
  func.func @transform_2(%arg0: i32) -> (i32, i32, i32) {
    %c0_i32 = arith.constant 0 : i32
    %c0_i32_0 = arith.constant 0 : i32
    %c0_i32_1 = arith.constant 0 : i32
    return %c0_i32, %arg0, %c0_i32_0 : i32, i32, i32
  }
  func.func @transform_3(%arg0: i32) -> (i32, i32, i32) {
    %c0_i32 = arith.constant 0 : i32
    %c0_i32_0 = arith.constant 0 : i32
    %c0_i32_1 = arith.constant 0 : i32
    return %c0_i32, %arg0, %c0_i32_0 : i32, i32, i32
  }
  func.func @transform_4(%arg0: i32) -> (i32, i32) {
    %c0_i32 = arith.constant 0 : i32
    %c0_i32_0 = arith.constant 0 : i32
    %c0_i32_1 = arith.constant 0 : i32
    return %c0_i32, %c0_i32_0 : i32, i32
  }
  func.func @transform_5(%arg0: i32) -> (i32, i32) {
    %c0_i32 = arith.constant 0 : i32
    %c0_i32_0 = arith.constant 0 : i32
    %c0_i32_1 = arith.constant 0 : i32
    return %c0_i32, %c0_i32_0 : i32, i32
  }
  func.func @transform_6(%arg0: i32) -> (i32, i32) {
    %c0_i32 = arith.constant 0 : i32
    %c0_i32_0 = arith.constant 0 : i32
    %c0_i32_1 = arith.constant 0 : i32
    return %c0_i32, %c0_i32_0 : i32, i32
  }
  func.func @transform_7(%arg0: i32) -> (i32, i32) {
    %c0_i32 = arith.constant 0 : i32
    %c0_i32_0 = arith.constant 0 : i32
    %c0_i32_1 = arith.constant 0 : i32
    return %c0_i32, %c0_i32_0 : i32, i32
  }
  func.func @transform_8(%arg0: i32) -> (i32, i32) {
    %c0_i32 = arith.constant 0 : i32
    %c0_i32_0 = arith.constant 0 : i32
    %c0_i32_1 = arith.constant 0 : i32
    return %c0_i32, %c0_i32_0 : i32, i32
  }
  func.func @transform_9(%arg0: i32) -> (i32, i32) {
    %c0_i32 = arith.constant 0 : i32
    %c0_i32_0 = arith.constant 0 : i32
    %c0_i32_1 = arith.constant 0 : i32
    return %c0_i32, %c0_i32_0 : i32, i32
  }
  func.func @transform_10(%arg0: i32) -> (i32, i32) {
    %c0_i32 = arith.constant 0 : i32
    %c0_i32_0 = arith.constant 0 : i32
    %c0_i32_1 = arith.constant 0 : i32
    return %c0_i32, %c0_i32_0 : i32, i32
  }
  func.func @transform_11(%arg0: i32) -> (i32, i32) {
    %c0_i32 = arith.constant 0 : i32
    %c0_i32_0 = arith.constant 0 : i32
    %c0_i32_1 = arith.constant 0 : i32
    return %c0_i32, %c0_i32_0 : i32, i32
  }
  func.func @transform_12(%arg0: i32) -> (i32, i32) {
    %c0_i32 = arith.constant 0 : i32
    %c0_i32_0 = arith.constant 0 : i32
    %c0_i32_1 = arith.constant 0 : i32
    return %c0_i32, %c0_i32_0 : i32, i32
  }
  func.func @transform_13(%arg0: i32) -> (i32, i32) {
    %c0_i32 = arith.constant 0 : i32
    %c0_i32_0 = arith.constant 0 : i32
    %c0_i32_1 = arith.constant 0 : i32
    return %c0_i32, %c0_i32_0 : i32, i32
  }
  func.func @transform_14(%arg0: i32) -> (i32, i32) {
    %c0_i32 = arith.constant 0 : i32
    %c0_i32_0 = arith.constant 0 : i32
    %c0_i32_1 = arith.constant 0 : i32
    return %c0_i32, %c0_i32_0 : i32, i32
  }
  func.func @transform_15(%arg0: i32) -> (i32, i32) {
    %c0_i32 = arith.constant 0 : i32
    %c0_i32_0 = arith.constant 0 : i32
    %c0_i32_1 = arith.constant 0 : i32
    return %c0_i32, %c0_i32_0 : i32, i32
  }
  func.func @transform_16(%arg0: i32) -> (i32, i32) {
    %c0_i32 = arith.constant 0 : i32
    %c0_i32_0 = arith.constant 0 : i32
    %c0_i32_1 = arith.constant 0 : i32
    return %c0_i32, %c0_i32_0 : i32, i32
  }
  func.func @transform_17(%arg0: i32) -> (i32, i32) {
    %c0_i32 = arith.constant 0 : i32
    %c0_i32_0 = arith.constant 0 : i32
    %c0_i32_1 = arith.constant 0 : i32
    return %c0_i32, %c0_i32_0 : i32, i32
  }
  func.func @transform_18(%arg0: i32) -> (i32, i32) {
    %c0_i32 = arith.constant 0 : i32
    %c0_i32_0 = arith.constant 0 : i32
    %c0_i32_1 = arith.constant 0 : i32
    return %c0_i32, %c0_i32_0 : i32, i32
  }
  func.func @transform_19(%arg0: i32) -> (i32, i32) {
    %c0_i32 = arith.constant 0 : i32
    %c0_i32_0 = arith.constant 0 : i32
    %c0_i32_1 = arith.constant 0 : i32
    return %c0_i32, %c0_i32_0 : i32, i32
  }
  func.func @transform_20(%arg0: i32) -> (i32, i32) {
    %c0_i32 = arith.constant 0 : i32
    %c0_i32_0 = arith.constant 0 : i32
    %c0_i32_1 = arith.constant 0 : i32
    return %c0_i32, %c0_i32_0 : i32, i32
  }
  func.func @transform_21(%arg0: i32) -> (i32, i32) {
    %c0_i32 = arith.constant 0 : i32
    %c0_i32_0 = arith.constant 0 : i32
    %c0_i32_1 = arith.constant 0 : i32
    return %c0_i32, %c0_i32_0 : i32, i32
  }
  func.func @transform_22(%arg0: i32) -> (i32, i32) {
    %c0_i32 = arith.constant 0 : i32
    %c0_i32_0 = arith.constant 0 : i32
    %c0_i32_1 = arith.constant 0 : i32
    return %c0_i32, %c0_i32_0 : i32, i32
  }
  func.func @transform_23(%arg0: i32) -> (i32, i32) {
    %c0_i32 = arith.constant 0 : i32
    %c0_i32_0 = arith.constant 0 : i32
    %c0_i32_1 = arith.constant 0 : i32
    return %c0_i32, %c0_i32_0 : i32, i32
  }
  func.func @transform_24(%arg0: i32) -> (i32, i32) {
    %c0_i32 = arith.constant 0 : i32
    %c0_i32_0 = arith.constant 0 : i32
    return %arg0, %c0_i32 : i32, i32
  }
  func.func @transform_25(%arg0: i32) -> (i32, i32) {
    %c0_i32 = arith.constant 0 : i32
    %c0_i32_0 = arith.constant 0 : i32
    %c0_i32_1 = arith.constant 0 : i32
    return %c0_i32, %c0_i32_0 : i32, i32
  }
  func.func @transform_26(%arg0: i32) -> (i32, i32) {
    %c0_i32 = arith.constant 0 : i32
    %c0_i32_0 = arith.constant 0 : i32
    %c0_i32_1 = arith.constant 0 : i32
    return %c0_i32, %c0_i32_0 : i32, i32
  }
  func.func @transform_27(%arg0: i32) -> (i32, i32) {
    %c0_i32 = arith.constant 0 : i32
    %c0_i32_0 = arith.constant 0 : i32
    %c0_i32_1 = arith.constant 0 : i32
    return %c0_i32, %c0_i32_0 : i32, i32
  }
  func.func @transform_28(%arg0: i32) -> (i32, i32) {
    %c0_i32 = arith.constant 0 : i32
    %c0_i32_0 = arith.constant 0 : i32
    %c0_i32_1 = arith.constant 0 : i32
    return %c0_i32, %c0_i32_0 : i32, i32
  }
  func.func @transform_29(%arg0: i32) -> (i32, i32) {
    %c0_i32 = arith.constant 0 : i32
    %c0_i32_0 = arith.constant 0 : i32
    %c0_i32_1 = arith.constant 0 : i32
    return %c0_i32, %c0_i32_0 : i32, i32
  }
}

module attributes {stable_mosaic.version = 14 : i64} {
  func.func @_stage1b_body(%arg0: i32, %arg1: memref<1024x64xf32, #tpu.memory_space<vmem>>, %arg2: memref<1024x1xf32, #tpu.memory_space<vmem>>, %arg3: memref<256x64xf32, #tpu.memory_space<vmem>>, %arg4: memref<256x64xf32, #tpu.memory_space<vmem>>, %arg5: memref<1x64xf32, #tpu.memory_space<vmem>>, %arg6: memref<64x64xf32, #tpu.memory_space<vmem>>, %arg7: memref<64x64xf32, #tpu.memory_space<vmem>>, %arg8: memref<256x64xf32, #tpu.memory_space<vmem>>, %arg9: memref<1024x64xf32, #tpu.memory_space<vmem>>, %arg10: memref<1024x64xf32, #tpu.memory_space<vmem>>, %arg11: memref<1024x64xf32, #tpu.memory_space<vmem>>) attributes {dimension_semantics = [#tpu.dimension_semantics<arbitrary>], iteration_bounds = array<i64: 20>, scalar_prefetch = 0 : i64, scratch_operands = 0 : i64, tpu.core_type = #tpu.core_type<tc>, window_params = [{transform_indices = @transform_0, window_bounds = array<i64: 1024, 64>}, {transform_indices = @transform_1, window_bounds = array<i64: 1024, 1>}, {pipeline_mode = #tpu.pipeline_mode<synchronous>, transform_indices = @transform_2, window_bounds = array<i64: 256, 64>}, {pipeline_mode = #tpu.pipeline_mode<synchronous>, transform_indices = @transform_3, window_bounds = array<i64: 256, 64>}, {pipeline_mode = #tpu.pipeline_mode<synchronous>, transform_indices = @transform_4, window_bounds = array<i64: 1, 64>}, {pipeline_mode = #tpu.pipeline_mode<synchronous>, transform_indices = @transform_5, window_bounds = array<i64: 64, 64>}, {pipeline_mode = #tpu.pipeline_mode<synchronous>, transform_indices = @transform_6, window_bounds = array<i64: 64, 64>}, {pipeline_mode = #tpu.pipeline_mode<synchronous>, transform_indices = @transform_7, window_bounds = array<i64: 256, 64>}, {transform_indices = @transform_8, window_bounds = array<i64: 1024, 64>}, {transform_indices = @transform_9, window_bounds = array<i64: 1024, 64>}, {transform_indices = @transform_10, window_bounds = array<i64: 1024, 64>}]} {
    %get3A = arith.constant 0 : index
    %get3A_0 = arith.constant 0 : index
    %get3A_1 = vector.load %arg2[%get3A, %get3A_0] : memref<1024x1xf32, #tpu.memory_space<vmem>>, vector<1024x1xf32>
    %iota3A = tpu.iota {dimensions = array<i32: 1>} : vector<1024x256xi32>
    %convert_element_type3A = arith.sitofp %iota3A : vector<1024x256xi32> to vector<1024x256xf32>
    %eq3A = vector.broadcast %get3A_1 : vector<1024x1xf32> to vector<1024x256xf32>
    %eq3A_2 = arith.cmpf oeq, %eq3A, %convert_element_type3A : vector<1024x256xf32>
    %convert_element_type3A_3 = arith.extui %eq3A_2 : vector<1024x256xi1> to vector<1024x256xi32>
    %convert_element_type3A_4 = arith.sitofp %convert_element_type3A_3 : vector<1024x256xi32> to vector<1024x256xf32>
    %get3A_5 = arith.constant 0 : index
    %get3A_6 = arith.constant 0 : index
    %get3A_7 = vector.load %arg1[%get3A_5, %get3A_6] : memref<1024x64xf32, #tpu.memory_space<vmem>>, vector<1024x64xf32>
    %get3A_8 = arith.constant 0 : index
    %get3A_9 = arith.constant 0 : index
    %get3A_10 = vector.load %arg3[%get3A_8, %get3A_9] : memref<256x64xf32, #tpu.memory_space<vmem>>, vector<256x64xf32>
    %dot_general3A = arith.constant dense<0.000000e+00> : vector<1024x64xf32>
    %dot_general3A_11 = tpu.matmul %convert_element_type3A_4, %get3A_10, %dot_general3A {dimension_numbers = #tpu.dot_dimension_numbers<[1], [0], [0], [1], [0, 0, 1, 1], [], []>, precision = #tpu.contract_precision<fp32>, transpose_lhs_hint = false} : vector<1024x256xf32>, vector<256x64xf32>, vector<1024x64xf32> -> vector<1024x64xf32>
    %sub3A = arith.subf %get3A_7, %dot_general3A_11 : vector<1024x64xf32>
    %get3A_12 = arith.constant 0 : index
    %get3A_13 = arith.constant 0 : index
    %get3A_14 = vector.load %arg4[%get3A_12, %get3A_13] : memref<256x64xf32, #tpu.memory_space<vmem>>, vector<256x64xf32>
    %dot_general3A_15 = arith.constant dense<0.000000e+00> : vector<1024x64xf32>
    %dot_general3A_16 = tpu.matmul %convert_element_type3A_4, %get3A_14, %dot_general3A_15 {dimension_numbers = #tpu.dot_dimension_numbers<[1], [0], [0], [1], [0, 0, 1, 1], [], []>, precision = #tpu.contract_precision<fp32>, transpose_lhs_hint = false} : vector<1024x256xf32>, vector<256x64xf32>, vector<1024x64xf32> -> vector<1024x64xf32>
    %mul3A = arith.mulf %sub3A, %dot_general3A_16 : vector<1024x64xf32>
    %get3A_17 = arith.constant 0 : index
    %get3A_18 = arith.constant 0 : index
    %get3A_19 = vector.load %arg5[%get3A_17, %get3A_18] : memref<1x64xf32, #tpu.memory_space<vmem>>, vector<1x64xf32>
    %add3A = vector.broadcast %get3A_19 : vector<1x64xf32> to vector<1024x64xf32>
    %add3A_20 = arith.addf %mul3A, %add3A : vector<1024x64xf32>
    %swap3A = arith.constant 0 : index
    %swap3A_21 = arith.constant 0 : index
    %swap3A_22 = vector.load %arg9[%swap3A, %swap3A_21] : memref<1024x64xf32, #tpu.memory_space<vmem>>, vector<1024x64xf32>
    tpu.vector_store %arg9[%swap3A, %swap3A_21], %add3A_20 {strides = array<i32>} : memref<1024x64xf32, #tpu.memory_space<vmem>>, vector<1024x64xf32>,
    %get3A_23 = arith.constant 0 : index
    %get3A_24 = arith.constant 0 : index
    %get3A_25 = vector.load %arg6[%get3A_23, %get3A_24] : memref<64x64xf32, #tpu.memory_space<vmem>>, vector<64x64xf32>
    %dot_general3A_26 = arith.constant dense<0.000000e+00> : vector<1024x64xf32>
    %dot_general3A_27 = tpu.matmul %add3A_20, %get3A_25, %dot_general3A_26 {dimension_numbers = #tpu.dot_dimension_numbers<[1], [0], [0], [1], [0, 0, 1, 1], [], []>, precision = #tpu.contract_precision<fp32>, transpose_lhs_hint = false} : vector<1024x64xf32>, vector<64x64xf32>, vector<1024x64xf32> -> vector<1024x64xf32>
    %get3A_28 = arith.constant 0 : index
    %get3A_29 = arith.constant 0 : index
    %get3A_30 = vector.load %arg8[%get3A_28, %get3A_29] : memref<256x64xf32, #tpu.memory_space<vmem>>, vector<256x64xf32>
    %dot_general3A_31 = arith.constant dense<0.000000e+00> : vector<1024x64xf32>
    %dot_general3A_32 = tpu.matmul %convert_element_type3A_4, %get3A_30, %dot_general3A_31 {dimension_numbers = #tpu.dot_dimension_numbers<[1], [0], [0], [1], [0, 0, 1, 1], [], []>, precision = #tpu.contract_precision<fp32>, transpose_lhs_hint = false} : vector<1024x256xf32>, vector<256x64xf32>, vector<1024x64xf32> -> vector<1024x64xf32>
    %add3A_33 = arith.addf %dot_general3A_27, %dot_general3A_32 : vector<1024x64xf32>
    %swap3A_34 = arith.constant 0 : index
    %swap3A_35 = arith.constant 0 : index
    %swap3A_36 = vector.load %arg10[%swap3A_34, %swap3A_35] : memref<1024x64xf32, #tpu.memory_space<vmem>>, vector<1024x64xf32>
    tpu.vector_store %arg10[%swap3A_34, %swap3A_35], %add3A_33 {strides = array<i32>} : memref<1024x64xf32, #tpu.memory_space<vmem>>, vector<1024x64xf32>,
    %get3A_37 = arith.constant 0 : index
    %get3A_38 = arith.constant 0 : index
    %get3A_39 = vector.load %arg7[%get3A_37, %get3A_38] : memref<64x64xf32, #tpu.memory_space<vmem>>, vector<64x64xf32>
    %dot_general3A_40 = arith.constant dense<0.000000e+00> : vector<1024x64xf32>
    %dot_general3A_41 = tpu.matmul %add3A_20, %get3A_39, %dot_general3A_40 {dimension_numbers = #tpu.dot_dimension_numbers<[1], [0], [0], [1], [0, 0, 1, 1], [], []>, precision = #tpu.contract_precision<fp32>, transpose_lhs_hint = false} : vector<1024x64xf32>, vector<64x64xf32>, vector<1024x64xf32> -> vector<1024x64xf32>
    %swap3A_42 = arith.constant 0 : index
    %swap3A_43 = arith.constant 0 : index
    %swap3A_44 = vector.load %arg11[%swap3A_42, %swap3A_43] : memref<1024x64xf32, #tpu.memory_space<vmem>>, vector<1024x64xf32>
    tpu.vector_store %arg11[%swap3A_42, %swap3A_43], %dot_general3A_41 {strides = array<i32>} : memref<1024x64xf32, #tpu.memory_space<vmem>>, vector<1024x64xf32>,
    return
  }
  func.func @transform_0(%arg0: i32) -> (i32, i32) {
    %c0_i32 = arith.constant 0 : i32
    %c0_i32_0 = arith.constant 0 : i32
    return %arg0, %c0_i32 : i32, i32
  }
  func.func @transform_1(%arg0: i32) -> (i32, i32) {
    %c0_i32 = arith.constant 0 : i32
    %c0_i32_0 = arith.constant 0 : i32
    return %arg0, %c0_i32 : i32, i32
  }
  func.func @transform_2(%arg0: i32) -> (i32, i32) {
    %c0_i32 = arith.constant 0 : i32
    %c0_i32_0 = arith.constant 0 : i32
    %c0_i32_1 = arith.constant 0 : i32
    return %c0_i32, %c0_i32_0 : i32, i32
  }
  func.func @transform_3(%arg0: i32) -> (i32, i32) {
    %c0_i32 = arith.constant 0 : i32
    %c0_i32_0 = arith.constant 0 : i32
    %c0_i32_1 = arith.constant 0 : i32
    return %c0_i32, %c0_i32_0 : i32, i32
  }
  func.func @transform_4(%arg0: i32) -> (i32, i32) {
    %c0_i32 = arith.constant 0 : i32
    %c0_i32_0 = arith.constant 0 : i32
    %c0_i32_1 = arith.constant 0 : i32
    return %c0_i32, %c0_i32_0 : i32, i32
  }
  func.func @transform_5(%arg0: i32) -> (i32, i32) {
    %c0_i32 = arith.constant 0 : i32
    %c0_i32_0 = arith.constant 0 : i32
    %c0_i32_1 = arith.constant 0 : i32
    return %c0_i32, %c0_i32_0 : i32, i32
  }
  func.func @transform_6(%arg0: i32) -> (i32, i32) {
    %c0_i32 = arith.constant 0 : i32
    %c0_i32_0 = arith.constant 0 : i32
    %c0_i32_1 = arith.constant 0 : i32
    return %c0_i32, %c0_i32_0 : i32, i32
  }
  func.func @transform_7(%arg0: i32) -> (i32, i32) {
    %c0_i32 = arith.constant 0 : i32
    %c0_i32_0 = arith.constant 0 : i32
    %c0_i32_1 = arith.constant 0 : i32
    return %c0_i32, %c0_i32_0 : i32, i32
  }
  func.func @transform_8(%arg0: i32) -> (i32, i32) {
    %c0_i32 = arith.constant 0 : i32
    %c0_i32_0 = arith.constant 0 : i32
    return %arg0, %c0_i32 : i32, i32
  }
  func.func @transform_9(%arg0: i32) -> (i32, i32) {
    %c0_i32 = arith.constant 0 : i32
    %c0_i32_0 = arith.constant 0 : i32
    return %arg0, %c0_i32 : i32, i32
  }
  func.func @transform_10(%arg0: i32) -> (i32, i32) {
    %c0_i32 = arith.constant 0 : i32
    %c0_i32_0 = arith.constant 0 : i32
    return %arg0, %c0_i32 : i32, i32
  }
}

module attributes {stable_mosaic.version = 14 : i64} {
  func.func @_r1m_body(%arg0: i32, %arg1: memref<4096x64xf32, #tpu.memory_space<vmem>>, %arg2: memref<64x64xf32, #tpu.memory_space<vmem>>, %arg3: memref<64x64xf32, #tpu.memory_space<vmem>>, %arg4: memref<4096x64xf32, #tpu.memory_space<vmem>>) attributes {dimension_semantics = [#tpu.dimension_semantics<arbitrary>], iteration_bounds = array<i64: 157>, scalar_prefetch = 0 : i64, scratch_operands = 0 : i64, tpu.core_type = #tpu.core_type<tc>, window_params = [{transform_indices = @transform_0, window_bounds = array<i64: 4096, 64>}, {pipeline_mode = #tpu.pipeline_mode<synchronous>, transform_indices = @transform_1, window_bounds = array<i64: 64, 64>}, {pipeline_mode = #tpu.pipeline_mode<synchronous>, transform_indices = @transform_2, window_bounds = array<i64: 64, 64>}, {transform_indices = @transform_3, window_bounds = array<i64: 4096, 64>}]} {
    %get3A = arith.constant 0 : index
    %get3A_0 = arith.constant 0 : index
    %get3A_1 = vector.load %arg2[%get3A, %get3A_0] : memref<64x64xf32, #tpu.memory_space<vmem>>, vector<64x64xf32>
    %get3A_2 = arith.constant 0 : index
    %get3A_3 = arith.constant 0 : index
    %get3A_4 = vector.load %arg3[%get3A_2, %get3A_3] : memref<64x64xf32, #tpu.memory_space<vmem>>, vector<64x64xf32>
    %dot_general3A = arith.constant dense<0.000000e+00> : vector<64x64xf32>
    %dot_general3A_5 = tpu.matmul %get3A_1, %get3A_4, %dot_general3A {dimension_numbers = #tpu.dot_dimension_numbers<[1], [0], [0], [1], [0, 0, 1, 1], [], []>, precision = #tpu.contract_precision<fp32>, transpose_lhs_hint = false} : vector<64x64xf32>, vector<64x64xf32>, vector<64x64xf32> -> vector<64x64xf32>
    %get3A_6 = arith.constant 0 : index
    %get3A_7 = arith.constant 0 : index
    %get3A_8 = vector.load %arg1[%get3A_6, %get3A_7] : memref<4096x64xf32, #tpu.memory_space<vmem>>, vector<4096x64xf32>
    %dot_general3A_9 = arith.constant dense<0.000000e+00> : vector<4096x64xf32>
    %dot_general3A_10 = tpu.matmul %get3A_8, %dot_general3A_5, %dot_general3A_9 {dimension_numbers = #tpu.dot_dimension_numbers<[1], [0], [0], [1], [0, 0, 1, 1], [], []>, precision = #tpu.contract_precision<fp32>, transpose_lhs_hint = false} : vector<4096x64xf32>, vector<64x64xf32>, vector<4096x64xf32> -> vector<4096x64xf32>
    %swap3A = arith.constant 0 : index
    %swap3A_11 = arith.constant 0 : index
    %swap3A_12 = vector.load %arg4[%swap3A, %swap3A_11] : memref<4096x64xf32, #tpu.memory_space<vmem>>, vector<4096x64xf32>
    tpu.vector_store %arg4[%swap3A, %swap3A_11], %dot_general3A_10 {strides = array<i32>} : memref<4096x64xf32, #tpu.memory_space<vmem>>, vector<4096x64xf32>,
    return
  }
  func.func @transform_0(%arg0: i32) -> (i32, i32) {
    %c0_i32 = arith.constant 0 : i32
    %c0_i32_0 = arith.constant 0 : i32
    return %arg0, %c0_i32 : i32, i32
  }
  func.func @transform_1(%arg0: i32) -> (i32, i32) {
    %c0_i32 = arith.constant 0 : i32
    %c0_i32_0 = arith.constant 0 : i32
    %c0_i32_1 = arith.constant 0 : i32
    return %c0_i32, %c0_i32_0 : i32, i32
  }
  func.func @transform_2(%arg0: i32) -> (i32, i32) {
    %c0_i32 = arith.constant 0 : i32
    %c0_i32_0 = arith.constant 0 : i32
    %c0_i32_1 = arith.constant 0 : i32
    return %c0_i32, %c0_i32_0 : i32, i32
  }
  func.func @transform_3(%arg0: i32) -> (i32, i32) {
    %c0_i32 = arith.constant 0 : i32
    %c0_i32_0 = arith.constant 0 : i32
    return %arg0, %c0_i32 : i32, i32
  }
}

module attributes {stable_mosaic.version = 14 : i64} {
  func.func @_stage2_body(%arg0: i32, %arg1: memref<1024x64xf32, #tpu.memory_space<vmem>>, %arg2: memref<1024x1xf32, #tpu.memory_space<vmem>>, %arg3: memref<2x1024x64xf32, #tpu.memory_space<vmem>>, %arg4: memref<2x1024x16xf32, #tpu.memory_space<vmem>>, %arg5: memref<256x64xf32, #tpu.memory_space<vmem>>, %arg6: memref<256x128xf32, #tpu.memory_space<vmem>>, %arg7: memref<64x64xf32, #tpu.memory_space<vmem>>, %arg8: memref<1x64xf32, #tpu.memory_space<vmem>>, %arg9: memref<64x64xf32, #tpu.memory_space<vmem>>, %arg10: memref<64x64xf32, #tpu.memory_space<vmem>>, %arg11: memref<64x64xf32, #tpu.memory_space<vmem>>, %arg12: memref<1x64xf32, #tpu.memory_space<vmem>>, %arg13: memref<64x64xf32, #tpu.memory_space<vmem>>, %arg14: memref<1x64xf32, #tpu.memory_space<vmem>>, %arg15: memref<64x64xf32, #tpu.memory_space<vmem>>, %arg16: memref<64x64xf32, #tpu.memory_space<vmem>>, %arg17: memref<64x64xf32, #tpu.memory_space<vmem>>, %arg18: memref<1x64xf32, #tpu.memory_space<vmem>>, %arg19: memref<64x64xf32, #tpu.memory_space<vmem>>, %arg20: memref<1x64xf32, #tpu.memory_space<vmem>>, %arg21: memref<1x64xf32, #tpu.memory_space<vmem>>, %arg22: memref<1x64xf32, #tpu.memory_space<vmem>>, %arg23: memref<1024x64xf32, #tpu.memory_space<vmem>>, %arg24: memref<256x64xf32, #tpu.memory_space<vmem>>, %arg25: memref<256x64xf32, #tpu.memory_space<vmem>>, %arg26: memref<256x64xf32, #tpu.memory_space<vmem>>, %arg27: memref<256x64xf32, #tpu.memory_space<vmem>>, %arg28: memref<256x64xf32, #tpu.memory_space<vmem>>, %arg29: memref<256x64xf32, #tpu.memory_space<vmem>>) attributes {dimension_semantics = [#tpu.dimension_semantics<arbitrary>], iteration_bounds = array<i64: 20>, scalar_prefetch = 0 : i64, scratch_operands = 3 : i64, tpu.core_type = #tpu.core_type<tc>, window_params = [{transform_indices = @transform_0, window_bounds = array<i64: 1024, 64>}, {transform_indices = @transform_1, window_bounds = array<i64: 1024, 1>}, {transform_indices = @transform_2, window_bounds = array<i64: 2, 1024, 64>}, {transform_indices = @transform_3, window_bounds = array<i64: 2, 1024, 16>}, {pipeline_mode = #tpu.pipeline_mode<synchronous>, transform_indices = @transform_4, window_bounds = array<i64: 256, 64>}, {pipeline_mode = #tpu.pipeline_mode<synchronous>, transform_indices = @transform_5, window_bounds = array<i64: 256, 128>}, {pipeline_mode = #tpu.pipeline_mode<synchronous>, transform_indices = @transform_6, window_bounds = array<i64: 64, 64>}, {pipeline_mode = #tpu.pipeline_mode<synchronous>, transform_indices = @transform_7, window_bounds = array<i64: 1, 64>}, {pipeline_mode = #tpu.pipeline_mode<synchronous>, transform_indices = @transform_8, window_bounds = array<i64: 64, 64>}, {pipeline_mode = #tpu.pipeline_mode<synchronous>, transform_indices = @transform_9, window_bounds = array<i64: 64, 64>}, {pipeline_mode = #tpu.pipeline_mode<synchronous>, transform_indices = @transform_10, window_bounds = array<i64: 64, 64>}, {pipeline_mode = #tpu.pipeline_mode<synchronous>, transform_indices = @transform_11, window_bounds = array<i64: 1, 64>}, {pipeline_mode = #tpu.pipeline_mode<synchronous>, transform_indices = @transform_12, window_bounds = array<i64: 64, 64>}, {pipeline_mode = #tpu.pipeline_mode<synchronous>, transform_indices = @transform_13, window_bounds = array<i64: 1, 64>}, {pipeline_mode = #tpu.pipeline_mode<synchronous>, transform_indices = @transform_14, window_bounds = array<i64: 64, 64>}, {pipeline_mode = #tpu.pipeline_mode<synchronous>, transform_indices = @transform_15, window_bounds = array<i64: 64, 64>}, {pipeline_mode = #tpu.pipeline_mode<synchronous>, transform_indices = @transform_16, window_bounds = array<i64: 64, 64>}, {pipeline_mode = #tpu.pipeline_mode<synchronous>, transform_indices = @transform_17, window_bounds = array<i64: 1, 64>}, {pipeline_mode = #tpu.pipeline_mode<synchronous>, transform_indices = @transform_18, window_bounds = array<i64: 64, 64>}, {pipeline_mode = #tpu.pipeline_mode<synchronous>, transform_indices = @transform_19, window_bounds = array<i64: 1, 64>}, {pipeline_mode = #tpu.pipeline_mode<synchronous>, transform_indices = @transform_20, window_bounds = array<i64: 1, 64>}, {pipeline_mode = #tpu.pipeline_mode<synchronous>, transform_indices = @transform_21, window_bounds = array<i64: 1, 64>}, {transform_indices = @transform_22, window_bounds = array<i64: 1024, 64>}, {pipeline_mode = #tpu.pipeline_mode<synchronous>, transform_indices = @transform_23, window_bounds = array<i64: 256, 64>}, {pipeline_mode = #tpu.pipeline_mode<synchronous>, transform_indices = @transform_24, window_bounds = array<i64: 256, 64>}, {pipeline_mode = #tpu.pipeline_mode<synchronous>, transform_indices = @transform_25, window_bounds = array<i64: 256, 64>}]} {
    %eq3A = arith.constant 0 : i32
    %eq3A_0 = arith.cmpi eq, %arg0, %eq3A : i32
    %convert_element_type3A = arith.extui %eq3A_0 : i1 to i32
    %cond3A = arith.constant 0 : i32
    %cond3A_1 = arith.cmpi ne, %convert_element_type3A, %cond3A : i32
    scf.if %cond3A_1 {
      %broadcast_in_dim3A = arith.constant 0.000000e+00 : f32
      %broadcast_in_dim3A_117 = vector.broadcast %broadcast_in_dim3A : f32 to vector<256x64xf32>
      %swap3A_118 = arith.constant 0 : index
      %swap3A_119 = arith.constant 0 : index
      %swap3A_120 = vector.load %arg27[%swap3A_118, %swap3A_119] : memref<256x64xf32, #tpu.memory_space<vmem>>, vector<256x64xf32>
      tpu.vector_store %arg27[%swap3A_118, %swap3A_119], %broadcast_in_dim3A_117 {strides = array<i32>} : memref<256x64xf32, #tpu.memory_space<vmem>>, vector<256x64xf32>,
      %broadcast_in_dim3A_121 = arith.constant 0.000000e+00 : f32
      %broadcast_in_dim3A_122 = vector.broadcast %broadcast_in_dim3A_121 : f32 to vector<256x64xf32>
      %swap3A_123 = arith.constant 0 : index
      %swap3A_124 = arith.constant 0 : index
      %swap3A_125 = vector.load %arg28[%swap3A_123, %swap3A_124] : memref<256x64xf32, #tpu.memory_space<vmem>>, vector<256x64xf32>
      tpu.vector_store %arg28[%swap3A_123, %swap3A_124], %broadcast_in_dim3A_122 {strides = array<i32>} : memref<256x64xf32, #tpu.memory_space<vmem>>, vector<256x64xf32>,
      %broadcast_in_dim3A_126 = arith.constant 0.000000e+00 : f32
      %broadcast_in_dim3A_127 = vector.broadcast %broadcast_in_dim3A_126 : f32 to vector<256x64xf32>
      %swap3A_128 = arith.constant 0 : index
      %swap3A_129 = arith.constant 0 : index
      %swap3A_130 = vector.load %arg29[%swap3A_128, %swap3A_129] : memref<256x64xf32, #tpu.memory_space<vmem>>, vector<256x64xf32>
      tpu.vector_store %arg29[%swap3A_128, %swap3A_129], %broadcast_in_dim3A_127 {strides = array<i32>} : memref<256x64xf32, #tpu.memory_space<vmem>>, vector<256x64xf32>,
    } else {
    }
    %get3A = arith.constant 0 : index
    %get3A_2 = arith.constant 0 : index
    %get3A_3 = vector.load %arg2[%get3A, %get3A_2] : memref<1024x1xf32, #tpu.memory_space<vmem>>, vector<1024x1xf32>
    %iota3A = tpu.iota {dimensions = array<i32: 1>} : vector<1024x256xi32>
    %convert_element_type3A_4 = arith.sitofp %iota3A : vector<1024x256xi32> to vector<1024x256xf32>
    %eq3A_5 = vector.broadcast %get3A_3 : vector<1024x1xf32> to vector<1024x256xf32>
    %eq3A_6 = arith.cmpf oeq, %eq3A_5, %convert_element_type3A_4 : vector<1024x256xf32>
    %convert_element_type3A_7 = arith.extui %eq3A_6 : vector<1024x256xi1> to vector<1024x256xi32>
    %convert_element_type3A_8 = arith.sitofp %convert_element_type3A_7 : vector<1024x256xi32> to vector<1024x256xf32>
    %get3A_9 = arith.constant 0 : index
    %get3A_10 = arith.constant 0 : index
    %get3A_11 = arith.constant 0 : index
    %get3A_12 = vector.load %arg3[%get3A_9, %get3A_10, %get3A_11] : memref<2x1024x64xf32, #tpu.memory_space<vmem>>, vector<1x1024x64xf32>
    %get3A_13 = vector.shape_cast %get3A_12 : vector<1x1024x64xf32> to vector<1024x64xf32>
    %get3A_14 = arith.constant 1 : index
    %get3A_15 = arith.constant 0 : index
    %get3A_16 = arith.constant 0 : index
    %get3A_17 = vector.load %arg3[%get3A_14, %get3A_15, %get3A_16] : memref<2x1024x64xf32, #tpu.memory_space<vmem>>, vector<1x1024x64xf32>
    %get3A_18 = vector.shape_cast %get3A_17 : vector<1x1024x64xf32> to vector<1024x64xf32>
    %add3A = arith.addf %get3A_13, %get3A_18 : vector<1024x64xf32>
    %get3A_19 = arith.constant 0 : index
    %get3A_20 = arith.constant 0 : index
    %get3A_21 = arith.constant 0 : index
    %get3A_22 = vector.load %arg4[%get3A_19, %get3A_20, %get3A_21] : memref<2x1024x16xf32, #tpu.memory_space<vmem>>, vector<1x1024x1xf32>
    %get3A_23 = vector.shape_cast %get3A_22 : vector<1x1024x1xf32> to vector<1024x1xf32>
    %get3A_24 = arith.constant 1 : index
    %get3A_25 = arith.constant 0 : index
    %get3A_26 = arith.constant 0 : index
    %get3A_27 = vector.load %arg4[%get3A_24, %get3A_25, %get3A_26] : memref<2x1024x16xf32, #tpu.memory_space<vmem>>, vector<1x1024x1xf32>
    %get3A_28 = vector.shape_cast %get3A_27 : vector<1x1024x1xf32> to vector<1024x1xf32>
    %add3A_29 = arith.addf %get3A_23, %get3A_28 : vector<1024x1xf32>
    %get3A_30 = arith.constant 0 : index
    %get3A_31 = arith.constant 0 : index
    %get3A_32 = vector.load %arg7[%get3A_30, %get3A_31] : memref<64x64xf32, #tpu.memory_space<vmem>>, vector<64x64xf32>
    %dot_general3A = arith.constant dense<0.000000e+00> : vector<1024x64xf32>
    %dot_general3A_33 = tpu.matmul %add3A, %get3A_32, %dot_general3A {dimension_numbers = #tpu.dot_dimension_numbers<[1], [0], [0], [1], [0, 0, 1, 1], [], []>, precision = #tpu.contract_precision<fp32>, transpose_lhs_hint = false} : vector<1024x64xf32>, vector<64x64xf32>, vector<1024x64xf32> -> vector<1024x64xf32>
    %get3A_34 = arith.constant 0 : index
    %get3A_35 = arith.constant 0 : index
    %get3A_36 = vector.load %arg8[%get3A_34, %get3A_35] : memref<1x64xf32, #tpu.memory_space<vmem>>, vector<1x64xf32>
    %mul3A = vector.broadcast %add3A_29 : vector<1024x1xf32> to vector<1024x64xf32>
    %mul3A_37 = vector.broadcast %get3A_36 : vector<1x64xf32> to vector<1024x64xf32>
    %mul3A_38 = arith.mulf %mul3A, %mul3A_37 : vector<1024x64xf32>
    %add3A_39 = arith.addf %dot_general3A_33, %mul3A_38 : vector<1024x64xf32>
    %get3A_40 = arith.constant 0 : index
    %get3A_41 = arith.constant 0 : index
    %get3A_42 = vector.load %arg5[%get3A_40, %get3A_41] : memref<256x64xf32, #tpu.memory_space<vmem>>, vector<256x64xf32>
    %get3A_43 = arith.constant 0 : index
    %get3A_44 = arith.constant 0 : index
    %get3A_45 = vector.load %arg11[%get3A_43, %get3A_44] : memref<64x64xf32, #tpu.memory_space<vmem>>, vector<64x64xf32>
    %dot_general3A_46 = arith.constant dense<0.000000e+00> : vector<256x64xf32>
    %dot_general3A_47 = tpu.matmul %get3A_42, %get3A_45, %dot_general3A_46 {dimension_numbers = #tpu.dot_dimension_numbers<[1], [0], [0], [1], [0, 0, 1, 1], [], []>, precision = #tpu.contract_precision<fp32>, transpose_lhs_hint = false} : vector<256x64xf32>, vector<64x64xf32>, vector<256x64xf32> -> vector<256x64xf32>
    %get3A_48 = arith.constant 0 : index
    %get3A_49 = arith.constant 0 : index
    %get3A_50 = vector.load %arg12[%get3A_48, %get3A_49] : memref<1x64xf32, #tpu.memory_space<vmem>>, vector<1x64xf32>
    %add3A_51 = vector.broadcast %get3A_50 : vector<1x64xf32> to vector<256x64xf32>
    %add3A_52 = arith.addf %dot_general3A_47, %add3A_51 : vector<256x64xf32>
    %get3A_53 = arith.constant 0 : index
    %get3A_54 = arith.constant 0 : index
    %get3A_55 = vector.load %arg1[%get3A_53, %get3A_54] : memref<1024x64xf32, #tpu.memory_space<vmem>>, vector<1024x64xf32>
    %get3A_56 = arith.constant 0 : index
    %get3A_57 = arith.constant 0 : index
    %get3A_58 = vector.load %arg9[%get3A_56, %get3A_57] : memref<64x64xf32, #tpu.memory_space<vmem>>, vector<64x64xf32>
    %dot_general3A_59 = arith.constant dense<0.000000e+00> : vector<1024x64xf32>
    %dot_general3A_60 = tpu.matmul %get3A_55, %get3A_58, %dot_general3A_59 {dimension_numbers = #tpu.dot_dimension_numbers<[1], [0], [0], [1], [0, 0, 1, 1], [], []>, precision = #tpu.contract_precision<fp32>, transpose_lhs_hint = false} : vector<1024x64xf32>, vector<64x64xf32>, vector<1024x64xf32> -> vector<1024x64xf32>
    %get3A_61 = arith.constant 0 : index
    %get3A_62 = arith.constant 0 : index
    %get3A_63 = vector.load %arg10[%get3A_61, %get3A_62] : memref<64x64xf32, #tpu.memory_space<vmem>>, vector<64x64xf32>
    %dot_general3A_64 = arith.constant dense<0.000000e+00> : vector<1024x64xf32>
    %dot_general3A_65 = tpu.matmul %add3A_39, %get3A_63, %dot_general3A_64 {dimension_numbers = #tpu.dot_dimension_numbers<[1], [0], [0], [1], [0, 0, 1, 1], [], []>, precision = #tpu.contract_precision<fp32>, transpose_lhs_hint = false} : vector<1024x64xf32>, vector<64x64xf32>, vector<1024x64xf32> -> vector<1024x64xf32>
    %add3A_66 = arith.addf %dot_general3A_60, %dot_general3A_65 : vector<1024x64xf32>
    %dot_general3A_67 = arith.constant dense<0.000000e+00> : vector<1024x64xf32>
    %dot_general3A_68 = tpu.matmul %convert_element_type3A_8, %add3A_52, %dot_general3A_67 {dimension_numbers = #tpu.dot_dimension_numbers<[1], [0], [0], [1], [0, 0, 1, 1], [], []>, precision = #tpu.contract_precision<fp32>, transpose_lhs_hint = false} : vector<1024x256xf32>, vector<256x64xf32>, vector<1024x64xf32> -> vector<1024x64xf32>
    %add3A_69 = arith.addf %add3A_66, %dot_general3A_68 : vector<1024x64xf32>
    %max3A = arith.constant 0.000000e+00 : f32
    %max3A_70 = vector.broadcast %max3A : f32 to vector<1024x64xf32>
    %max3A_71 = arith.maximumf %add3A_69, %max3A_70 : vector<1024x64xf32>
    %get3A_72 = arith.constant 0 : index
    %get3A_73 = arith.constant 0 : index
    %get3A_74 = vector.load %arg13[%get3A_72, %get3A_73] : memref<64x64xf32, #tpu.memory_space<vmem>>, vector<64x64xf32>
    %dot_general3A_75 = arith.constant dense<0.000000e+00> : vector<1024x64xf32>
    %dot_general3A_76 = tpu.matmul %max3A_71, %get3A_74, %dot_general3A_75 {dimension_numbers = #tpu.dot_dimension_numbers<[1], [0], [0], [1], [0, 0, 1, 1], [], []>, precision = #tpu.contract_precision<fp32>, transpose_lhs_hint = false} : vector<1024x64xf32>, vector<64x64xf32>, vector<1024x64xf32> -> vector<1024x64xf32>
    %get3A_77 = arith.constant 0 : index
    %get3A_78 = arith.constant 0 : index
    %get3A_79 = vector.load %arg14[%get3A_77, %get3A_78] : memref<1x64xf32, #tpu.memory_space<vmem>>, vector<1x64xf32>
    %add3A_80 = vector.broadcast %get3A_79 : vector<1x64xf32> to vector<1024x64xf32>
    %add3A_81 = arith.addf %dot_general3A_76, %add3A_80 : vector<1024x64xf32>
    %swap3A = arith.constant 0 : index
    %swap3A_82 = arith.constant 0 : index
    %swap3A_83 = vector.load %arg23[%swap3A, %swap3A_82] : memref<1024x64xf32, #tpu.memory_space<vmem>>, vector<1024x64xf32>
    tpu.vector_store %arg23[%swap3A, %swap3A_82], %add3A_81 {strides = array<i32>} : memref<1024x64xf32, #tpu.memory_space<vmem>>, vector<1024x64xf32>,
    %get3A_84 = arith.constant 0 : index
    %get3A_85 = arith.constant 0 : index
    %get3A_86 = vector.load %arg27[%get3A_84, %get3A_85] : memref<256x64xf32, #tpu.memory_space<vmem>>, vector<256x64xf32>
    %dot_general3A_87 = arith.constant dense<0.000000e+00> : vector<256x64xf32>
    %dot_general3A_88 = tpu.matmul %convert_element_type3A_8, %add3A_81, %dot_general3A_87 {dimension_numbers = #tpu.dot_dimension_numbers<[0], [0], [1], [1], [0, 1, 1, 1], [], []>, precision = #tpu.contract_precision<fp32>, transpose_lhs_hint = false} : vector<1024x256xf32>, vector<1024x64xf32>, vector<256x64xf32> -> vector<256x64xf32>
    %add3A_89 = arith.addf %get3A_86, %dot_general3A_88 : vector<256x64xf32>
    %swap3A_90 = arith.constant 0 : index
    %swap3A_91 = arith.constant 0 : index
    %swap3A_92 = vector.load %arg27[%swap3A_90, %swap3A_91] : memref<256x64xf32, #tpu.memory_space<vmem>>, vector<256x64xf32>
    tpu.vector_store %arg27[%swap3A_90, %swap3A_91], %add3A_89 {strides = array<i32>} : memref<256x64xf32, #tpu.memory_space<vmem>>, vector<256x64xf32>,
    %get3A_93 = arith.constant 0 : index
    %get3A_94 = arith.constant 0 : index
    %get3A_95 = vector.load %arg28[%get3A_93, %get3A_94] : memref<256x64xf32, #tpu.memory_space<vmem>>, vector<256x64xf32>
    %mul3A_96 = arith.mulf %add3A_81, %add3A_81 : vector<1024x64xf32>
    %dot_general3A_97 = arith.constant dense<0.000000e+00> : vector<256x64xf32>
    %dot_general3A_98 = tpu.matmul %convert_element_type3A_8, %mul3A_96, %dot_general3A_97 {dimension_numbers = #tpu.dot_dimension_numbers<[0], [0], [1], [1], [0, 1, 1, 1], [], []>, precision = #tpu.contract_precision<fp32>, transpose_lhs_hint = false} : vector<1024x256xf32>, vector<1024x64xf32>, vector<256x64xf32> -> vector<256x64xf32>
    %add3A_99 = arith.addf %get3A_95, %dot_general3A_98 : vector<256x64xf32>
    %swap3A_100 = arith.constant 0 : index
    %swap3A_101 = arith.constant 0 : index
    %swap3A_102 = vector.load %arg28[%swap3A_100, %swap3A_101] : memref<256x64xf32, #tpu.memory_space<vmem>>, vector<256x64xf32>
    tpu.vector_store %arg28[%swap3A_100, %swap3A_101], %add3A_99 {strides = array<i32>} : memref<256x64xf32, #tpu.memory_space<vmem>>, vector<256x64xf32>,
    %get3A_103 = arith.constant 0 : index
    %get3A_104 = arith.constant 0 : index
    %get3A_105 = vector.load %arg29[%get3A_103, %get3A_104] : memref<256x64xf32, #tpu.memory_space<vmem>>, vector<256x64xf32>
    %dot_general3A_106 = arith.constant dense<0.000000e+00> : vector<256x64xf32>
    %dot_general3A_107 = tpu.matmul %convert_element_type3A_8, %add3A, %dot_general3A_106 {dimension_numbers = #tpu.dot_dimension_numbers<[0], [0], [1], [1], [0, 1, 1, 1], [], []>, precision = #tpu.contract_precision<fp32>, transpose_lhs_hint = false} : vector<1024x256xf32>, vector<1024x64xf32>, vector<256x64xf32> -> vector<256x64xf32>
    %add3A_108 = arith.addf %get3A_105, %dot_general3A_107 : vector<256x64xf32>
    %swap3A_109 = arith.constant 0 : index
    %swap3A_110 = arith.constant 0 : index
    %swap3A_111 = vector.load %arg29[%swap3A_109, %swap3A_110] : memref<256x64xf32, #tpu.memory_space<vmem>>, vector<256x64xf32>
    tpu.vector_store %arg29[%swap3A_109, %swap3A_110], %add3A_108 {strides = array<i32>} : memref<256x64xf32, #tpu.memory_space<vmem>>, vector<256x64xf32>,
    %eq3A_112 = arith.constant 19 : i32
    %eq3A_113 = arith.cmpi eq, %arg0, %eq3A_112 : i32
    %convert_element_type3A_114 = arith.extui %eq3A_113 : i1 to i32
    %cond3A_115 = arith.constant 0 : i32
    %cond3A_116 = arith.cmpi ne, %convert_element_type3A_114, %cond3A_115 : i32
    scf.if %cond3A_116 {
      %get3A_117 = arith.constant 0 : index
      %get3A_118 = arith.constant 0 : index
      %get3A_119 = vector.load %arg6[%get3A_117, %get3A_118] : memref<256x128xf32, #tpu.memory_space<vmem>>, vector<256x1xf32>
      %get3A_120 = arith.constant 0 : index
      %get3A_121 = arith.constant 1 : index
      %get3A_122 = vector.load %arg6[%get3A_120, %get3A_121] : memref<256x128xf32, #tpu.memory_space<vmem>>, vector<256x1xf32>
      %max3A_123 = arith.constant 1.000000e+00 : f32
      %max3A_124 = vector.broadcast %max3A_123 : f32 to vector<256x1xf32>
      %max3A_125 = arith.maximumf %get3A_122, %max3A_124 : vector<256x1xf32>
      %get3A_126 = arith.constant 0 : index
      %get3A_127 = arith.constant 0 : index
      %get3A_128 = vector.load %arg27[%get3A_126, %get3A_127] : memref<256x64xf32, #tpu.memory_space<vmem>>, vector<256x64xf32>
      %div3A = vector.broadcast %max3A_125 : vector<256x1xf32> to vector<256x64xf32>
      %div3A_129 = arith.divf %get3A_128, %div3A : vector<256x64xf32>
      %get3A_130 = arith.constant 0 : index
      %get3A_131 = arith.constant 0 : index
      %get3A_132 = vector.load %arg28[%get3A_130, %get3A_131] : memref<256x64xf32, #tpu.memory_space<vmem>>, vector<256x64xf32>
      %div3A_133 = vector.broadcast %max3A_125 : vector<256x1xf32> to vector<256x64xf32>
      %div3A_134 = arith.divf %get3A_132, %div3A_133 : vector<256x64xf32>
      %get3A_135 = arith.constant 0 : index
      %get3A_136 = arith.constant 0 : index
      %get3A_137 = vector.load %arg21[%get3A_135, %get3A_136] : memref<1x64xf32, #tpu.memory_space<vmem>>, vector<1x64xf32>
      %mul3A_138 = arith.constant 2.000000e+00 : f32
      %mul3A_139 = vector.broadcast %mul3A_138 : f32 to vector<1x64xf32>
      %mul3A_140 = arith.mulf %mul3A_139, %get3A_137 : vector<1x64xf32>
      %mul3A_141 = arith.mulf %get3A_137, %get3A_137 : vector<1x64xf32>
      %sub3A = arith.subf %mul3A_140, %mul3A_141 : vector<1x64xf32>
      %mul3A_142 = vector.broadcast %sub3A : vector<1x64xf32> to vector<256x64xf32>
      %mul3A_143 = arith.mulf %mul3A_142, %div3A_129 : vector<256x64xf32>
      %mul3A_144 = arith.mulf %mul3A_143, %div3A_129 : vector<256x64xf32>
      %sub3A_145 = arith.subf %div3A_134, %mul3A_144 : vector<256x64xf32>
      %add3A_146 = arith.constant 9.99999974E-6 : f32
      %add3A_147 = vector.broadcast %add3A_146 : f32 to vector<256x64xf32>
      %add3A_148 = arith.addf %sub3A_145, %add3A_147 : vector<256x64xf32>
      %rsqrt3A = math.rsqrt %add3A_148 : vector<256x64xf32>
      %get3A_149 = arith.constant 0 : index
      %get3A_150 = arith.constant 0 : index
      %get3A_151 = vector.load %arg29[%get3A_149, %get3A_150] : memref<256x64xf32, #tpu.memory_space<vmem>>, vector<256x64xf32>
      %get3A_152 = arith.constant 0 : index
      %get3A_153 = arith.constant 0 : index
      %get3A_154 = vector.load %arg7[%get3A_152, %get3A_153] : memref<64x64xf32, #tpu.memory_space<vmem>>, vector<64x64xf32>
      %dot_general3A_155 = arith.constant dense<0.000000e+00> : vector<256x64xf32>
      %dot_general3A_156 = tpu.matmul %get3A_151, %get3A_154, %dot_general3A_155 {dimension_numbers = #tpu.dot_dimension_numbers<[1], [0], [0], [1], [0, 0, 1, 1], [], []>, precision = #tpu.contract_precision<fp32>, transpose_lhs_hint = false} : vector<256x64xf32>, vector<64x64xf32>, vector<256x64xf32> -> vector<256x64xf32>
      %get3A_157 = arith.constant 0 : index
      %get3A_158 = arith.constant 0 : index
      %get3A_159 = vector.load %arg8[%get3A_157, %get3A_158] : memref<1x64xf32, #tpu.memory_space<vmem>>, vector<1x64xf32>
      %mul3A_160 = vector.broadcast %get3A_119 : vector<256x1xf32> to vector<256x64xf32>
      %mul3A_161 = vector.broadcast %get3A_159 : vector<1x64xf32> to vector<256x64xf32>
      %mul3A_162 = arith.mulf %mul3A_160, %mul3A_161 : vector<256x64xf32>
      %add3A_163 = arith.addf %dot_general3A_156, %mul3A_162 : vector<256x64xf32>
      %max3A_164 = arith.constant 1.000000e+00 : f32
      %max3A_165 = vector.broadcast %max3A_164 : f32 to vector<256x1xf32>
      %max3A_166 = arith.maximumf %get3A_119, %max3A_165 : vector<256x1xf32>
      %div3A_167 = vector.broadcast %max3A_166 : vector<256x1xf32> to vector<256x64xf32>
      %div3A_168 = arith.divf %add3A_163, %div3A_167 : vector<256x64xf32>
      %get3A_169 = arith.constant 0 : index
      %get3A_170 = arith.constant 0 : index
      %get3A_171 = vector.load %arg5[%get3A_169, %get3A_170] : memref<256x64xf32, #tpu.memory_space<vmem>>, vector<256x64xf32>
      %get3A_172 = arith.constant 0 : index
      %get3A_173 = arith.constant 0 : index
      %get3A_174 = vector.load %arg15[%get3A_172, %get3A_173] : memref<64x64xf32, #tpu.memory_space<vmem>>, vector<64x64xf32>
      %dot_general3A_175 = arith.constant dense<0.000000e+00> : vector<256x64xf32>
      %dot_general3A_176 = tpu.matmul %get3A_171, %get3A_174, %dot_general3A_175 {dimension_numbers = #tpu.dot_dimension_numbers<[1], [0], [0], [1], [0, 0, 1, 1], [], []>, precision = #tpu.contract_precision<fp32>, transpose_lhs_hint = false} : vector<256x64xf32>, vector<64x64xf32>, vector<256x64xf32> -> vector<256x64xf32>
      %get3A_177 = arith.constant 0 : index
      %get3A_178 = arith.constant 0 : index
      %get3A_179 = vector.load %arg16[%get3A_177, %get3A_178] : memref<64x64xf32, #tpu.memory_space<vmem>>, vector<64x64xf32>
      %dot_general3A_180 = arith.constant dense<0.000000e+00> : vector<256x64xf32>
      %dot_general3A_181 = tpu.matmul %div3A_129, %get3A_179, %dot_general3A_180 {dimension_numbers = #tpu.dot_dimension_numbers<[1], [0], [0], [1], [0, 0, 1, 1], [], []>, precision = #tpu.contract_precision<fp32>, transpose_lhs_hint = false} : vector<256x64xf32>, vector<64x64xf32>, vector<256x64xf32> -> vector<256x64xf32>
      %add3A_182 = arith.addf %dot_general3A_176, %dot_general3A_181 : vector<256x64xf32>
      %get3A_183 = arith.constant 0 : index
      %get3A_184 = arith.constant 0 : index
      %get3A_185 = vector.load %arg17[%get3A_183, %get3A_184] : memref<64x64xf32, #tpu.memory_space<vmem>>, vector<64x64xf32>
      %dot_general3A_186 = arith.constant dense<0.000000e+00> : vector<256x64xf32>
      %dot_general3A_187 = tpu.matmul %div3A_168, %get3A_185, %dot_general3A_186 {dimension_numbers = #tpu.dot_dimension_numbers<[1], [0], [0], [1], [0, 0, 1, 1], [], []>, precision = #tpu.contract_precision<fp32>, transpose_lhs_hint = false} : vector<256x64xf32>, vector<64x64xf32>, vector<256x64xf32> -> vector<256x64xf32>
      %add3A_188 = arith.addf %add3A_182, %dot_general3A_187 : vector<256x64xf32>
      %get3A_189 = arith.constant 0 : index
      %get3A_190 = arith.constant 0 : index
      %get3A_191 = vector.load %arg18[%get3A_189, %get3A_190] : memref<1x64xf32, #tpu.memory_space<vmem>>, vector<1x64xf32>
      %add3A_192 = vector.broadcast %get3A_191 : vector<1x64xf32> to vector<256x64xf32>
      %add3A_193 = arith.addf %add3A_188, %add3A_192 : vector<256x64xf32>
      %max3A_194 = arith.constant 0.000000e+00 : f32
      %max3A_195 = vector.broadcast %max3A_194 : f32 to vector<256x64xf32>
      %max3A_196 = arith.maximumf %add3A_193, %max3A_195 : vector<256x64xf32>
      %get3A_197 = arith.constant 0 : index
      %get3A_198 = arith.constant 0 : index
      %get3A_199 = vector.load %arg19[%get3A_197, %get3A_198] : memref<64x64xf32, #tpu.memory_space<vmem>>, vector<64x64xf32>
      %dot_general3A_200 = arith.constant dense<0.000000e+00> : vector<256x64xf32>
      %dot_general3A_201 = tpu.matmul %max3A_196, %get3A_199, %dot_general3A_200 {dimension_numbers = #tpu.dot_dimension_numbers<[1], [0], [0], [1], [0, 0, 1, 1], [], []>, precision = #tpu.contract_precision<fp32>, transpose_lhs_hint = false} : vector<256x64xf32>, vector<64x64xf32>, vector<256x64xf32> -> vector<256x64xf32>
      %get3A_202 = arith.constant 0 : index
      %get3A_203 = arith.constant 0 : index
      %get3A_204 = vector.load %arg20[%get3A_202, %get3A_203] : memref<1x64xf32, #tpu.memory_space<vmem>>, vector<1x64xf32>
      %add3A_205 = vector.broadcast %get3A_204 : vector<1x64xf32> to vector<256x64xf32>
      %add3A_206 = arith.addf %dot_general3A_201, %add3A_205 : vector<256x64xf32>
      %swap3A_207 = arith.constant 0 : index
      %swap3A_208 = arith.constant 0 : index
      %swap3A_209 = vector.load %arg26[%swap3A_207, %swap3A_208] : memref<256x64xf32, #tpu.memory_space<vmem>>, vector<256x64xf32>
      tpu.vector_store %arg26[%swap3A_207, %swap3A_208], %add3A_206 {strides = array<i32>} : memref<256x64xf32, #tpu.memory_space<vmem>>, vector<256x64xf32>,
      %mul3A_210 = vector.broadcast %get3A_137 : vector<1x64xf32> to vector<256x64xf32>
      %mul3A_211 = arith.mulf %div3A_129, %mul3A_210 : vector<256x64xf32>
      %swap3A_212 = arith.constant 0 : index
      %swap3A_213 = arith.constant 0 : index
      %swap3A_214 = vector.load %arg24[%swap3A_212, %swap3A_213] : memref<256x64xf32, #tpu.memory_space<vmem>>, vector<256x64xf32>
      tpu.vector_store %arg24[%swap3A_212, %swap3A_213], %mul3A_211 {strides = array<i32>} : memref<256x64xf32, #tpu.memory_space<vmem>>, vector<256x64xf32>,
      %get3A_215 = arith.constant 0 : index
      %get3A_216 = arith.constant 0 : index
      %get3A_217 = vector.load %arg22[%get3A_215, %get3A_216] : memref<1x64xf32, #tpu.memory_space<vmem>>, vector<1x64xf32>
      %mul3A_218 = vector.broadcast %get3A_217 : vector<1x64xf32> to vector<256x64xf32>
      %mul3A_219 = arith.mulf %rsqrt3A, %mul3A_218 : vector<256x64xf32>
      %swap3A_220 = arith.constant 0 : index
      %swap3A_221 = arith.constant 0 : index
      %swap3A_222 = vector.load %arg25[%swap3A_220, %swap3A_221] : memref<256x64xf32, #tpu.memory_space<vmem>>, vector<256x64xf32>
      tpu.vector_store %arg25[%swap3A_220, %swap3A_221], %mul3A_219 {strides = array<i32>} : memref<256x64xf32, #tpu.memory_space<vmem>>, vector<256x64xf32>,
    } else {
    }
    return
  }
  func.func @transform_0(%arg0: i32) -> (i32, i32) {
    %c0_i32 = arith.constant 0 : i32
    %c0_i32_0 = arith.constant 0 : i32
    return %arg0, %c0_i32 : i32, i32
  }
  func.func @transform_1(%arg0: i32) -> (i32, i32) {
    %c0_i32 = arith.constant 0 : i32
    %c0_i32_0 = arith.constant 0 : i32
    return %arg0, %c0_i32 : i32, i32
  }
  func.func @transform_2(%arg0: i32) -> (i32, i32, i32) {
    %c0_i32 = arith.constant 0 : i32
    %c0_i32_0 = arith.constant 0 : i32
    %c0_i32_1 = arith.constant 0 : i32
    return %c0_i32, %arg0, %c0_i32_0 : i32, i32, i32
  }
  func.func @transform_3(%arg0: i32) -> (i32, i32, i32) {
    %c0_i32 = arith.constant 0 : i32
    %c0_i32_0 = arith.constant 0 : i32
    %c0_i32_1 = arith.constant 0 : i32
    return %c0_i32, %arg0, %c0_i32_0 : i32, i32, i32
  }
  func.func @transform_4(%arg0: i32) -> (i32, i32) {
    %c0_i32 = arith.constant 0 : i32
    %c0_i32_0 = arith.constant 0 : i32
    %c0_i32_1 = arith.constant 0 : i32
    return %c0_i32, %c0_i32_0 : i32, i32
  }
  func.func @transform_5(%arg0: i32) -> (i32, i32) {
    %c0_i32 = arith.constant 0 : i32
    %c0_i32_0 = arith.constant 0 : i32
    %c0_i32_1 = arith.constant 0 : i32
    return %c0_i32, %c0_i32_0 : i32, i32
  }
  func.func @transform_6(%arg0: i32) -> (i32, i32) {
    %c0_i32 = arith.constant 0 : i32
    %c0_i32_0 = arith.constant 0 : i32
    %c0_i32_1 = arith.constant 0 : i32
    return %c0_i32, %c0_i32_0 : i32, i32
  }
  func.func @transform_7(%arg0: i32) -> (i32, i32) {
    %c0_i32 = arith.constant 0 : i32
    %c0_i32_0 = arith.constant 0 : i32
    %c0_i32_1 = arith.constant 0 : i32
    return %c0_i32, %c0_i32_0 : i32, i32
  }
  func.func @transform_8(%arg0: i32) -> (i32, i32) {
    %c0_i32 = arith.constant 0 : i32
    %c0_i32_0 = arith.constant 0 : i32
    %c0_i32_1 = arith.constant 0 : i32
    return %c0_i32, %c0_i32_0 : i32, i32
  }
  func.func @transform_9(%arg0: i32) -> (i32, i32) {
    %c0_i32 = arith.constant 0 : i32
    %c0_i32_0 = arith.constant 0 : i32
    %c0_i32_1 = arith.constant 0 : i32
    return %c0_i32, %c0_i32_0 : i32, i32
  }
  func.func @transform_10(%arg0: i32) -> (i32, i32) {
    %c0_i32 = arith.constant 0 : i32
    %c0_i32_0 = arith.constant 0 : i32
    %c0_i32_1 = arith.constant 0 : i32
    return %c0_i32, %c0_i32_0 : i32, i32
  }
  func.func @transform_11(%arg0: i32) -> (i32, i32) {
    %c0_i32 = arith.constant 0 : i32
    %c0_i32_0 = arith.constant 0 : i32
    %c0_i32_1 = arith.constant 0 : i32
    return %c0_i32, %c0_i32_0 : i32, i32
  }
  func.func @transform_12(%arg0: i32) -> (i32, i32) {
    %c0_i32 = arith.constant 0 : i32
    %c0_i32_0 = arith.constant 0 : i32
    %c0_i32_1 = arith.constant 0 : i32
    return %c0_i32, %c0_i32_0 : i32, i32
  }
  func.func @transform_13(%arg0: i32) -> (i32, i32) {
    %c0_i32 = arith.constant 0 : i32
    %c0_i32_0 = arith.constant 0 : i32
    %c0_i32_1 = arith.constant 0 : i32
    return %c0_i32, %c0_i32_0 : i32, i32
  }
  func.func @transform_14(%arg0: i32) -> (i32, i32) {
    %c0_i32 = arith.constant 0 : i32
    %c0_i32_0 = arith.constant 0 : i32
    %c0_i32_1 = arith.constant 0 : i32
    return %c0_i32, %c0_i32_0 : i32, i32
  }
  func.func @transform_15(%arg0: i32) -> (i32, i32) {
    %c0_i32 = arith.constant 0 : i32
    %c0_i32_0 = arith.constant 0 : i32
    %c0_i32_1 = arith.constant 0 : i32
    return %c0_i32, %c0_i32_0 : i32, i32
  }
  func.func @transform_16(%arg0: i32) -> (i32, i32) {
    %c0_i32 = arith.constant 0 : i32
    %c0_i32_0 = arith.constant 0 : i32
    %c0_i32_1 = arith.constant 0 : i32
    return %c0_i32, %c0_i32_0 : i32, i32
  }
  func.func @transform_17(%arg0: i32) -> (i32, i32) {
    %c0_i32 = arith.constant 0 : i32
    %c0_i32_0 = arith.constant 0 : i32
    %c0_i32_1 = arith.constant 0 : i32
    return %c0_i32, %c0_i32_0 : i32, i32
  }
  func.func @transform_18(%arg0: i32) -> (i32, i32) {
    %c0_i32 = arith.constant 0 : i32
    %c0_i32_0 = arith.constant 0 : i32
    %c0_i32_1 = arith.constant 0 : i32
    return %c0_i32, %c0_i32_0 : i32, i32
  }
  func.func @transform_19(%arg0: i32) -> (i32, i32) {
    %c0_i32 = arith.constant 0 : i32
    %c0_i32_0 = arith.constant 0 : i32
    %c0_i32_1 = arith.constant 0 : i32
    return %c0_i32, %c0_i32_0 : i32, i32
  }
  func.func @transform_20(%arg0: i32) -> (i32, i32) {
    %c0_i32 = arith.constant 0 : i32
    %c0_i32_0 = arith.constant 0 : i32
    %c0_i32_1 = arith.constant 0 : i32
    return %c0_i32, %c0_i32_0 : i32, i32
  }
  func.func @transform_21(%arg0: i32) -> (i32, i32) {
    %c0_i32 = arith.constant 0 : i32
    %c0_i32_0 = arith.constant 0 : i32
    %c0_i32_1 = arith.constant 0 : i32
    return %c0_i32, %c0_i32_0 : i32, i32
  }
  func.func @transform_22(%arg0: i32) -> (i32, i32) {
    %c0_i32 = arith.constant 0 : i32
    %c0_i32_0 = arith.constant 0 : i32
    return %arg0, %c0_i32 : i32, i32
  }
  func.func @transform_23(%arg0: i32) -> (i32, i32) {
    %c0_i32 = arith.constant 0 : i32
    %c0_i32_0 = arith.constant 0 : i32
    %c0_i32_1 = arith.constant 0 : i32
    return %c0_i32, %c0_i32_0 : i32, i32
  }
  func.func @transform_24(%arg0: i32) -> (i32, i32) {
    %c0_i32 = arith.constant 0 : i32
    %c0_i32_0 = arith.constant 0 : i32
    %c0_i32_1 = arith.constant 0 : i32
    return %c0_i32, %c0_i32_0 : i32, i32
  }
  func.func @transform_25(%arg0: i32) -> (i32, i32) {
    %c0_i32 = arith.constant 0 : i32
    %c0_i32_0 = arith.constant 0 : i32
    %c0_i32_1 = arith.constant 0 : i32
    return %c0_i32, %c0_i32_0 : i32, i32
  }
}

module attributes {stable_mosaic.version = 14 : i64} {
  func.func @_stage2b_body(%arg0: i32, %arg1: memref<1024x64xf32, #tpu.memory_space<vmem>>, %arg2: memref<1024x1xf32, #tpu.memory_space<vmem>>, %arg3: memref<256x64xf32, #tpu.memory_space<vmem>>, %arg4: memref<256x64xf32, #tpu.memory_space<vmem>>, %arg5: memref<1x64xf32, #tpu.memory_space<vmem>>, %arg6: memref<256x64xf32, #tpu.memory_space<vmem>>, %arg7: memref<256x128xf32, #tpu.memory_space<vmem>>, %arg8: memref<256x128xf32, #tpu.memory_space<vmem>>, %arg9: memref<256x64xf32, #tpu.memory_space<vmem>>) attributes {dimension_semantics = [#tpu.dimension_semantics<arbitrary>], iteration_bounds = array<i64: 20>, scalar_prefetch = 0 : i64, scratch_operands = 1 : i64, tpu.core_type = #tpu.core_type<tc>, window_params = [{transform_indices = @transform_0, window_bounds = array<i64: 1024, 64>}, {transform_indices = @transform_1, window_bounds = array<i64: 1024, 1>}, {pipeline_mode = #tpu.pipeline_mode<synchronous>, transform_indices = @transform_2, window_bounds = array<i64: 256, 64>}, {pipeline_mode = #tpu.pipeline_mode<synchronous>, transform_indices = @transform_3, window_bounds = array<i64: 256, 64>}, {pipeline_mode = #tpu.pipeline_mode<synchronous>, transform_indices = @transform_4, window_bounds = array<i64: 1, 64>}, {pipeline_mode = #tpu.pipeline_mode<synchronous>, transform_indices = @transform_5, window_bounds = array<i64: 256, 64>}, {pipeline_mode = #tpu.pipeline_mode<synchronous>, transform_indices = @transform_6, window_bounds = array<i64: 256, 128>}, {pipeline_mode = #tpu.pipeline_mode<synchronous>, transform_indices = @transform_7, window_bounds = array<i64: 256, 128>}]} {
    %eq3A = arith.constant 0 : i32
    %eq3A_0 = arith.cmpi eq, %arg0, %eq3A : i32
    %convert_element_type3A = arith.extui %eq3A_0 : i1 to i32
    %cond3A = arith.constant 0 : i32
    %cond3A_1 = arith.cmpi ne, %convert_element_type3A, %cond3A : i32
    scf.if %cond3A_1 {
      %broadcast_in_dim3A = arith.constant 0.000000e+00 : f32
      %broadcast_in_dim3A_38 = vector.broadcast %broadcast_in_dim3A : f32 to vector<256x64xf32>
      %swap3A_39 = arith.constant 0 : index
      %swap3A_40 = arith.constant 0 : index
      %swap3A_41 = vector.load %arg9[%swap3A_39, %swap3A_40] : memref<256x64xf32, #tpu.memory_space<vmem>>, vector<256x64xf32>
      tpu.vector_store %arg9[%swap3A_39, %swap3A_40], %broadcast_in_dim3A_38 {strides = array<i32>} : memref<256x64xf32, #tpu.memory_space<vmem>>, vector<256x64xf32>,
    } else {
    }
    %get3A = arith.constant 0 : index
    %get3A_2 = arith.constant 0 : index
    %get3A_3 = vector.load %arg2[%get3A, %get3A_2] : memref<1024x1xf32, #tpu.memory_space<vmem>>, vector<1024x1xf32>
    %iota3A = tpu.iota {dimensions = array<i32: 1>} : vector<1024x256xi32>
    %convert_element_type3A_4 = arith.sitofp %iota3A : vector<1024x256xi32> to vector<1024x256xf32>
    %eq3A_5 = vector.broadcast %get3A_3 : vector<1024x1xf32> to vector<1024x256xf32>
    %eq3A_6 = arith.cmpf oeq, %eq3A_5, %convert_element_type3A_4 : vector<1024x256xf32>
    %convert_element_type3A_7 = arith.extui %eq3A_6 : vector<1024x256xi1> to vector<1024x256xi32>
    %convert_element_type3A_8 = arith.sitofp %convert_element_type3A_7 : vector<1024x256xi32> to vector<1024x256xf32>
    %get3A_9 = arith.constant 0 : index
    %get3A_10 = arith.constant 0 : index
    %get3A_11 = vector.load %arg1[%get3A_9, %get3A_10] : memref<1024x64xf32, #tpu.memory_space<vmem>>, vector<1024x64xf32>
    %get3A_12 = arith.constant 0 : index
    %get3A_13 = arith.constant 0 : index
    %get3A_14 = vector.load %arg3[%get3A_12, %get3A_13] : memref<256x64xf32, #tpu.memory_space<vmem>>, vector<256x64xf32>
    %dot_general3A = arith.constant dense<0.000000e+00> : vector<1024x64xf32>
    %dot_general3A_15 = tpu.matmul %convert_element_type3A_8, %get3A_14, %dot_general3A {dimension_numbers = #tpu.dot_dimension_numbers<[1], [0], [0], [1], [0, 0, 1, 1], [], []>, precision = #tpu.contract_precision<fp32>, transpose_lhs_hint = false} : vector<1024x256xf32>, vector<256x64xf32>, vector<1024x64xf32> -> vector<1024x64xf32>
    %sub3A = arith.subf %get3A_11, %dot_general3A_15 : vector<1024x64xf32>
    %get3A_16 = arith.constant 0 : index
    %get3A_17 = arith.constant 0 : index
    %get3A_18 = vector.load %arg4[%get3A_16, %get3A_17] : memref<256x64xf32, #tpu.memory_space<vmem>>, vector<256x64xf32>
    %dot_general3A_19 = arith.constant dense<0.000000e+00> : vector<1024x64xf32>
    %dot_general3A_20 = tpu.matmul %convert_element_type3A_8, %get3A_18, %dot_general3A_19 {dimension_numbers = #tpu.dot_dimension_numbers<[1], [0], [0], [1], [0, 0, 1, 1], [], []>, precision = #tpu.contract_precision<fp32>, transpose_lhs_hint = false} : vector<1024x256xf32>, vector<256x64xf32>, vector<1024x64xf32> -> vector<1024x64xf32>
    %mul3A = arith.mulf %sub3A, %dot_general3A_20 : vector<1024x64xf32>
    %get3A_21 = arith.constant 0 : index
    %get3A_22 = arith.constant 0 : index
    %get3A_23 = vector.load %arg5[%get3A_21, %get3A_22] : memref<1x64xf32, #tpu.memory_space<vmem>>, vector<1x64xf32>
    %add3A = vector.broadcast %get3A_23 : vector<1x64xf32> to vector<1024x64xf32>
    %add3A_24 = arith.addf %mul3A, %add3A : vector<1024x64xf32>
    %get3A_25 = arith.constant 0 : index
    %get3A_26 = arith.constant 0 : index
    %get3A_27 = vector.load %arg9[%get3A_25, %get3A_26] : memref<256x64xf32, #tpu.memory_space<vmem>>, vector<256x64xf32>
    %dot_general3A_28 = arith.constant dense<0.000000e+00> : vector<256x64xf32>
    %dot_general3A_29 = tpu.matmul %convert_element_type3A_8, %add3A_24, %dot_general3A_28 {dimension_numbers = #tpu.dot_dimension_numbers<[0], [0], [1], [1], [0, 1, 1, 1], [], []>, precision = #tpu.contract_precision<fp32>, transpose_lhs_hint = false} : vector<1024x256xf32>, vector<1024x64xf32>, vector<256x64xf32> -> vector<256x64xf32>
    %add3A_30 = arith.addf %get3A_27, %dot_general3A_29 : vector<256x64xf32>
    %swap3A = arith.constant 0 : index
    %swap3A_31 = arith.constant 0 : index
    %swap3A_32 = vector.load %arg9[%swap3A, %swap3A_31] : memref<256x64xf32, #tpu.memory_space<vmem>>, vector<256x64xf32>
    tpu.vector_store %arg9[%swap3A, %swap3A_31], %add3A_30 {strides = array<i32>} : memref<256x64xf32, #tpu.memory_space<vmem>>, vector<256x64xf32>,
    %eq3A_33 = arith.constant 19 : i32
    %eq3A_34 = arith.cmpi eq, %arg0, %eq3A_33 : i32
    %convert_element_type3A_35 = arith.extui %eq3A_34 : i1 to i32
    %cond3A_36 = arith.constant 0 : i32
    %cond3A_37 = arith.cmpi ne, %convert_element_type3A_35, %cond3A_36 : i32
    scf.if %cond3A_37 {
      %get3A_38 = arith.constant 0 : index
      %get3A_39 = arith.constant 1 : index
      %get3A_40 = vector.load %arg7[%get3A_38, %get3A_39] : memref<256x128xf32, #tpu.memory_space<vmem>>, vector<256x1xf32>
      %max3A = arith.constant 1.000000e+00 : f32
      %max3A_41 = vector.broadcast %max3A : f32 to vector<256x1xf32>
      %max3A_42 = arith.maximumf %get3A_40, %max3A_41 : vector<256x1xf32>
      %get3A_43 = arith.constant 0 : index
      %get3A_44 = arith.constant 0 : index
      %get3A_45 = vector.load %arg9[%get3A_43, %get3A_44] : memref<256x64xf32, #tpu.memory_space<vmem>>, vector<256x64xf32>
      %div3A = vector.broadcast %max3A_42 : vector<256x1xf32> to vector<256x64xf32>
      %div3A_46 = arith.divf %get3A_45, %div3A : vector<256x64xf32>
      %swap3A_47 = arith.constant 0 : index
      %swap3A_48 = arith.constant 0 : index
      %swap3A_49 = vector.load %arg8[%swap3A_47, %swap3A_48] : memref<256x128xf32, #tpu.memory_space<vmem>>, vector<256x64xf32>
      tpu.vector_store %arg8[%swap3A_47, %swap3A_48], %div3A_46 {strides = array<i32>} : memref<256x128xf32, #tpu.memory_space<vmem>>, vector<256x64xf32>,
      %get3A_50 = arith.constant 0 : index
      %get3A_51 = arith.constant 0 : index
      %get3A_52 = vector.load %arg6[%get3A_50, %get3A_51] : memref<256x64xf32, #tpu.memory_space<vmem>>, vector<256x64xf32>
      %swap3A_53 = arith.constant 0 : index
      %swap3A_54 = arith.constant 64 : index
      %swap3A_55 = vector.load %arg8[%swap3A_53, %swap3A_54] : memref<256x128xf32, #tpu.memory_space<vmem>>, vector<256x64xf32>
      tpu.vector_store %arg8[%swap3A_53, %swap3A_54], %get3A_52 {strides = array<i32>} : memref<256x128xf32, #tpu.memory_space<vmem>>, vector<256x64xf32>,
    } else {
    }
    return
  }
  func.func @transform_0(%arg0: i32) -> (i32, i32) {
    %c0_i32 = arith.constant 0 : i32
    %c0_i32_0 = arith.constant 0 : i32
    return %arg0, %c0_i32 : i32, i32
  }
  func.func @transform_1(%arg0: i32) -> (i32, i32) {
    %c0_i32 = arith.constant 0 : i32
    %c0_i32_0 = arith.constant 0 : i32
    return %arg0, %c0_i32 : i32, i32
  }
  func.func @transform_2(%arg0: i32) -> (i32, i32) {
    %c0_i32 = arith.constant 0 : i32
    %c0_i32_0 = arith.constant 0 : i32
    %c0_i32_1 = arith.constant 0 : i32
    return %c0_i32, %c0_i32_0 : i32, i32
  }
  func.func @transform_3(%arg0: i32) -> (i32, i32) {
    %c0_i32 = arith.constant 0 : i32
    %c0_i32_0 = arith.constant 0 : i32
    %c0_i32_1 = arith.constant 0 : i32
    return %c0_i32, %c0_i32_0 : i32, i32
  }
  func.func @transform_4(%arg0: i32) -> (i32, i32) {
    %c0_i32 = arith.constant 0 : i32
    %c0_i32_0 = arith.constant 0 : i32
    %c0_i32_1 = arith.constant 0 : i32
    return %c0_i32, %c0_i32_0 : i32, i32
  }
  func.func @transform_5(%arg0: i32) -> (i32, i32) {
    %c0_i32 = arith.constant 0 : i32
    %c0_i32_0 = arith.constant 0 : i32
    %c0_i32_1 = arith.constant 0 : i32
    return %c0_i32, %c0_i32_0 : i32, i32
  }
  func.func @transform_6(%arg0: i32) -> (i32, i32) {
    %c0_i32 = arith.constant 0 : i32
    %c0_i32_0 = arith.constant 0 : i32
    %c0_i32_1 = arith.constant 0 : i32
    return %c0_i32, %c0_i32_0 : i32, i32
  }
  func.func @transform_7(%arg0: i32) -> (i32, i32) {
    %c0_i32 = arith.constant 0 : i32
    %c0_i32_0 = arith.constant 0 : i32
    %c0_i32_1 = arith.constant 0 : i32
    return %c0_i32, %c0_i32_0 : i32, i32
  }
}

module attributes {stable_mosaic.version = 14 : i64} {
  func.func @_system_body(%arg0: i32, %arg1: memref<256x128xf32, #tpu.memory_space<vmem>>, %arg2: memref<128x1xf32, #tpu.memory_space<vmem>>, %arg3: memref<128x1xf32, #tpu.memory_space<vmem>>, %arg4: memref<128x128xf32, #tpu.memory_space<vmem>>, %arg5: memref<1x128xf32, #tpu.memory_space<vmem>>, %arg6: memref<1x32xf32, #tpu.memory_space<vmem>>, %arg7: memref<1x32xf32, #tpu.memory_space<vmem>>, %arg8: memref<4096x128xf32, #tpu.memory_space<vmem>>, %arg9: memref<128x128xf32, #tpu.memory_space<vmem>>, %arg10: memref<128x128xf32, #tpu.memory_space<vmem>>, %arg11: memref<1x128xf32, #tpu.memory_space<vmem>>, %arg12: memref<384x128xf32, #tpu.memory_space<vmem>>, %arg13: memref<384x128xf32, #tpu.memory_space<vmem>>, %arg14: memref<1x384xf32, #tpu.memory_space<vmem>>, %arg15: memref<1x384xf32, #tpu.memory_space<vmem>>, %arg16: memref<256x128xf32, #tpu.memory_space<vmem>>) attributes {dimension_semantics = [#tpu.dimension_semantics<arbitrary>], iteration_bounds = array<i64: 1>, scalar_prefetch = 0 : i64, scratch_operands = 0 : i64, tpu.core_type = #tpu.core_type<tc>, window_params = [{pipeline_mode = #tpu.pipeline_mode<synchronous>, transform_indices = @transform_0, window_bounds = array<i64: 256, 128>}, {pipeline_mode = #tpu.pipeline_mode<synchronous>, transform_indices = @transform_1, window_bounds = array<i64: 128, 1>}, {pipeline_mode = #tpu.pipeline_mode<synchronous>, transform_indices = @transform_2, window_bounds = array<i64: 128, 1>}, {pipeline_mode = #tpu.pipeline_mode<synchronous>, transform_indices = @transform_3, window_bounds = array<i64: 128, 128>}, {pipeline_mode = #tpu.pipeline_mode<synchronous>, transform_indices = @transform_4, window_bounds = array<i64: 1, 128>}, {pipeline_mode = #tpu.pipeline_mode<synchronous>, transform_indices = @transform_5, window_bounds = array<i64: 1, 32>}, {pipeline_mode = #tpu.pipeline_mode<synchronous>, transform_indices = @transform_6, window_bounds = array<i64: 1, 32>}, {pipeline_mode = #tpu.pipeline_mode<synchronous>, transform_indices = @transform_7, window_bounds = array<i64: 4096, 128>}, {pipeline_mode = #tpu.pipeline_mode<synchronous>, transform_indices = @transform_8, window_bounds = array<i64: 128, 128>}, {pipeline_mode = #tpu.pipeline_mode<synchronous>, transform_indices = @transform_9, window_bounds = array<i64: 128, 128>}, {pipeline_mode = #tpu.pipeline_mode<synchronous>, transform_indices = @transform_10, window_bounds = array<i64: 1, 128>}, {pipeline_mode = #tpu.pipeline_mode<synchronous>, transform_indices = @transform_11, window_bounds = array<i64: 384, 128>}, {pipeline_mode = #tpu.pipeline_mode<synchronous>, transform_indices = @transform_12, window_bounds = array<i64: 384, 128>}, {pipeline_mode = #tpu.pipeline_mode<synchronous>, transform_indices = @transform_13, window_bounds = array<i64: 1, 384>}, {pipeline_mode = #tpu.pipeline_mode<synchronous>, transform_indices = @transform_14, window_bounds = array<i64: 1, 384>}, {pipeline_mode = #tpu.pipeline_mode<synchronous>, transform_indices = @transform_15, window_bounds = array<i64: 256, 128>}]} {
    %get3A = arith.constant 0 : index
    %get3A_0 = arith.constant 0 : index
    %get3A_1 = vector.load %arg1[%get3A, %get3A_0] : memref<256x128xf32, #tpu.memory_space<vmem>>, vector<256x128xf32>
    %get3A_2 = arith.constant 0 : index
    %get3A_3 = arith.constant 0 : index
    %get3A_4 = vector.load %arg4[%get3A_2, %get3A_3] : memref<128x128xf32, #tpu.memory_space<vmem>>, vector<128x128xf32>
    %dot_general3A = arith.constant dense<0.000000e+00> : vector<256x128xf32>
    %dot_general3A_5 = tpu.matmul %get3A_1, %get3A_4, %dot_general3A {dimension_numbers = #tpu.dot_dimension_numbers<[1], [0], [0], [1], [0, 0, 1, 1], [], []>, precision = #tpu.contract_precision<fp32>, transpose_lhs_hint = false} : vector<256x128xf32>, vector<128x128xf32>, vector<256x128xf32> -> vector<256x128xf32>
    %get3A_6 = arith.constant 0 : index
    %get3A_7 = arith.constant 0 : index
    %get3A_8 = vector.load %arg5[%get3A_6, %get3A_7] : memref<1x128xf32, #tpu.memory_space<vmem>>, vector<1x128xf32>
    %add3A = vector.broadcast %get3A_8 : vector<1x128xf32> to vector<256x128xf32>
    %add3A_9 = arith.addf %dot_general3A_5, %add3A : vector<256x128xf32>
    %max3A = arith.constant 0.000000e+00 : f32
    %max3A_10 = vector.broadcast %max3A : f32 to vector<256x128xf32>
    %max3A_11 = arith.maximumf %add3A_9, %max3A_10 : vector<256x128xf32>
    %get3A_12 = arith.constant 0 : index
    %get3A_13 = arith.constant 0 : index
    %get3A_14 = vector.load %arg2[%get3A_12, %get3A_13] : memref<128x1xf32, #tpu.memory_space<vmem>>, vector<128x1xf32>
    %get3A_15 = arith.constant 0 : index
    %get3A_16 = arith.constant 0 : index
    %get3A_17 = vector.load %arg2[%get3A_15, %get3A_16] : memref<128x1xf32, #tpu.memory_space<vmem>>, vector<128x1xf32>
    %concatenate3A = tpu.concatenate %get3A_14, %get3A_17 in 0 : vector<128x1xf32>, vector<128x1xf32> -> vector<256x1xf32>
    %get3A_18 = arith.constant 0 : index
    %get3A_19 = arith.constant 0 : index
    %get3A_20 = vector.load %arg2[%get3A_18, %get3A_19] : memref<128x1xf32, #tpu.memory_space<vmem>>, vector<128x1xf32>
    %get3A_21 = arith.constant 0 : index
    %get3A_22 = arith.constant 0 : index
    %get3A_23 = vector.load %arg3[%get3A_21, %get3A_22] : memref<128x1xf32, #tpu.memory_space<vmem>>, vector<128x1xf32>
    %concatenate3A_24 = tpu.concatenate %get3A_20, %get3A_23 in 0 : vector<128x1xf32>, vector<128x1xf32> -> vector<256x1xf32>
    %get3A_25 = arith.constant 0 : index
    %get3A_26 = arith.constant 0 : index
    %get3A_27 = vector.load %arg6[%get3A_25, %get3A_26] : memref<1x32xf32, #tpu.memory_space<vmem>>, vector<1x32xf32>
    %mul3A = vector.broadcast %concatenate3A : vector<256x1xf32> to vector<256x32xf32>
    %mul3A_28 = vector.broadcast %get3A_27 : vector<1x32xf32> to vector<256x32xf32>
    %mul3A_29 = arith.mulf %mul3A, %mul3A_28 : vector<256x32xf32>
    %get3A_30 = arith.constant 0 : index
    %get3A_31 = arith.constant 0 : index
    %get3A_32 = vector.load %arg7[%get3A_30, %get3A_31] : memref<1x32xf32, #tpu.memory_space<vmem>>, vector<1x32xf32>
    %add3A_33 = vector.broadcast %get3A_32 : vector<1x32xf32> to vector<256x32xf32>
    %add3A_34 = arith.addf %mul3A_29, %add3A_33 : vector<256x32xf32>
    %max3A_35 = arith.constant 0.000000e+00 : f32
    %max3A_36 = vector.broadcast %max3A_35 : f32 to vector<256x32xf32>
    %max3A_37 = arith.maximumf %add3A_34, %max3A_36 : vector<256x32xf32>
    %get3A_38 = arith.constant 0 : index
    %get3A_39 = arith.constant 0 : index
    %get3A_40 = vector.load %arg6[%get3A_38, %get3A_39] : memref<1x32xf32, #tpu.memory_space<vmem>>, vector<1x32xf32>
    %mul3A_41 = vector.broadcast %concatenate3A_24 : vector<256x1xf32> to vector<256x32xf32>
    %mul3A_42 = vector.broadcast %get3A_40 : vector<1x32xf32> to vector<256x32xf32>
    %mul3A_43 = arith.mulf %mul3A_41, %mul3A_42 : vector<256x32xf32>
    %get3A_44 = arith.constant 0 : index
    %get3A_45 = arith.constant 0 : index
    %get3A_46 = vector.load %arg7[%get3A_44, %get3A_45] : memref<1x32xf32, #tpu.memory_space<vmem>>, vector<1x32xf32>
    %add3A_47 = vector.broadcast %get3A_46 : vector<1x32xf32> to vector<256x32xf32>
    %add3A_48 = arith.addf %mul3A_43, %add3A_47 : vector<256x32xf32>
    %max3A_49 = arith.constant 0.000000e+00 : f32
    %max3A_50 = vector.broadcast %max3A_49 : f32 to vector<256x32xf32>
    %max3A_51 = arith.maximumf %add3A_48, %max3A_50 : vector<256x32xf32>
    %get3A_52 = arith.constant 0 : index
    %get3A_53 = arith.constant 0 : index
    %get3A_54 = vector.load %arg9[%get3A_52, %get3A_53] : memref<128x128xf32, #tpu.memory_space<vmem>>, vector<128x128xf32>
    %dot_general3A_55 = arith.constant dense<0.000000e+00> : vector<256x128xf32>
    %dot_general3A_56 = tpu.matmul %max3A_11, %get3A_54, %dot_general3A_55 {dimension_numbers = #tpu.dot_dimension_numbers<[1], [0], [0], [1], [0, 0, 1, 1], [], []>, precision = #tpu.contract_precision<fp32>, transpose_lhs_hint = false} : vector<256x128xf32>, vector<128x128xf32>, vector<256x128xf32> -> vector<256x128xf32>
    %get3A_57 = arith.constant 0 : index
    %get3A_58 = arith.constant 0 : index
    %get3A_59 = vector.load %arg8[%get3A_57, %get3A_58] : memref<4096x128xf32, #tpu.memory_space<vmem>>, vector<128x128xf32>
    %dot_general3A_60 = arith.constant dense<0.000000e+00> : vector<256x128xf32>
    %dot_general3A_61 = tpu.matmul %max3A_11, %get3A_59, %dot_general3A_60 {dimension_numbers = #tpu.dot_dimension_numbers<[1], [0], [0], [1], [0, 0, 1, 1], [], []>, precision = #tpu.contract_precision<fp32>, transpose_lhs_hint = false} : vector<256x128xf32>, vector<128x128xf32>, vector<256x128xf32> -> vector<256x128xf32>
    %slice3A = vector.extract_strided_slice %max3A_37 {offsets = [0, 0], sizes = [256, 1], strides = [1, 1]} : vector<256x32xf32> to vector<256x1xf32>
    %mul3A_62 = vector.broadcast %slice3A : vector<256x1xf32> to vector<256x128xf32>
    %mul3A_63 = arith.mulf %mul3A_62, %dot_general3A_61 : vector<256x128xf32>
    %add3A_64 = arith.addf %dot_general3A_56, %mul3A_63 : vector<256x128xf32>
    %slice3A_65 = vector.extract_strided_slice %max3A_51 {offsets = [0, 0], sizes = [256, 1], strides = [1, 1]} : vector<256x32xf32> to vector<256x1xf32>
    %mul3A_66 = vector.broadcast %slice3A_65 : vector<256x1xf32> to vector<256x128xf32>
    %mul3A_67 = arith.mulf %mul3A_66, %dot_general3A_61 : vector<256x128xf32>
    %add3A_68 = arith.addf %dot_general3A_56, %mul3A_67 : vector<256x128xf32>
    %get3A_69 = arith.constant 128 : index
    %get3A_70 = arith.constant 0 : index
    %get3A_71 = vector.load %arg8[%get3A_69, %get3A_70] : memref<4096x128xf32, #tpu.memory_space<vmem>>, vector<128x128xf32>
    %dot_general3A_72 = arith.constant dense<0.000000e+00> : vector<256x128xf32>
    %dot_general3A_73 = tpu.matmul %max3A_11, %get3A_71, %dot_general3A_72 {dimension_numbers = #tpu.dot_dimension_numbers<[1], [0], [0], [1], [0, 0, 1, 1], [], []>, precision = #tpu.contract_precision<fp32>, transpose_lhs_hint = false} : vector<256x128xf32>, vector<128x128xf32>, vector<256x128xf32> -> vector<256x128xf32>
    %slice3A_74 = vector.extract_strided_slice %max3A_37 {offsets = [0, 1], sizes = [256, 1], strides = [1, 1]} : vector<256x32xf32> to vector<256x1xf32>
    %mul3A_75 = vector.broadcast %slice3A_74 : vector<256x1xf32> to vector<256x128xf32>
    %mul3A_76 = arith.mulf %mul3A_75, %dot_general3A_73 : vector<256x128xf32>
    %add3A_77 = arith.addf %add3A_64, %mul3A_76 : vector<256x128xf32>
    %slice3A_78 = vector.extract_strided_slice %max3A_51 {offsets = [0, 1], sizes = [256, 1], strides = [1, 1]} : vector<256x32xf32> to vector<256x1xf32>
    %mul3A_79 = vector.broadcast %slice3A_78 : vector<256x1xf32> to vector<256x128xf32>
    %mul3A_80 = arith.mulf %mul3A_79, %dot_general3A_73 : vector<256x128xf32>
    %add3A_81 = arith.addf %add3A_68, %mul3A_80 : vector<256x128xf32>
    %get3A_82 = arith.constant 256 : index
    %get3A_83 = arith.constant 0 : index
    %get3A_84 = vector.load %arg8[%get3A_82, %get3A_83] : memref<4096x128xf32, #tpu.memory_space<vmem>>, vector<128x128xf32>
    %dot_general3A_85 = arith.constant dense<0.000000e+00> : vector<256x128xf32>
    %dot_general3A_86 = tpu.matmul %max3A_11, %get3A_84, %dot_general3A_85 {dimension_numbers = #tpu.dot_dimension_numbers<[1], [0], [0], [1], [0, 0, 1, 1], [], []>, precision = #tpu.contract_precision<fp32>, transpose_lhs_hint = false} : vector<256x128xf32>, vector<128x128xf32>, vector<256x128xf32> -> vector<256x128xf32>
    %slice3A_87 = vector.extract_strided_slice %max3A_37 {offsets = [0, 2], sizes = [256, 1], strides = [1, 1]} : vector<256x32xf32> to vector<256x1xf32>
    %mul3A_88 = vector.broadcast %slice3A_87 : vector<256x1xf32> to vector<256x128xf32>
    %mul3A_89 = arith.mulf %mul3A_88, %dot_general3A_86 : vector<256x128xf32>
    %add3A_90 = arith.addf %add3A_77, %mul3A_89 : vector<256x128xf32>
    %slice3A_91 = vector.extract_strided_slice %max3A_51 {offsets = [0, 2], sizes = [256, 1], strides = [1, 1]} : vector<256x32xf32> to vector<256x1xf32>
    %mul3A_92 = vector.broadcast %slice3A_91 : vector<256x1xf32> to vector<256x128xf32>
    %mul3A_93 = arith.mulf %mul3A_92, %dot_general3A_86 : vector<256x128xf32>
    %add3A_94 = arith.addf %add3A_81, %mul3A_93 : vector<256x128xf32>
    %get3A_95 = arith.constant 384 : index
    %get3A_96 = arith.constant 0 : index
    %get3A_97 = vector.load %arg8[%get3A_95, %get3A_96] : memref<4096x128xf32, #tpu.memory_space<vmem>>, vector<128x128xf32>
    %dot_general3A_98 = arith.constant dense<0.000000e+00> : vector<256x128xf32>
    %dot_general3A_99 = tpu.matmul %max3A_11, %get3A_97, %dot_general3A_98 {dimension_numbers = #tpu.dot_dimension_numbers<[1], [0], [0], [1], [0, 0, 1, 1], [], []>, precision = #tpu.contract_precision<fp32>, transpose_lhs_hint = false} : vector<256x128xf32>, vector<128x128xf32>, vector<256x128xf32> -> vector<256x128xf32>
    %slice3A_100 = vector.extract_strided_slice %max3A_37 {offsets = [0, 3], sizes = [256, 1], strides = [1, 1]} : vector<256x32xf32> to vector<256x1xf32>
    %mul3A_101 = vector.broadcast %slice3A_100 : vector<256x1xf32> to vector<256x128xf32>
    %mul3A_102 = arith.mulf %mul3A_101, %dot_general3A_99 : vector<256x128xf32>
    %add3A_103 = arith.addf %add3A_90, %mul3A_102 : vector<256x128xf32>
    %slice3A_104 = vector.extract_strided_slice %max3A_51 {offsets = [0, 3], sizes = [256, 1], strides = [1, 1]} : vector<256x32xf32> to vector<256x1xf32>
    %mul3A_105 = vector.broadcast %slice3A_104 : vector<256x1xf32> to vector<256x128xf32>
    %mul3A_106 = arith.mulf %mul3A_105, %dot_general3A_99 : vector<256x128xf32>
    %add3A_107 = arith.addf %add3A_94, %mul3A_106 : vector<256x128xf32>
    %get3A_108 = arith.constant 512 : index
    %get3A_109 = arith.constant 0 : index
    %get3A_110 = vector.load %arg8[%get3A_108, %get3A_109] : memref<4096x128xf32, #tpu.memory_space<vmem>>, vector<128x128xf32>
    %dot_general3A_111 = arith.constant dense<0.000000e+00> : vector<256x128xf32>
    %dot_general3A_112 = tpu.matmul %max3A_11, %get3A_110, %dot_general3A_111 {dimension_numbers = #tpu.dot_dimension_numbers<[1], [0], [0], [1], [0, 0, 1, 1], [], []>, precision = #tpu.contract_precision<fp32>, transpose_lhs_hint = false} : vector<256x128xf32>, vector<128x128xf32>, vector<256x128xf32> -> vector<256x128xf32>
    %slice3A_113 = vector.extract_strided_slice %max3A_37 {offsets = [0, 4], sizes = [256, 1], strides = [1, 1]} : vector<256x32xf32> to vector<256x1xf32>
    %mul3A_114 = vector.broadcast %slice3A_113 : vector<256x1xf32> to vector<256x128xf32>
    %mul3A_115 = arith.mulf %mul3A_114, %dot_general3A_112 : vector<256x128xf32>
    %add3A_116 = arith.addf %add3A_103, %mul3A_115 : vector<256x128xf32>
    %slice3A_117 = vector.extract_strided_slice %max3A_51 {offsets = [0, 4], sizes = [256, 1], strides = [1, 1]} : vector<256x32xf32> to vector<256x1xf32>
    %mul3A_118 = vector.broadcast %slice3A_117 : vector<256x1xf32> to vector<256x128xf32>
    %mul3A_119 = arith.mulf %mul3A_118, %dot_general3A_112 : vector<256x128xf32>
    %add3A_120 = arith.addf %add3A_107, %mul3A_119 : vector<256x128xf32>
    %get3A_121 = arith.constant 640 : index
    %get3A_122 = arith.constant 0 : index
    %get3A_123 = vector.load %arg8[%get3A_121, %get3A_122] : memref<4096x128xf32, #tpu.memory_space<vmem>>, vector<128x128xf32>
    %dot_general3A_124 = arith.constant dense<0.000000e+00> : vector<256x128xf32>
    %dot_general3A_125 = tpu.matmul %max3A_11, %get3A_123, %dot_general3A_124 {dimension_numbers = #tpu.dot_dimension_numbers<[1], [0], [0], [1], [0, 0, 1, 1], [], []>, precision = #tpu.contract_precision<fp32>, transpose_lhs_hint = false} : vector<256x128xf32>, vector<128x128xf32>, vector<256x128xf32> -> vector<256x128xf32>
    %slice3A_126 = vector.extract_strided_slice %max3A_37 {offsets = [0, 5], sizes = [256, 1], strides = [1, 1]} : vector<256x32xf32> to vector<256x1xf32>
    %mul3A_127 = vector.broadcast %slice3A_126 : vector<256x1xf32> to vector<256x128xf32>
    %mul3A_128 = arith.mulf %mul3A_127, %dot_general3A_125 : vector<256x128xf32>
    %add3A_129 = arith.addf %add3A_116, %mul3A_128 : vector<256x128xf32>
    %slice3A_130 = vector.extract_strided_slice %max3A_51 {offsets = [0, 5], sizes = [256, 1], strides = [1, 1]} : vector<256x32xf32> to vector<256x1xf32>
    %mul3A_131 = vector.broadcast %slice3A_130 : vector<256x1xf32> to vector<256x128xf32>
    %mul3A_132 = arith.mulf %mul3A_131, %dot_general3A_125 : vector<256x128xf32>
    %add3A_133 = arith.addf %add3A_120, %mul3A_132 : vector<256x128xf32>
    %get3A_134 = arith.constant 768 : index
    %get3A_135 = arith.constant 0 : index
    %get3A_136 = vector.load %arg8[%get3A_134, %get3A_135] : memref<4096x128xf32, #tpu.memory_space<vmem>>, vector<128x128xf32>
    %dot_general3A_137 = arith.constant dense<0.000000e+00> : vector<256x128xf32>
    %dot_general3A_138 = tpu.matmul %max3A_11, %get3A_136, %dot_general3A_137 {dimension_numbers = #tpu.dot_dimension_numbers<[1], [0], [0], [1], [0, 0, 1, 1], [], []>, precision = #tpu.contract_precision<fp32>, transpose_lhs_hint = false} : vector<256x128xf32>, vector<128x128xf32>, vector<256x128xf32> -> vector<256x128xf32>
    %slice3A_139 = vector.extract_strided_slice %max3A_37 {offsets = [0, 6], sizes = [256, 1], strides = [1, 1]} : vector<256x32xf32> to vector<256x1xf32>
    %mul3A_140 = vector.broadcast %slice3A_139 : vector<256x1xf32> to vector<256x128xf32>
    %mul3A_141 = arith.mulf %mul3A_140, %dot_general3A_138 : vector<256x128xf32>
    %add3A_142 = arith.addf %add3A_129, %mul3A_141 : vector<256x128xf32>
    %slice3A_143 = vector.extract_strided_slice %max3A_51 {offsets = [0, 6], sizes = [256, 1], strides = [1, 1]} : vector<256x32xf32> to vector<256x1xf32>
    %mul3A_144 = vector.broadcast %slice3A_143 : vector<256x1xf32> to vector<256x128xf32>
    %mul3A_145 = arith.mulf %mul3A_144, %dot_general3A_138 : vector<256x128xf32>
    %add3A_146 = arith.addf %add3A_133, %mul3A_145 : vector<256x128xf32>
    %get3A_147 = arith.constant 896 : index
    %get3A_148 = arith.constant 0 : index
    %get3A_149 = vector.load %arg8[%get3A_147, %get3A_148] : memref<4096x128xf32, #tpu.memory_space<vmem>>, vector<128x128xf32>
    %dot_general3A_150 = arith.constant dense<0.000000e+00> : vector<256x128xf32>
    %dot_general3A_151 = tpu.matmul %max3A_11, %get3A_149, %dot_general3A_150 {dimension_numbers = #tpu.dot_dimension_numbers<[1], [0], [0], [1], [0, 0, 1, 1], [], []>, precision = #tpu.contract_precision<fp32>, transpose_lhs_hint = false} : vector<256x128xf32>, vector<128x128xf32>, vector<256x128xf32> -> vector<256x128xf32>
    %slice3A_152 = vector.extract_strided_slice %max3A_37 {offsets = [0, 7], sizes = [256, 1], strides = [1, 1]} : vector<256x32xf32> to vector<256x1xf32>
    %mul3A_153 = vector.broadcast %slice3A_152 : vector<256x1xf32> to vector<256x128xf32>
    %mul3A_154 = arith.mulf %mul3A_153, %dot_general3A_151 : vector<256x128xf32>
    %add3A_155 = arith.addf %add3A_142, %mul3A_154 : vector<256x128xf32>
    %slice3A_156 = vector.extract_strided_slice %max3A_51 {offsets = [0, 7], sizes = [256, 1], strides = [1, 1]} : vector<256x32xf32> to vector<256x1xf32>
    %mul3A_157 = vector.broadcast %slice3A_156 : vector<256x1xf32> to vector<256x128xf32>
    %mul3A_158 = arith.mulf %mul3A_157, %dot_general3A_151 : vector<256x128xf32>
    %add3A_159 = arith.addf %add3A_146, %mul3A_158 : vector<256x128xf32>
    %get3A_160 = arith.constant 1024 : index
    %get3A_161 = arith.constant 0 : index
    %get3A_162 = vector.load %arg8[%get3A_160, %get3A_161] : memref<4096x128xf32, #tpu.memory_space<vmem>>, vector<128x128xf32>
    %dot_general3A_163 = arith.constant dense<0.000000e+00> : vector<256x128xf32>
    %dot_general3A_164 = tpu.matmul %max3A_11, %get3A_162, %dot_general3A_163 {dimension_numbers = #tpu.dot_dimension_numbers<[1], [0], [0], [1], [0, 0, 1, 1], [], []>, precision = #tpu.contract_precision<fp32>, transpose_lhs_hint = false} : vector<256x128xf32>, vector<128x128xf32>, vector<256x128xf32> -> vector<256x128xf32>
    %slice3A_165 = vector.extract_strided_slice %max3A_37 {offsets = [0, 8], sizes = [256, 1], strides = [1, 1]} : vector<256x32xf32> to vector<256x1xf32>
    %mul3A_166 = vector.broadcast %slice3A_165 : vector<256x1xf32> to vector<256x128xf32>
    %mul3A_167 = arith.mulf %mul3A_166, %dot_general3A_164 : vector<256x128xf32>
    %add3A_168 = arith.addf %add3A_155, %mul3A_167 : vector<256x128xf32>
    %slice3A_169 = vector.extract_strided_slice %max3A_51 {offsets = [0, 8], sizes = [256, 1], strides = [1, 1]} : vector<256x32xf32> to vector<256x1xf32>
    %mul3A_170 = vector.broadcast %slice3A_169 : vector<256x1xf32> to vector<256x128xf32>
    %mul3A_171 = arith.mulf %mul3A_170, %dot_general3A_164 : vector<256x128xf32>
    %add3A_172 = arith.addf %add3A_159, %mul3A_171 : vector<256x128xf32>
    %get3A_173 = arith.constant 1152 : index
    %get3A_174 = arith.constant 0 : index
    %get3A_175 = vector.load %arg8[%get3A_173, %get3A_174] : memref<4096x128xf32, #tpu.memory_space<vmem>>, vector<128x128xf32>
    %dot_general3A_176 = arith.constant dense<0.000000e+00> : vector<256x128xf32>
    %dot_general3A_177 = tpu.matmul %max3A_11, %get3A_175, %dot_general3A_176 {dimension_numbers = #tpu.dot_dimension_numbers<[1], [0], [0], [1], [0, 0, 1, 1], [], []>, precision = #tpu.contract_precision<fp32>, transpose_lhs_hint = false} : vector<256x128xf32>, vector<128x128xf32>, vector<256x128xf32> -> vector<256x128xf32>
    %slice3A_178 = vector.extract_strided_slice %max3A_37 {offsets = [0, 9], sizes = [256, 1], strides = [1, 1]} : vector<256x32xf32> to vector<256x1xf32>
    %mul3A_179 = vector.broadcast %slice3A_178 : vector<256x1xf32> to vector<256x128xf32>
    %mul3A_180 = arith.mulf %mul3A_179, %dot_general3A_177 : vector<256x128xf32>
    %add3A_181 = arith.addf %add3A_168, %mul3A_180 : vector<256x128xf32>
    %slice3A_182 = vector.extract_strided_slice %max3A_51 {offsets = [0, 9], sizes = [256, 1], strides = [1, 1]} : vector<256x32xf32> to vector<256x1xf32>
    %mul3A_183 = vector.broadcast %slice3A_182 : vector<256x1xf32> to vector<256x128xf32>
    %mul3A_184 = arith.mulf %mul3A_183, %dot_general3A_177 : vector<256x128xf32>
    %add3A_185 = arith.addf %add3A_172, %mul3A_184 : vector<256x128xf32>
    %get3A_186 = arith.constant 1280 : index
    %get3A_187 = arith.constant 0 : index
    %get3A_188 = vector.load %arg8[%get3A_186, %get3A_187] : memref<4096x128xf32, #tpu.memory_space<vmem>>, vector<128x128xf32>
    %dot_general3A_189 = arith.constant dense<0.000000e+00> : vector<256x128xf32>
    %dot_general3A_190 = tpu.matmul %max3A_11, %get3A_188, %dot_general3A_189 {dimension_numbers = #tpu.dot_dimension_numbers<[1], [0], [0], [1], [0, 0, 1, 1], [], []>, precision = #tpu.contract_precision<fp32>, transpose_lhs_hint = false} : vector<256x128xf32>, vector<128x128xf32>, vector<256x128xf32> -> vector<256x128xf32>
    %slice3A_191 = vector.extract_strided_slice %max3A_37 {offsets = [0, 10], sizes = [256, 1], strides = [1, 1]} : vector<256x32xf32> to vector<256x1xf32>
    %mul3A_192 = vector.broadcast %slice3A_191 : vector<256x1xf32> to vector<256x128xf32>
    %mul3A_193 = arith.mulf %mul3A_192, %dot_general3A_190 : vector<256x128xf32>
    %add3A_194 = arith.addf %add3A_181, %mul3A_193 : vector<256x128xf32>
    %slice3A_195 = vector.extract_strided_slice %max3A_51 {offsets = [0, 10], sizes = [256, 1], strides = [1, 1]} : vector<256x32xf32> to vector<256x1xf32>
    %mul3A_196 = vector.broadcast %slice3A_195 : vector<256x1xf32> to vector<256x128xf32>
    %mul3A_197 = arith.mulf %mul3A_196, %dot_general3A_190 : vector<256x128xf32>
    %add3A_198 = arith.addf %add3A_185, %mul3A_197 : vector<256x128xf32>
    %get3A_199 = arith.constant 1408 : index
    %get3A_200 = arith.constant 0 : index
    %get3A_201 = vector.load %arg8[%get3A_199, %get3A_200] : memref<4096x128xf32, #tpu.memory_space<vmem>>, vector<128x128xf32>
    %dot_general3A_202 = arith.constant dense<0.000000e+00> : vector<256x128xf32>
    %dot_general3A_203 = tpu.matmul %max3A_11, %get3A_201, %dot_general3A_202 {dimension_numbers = #tpu.dot_dimension_numbers<[1], [0], [0], [1], [0, 0, 1, 1], [], []>, precision = #tpu.contract_precision<fp32>, transpose_lhs_hint = false} : vector<256x128xf32>, vector<128x128xf32>, vector<256x128xf32> -> vector<256x128xf32>
    %slice3A_204 = vector.extract_strided_slice %max3A_37 {offsets = [0, 11], sizes = [256, 1], strides = [1, 1]} : vector<256x32xf32> to vector<256x1xf32>
    %mul3A_205 = vector.broadcast %slice3A_204 : vector<256x1xf32> to vector<256x128xf32>
    %mul3A_206 = arith.mulf %mul3A_205, %dot_general3A_203 : vector<256x128xf32>
    %add3A_207 = arith.addf %add3A_194, %mul3A_206 : vector<256x128xf32>
    %slice3A_208 = vector.extract_strided_slice %max3A_51 {offsets = [0, 11], sizes = [256, 1], strides = [1, 1]} : vector<256x32xf32> to vector<256x1xf32>
    %mul3A_209 = vector.broadcast %slice3A_208 : vector<256x1xf32> to vector<256x128xf32>
    %mul3A_210 = arith.mulf %mul3A_209, %dot_general3A_203 : vector<256x128xf32>
    %add3A_211 = arith.addf %add3A_198, %mul3A_210 : vector<256x128xf32>
    %get3A_212 = arith.constant 1536 : index
    %get3A_213 = arith.constant 0 : index
    %get3A_214 = vector.load %arg8[%get3A_212, %get3A_213] : memref<4096x128xf32, #tpu.memory_space<vmem>>, vector<128x128xf32>
    %dot_general3A_215 = arith.constant dense<0.000000e+00> : vector<256x128xf32>
    %dot_general3A_216 = tpu.matmul %max3A_11, %get3A_214, %dot_general3A_215 {dimension_numbers = #tpu.dot_dimension_numbers<[1], [0], [0], [1], [0, 0, 1, 1], [], []>, precision = #tpu.contract_precision<fp32>, transpose_lhs_hint = false} : vector<256x128xf32>, vector<128x128xf32>, vector<256x128xf32> -> vector<256x128xf32>
    %slice3A_217 = vector.extract_strided_slice %max3A_37 {offsets = [0, 12], sizes = [256, 1], strides = [1, 1]} : vector<256x32xf32> to vector<256x1xf32>
    %mul3A_218 = vector.broadcast %slice3A_217 : vector<256x1xf32> to vector<256x128xf32>
    %mul3A_219 = arith.mulf %mul3A_218, %dot_general3A_216 : vector<256x128xf32>
    %add3A_220 = arith.addf %add3A_207, %mul3A_219 : vector<256x128xf32>
    %slice3A_221 = vector.extract_strided_slice %max3A_51 {offsets = [0, 12], sizes = [256, 1], strides = [1, 1]} : vector<256x32xf32> to vector<256x1xf32>
    %mul3A_222 = vector.broadcast %slice3A_221 : vector<256x1xf32> to vector<256x128xf32>
    %mul3A_223 = arith.mulf %mul3A_222, %dot_general3A_216 : vector<256x128xf32>
    %add3A_224 = arith.addf %add3A_211, %mul3A_223 : vector<256x128xf32>
    %get3A_225 = arith.constant 1664 : index
    %get3A_226 = arith.constant 0 : index
    %get3A_227 = vector.load %arg8[%get3A_225, %get3A_226] : memref<4096x128xf32, #tpu.memory_space<vmem>>, vector<128x128xf32>
    %dot_general3A_228 = arith.constant dense<0.000000e+00> : vector<256x128xf32>
    %dot_general3A_229 = tpu.matmul %max3A_11, %get3A_227, %dot_general3A_228 {dimension_numbers = #tpu.dot_dimension_numbers<[1], [0], [0], [1], [0, 0, 1, 1], [], []>, precision = #tpu.contract_precision<fp32>, transpose_lhs_hint = false} : vector<256x128xf32>, vector<128x128xf32>, vector<256x128xf32> -> vector<256x128xf32>
    %slice3A_230 = vector.extract_strided_slice %max3A_37 {offsets = [0, 13], sizes = [256, 1], strides = [1, 1]} : vector<256x32xf32> to vector<256x1xf32>
    %mul3A_231 = vector.broadcast %slice3A_230 : vector<256x1xf32> to vector<256x128xf32>
    %mul3A_232 = arith.mulf %mul3A_231, %dot_general3A_229 : vector<256x128xf32>
    %add3A_233 = arith.addf %add3A_220, %mul3A_232 : vector<256x128xf32>
    %slice3A_234 = vector.extract_strided_slice %max3A_51 {offsets = [0, 13], sizes = [256, 1], strides = [1, 1]} : vector<256x32xf32> to vector<256x1xf32>
    %mul3A_235 = vector.broadcast %slice3A_234 : vector<256x1xf32> to vector<256x128xf32>
    %mul3A_236 = arith.mulf %mul3A_235, %dot_general3A_229 : vector<256x128xf32>
    %add3A_237 = arith.addf %add3A_224, %mul3A_236 : vector<256x128xf32>
    %get3A_238 = arith.constant 1792 : index
    %get3A_239 = arith.constant 0 : index
    %get3A_240 = vector.load %arg8[%get3A_238, %get3A_239] : memref<4096x128xf32, #tpu.memory_space<vmem>>, vector<128x128xf32>
    %dot_general3A_241 = arith.constant dense<0.000000e+00> : vector<256x128xf32>
    %dot_general3A_242 = tpu.matmul %max3A_11, %get3A_240, %dot_general3A_241 {dimension_numbers = #tpu.dot_dimension_numbers<[1], [0], [0], [1], [0, 0, 1, 1], [], []>, precision = #tpu.contract_precision<fp32>, transpose_lhs_hint = false} : vector<256x128xf32>, vector<128x128xf32>, vector<256x128xf32> -> vector<256x128xf32>
    %slice3A_243 = vector.extract_strided_slice %max3A_37 {offsets = [0, 14], sizes = [256, 1], strides = [1, 1]} : vector<256x32xf32> to vector<256x1xf32>
    %mul3A_244 = vector.broadcast %slice3A_243 : vector<256x1xf32> to vector<256x128xf32>
    %mul3A_245 = arith.mulf %mul3A_244, %dot_general3A_242 : vector<256x128xf32>
    %add3A_246 = arith.addf %add3A_233, %mul3A_245 : vector<256x128xf32>
    %slice3A_247 = vector.extract_strided_slice %max3A_51 {offsets = [0, 14], sizes = [256, 1], strides = [1, 1]} : vector<256x32xf32> to vector<256x1xf32>
    %mul3A_248 = vector.broadcast %slice3A_247 : vector<256x1xf32> to vector<256x128xf32>
    %mul3A_249 = arith.mulf %mul3A_248, %dot_general3A_242 : vector<256x128xf32>
    %add3A_250 = arith.addf %add3A_237, %mul3A_249 : vector<256x128xf32>
    %get3A_251 = arith.constant 1920 : index
    %get3A_252 = arith.constant 0 : index
    %get3A_253 = vector.load %arg8[%get3A_251, %get3A_252] : memref<4096x128xf32, #tpu.memory_space<vmem>>, vector<128x128xf32>
    %dot_general3A_254 = arith.constant dense<0.000000e+00> : vector<256x128xf32>
    %dot_general3A_255 = tpu.matmul %max3A_11, %get3A_253, %dot_general3A_254 {dimension_numbers = #tpu.dot_dimension_numbers<[1], [0], [0], [1], [0, 0, 1, 1], [], []>, precision = #tpu.contract_precision<fp32>, transpose_lhs_hint = false} : vector<256x128xf32>, vector<128x128xf32>, vector<256x128xf32> -> vector<256x128xf32>
    %slice3A_256 = vector.extract_strided_slice %max3A_37 {offsets = [0, 15], sizes = [256, 1], strides = [1, 1]} : vector<256x32xf32> to vector<256x1xf32>
    %mul3A_257 = vector.broadcast %slice3A_256 : vector<256x1xf32> to vector<256x128xf32>
    %mul3A_258 = arith.mulf %mul3A_257, %dot_general3A_255 : vector<256x128xf32>
    %add3A_259 = arith.addf %add3A_246, %mul3A_258 : vector<256x128xf32>
    %slice3A_260 = vector.extract_strided_slice %max3A_51 {offsets = [0, 15], sizes = [256, 1], strides = [1, 1]} : vector<256x32xf32> to vector<256x1xf32>
    %mul3A_261 = vector.broadcast %slice3A_260 : vector<256x1xf32> to vector<256x128xf32>
    %mul3A_262 = arith.mulf %mul3A_261, %dot_general3A_255 : vector<256x128xf32>
    %add3A_263 = arith.addf %add3A_250, %mul3A_262 : vector<256x128xf32>
    %get3A_264 = arith.constant 2048 : index
    %get3A_265 = arith.constant 0 : index
    %get3A_266 = vector.load %arg8[%get3A_264, %get3A_265] : memref<4096x128xf32, #tpu.memory_space<vmem>>, vector<128x128xf32>
    %dot_general3A_267 = arith.constant dense<0.000000e+00> : vector<256x128xf32>
    %dot_general3A_268 = tpu.matmul %max3A_11, %get3A_266, %dot_general3A_267 {dimension_numbers = #tpu.dot_dimension_numbers<[1], [0], [0], [1], [0, 0, 1, 1], [], []>, precision = #tpu.contract_precision<fp32>, transpose_lhs_hint = false} : vector<256x128xf32>, vector<128x128xf32>, vector<256x128xf32> -> vector<256x128xf32>
    %slice3A_269 = vector.extract_strided_slice %max3A_37 {offsets = [0, 16], sizes = [256, 1], strides = [1, 1]} : vector<256x32xf32> to vector<256x1xf32>
    %mul3A_270 = vector.broadcast %slice3A_269 : vector<256x1xf32> to vector<256x128xf32>
    %mul3A_271 = arith.mulf %mul3A_270, %dot_general3A_268 : vector<256x128xf32>
    %add3A_272 = arith.addf %add3A_259, %mul3A_271 : vector<256x128xf32>
    %slice3A_273 = vector.extract_strided_slice %max3A_51 {offsets = [0, 16], sizes = [256, 1], strides = [1, 1]} : vector<256x32xf32> to vector<256x1xf32>
    %mul3A_274 = vector.broadcast %slice3A_273 : vector<256x1xf32> to vector<256x128xf32>
    %mul3A_275 = arith.mulf %mul3A_274, %dot_general3A_268 : vector<256x128xf32>
    %add3A_276 = arith.addf %add3A_263, %mul3A_275 : vector<256x128xf32>
    %get3A_277 = arith.constant 2176 : index
    %get3A_278 = arith.constant 0 : index
    %get3A_279 = vector.load %arg8[%get3A_277, %get3A_278] : memref<4096x128xf32, #tpu.memory_space<vmem>>, vector<128x128xf32>
    %dot_general3A_280 = arith.constant dense<0.000000e+00> : vector<256x128xf32>
    %dot_general3A_281 = tpu.matmul %max3A_11, %get3A_279, %dot_general3A_280 {dimension_numbers = #tpu.dot_dimension_numbers<[1], [0], [0], [1], [0, 0, 1, 1], [], []>, precision = #tpu.contract_precision<fp32>, transpose_lhs_hint = false} : vector<256x128xf32>, vector<128x128xf32>, vector<256x128xf32> -> vector<256x128xf32>
    %slice3A_282 = vector.extract_strided_slice %max3A_37 {offsets = [0, 17], sizes = [256, 1], strides = [1, 1]} : vector<256x32xf32> to vector<256x1xf32>
    %mul3A_283 = vector.broadcast %slice3A_282 : vector<256x1xf32> to vector<256x128xf32>
    %mul3A_284 = arith.mulf %mul3A_283, %dot_general3A_281 : vector<256x128xf32>
    %add3A_285 = arith.addf %add3A_272, %mul3A_284 : vector<256x128xf32>
    %slice3A_286 = vector.extract_strided_slice %max3A_51 {offsets = [0, 17], sizes = [256, 1], strides = [1, 1]} : vector<256x32xf32> to vector<256x1xf32>
    %mul3A_287 = vector.broadcast %slice3A_286 : vector<256x1xf32> to vector<256x128xf32>
    %mul3A_288 = arith.mulf %mul3A_287, %dot_general3A_281 : vector<256x128xf32>
    %add3A_289 = arith.addf %add3A_276, %mul3A_288 : vector<256x128xf32>
    %get3A_290 = arith.constant 2304 : index
    %get3A_291 = arith.constant 0 : index
    %get3A_292 = vector.load %arg8[%get3A_290, %get3A_291] : memref<4096x128xf32, #tpu.memory_space<vmem>>, vector<128x128xf32>
    %dot_general3A_293 = arith.constant dense<0.000000e+00> : vector<256x128xf32>
    %dot_general3A_294 = tpu.matmul %max3A_11, %get3A_292, %dot_general3A_293 {dimension_numbers = #tpu.dot_dimension_numbers<[1], [0], [0], [1], [0, 0, 1, 1], [], []>, precision = #tpu.contract_precision<fp32>, transpose_lhs_hint = false} : vector<256x128xf32>, vector<128x128xf32>, vector<256x128xf32> -> vector<256x128xf32>
    %slice3A_295 = vector.extract_strided_slice %max3A_37 {offsets = [0, 18], sizes = [256, 1], strides = [1, 1]} : vector<256x32xf32> to vector<256x1xf32>
    %mul3A_296 = vector.broadcast %slice3A_295 : vector<256x1xf32> to vector<256x128xf32>
    %mul3A_297 = arith.mulf %mul3A_296, %dot_general3A_294 : vector<256x128xf32>
    %add3A_298 = arith.addf %add3A_285, %mul3A_297 : vector<256x128xf32>
    %slice3A_299 = vector.extract_strided_slice %max3A_51 {offsets = [0, 18], sizes = [256, 1], strides = [1, 1]} : vector<256x32xf32> to vector<256x1xf32>
    %mul3A_300 = vector.broadcast %slice3A_299 : vector<256x1xf32> to vector<256x128xf32>
    %mul3A_301 = arith.mulf %mul3A_300, %dot_general3A_294 : vector<256x128xf32>
    %add3A_302 = arith.addf %add3A_289, %mul3A_301 : vector<256x128xf32>
    %get3A_303 = arith.constant 2432 : index
    %get3A_304 = arith.constant 0 : index
    %get3A_305 = vector.load %arg8[%get3A_303, %get3A_304] : memref<4096x128xf32, #tpu.memory_space<vmem>>, vector<128x128xf32>
    %dot_general3A_306 = arith.constant dense<0.000000e+00> : vector<256x128xf32>
    %dot_general3A_307 = tpu.matmul %max3A_11, %get3A_305, %dot_general3A_306 {dimension_numbers = #tpu.dot_dimension_numbers<[1], [0], [0], [1], [0, 0, 1, 1], [], []>, precision = #tpu.contract_precision<fp32>, transpose_lhs_hint = false} : vector<256x128xf32>, vector<128x128xf32>, vector<256x128xf32> -> vector<256x128xf32>
    %slice3A_308 = vector.extract_strided_slice %max3A_37 {offsets = [0, 19], sizes = [256, 1], strides = [1, 1]} : vector<256x32xf32> to vector<256x1xf32>
    %mul3A_309 = vector.broadcast %slice3A_308 : vector<256x1xf32> to vector<256x128xf32>
    %mul3A_310 = arith.mulf %mul3A_309, %dot_general3A_307 : vector<256x128xf32>
    %add3A_311 = arith.addf %add3A_298, %mul3A_310 : vector<256x128xf32>
    %slice3A_312 = vector.extract_strided_slice %max3A_51 {offsets = [0, 19], sizes = [256, 1], strides = [1, 1]} : vector<256x32xf32> to vector<256x1xf32>
    %mul3A_313 = vector.broadcast %slice3A_312 : vector<256x1xf32> to vector<256x128xf32>
    %mul3A_314 = arith.mulf %mul3A_313, %dot_general3A_307 : vector<256x128xf32>
    %add3A_315 = arith.addf %add3A_302, %mul3A_314 : vector<256x128xf32>
    %get3A_316 = arith.constant 2560 : index
    %get3A_317 = arith.constant 0 : index
    %get3A_318 = vector.load %arg8[%get3A_316, %get3A_317] : memref<4096x128xf32, #tpu.memory_space<vmem>>, vector<128x128xf32>
    %dot_general3A_319 = arith.constant dense<0.000000e+00> : vector<256x128xf32>
    %dot_general3A_320 = tpu.matmul %max3A_11, %get3A_318, %dot_general3A_319 {dimension_numbers = #tpu.dot_dimension_numbers<[1], [0], [0], [1], [0, 0, 1, 1], [], []>, precision = #tpu.contract_precision<fp32>, transpose_lhs_hint = false} : vector<256x128xf32>, vector<128x128xf32>, vector<256x128xf32> -> vector<256x128xf32>
    %slice3A_321 = vector.extract_strided_slice %max3A_37 {offsets = [0, 20], sizes = [256, 1], strides = [1, 1]} : vector<256x32xf32> to vector<256x1xf32>
    %mul3A_322 = vector.broadcast %slice3A_321 : vector<256x1xf32> to vector<256x128xf32>
    %mul3A_323 = arith.mulf %mul3A_322, %dot_general3A_320 : vector<256x128xf32>
    %add3A_324 = arith.addf %add3A_311, %mul3A_323 : vector<256x128xf32>
    %slice3A_325 = vector.extract_strided_slice %max3A_51 {offsets = [0, 20], sizes = [256, 1], strides = [1, 1]} : vector<256x32xf32> to vector<256x1xf32>
    %mul3A_326 = vector.broadcast %slice3A_325 : vector<256x1xf32> to vector<256x128xf32>
    %mul3A_327 = arith.mulf %mul3A_326, %dot_general3A_320 : vector<256x128xf32>
    %add3A_328 = arith.addf %add3A_315, %mul3A_327 : vector<256x128xf32>
    %get3A_329 = arith.constant 2688 : index
    %get3A_330 = arith.constant 0 : index
    %get3A_331 = vector.load %arg8[%get3A_329, %get3A_330] : memref<4096x128xf32, #tpu.memory_space<vmem>>, vector<128x128xf32>
    %dot_general3A_332 = arith.constant dense<0.000000e+00> : vector<256x128xf32>
    %dot_general3A_333 = tpu.matmul %max3A_11, %get3A_331, %dot_general3A_332 {dimension_numbers = #tpu.dot_dimension_numbers<[1], [0], [0], [1], [0, 0, 1, 1], [], []>, precision = #tpu.contract_precision<fp32>, transpose_lhs_hint = false} : vector<256x128xf32>, vector<128x128xf32>, vector<256x128xf32> -> vector<256x128xf32>
    %slice3A_334 = vector.extract_strided_slice %max3A_37 {offsets = [0, 21], sizes = [256, 1], strides = [1, 1]} : vector<256x32xf32> to vector<256x1xf32>
    %mul3A_335 = vector.broadcast %slice3A_334 : vector<256x1xf32> to vector<256x128xf32>
    %mul3A_336 = arith.mulf %mul3A_335, %dot_general3A_333 : vector<256x128xf32>
    %add3A_337 = arith.addf %add3A_324, %mul3A_336 : vector<256x128xf32>
    %slice3A_338 = vector.extract_strided_slice %max3A_51 {offsets = [0, 21], sizes = [256, 1], strides = [1, 1]} : vector<256x32xf32> to vector<256x1xf32>
    %mul3A_339 = vector.broadcast %slice3A_338 : vector<256x1xf32> to vector<256x128xf32>
    %mul3A_340 = arith.mulf %mul3A_339, %dot_general3A_333 : vector<256x128xf32>
    %add3A_341 = arith.addf %add3A_328, %mul3A_340 : vector<256x128xf32>
    %get3A_342 = arith.constant 2816 : index
    %get3A_343 = arith.constant 0 : index
    %get3A_344 = vector.load %arg8[%get3A_342, %get3A_343] : memref<4096x128xf32, #tpu.memory_space<vmem>>, vector<128x128xf32>
    %dot_general3A_345 = arith.constant dense<0.000000e+00> : vector<256x128xf32>
    %dot_general3A_346 = tpu.matmul %max3A_11, %get3A_344, %dot_general3A_345 {dimension_numbers = #tpu.dot_dimension_numbers<[1], [0], [0], [1], [0, 0, 1, 1], [], []>, precision = #tpu.contract_precision<fp32>, transpose_lhs_hint = false} : vector<256x128xf32>, vector<128x128xf32>, vector<256x128xf32> -> vector<256x128xf32>
    %slice3A_347 = vector.extract_strided_slice %max3A_37 {offsets = [0, 22], sizes = [256, 1], strides = [1, 1]} : vector<256x32xf32> to vector<256x1xf32>
    %mul3A_348 = vector.broadcast %slice3A_347 : vector<256x1xf32> to vector<256x128xf32>
    %mul3A_349 = arith.mulf %mul3A_348, %dot_general3A_346 : vector<256x128xf32>
    %add3A_350 = arith.addf %add3A_337, %mul3A_349 : vector<256x128xf32>
    %slice3A_351 = vector.extract_strided_slice %max3A_51 {offsets = [0, 22], sizes = [256, 1], strides = [1, 1]} : vector<256x32xf32> to vector<256x1xf32>
    %mul3A_352 = vector.broadcast %slice3A_351 : vector<256x1xf32> to vector<256x128xf32>
    %mul3A_353 = arith.mulf %mul3A_352, %dot_general3A_346 : vector<256x128xf32>
    %add3A_354 = arith.addf %add3A_341, %mul3A_353 : vector<256x128xf32>
    %get3A_355 = arith.constant 2944 : index
    %get3A_356 = arith.constant 0 : index
    %get3A_357 = vector.load %arg8[%get3A_355, %get3A_356] : memref<4096x128xf32, #tpu.memory_space<vmem>>, vector<128x128xf32>
    %dot_general3A_358 = arith.constant dense<0.000000e+00> : vector<256x128xf32>
    %dot_general3A_359 = tpu.matmul %max3A_11, %get3A_357, %dot_general3A_358 {dimension_numbers = #tpu.dot_dimension_numbers<[1], [0], [0], [1], [0, 0, 1, 1], [], []>, precision = #tpu.contract_precision<fp32>, transpose_lhs_hint = false} : vector<256x128xf32>, vector<128x128xf32>, vector<256x128xf32> -> vector<256x128xf32>
    %slice3A_360 = vector.extract_strided_slice %max3A_37 {offsets = [0, 23], sizes = [256, 1], strides = [1, 1]} : vector<256x32xf32> to vector<256x1xf32>
    %mul3A_361 = vector.broadcast %slice3A_360 : vector<256x1xf32> to vector<256x128xf32>
    %mul3A_362 = arith.mulf %mul3A_361, %dot_general3A_359 : vector<256x128xf32>
    %add3A_363 = arith.addf %add3A_350, %mul3A_362 : vector<256x128xf32>
    %slice3A_364 = vector.extract_strided_slice %max3A_51 {offsets = [0, 23], sizes = [256, 1], strides = [1, 1]} : vector<256x32xf32> to vector<256x1xf32>
    %mul3A_365 = vector.broadcast %slice3A_364 : vector<256x1xf32> to vector<256x128xf32>
    %mul3A_366 = arith.mulf %mul3A_365, %dot_general3A_359 : vector<256x128xf32>
    %add3A_367 = arith.addf %add3A_354, %mul3A_366 : vector<256x128xf32>
    %get3A_368 = arith.constant 3072 : index
    %get3A_369 = arith.constant 0 : index
    %get3A_370 = vector.load %arg8[%get3A_368, %get3A_369] : memref<4096x128xf32, #tpu.memory_space<vmem>>, vector<128x128xf32>
    %dot_general3A_371 = arith.constant dense<0.000000e+00> : vector<256x128xf32>
    %dot_general3A_372 = tpu.matmul %max3A_11, %get3A_370, %dot_general3A_371 {dimension_numbers = #tpu.dot_dimension_numbers<[1], [0], [0], [1], [0, 0, 1, 1], [], []>, precision = #tpu.contract_precision<fp32>, transpose_lhs_hint = false} : vector<256x128xf32>, vector<128x128xf32>, vector<256x128xf32> -> vector<256x128xf32>
    %slice3A_373 = vector.extract_strided_slice %max3A_37 {offsets = [0, 24], sizes = [256, 1], strides = [1, 1]} : vector<256x32xf32> to vector<256x1xf32>
    %mul3A_374 = vector.broadcast %slice3A_373 : vector<256x1xf32> to vector<256x128xf32>
    %mul3A_375 = arith.mulf %mul3A_374, %dot_general3A_372 : vector<256x128xf32>
    %add3A_376 = arith.addf %add3A_363, %mul3A_375 : vector<256x128xf32>
    %slice3A_377 = vector.extract_strided_slice %max3A_51 {offsets = [0, 24], sizes = [256, 1], strides = [1, 1]} : vector<256x32xf32> to vector<256x1xf32>
    %mul3A_378 = vector.broadcast %slice3A_377 : vector<256x1xf32> to vector<256x128xf32>
    %mul3A_379 = arith.mulf %mul3A_378, %dot_general3A_372 : vector<256x128xf32>
    %add3A_380 = arith.addf %add3A_367, %mul3A_379 : vector<256x128xf32>
    %get3A_381 = arith.constant 3200 : index
    %get3A_382 = arith.constant 0 : index
    %get3A_383 = vector.load %arg8[%get3A_381, %get3A_382] : memref<4096x128xf32, #tpu.memory_space<vmem>>, vector<128x128xf32>
    %dot_general3A_384 = arith.constant dense<0.000000e+00> : vector<256x128xf32>
    %dot_general3A_385 = tpu.matmul %max3A_11, %get3A_383, %dot_general3A_384 {dimension_numbers = #tpu.dot_dimension_numbers<[1], [0], [0], [1], [0, 0, 1, 1], [], []>, precision = #tpu.contract_precision<fp32>, transpose_lhs_hint = false} : vector<256x128xf32>, vector<128x128xf32>, vector<256x128xf32> -> vector<256x128xf32>
    %slice3A_386 = vector.extract_strided_slice %max3A_37 {offsets = [0, 25], sizes = [256, 1], strides = [1, 1]} : vector<256x32xf32> to vector<256x1xf32>
    %mul3A_387 = vector.broadcast %slice3A_386 : vector<256x1xf32> to vector<256x128xf32>
    %mul3A_388 = arith.mulf %mul3A_387, %dot_general3A_385 : vector<256x128xf32>
    %add3A_389 = arith.addf %add3A_376, %mul3A_388 : vector<256x128xf32>
    %slice3A_390 = vector.extract_strided_slice %max3A_51 {offsets = [0, 25], sizes = [256, 1], strides = [1, 1]} : vector<256x32xf32> to vector<256x1xf32>
    %mul3A_391 = vector.broadcast %slice3A_390 : vector<256x1xf32> to vector<256x128xf32>
    %mul3A_392 = arith.mulf %mul3A_391, %dot_general3A_385 : vector<256x128xf32>
    %add3A_393 = arith.addf %add3A_380, %mul3A_392 : vector<256x128xf32>
    %get3A_394 = arith.constant 3328 : index
    %get3A_395 = arith.constant 0 : index
    %get3A_396 = vector.load %arg8[%get3A_394, %get3A_395] : memref<4096x128xf32, #tpu.memory_space<vmem>>, vector<128x128xf32>
    %dot_general3A_397 = arith.constant dense<0.000000e+00> : vector<256x128xf32>
    %dot_general3A_398 = tpu.matmul %max3A_11, %get3A_396, %dot_general3A_397 {dimension_numbers = #tpu.dot_dimension_numbers<[1], [0], [0], [1], [0, 0, 1, 1], [], []>, precision = #tpu.contract_precision<fp32>, transpose_lhs_hint = false} : vector<256x128xf32>, vector<128x128xf32>, vector<256x128xf32> -> vector<256x128xf32>
    %slice3A_399 = vector.extract_strided_slice %max3A_37 {offsets = [0, 26], sizes = [256, 1], strides = [1, 1]} : vector<256x32xf32> to vector<256x1xf32>
    %mul3A_400 = vector.broadcast %slice3A_399 : vector<256x1xf32> to vector<256x128xf32>
    %mul3A_401 = arith.mulf %mul3A_400, %dot_general3A_398 : vector<256x128xf32>
    %add3A_402 = arith.addf %add3A_389, %mul3A_401 : vector<256x128xf32>
    %slice3A_403 = vector.extract_strided_slice %max3A_51 {offsets = [0, 26], sizes = [256, 1], strides = [1, 1]} : vector<256x32xf32> to vector<256x1xf32>
    %mul3A_404 = vector.broadcast %slice3A_403 : vector<256x1xf32> to vector<256x128xf32>
    %mul3A_405 = arith.mulf %mul3A_404, %dot_general3A_398 : vector<256x128xf32>
    %add3A_406 = arith.addf %add3A_393, %mul3A_405 : vector<256x128xf32>
    %get3A_407 = arith.constant 3456 : index
    %get3A_408 = arith.constant 0 : index
    %get3A_409 = vector.load %arg8[%get3A_407, %get3A_408] : memref<4096x128xf32, #tpu.memory_space<vmem>>, vector<128x128xf32>
    %dot_general3A_410 = arith.constant dense<0.000000e+00> : vector<256x128xf32>
    %dot_general3A_411 = tpu.matmul %max3A_11, %get3A_409, %dot_general3A_410 {dimension_numbers = #tpu.dot_dimension_numbers<[1], [0], [0], [1], [0, 0, 1, 1], [], []>, precision = #tpu.contract_precision<fp32>, transpose_lhs_hint = false} : vector<256x128xf32>, vector<128x128xf32>, vector<256x128xf32> -> vector<256x128xf32>
    %slice3A_412 = vector.extract_strided_slice %max3A_37 {offsets = [0, 27], sizes = [256, 1], strides = [1, 1]} : vector<256x32xf32> to vector<256x1xf32>
    %mul3A_413 = vector.broadcast %slice3A_412 : vector<256x1xf32> to vector<256x128xf32>
    %mul3A_414 = arith.mulf %mul3A_413, %dot_general3A_411 : vector<256x128xf32>
    %add3A_415 = arith.addf %add3A_402, %mul3A_414 : vector<256x128xf32>
    %slice3A_416 = vector.extract_strided_slice %max3A_51 {offsets = [0, 27], sizes = [256, 1], strides = [1, 1]} : vector<256x32xf32> to vector<256x1xf32>
    %mul3A_417 = vector.broadcast %slice3A_416 : vector<256x1xf32> to vector<256x128xf32>
    %mul3A_418 = arith.mulf %mul3A_417, %dot_general3A_411 : vector<256x128xf32>
    %add3A_419 = arith.addf %add3A_406, %mul3A_418 : vector<256x128xf32>
    %get3A_420 = arith.constant 3584 : index
    %get3A_421 = arith.constant 0 : index
    %get3A_422 = vector.load %arg8[%get3A_420, %get3A_421] : memref<4096x128xf32, #tpu.memory_space<vmem>>, vector<128x128xf32>
    %dot_general3A_423 = arith.constant dense<0.000000e+00> : vector<256x128xf32>
    %dot_general3A_424 = tpu.matmul %max3A_11, %get3A_422, %dot_general3A_423 {dimension_numbers = #tpu.dot_dimension_numbers<[1], [0], [0], [1], [0, 0, 1, 1], [], []>, precision = #tpu.contract_precision<fp32>, transpose_lhs_hint = false} : vector<256x128xf32>, vector<128x128xf32>, vector<256x128xf32> -> vector<256x128xf32>
    %slice3A_425 = vector.extract_strided_slice %max3A_37 {offsets = [0, 28], sizes = [256, 1], strides = [1, 1]} : vector<256x32xf32> to vector<256x1xf32>
    %mul3A_426 = vector.broadcast %slice3A_425 : vector<256x1xf32> to vector<256x128xf32>
    %mul3A_427 = arith.mulf %mul3A_426, %dot_general3A_424 : vector<256x128xf32>
    %add3A_428 = arith.addf %add3A_415, %mul3A_427 : vector<256x128xf32>
    %slice3A_429 = vector.extract_strided_slice %max3A_51 {offsets = [0, 28], sizes = [256, 1], strides = [1, 1]} : vector<256x32xf32> to vector<256x1xf32>
    %mul3A_430 = vector.broadcast %slice3A_429 : vector<256x1xf32> to vector<256x128xf32>
    %mul3A_431 = arith.mulf %mul3A_430, %dot_general3A_424 : vector<256x128xf32>
    %add3A_432 = arith.addf %add3A_419, %mul3A_431 : vector<256x128xf32>
    %get3A_433 = arith.constant 3712 : index
    %get3A_434 = arith.constant 0 : index
    %get3A_435 = vector.load %arg8[%get3A_433, %get3A_434] : memref<4096x128xf32, #tpu.memory_space<vmem>>, vector<128x128xf32>
    %dot_general3A_436 = arith.constant dense<0.000000e+00> : vector<256x128xf32>
    %dot_general3A_437 = tpu.matmul %max3A_11, %get3A_435, %dot_general3A_436 {dimension_numbers = #tpu.dot_dimension_numbers<[1], [0], [0], [1], [0, 0, 1, 1], [], []>, precision = #tpu.contract_precision<fp32>, transpose_lhs_hint = false} : vector<256x128xf32>, vector<128x128xf32>, vector<256x128xf32> -> vector<256x128xf32>
    %slice3A_438 = vector.extract_strided_slice %max3A_37 {offsets = [0, 29], sizes = [256, 1], strides = [1, 1]} : vector<256x32xf32> to vector<256x1xf32>
    %mul3A_439 = vector.broadcast %slice3A_438 : vector<256x1xf32> to vector<256x128xf32>
    %mul3A_440 = arith.mulf %mul3A_439, %dot_general3A_437 : vector<256x128xf32>
    %add3A_441 = arith.addf %add3A_428, %mul3A_440 : vector<256x128xf32>
    %slice3A_442 = vector.extract_strided_slice %max3A_51 {offsets = [0, 29], sizes = [256, 1], strides = [1, 1]} : vector<256x32xf32> to vector<256x1xf32>
    %mul3A_443 = vector.broadcast %slice3A_442 : vector<256x1xf32> to vector<256x128xf32>
    %mul3A_444 = arith.mulf %mul3A_443, %dot_general3A_437 : vector<256x128xf32>
    %add3A_445 = arith.addf %add3A_432, %mul3A_444 : vector<256x128xf32>
    %get3A_446 = arith.constant 3840 : index
    %get3A_447 = arith.constant 0 : index
    %get3A_448 = vector.load %arg8[%get3A_446, %get3A_447] : memref<4096x128xf32, #tpu.memory_space<vmem>>, vector<128x128xf32>
    %dot_general3A_449 = arith.constant dense<0.000000e+00> : vector<256x128xf32>
    %dot_general3A_450 = tpu.matmul %max3A_11, %get3A_448, %dot_general3A_449 {dimension_numbers = #tpu.dot_dimension_numbers<[1], [0], [0], [1], [0, 0, 1, 1], [], []>, precision = #tpu.contract_precision<fp32>, transpose_lhs_hint = false} : vector<256x128xf32>, vector<128x128xf32>, vector<256x128xf32> -> vector<256x128xf32>
    %slice3A_451 = vector.extract_strided_slice %max3A_37 {offsets = [0, 30], sizes = [256, 1], strides = [1, 1]} : vector<256x32xf32> to vector<256x1xf32>
    %mul3A_452 = vector.broadcast %slice3A_451 : vector<256x1xf32> to vector<256x128xf32>
    %mul3A_453 = arith.mulf %mul3A_452, %dot_general3A_450 : vector<256x128xf32>
    %add3A_454 = arith.addf %add3A_441, %mul3A_453 : vector<256x128xf32>
    %slice3A_455 = vector.extract_strided_slice %max3A_51 {offsets = [0, 30], sizes = [256, 1], strides = [1, 1]} : vector<256x32xf32> to vector<256x1xf32>
    %mul3A_456 = vector.broadcast %slice3A_455 : vector<256x1xf32> to vector<256x128xf32>
    %mul3A_457 = arith.mulf %mul3A_456, %dot_general3A_450 : vector<256x128xf32>
    %add3A_458 = arith.addf %add3A_445, %mul3A_457 : vector<256x128xf32>
    %get3A_459 = arith.constant 3968 : index
    %get3A_460 = arith.constant 0 : index
    %get3A_461 = vector.load %arg8[%get3A_459, %get3A_460] : memref<4096x128xf32, #tpu.memory_space<vmem>>, vector<128x128xf32>
    %dot_general3A_462 = arith.constant dense<0.000000e+00> : vector<256x128xf32>
    %dot_general3A_463 = tpu.matmul %max3A_11, %get3A_461, %dot_general3A_462 {dimension_numbers = #tpu.dot_dimension_numbers<[1], [0], [0], [1], [0, 0, 1, 1], [], []>, precision = #tpu.contract_precision<fp32>, transpose_lhs_hint = false} : vector<256x128xf32>, vector<128x128xf32>, vector<256x128xf32> -> vector<256x128xf32>
    %slice3A_464 = vector.extract_strided_slice %max3A_37 {offsets = [0, 31], sizes = [256, 1], strides = [1, 1]} : vector<256x32xf32> to vector<256x1xf32>
    %mul3A_465 = vector.broadcast %slice3A_464 : vector<256x1xf32> to vector<256x128xf32>
    %mul3A_466 = arith.mulf %mul3A_465, %dot_general3A_463 : vector<256x128xf32>
    %add3A_467 = arith.addf %add3A_454, %mul3A_466 : vector<256x128xf32>
    %slice3A_468 = vector.extract_strided_slice %max3A_51 {offsets = [0, 31], sizes = [256, 1], strides = [1, 1]} : vector<256x32xf32> to vector<256x1xf32>
    %mul3A_469 = vector.broadcast %slice3A_468 : vector<256x1xf32> to vector<256x128xf32>
    %mul3A_470 = arith.mulf %mul3A_469, %dot_general3A_463 : vector<256x128xf32>
    %add3A_471 = arith.addf %add3A_458, %mul3A_470 : vector<256x128xf32>
    %slice3A_472 = vector.extract_strided_slice %add3A_467 {offsets = [128, 0], sizes = [128, 128], strides = [1, 1]} : vector<256x128xf32> to vector<128x128xf32>
    %slice3A_473 = vector.extract_strided_slice %add3A_467 {offsets = [0, 0], sizes = [128, 128], strides = [1, 1]} : vector<256x128xf32> to vector<128x128xf32>
    %concatenate3A_474 = tpu.concatenate %slice3A_472, %slice3A_473 in 0 : vector<128x128xf32>, vector<128x128xf32> -> vector<256x128xf32>
    %add3A_475 = arith.addf %concatenate3A_474, %add3A_471 : vector<256x128xf32>
    %get3A_476 = arith.constant 0 : index
    %get3A_477 = arith.constant 0 : index
    %get3A_478 = vector.load %arg10[%get3A_476, %get3A_477] : memref<128x128xf32, #tpu.memory_space<vmem>>, vector<128x128xf32>
    %dot_general3A_479 = arith.constant dense<0.000000e+00> : vector<256x128xf32>
    %dot_general3A_480 = tpu.matmul %max3A_11, %get3A_478, %dot_general3A_479 {dimension_numbers = #tpu.dot_dimension_numbers<[1], [0], [0], [1], [0, 0, 1, 1], [], []>, precision = #tpu.contract_precision<fp32>, transpose_lhs_hint = false} : vector<256x128xf32>, vector<128x128xf32>, vector<256x128xf32> -> vector<256x128xf32>
    %add3A_481 = arith.addf %dot_general3A_480, %add3A_475 : vector<256x128xf32>
    %get3A_482 = arith.constant 0 : index
    %get3A_483 = arith.constant 0 : index
    %get3A_484 = vector.load %arg11[%get3A_482, %get3A_483] : memref<1x128xf32, #tpu.memory_space<vmem>>, vector<1x128xf32>
    %add3A_485 = vector.broadcast %get3A_484 : vector<1x128xf32> to vector<256x128xf32>
    %add3A_486 = arith.addf %add3A_481, %add3A_485 : vector<256x128xf32>
    %max3A_487 = arith.constant 0.000000e+00 : f32
    %max3A_488 = vector.broadcast %max3A_487 : f32 to vector<256x128xf32>
    %max3A_489 = arith.maximumf %add3A_486, %max3A_488 : vector<256x128xf32>
    %get3A_490 = arith.constant 0 : index
    %get3A_491 = arith.constant 0 : index
    %get3A_492 = vector.load %arg12[%get3A_490, %get3A_491] : memref<384x128xf32, #tpu.memory_space<vmem>>, vector<384x128xf32>
    %dot_general3A_493 = arith.constant dense<0.000000e+00> : vector<256x384xf32>
    %dot_general3A_494 = tpu.matmul %max3A_489, %get3A_492, %dot_general3A_493 {dimension_numbers = #tpu.dot_dimension_numbers<[1], [1], [0], [0], [0, 0, 1, 0], [], []>, precision = #tpu.contract_precision<fp32>, transpose_lhs_hint = false} : vector<256x128xf32>, vector<384x128xf32>, vector<256x384xf32> -> vector<256x384xf32>
    %get3A_495 = arith.constant 0 : index
    %get3A_496 = arith.constant 0 : index
    %get3A_497 = vector.load %arg14[%get3A_495, %get3A_496] : memref<1x384xf32, #tpu.memory_space<vmem>>, vector<1x384xf32>
    %add3A_498 = vector.broadcast %get3A_497 : vector<1x384xf32> to vector<256x384xf32>
    %add3A_499 = arith.addf %dot_general3A_494, %add3A_498 : vector<256x384xf32>
    %get3A_500 = arith.constant 0 : index
    %get3A_501 = arith.constant 0 : index
    %get3A_502 = vector.load %arg13[%get3A_500, %get3A_501] : memref<384x128xf32, #tpu.memory_space<vmem>>, vector<384x128xf32>
    %dot_general3A_503 = arith.constant dense<0.000000e+00> : vector<256x384xf32>
    %dot_general3A_504 = tpu.matmul %max3A_11, %get3A_502, %dot_general3A_503 {dimension_numbers = #tpu.dot_dimension_numbers<[1], [1], [0], [0], [0, 0, 1, 0], [], []>, precision = #tpu.contract_precision<fp32>, transpose_lhs_hint = false} : vector<256x128xf32>, vector<384x128xf32>, vector<256x384xf32> -> vector<256x384xf32>
    %get3A_505 = arith.constant 0 : index
    %get3A_506 = arith.constant 0 : index
    %get3A_507 = vector.load %arg15[%get3A_505, %get3A_506] : memref<1x384xf32, #tpu.memory_space<vmem>>, vector<1x384xf32>
    %add3A_508 = vector.broadcast %get3A_507 : vector<1x384xf32> to vector<256x384xf32>
    %add3A_509 = arith.addf %dot_general3A_504, %add3A_508 : vector<256x384xf32>
    %slice3A_510 = vector.extract_strided_slice %add3A_499 {offsets = [0, 0], sizes = [256, 128], strides = [1, 1]} : vector<256x384xf32> to vector<256x128xf32>
    %slice3A_511 = vector.extract_strided_slice %add3A_509 {offsets = [0, 0], sizes = [256, 128], strides = [1, 1]} : vector<256x384xf32> to vector<256x128xf32>
    %add3A_512 = arith.addf %slice3A_510, %slice3A_511 : vector<256x128xf32>
    %logistic3A = arith.negf %add3A_512 : vector<256x128xf32>
    %logistic3A_513 = math.exp %logistic3A : vector<256x128xf32>
    %logistic3A_514 = arith.constant 1.000000e+00 : f32
    %logistic3A_515 = vector.broadcast %logistic3A_514 : f32 to vector<256x128xf32>
    %logistic3A_516 = arith.addf %logistic3A_515, %logistic3A_513 : vector<256x128xf32>
    %logistic3A_517 = arith.divf %logistic3A_515, %logistic3A_516 : vector<256x128xf32>
    %slice3A_518 = vector.extract_strided_slice %add3A_499 {offsets = [0, 128], sizes = [256, 128], strides = [1, 1]} : vector<256x384xf32> to vector<256x128xf32>
    %slice3A_519 = vector.extract_strided_slice %add3A_509 {offsets = [0, 128], sizes = [256, 128], strides = [1, 1]} : vector<256x384xf32> to vector<256x128xf32>
    %add3A_520 = arith.addf %slice3A_518, %slice3A_519 : vector<256x128xf32>
    %logistic3A_521 = arith.negf %add3A_520 : vector<256x128xf32>
    %logistic3A_522 = math.exp %logistic3A_521 : vector<256x128xf32>
    %logistic3A_523 = arith.constant 1.000000e+00 : f32
    %logistic3A_524 = vector.broadcast %logistic3A_523 : f32 to vector<256x128xf32>
    %logistic3A_525 = arith.addf %logistic3A_524, %logistic3A_522 : vector<256x128xf32>
    %logistic3A_526 = arith.divf %logistic3A_524, %logistic3A_525 : vector<256x128xf32>
    %slice3A_527 = vector.extract_strided_slice %add3A_499 {offsets = [0, 256], sizes = [256, 128], strides = [1, 1]} : vector<256x384xf32> to vector<256x128xf32>
    %slice3A_528 = vector.extract_strided_slice %add3A_509 {offsets = [0, 256], sizes = [256, 128], strides = [1, 1]} : vector<256x384xf32> to vector<256x128xf32>
    %mul3A_529 = arith.mulf %logistic3A_517, %slice3A_528 : vector<256x128xf32>
    %add3A_530 = arith.addf %slice3A_527, %mul3A_529 : vector<256x128xf32>
    %tanh3A = math.tanh %add3A_530 : vector<256x128xf32>
    %sub3A = arith.constant 1.000000e+00 : f32
    %sub3A_531 = vector.broadcast %sub3A : f32 to vector<256x128xf32>
    %sub3A_532 = arith.subf %sub3A_531, %logistic3A_526 : vector<256x128xf32>
    %mul3A_533 = arith.mulf %sub3A_532, %tanh3A : vector<256x128xf32>
    %mul3A_534 = arith.mulf %logistic3A_526, %max3A_11 : vector<256x128xf32>
    %add3A_535 = arith.addf %mul3A_533, %mul3A_534 : vector<256x128xf32>
    %swap3A = arith.constant 0 : index
    %swap3A_536 = arith.constant 0 : index
    %swap3A_537 = vector.load %arg16[%swap3A, %swap3A_536] : memref<256x128xf32, #tpu.memory_space<vmem>>, vector<256x128xf32>
    tpu.vector_store %arg16[%swap3A, %swap3A_536], %add3A_535 {strides = array<i32>} : memref<256x128xf32, #tpu.memory_space<vmem>>, vector<256x128xf32>,
    return
  }
  func.func @transform_0(%arg0: i32) -> (i32, i32) {
    %c0_i32 = arith.constant 0 : i32
    %c0_i32_0 = arith.constant 0 : i32
    %c0_i32_1 = arith.constant 0 : i32
    return %c0_i32, %c0_i32_0 : i32, i32
  }
  func.func @transform_1(%arg0: i32) -> (i32, i32) {
    %c0_i32 = arith.constant 0 : i32
    %c0_i32_0 = arith.constant 0 : i32
    %c0_i32_1 = arith.constant 0 : i32
    return %c0_i32, %c0_i32_0 : i32, i32
  }
  func.func @transform_2(%arg0: i32) -> (i32, i32) {
    %c0_i32 = arith.constant 0 : i32
    %c0_i32_0 = arith.constant 0 : i32
    %c0_i32_1 = arith.constant 0 : i32
    return %c0_i32, %c0_i32_0 : i32, i32
  }
  func.func @transform_3(%arg0: i32) -> (i32, i32) {
    %c0_i32 = arith.constant 0 : i32
    %c0_i32_0 = arith.constant 0 : i32
    %c0_i32_1 = arith.constant 0 : i32
    return %c0_i32, %c0_i32_0 : i32, i32
  }
  func.func @transform_4(%arg0: i32) -> (i32, i32) {
    %c0_i32 = arith.constant 0 : i32
    %c0_i32_0 = arith.constant 0 : i32
    %c0_i32_1 = arith.constant 0 : i32
    return %c0_i32, %c0_i32_0 : i32, i32
  }
  func.func @transform_5(%arg0: i32) -> (i32, i32) {
    %c0_i32 = arith.constant 0 : i32
    %c0_i32_0 = arith.constant 0 : i32
    %c0_i32_1 = arith.constant 0 : i32
    return %c0_i32, %c0_i32_0 : i32, i32
  }
  func.func @transform_6(%arg0: i32) -> (i32, i32) {
    %c0_i32 = arith.constant 0 : i32
    %c0_i32_0 = arith.constant 0 : i32
    %c0_i32_1 = arith.constant 0 : i32
    return %c0_i32, %c0_i32_0 : i32, i32
  }
  func.func @transform_7(%arg0: i32) -> (i32, i32) {
    %c0_i32 = arith.constant 0 : i32
    %c0_i32_0 = arith.constant 0 : i32
    %c0_i32_1 = arith.constant 0 : i32
    return %c0_i32, %c0_i32_0 : i32, i32
  }
  func.func @transform_8(%arg0: i32) -> (i32, i32) {
    %c0_i32 = arith.constant 0 : i32
    %c0_i32_0 = arith.constant 0 : i32
    %c0_i32_1 = arith.constant 0 : i32
    return %c0_i32, %c0_i32_0 : i32, i32
  }
  func.func @transform_9(%arg0: i32) -> (i32, i32) {
    %c0_i32 = arith.constant 0 : i32
    %c0_i32_0 = arith.constant 0 : i32
    %c0_i32_1 = arith.constant 0 : i32
    return %c0_i32, %c0_i32_0 : i32, i32
  }
  func.func @transform_10(%arg0: i32) -> (i32, i32) {
    %c0_i32 = arith.constant 0 : i32
    %c0_i32_0 = arith.constant 0 : i32
    %c0_i32_1 = arith.constant 0 : i32
    return %c0_i32, %c0_i32_0 : i32, i32
  }
  func.func @transform_11(%arg0: i32) -> (i32, i32) {
    %c0_i32 = arith.constant 0 : i32
    %c0_i32_0 = arith.constant 0 : i32
    %c0_i32_1 = arith.constant 0 : i32
    return %c0_i32, %c0_i32_0 : i32, i32
  }
  func.func @transform_12(%arg0: i32) -> (i32, i32) {
    %c0_i32 = arith.constant 0 : i32
    %c0_i32_0 = arith.constant 0 : i32
    %c0_i32_1 = arith.constant 0 : i32
    return %c0_i32, %c0_i32_0 : i32, i32
  }
  func.func @transform_13(%arg0: i32) -> (i32, i32) {
    %c0_i32 = arith.constant 0 : i32
    %c0_i32_0 = arith.constant 0 : i32
    %c0_i32_1 = arith.constant 0 : i32
    return %c0_i32, %c0_i32_0 : i32, i32
  }
  func.func @transform_14(%arg0: i32) -> (i32, i32) {
    %c0_i32 = arith.constant 0 : i32
    %c0_i32_0 = arith.constant 0 : i32
    %c0_i32_1 = arith.constant 0 : i32
    return %c0_i32, %c0_i32_0 : i32, i32
  }
  func.func @transform_15(%arg0: i32) -> (i32, i32) {
    %c0_i32 = arith.constant 0 : i32
    %c0_i32_0 = arith.constant 0 : i32
    %c0_i32_1 = arith.constant 0 : i32
    return %c0_i32, %c0_i32_0 : i32, i32
  }
}

</mosaic_0001>

<sc_bundles>
// kernel: kernel.13.cloned.1.call-start
scs
__scs_entry_jumppad:
0x0: {  	(pc) =	sbr.rel $0x88, $3  }
0x1: {  	(tag) =	ssettag $0x0;
	lr =	simm.s32 $0x1  }
0x2: {  	[smem:$0x3F67] =	sst lr;
	_ =	strace $0xD0000000  }
0x3: {  	_ = 	snop  }
0x4: {  	_ = 	snop  }
0x5: {  	_ = 	snop  }
0x6: {  	_ = 	snop  }
0x7: {  	_ = 	snop  }
__scs_overlays_trampoline_lowered:
0x8: {  	[smem:$0x3F76] =	sst s0  }
0x9: {  	[smem:$0x3F77] =	sst s1  }
0xa: {  	[smem:$0x3F78] =	sst s2  }
0xb: {  	[smem:$0x3F79] =	sst s3  }
0xc: {  	[smem:$0x3F7A] =	sst s4  }
0xd: {  	[smem:$0x3F7B] =	sst s5  }
0xe: {  	[smem:$0x3F7C] =	sst s6  }
0xf: {  	[smem:$0x3F7D] =	sst s7  }
0x10: {  	[smem:$0x3F7E] =	sst s8  }
0x11: {  	[smem:$0x3F7F] =	sst s9;
	s0 =	simm.s32 @!p0 $0x0  }
0x12: {  	s1 =	sld [smem:$0x3F65];
	s0 =	simm.s32 @p0 $0x1  }
0x13: {  	[smem:$0x3F80] =	sst s0;
	s0 =	simm.s32 @!p1 $0x0  }
0x14: {  	s2 =	sld [smem:$0x3F64];
	s0 =	simm.s32 @p1 $0x1  }
0x15: {  	[smem:$0x3F81] =	sst s0;
	s0 =	simm.s32 @!p2 $0x0  }
0x16: {  	s3 =	sld [smem:$0x3FDB];
	s0 =	simm.s32 @p2 $0x1  }
0x17: {  	s4 =	simm.s32 $0x1BF5;
	[smem:$0x3F83] =	sst s0  }
0x18: {  	s0 =	sld [smem:$0x3F66];
	_ =	swait.ge [sflag:s4], $0x0  }
0x19: {  	s7 =	sld [smem:$0x3F67]  }
0x1a: {  	s8 =	sadd.s32 $0xFFFFE003, lr  }
0x1b: {  	s9 =	sadd.s32 $0xFFFFFEF7, lr;
	s5 =	simm.s32 $0xFFFFFFFF;
	p2 =	slt.u32 s8, $0xFFFFF086  }
0x1c: {  	p1 =	slt.u32 s9, $0xF7A;
	s5 =	simm.s32 @!p2 $0x0  }
0x1d: {  	s5 =	simm.s32 @p1 $0x1;
	p0 =	seq.s32 s7, s2  }
0x1e: {  	s7 =	smul.u32 @!p0 $0xF7A, s2;
	p2 =	seq.s32 @!p0 s5, $0x0  }
0x1f: {  	s9 =	smul.u32 $0xF7A, s1;
	s8 =	simm.s32 @!p0 $0x1BF5;
	p2 =	por !p2, p0  }
0x20: {  	[sflag:s8] =	ssyncset.s32 @!p0 $0xFFFFF086;
	s6 =	sadd.s32 @!p0 s3, s7;
	s7 =	simm.s32 @!p0 $0x108  }
0x21: {  	s3 =	sadd.s32 s3, s9;
	s6 =	sadd.s32 @!p0 $0x88, s6;
	s7 =	simm.s32 @p2 $0x1082  }
0x22: {  	[simem:s7], [sflag:s8] =	dma.local @!p0 [hbm:s6], $0xF7A  }
0x23: {  	s9 =	sor.u32 $0xD0000000, s2;
	s6 =	simm.s32 $0x108;
	_ =	swait.ge @!p0 [sflag:s8], $0x0  }
0x24: {  	s3 =	sadd.s32 $0x88, s3;
	s6 =	simm.s32 @!p1 $0x1082;
	[sflag:s4] =	ssyncset.s32 $0xFFFFF086  }
0x25: {  	[simem:s6], [sflag:s4] =	dma.local [hbm:s3], $0xF7A  }
0x26: {  	[smem:$0x3F67] =	sst s1;
	(tag) =	ssettag s2;
	_ =	strace s9  }
0x27: {  	s1 =	sld [smem:$0x3F77]  }
0x28: {  	s2 =	sld [smem:$0x3F78]  }
0x29: {  	s4 =	sld [smem:$0x3F7A]  }
0x2a: {  	p0 =	seq.s32 s5, $0x0;
	s5 =	sld [smem:$0x3F7B]  }
0x2b: {  	s6 =	sld [smem:$0x3F7C]  }
0x2c: {  	s7 =	sld [smem:$0x3F7D]  }
0x2d: {  	s3 =	simm.s32 $0x108;
	s8 =	sld [smem:$0x3F7E]  }
0x2e: {  	s3 =	simm.s32 @!p0 $0x1082;
	s9 =	sld [smem:$0x3F7F]  }
0x2f: {  	lr =	sadd.s32 s0, s3;
	s0 =	sld [smem:$0x3F76]  }
0x30: {  	s3 =	sld [smem:$0x3F79]  }
0x31: {  	[smem:$0x3F82] =	sst s10  }
0x32: {  	s10 =	sld [smem:$0x3F80];
	_ =	sdelay $0x3  }
0x33: {  	p0 =	seq.s32 s10, $0x1;
	s10 =	sld [smem:$0x3F82];
	_ =	sdelay $0x3  }
0x34: {  	[smem:$0x3F82] =	sst s10  }
0x35: {  	s10 =	sld [smem:$0x3F81];
	_ =	sdelay $0x3  }
0x36: {  	p1 =	seq.s32 s10, $0x1;
	s10 =	sld [smem:$0x3F82];
	_ =	sdelay $0x3  }
0x37: {  	[smem:$0x3F82] =	sst s10  }
0x38: {  	s10 =	sld [smem:$0x3F83]  }
0x39: {  	_ = 	snop;
	(pc) =	sbr.ind lr, $3  }
0x3a: {  	_ = 	snop  }
0x3b: {  	_ = 	snop  }
0x3c: {  	p2 =	seq.s32 s10, $0x1;
	s10 =	sld [smem:$0x3F82]  }
0x3d: {  	_ =	shalt  }
0x3e: {  	_ =	shalt  }
0x3f: {  	_ =	shalt  }
0x40: {  	_ =	shalt  }
0x41: {  	_ =	shalt  }
0x42: {  	_ =	shalt  }
0x43: {  	_ =	shalt  }
0x44: {  	_ =	shalt  }
0x45: {  	_ =	shalt  }
0x46: {  	_ =	shalt  }
0x47: {  	_ =	shalt  }
0x48: {  	_ =	shalt  }
0x49: {  	_ =	shalt  }
0x4a: {  	_ =	shalt  }
0x4b: {  	_ =	shalt  }
0x4c: {  	_ =	shalt  }
0x4d: {  	_ =	shalt  }
0x4e: {  	_ =	shalt  }
0x4f: {  	_ =	shalt  }
0x50: {  	_ =	shalt  }
0x51: {  	_ =	shalt  }
0x52: {  	_ =	shalt  }
0x53: {  	_ =	shalt  }
0x54: {  	_ =	shalt  }
0x55: {  	_ =	shalt  }
0x56: {  	_ =	shalt  }
0x57: {  	_ =	shalt  }
0x58: {  	_ =	shalt  }
0x59: {  	_ =	shalt  }
0x5a: {  	_ =	shalt  }
0x5b: {  	_ =	shalt  }
0x5c: {  	_ =	shalt  }
0x5d: {  	_ =	shalt  }
0x5e: {  	_ =	shalt  }
0x5f: {  	_ =	shalt  }
0x60: {  	_ =	shalt  }
0x61: {  	_ =	shalt  }
0x62: {  	_ =	shalt  }
0x63: {  	_ =	shalt  }
0x64: {  	_ =	shalt  }
0x65: {  	_ =	shalt  }
0x66: {  	_ =	shalt  }
0x67: {  	_ =	shalt  }
0x68: {  	_ =	shalt  }
0x69: {  	_ =	shalt  }
0x6a: {  	_ =	shalt  }
0x6b: {  	_ =	shalt  }
0x6c: {  	_ =	shalt  }
0x6d: {  	_ =	shalt  }
0x6e: {  	_ =	shalt  }
0x6f: {  	_ =	shalt  }
0x70: {  	_ =	shalt  }
0x71: {  	_ =	shalt  }
0x72: {  	_ =	shalt  }
0x73: {  	_ =	shalt  }
0x74: {  	_ =	shalt  }
0x75: {  	_ =	shalt  }
0x76: {  	_ =	shalt  }
0x77: {  	_ =	shalt  }
0x78: {  	_ =	shalt  }
0x79: {  	_ =	shalt  }
0x7a: {  	_ =	shalt  }
0x7b: {  	_ =	shalt  }
0x7c: {  	_ =	shalt  }
0x7d: {  	_ =	shalt  }
0x7e: {  	_ =	shalt  }
0x7f: {  	_ =	shalt  }
0x80: {  	_ =	shalt  }
0x81: {  	_ =	shalt  }
0x82: {  	_ =	shalt  }
0x83: {  	_ =	shalt  }
0x84: {  	_ =	shalt  }
0x85: {  	_ =	shalt  }
0x86: {  	_ =	shalt  }
0x87: {  	_ =	shalt  }
.Lfunc_end0:
.L_simem_size_0:
called_computation.1_lowered:
.L_overlay_start_0:
0x88: {  	s2 =	sld [smem:$0x3FD9]  }
0x89: {  	s3 =	sld [smem:$0x3FFE];
	_ =	sdelay $0x1  }
0x8a: {  	s1 =	srdreg.scid  }
0x8b: {  	s0 =	sand.u32 $0x1, s1  }
0x8c: {  	s17 =	sshll.u32 s0, $0xA;
	s2 =	sadd.s32 s3, s2  }
0x8d: {  	s2 =	sadd.s32 s2, s17  }
0x8e: {  	[smem:$0x3F8E] =	sst s2  }
0x8f: {  	_ = 	snop  }
0x90: {  	(tm) =	ssettm $0x1  }
0x91: {  	s18 =	sld [smem:$0x3FFB];
	_ =	sdelay $0x3  }
0x92: {  	_ =	strace s18  }
0x93: {  	s2 =	sld [smem:$0x3FFC];
	_ =	sdelay $0x3  }
0x94: {  	_ =	strace s2  }
0x95: {  	s2 =	sld [smem:$0x3FFD];
	_ =	sdelay $0x3  }
0x96: {  	_ =	strace s2  }
0x97: {  	_ =	strace $0x8FFFFFFF  }
0x98: {  	s19 =	sld [smem:$0x3FDB];
	_ =	sdelay $0x1  }
0x99: {  	s20 =	simm.s32 $_scs_section_size  }
0x9a: {  	s4 =	simm.s32 $_size__tile_overlayer_lowered;
	s5 =	simm.s32 $_tile_overlayer_lowered  }
0x9b: {  	s6 =	simm.s32 $0x1BFF;
	s21 =	sshll.u32 s5, $0x1;
	s3 =	sadd.s32 s20, s19  }
0x9c: {  	s22 =	simm.s32 $0x0;
	s4 =	sshll.u32 s4, $0x1;
	s5 =	sadd.s32 s21, s3  }
0x9d: {  	[timem:s22], [sflag:s6] =	dma.local [hbm:s5], s4  }
0x9e: {  	_ =	swait.ge [sflag:s6], s4  }
0x9f: {  	s4 =	ssub.s32 $0x0, s4;
	[sflag:s6] =	ssyncset.done $0x0  }
0xa0: {  	[sflag:s6] =	ssyncadd.s32 s4;
	_ =	sdelay $0x1  }
0xa1: {  	s23 =	simm.s32 $0x1B8B  }
0xa2: {  	_ =	swait.ge [sflag:s23], $0x1  }
0xa3: {  	[sflag:s23] =	ssyncset.done $0x0  }
0xa4: {  	[sflag:s23] =	ssyncadd.s32 $0xFFFFFFFF  }
0xa5: {  	s4 =	sld [smem:$0x0]  }
0xa6: {  	s5 =	sand.u32 $0xFFFFFFFE, s1  }
0xa7: {  	p0 =	sne.s32 s1, s5  }
0xa8: {  	s5 =	sshll.u32 @p0 s5, $0xE  }
0xa9: {  	s5 =	sadd.s32 @p0 $0x11B8D, s5;
	s6 =	sshll.u32 @p0 s4, $0x11  }
0xaa: {  	s5 =	sor.u32 @p0 s6, s5  }
0xab: {  	[sflag:s5] =	ssyncadd.remote.s32 @p0 $0x1;
	_ =	sdelay $0x1  }
0xac: {  	s5 =	simm.s32 @p0 $0x1B8D  }
0xad: {  	_ =	swait.eq @p0 [sflag:s5], $0x1  }
0xae: {  	[sflag:s5] =	ssyncadd.s32 @p0 $0xFFFFFFFF  }
0xaf: {  	s6 =	sshll.u32 @!p0 s1, $0xE  }
0xb0: {  	s6 =	sor.u32 @!p0 $0x4000, s6;
	s5 =	simm.s32 @!p0 $0x1B8D  }
0xb1: {  	s4 =	sshll.u32 @!p0 s4, $0x11;
	s6 =	sadd.s32 @!p0 $0x11B8D, s6;
	_ =	swait.eq @!p0 [sflag:s5], $0x1  }
0xb2: {  	s4 =	sor.u32 @!p0 s4, s6;
	[sflag:s5] =	ssyncadd.s32 @!p0 $0xFFFFFFFF  }
0xb3: {  	s25 =	simm.s32 $0x1B8E;
	s24 =	sld [smem:$0x3FFE];
	[sflag:s4] =	ssyncadd.remote.s32 @!p0 $0x1  }
0xb4: {  	s26 =	simm.s32 $execute0_lowered;
	[smem:$0x3FD2] =	sst s25  }
0xb5: {  	s5 =	sshll.u32 s26, $0x1;
	_ =	strace $0x8000004C;
	[dreg:$0x1] =	wrdreg $0xFFFFFFFF  }
0xb6: {  	s28 =	simm.s32 $_size_execute0_lowered;
	s3 =	sadd.s32 s3, s5;
	[dreg:$0x0] =	wrdreg $0x0  }
0xb7: {  	s5 =	sshll.u32 s28, $0x1;
	[dreg:$0x2] =	wrdreg s3  }
0xb8: {  	[dreg:$0x3] =	wrdreg s5  }
0xb9: {  	[dreg:$0x4] =	wrdreg $0xC0  }
0xba: {  	_ =	task [dreg:s22], $0x5FFFF  }
0xbb: {  	[dreg:$0x1] =	wrdreg $0xFFFFFFFF  }
0xbc: {  	[dreg:$0x0] =	wrdreg $0x60  }
0xbd: {  	[dreg:$0x2] =	wrdreg s24  }
0xbe: {  	[dreg:$0x3] =	wrdreg $0x61000  }
0xbf: {  	[dreg:$0x4] =	wrdreg $0xA  }
0xc0: {  	_ =	task.clear_ibuf [dreg:s22], $0x5FFFF;
	_ =	strace $0x9000004C  }
0xc1: {  	s29 =	simm.s32 $0xA;
	_ =	strace $0x8000004E  }
0xc2: {  	_ =	swait.ge [sflag:s29], $0x1  }
0xc3: {  	[sflag:s29] =	ssyncadd.s32 $0xFFFFFFFF  }
0xc4: {  	_ =	strace $0x9000004E  }
0xc5: {  	_ =	sfence  }
0xc6: {  	s30 =	sld [smem:$0x0];
	_ =	sdelay $0x2  }
0xc7: {  	s31 =	sshll.u32 s1, $0xD;
	s1 =	sshrl.u32 s1, $0x2  }
0xc8: {  	s4 =	sand.u32 $0x4000, s31;
	s1 =	sadd.s32 s1, s30  }
0xc9: {  	s0 =	sor.u32 s4, s0;
	s1 =	sshll.u32 s1, $0x11  }
0xca: {  	s0 =	sor.u32 s1, s0  }
0xcb: {  	s0 =	sadd.s32 $0x8F2B, s0  }
0xcc: {  	[sflag:s0] =	ssyncadd.remote.s32 $0x1  }
0xcd: {  	_ =	sfence.sel $0xFFFF  }
0xce: {  	[dreg:$0x0] =	wrdreg $0xFFFFFFFF;
	(pc) =	sbr.abs _section_cstart, $3  }
0xcf: {  	[dreg:$0x1] =	wrdreg $0xFFFFFFFF  }
0xd0: {  	_ =	task.clear_ibuf [dreg:s22], $0x2FFFF;
	_ =	strace $0x9FFFFFFF  }
0xd1: {  	(tm) =	ssettm $0x7FFFFFFF  }
tec
execute0_lowered:
.L_overlay_start_1:
0x0: {  	(tag) =	ssettag $0x1  }
0x1: {  	s0 =	rddreg [dreg:$0x0]  }
0x2: {  	s1 =	rddreg [dreg:$0x1];
	s3 =	simm.s32 $0x0  }
0x3: {  	s2 =	srdreg.scid;
	s14 =	stileid.u32;
	s28 =	simm.s32 $0x2  }
0x4: {  	s29 =	simm.s32 $0x100;
	s30 =	simm.s32 $0x2100;
	s31 =	simm.s32 $0x3  }
0x5: {  	[smem:$0x7FF] =	sst s3;
	s10 =	smul.u32 $0x14000, s14;
	s4 =	sadd.s32 $0xBD2E00, s0  }
0x6: {  	s2 =	sand.u32 $0x1, s2;
	s5 =	sadd.s32 $0xBFAE00, s0;
	s6 =	sadd.s32 $0xC36A00, s0  }
0x7: {  	s7 =	sadd.s32 $0xC23000, s0;
	s8 =	sadd.s32 $0xB0B400, s0;
	s12 =	smul.u32 $0x50000, s14  }
0x8: {  	s21 =	sshll.u32 s14, $0x1;
	_ =	strace $0x8000004D;
	s9 =	smul.u32 $0x140000, s2  }
0x9: {  	s11 =	ssub.s32 $0x2, s2;
	s2 =	sor.u32 s2, s21;
	s12 =	sshrl.u32 s12, $0x2  }
0xa: {  	s20 =	sshrl.u32 s11, $0x1;
	s9 =	sadd.s32 s10, s9;
	s22 =	sadd.s32 s12, s1  }
0xb: {  	s10 =	sadd.s32 s10, s1;
	s9 =	sshrl.u32 s9, $0x3;
	s12 =	sadd.s32 $0x2000, s22  }
0xc: {  	s23 =	sadd.s32 $0x4000, s22;
	s24 =	sadd.s32 $0x6000, s22;
	s25 =	sadd.s32 $0x8000, s22  }
0xd: {  	s26 =	sadd.s32 $0xA000, s22;
	s16 =	sadd.s32 $0xC000, s22;
	[dreg:$0x3] =	wrdreg s12  }
0xe: {  	s17 =	sadd.s32 $0xE000, s22;
	s18 =	sadd.s32 $0x10000, s22;
	[dreg:$0x4] =	wrdreg s23  }
0xf: {  	s19 =	sadd.s32 $0x12000, s22;
	s13 =	sadd.s32 s9, s0;
	[dreg:$0x5] =	wrdreg s24  }
0x10: {  	s9 =	sadd.s32 $0x5EC00, s0;
	s0 =	ssub.s32 s11, s20;
	[dreg:$0x6] =	wrdreg s25  }
0x11: {  	[dreg:$0x7] =	wrdreg s26;
	s20 =	smul.u32 $0x4E80, s2;
	s23 =	simm.s32 $0x4100  }
0x12: {  	s24 =	simm.s32 $0x4;
	s25 =	simm.s32 $0x80;
	s26 =	simm.s32 $0x1  }
0x13: {  	v0 =	vimm.f32 $0.0e+00;
	s21 =	sadd.s32 $0xEC00, s13;
	s22 =	smax.u32 s0, $0x1;
	s0 =	simm.s32 $0x0  }
.LBB2_1:
0x14: {  	s11 =	simm.s32 $0x100;
	s2 =	simm.s32 $0x0  }
.LBB2_2:
0x15: {  	p0 =	sne.s32 s11, $0x7F00;
	[tilespmem:s2+$0x4130] =	vst v0;
	s12 =	smov.u32 s11;
	s11 =	sadd.s32 $0x100, s11  }
.Ltmp0:
0x16: {  	[tilespmem:s2+$0x4120] =	vst v0;
	(pc) =	sbr.rel @p0 .LBB2_2-.Ltmp0, $3  }
0x17: {  	[tilespmem:s2+$0x4100] =	vst v0  }
0x18: {  	[tilespmem:s2+$0x4110] =	vst v0;
	_ =	sdelay $0x1  }
0x19: {  	s2 =	sshra.s32 s12, $0x2  }
0x1a: {  	[tilespmem:s2+$0x4130] =	vst v0  }
0x1b: {  	[tilespmem:s2+$0x4120] =	vst v0  }
0x1c: {  	[tilespmem:s2+$0x4100] =	vst v0  }
0x1d: {  	[tilespmem:s2+$0x4110] =	vst v0  }
0x1e: {  	[spmem:s10] =	stream.linear.scatter [tilespmem:s23], [sflag:$0x4], $0x2000, $0x38;
	[tilespmem:$0x1A100] =	vst v63  }
0x1f: {  	_ =	swait.ge [sflag:s24], $0x2000  }
0x20: {  	[sflag:s24] =	ssyncset.done $0x0  }
0x21: {  	s11 =	rddreg [dreg:$0x3];
	[sflag:s24] =	ssyncadd.s32 $0xFFFFE000  }
0x22: {  	[spmem:s11] =	stream.linear.scatter [tilespmem:s23], [sflag:$0x4], $0x2000, $0x38;
	[tilespmem:$0x1A100] =	vst v63  }
0x23: {  	_ =	swait.ge [sflag:s24], $0x2000  }
0x24: {  	[sflag:s24] =	ssyncset.done $0x0  }
0x25: {  	s12 =	rddreg [dreg:$0x4];
	[sflag:s24] =	ssyncadd.s32 $0xFFFFE000  }
0x26: {  	[spmem:s12] =	stream.linear.scatter [tilespmem:s23], [sflag:$0x4], $0x2000, $0x38;
	[tilespmem:$0x1A100] =	vst v63  }
0x27: {  	_ =	swait.ge [sflag:s24], $0x2000  }
0x28: {  	[sflag:s24] =	ssyncset.done $0x0  }
0x29: {  	s13 =	rddreg [dreg:$0x5];
	[sflag:s24] =	ssyncadd.s32 $0xFFFFE000  }
0x2a: {  	[spmem:s13] =	stream.linear.scatter [tilespmem:s23], [sflag:$0x4], $0x2000, $0x38;
	[tilespmem:$0x1A100] =	vst v63  }
0x2b: {  	_ =	swait.ge [sflag:s24], $0x2000  }
0x2c: {  	[sflag:s24] =	ssyncset.done $0x0  }
0x2d: {  	s14 =	rddreg [dreg:$0x6];
	[sflag:s24] =	ssyncadd.s32 $0xFFFFE000  }
0x2e: {  	[spmem:s14] =	stream.linear.scatter [tilespmem:s23], [sflag:$0x4], $0x2000, $0x38;
	[tilespmem:$0x1A100] =	vst v63  }
0x2f: {  	_ =	swait.ge [sflag:s24], $0x2000  }
0x30: {  	[sflag:s24] =	ssyncset.done $0x0  }
0x31: {  	s15 =	rddreg [dreg:$0x7];
	[sflag:s24] =	ssyncadd.s32 $0xFFFFE000  }
0x32: {  	[spmem:s15] =	stream.linear.scatter [tilespmem:s23], [sflag:$0x4], $0x2000, $0x38;
	[tilespmem:$0x1A100] =	vst v63  }
0x33: {  	_ =	swait.ge [sflag:s24], $0x2000  }
0x34: {  	[sflag:s24] =	ssyncset.done $0x0  }
0x35: {  	[sflag:s24] =	ssyncadd.s32 $0xFFFFE000  }
0x36: {  	[spmem:s16] =	stream.linear.scatter [tilespmem:s23], [sflag:$0x4], $0x2000, $0x38;
	[tilespmem:$0x1A100] =	vst v63  }
0x37: {  	_ =	swait.ge [sflag:s24], $0x2000  }
0x38: {  	[sflag:s24] =	ssyncset.done $0x0  }
0x39: {  	[sflag:s24] =	ssyncadd.s32 $0xFFFFE000  }
0x3a: {  	[spmem:s17] =	stream.linear.scatter [tilespmem:s23], [sflag:$0x4], $0x2000, $0x38;
	[tilespmem:$0x1A100] =	vst v63  }
0x3b: {  	_ =	swait.ge [sflag:s24], $0x2000  }
0x3c: {  	[sflag:s24] =	ssyncset.done $0x0  }
0x3d: {  	[sflag:s24] =	ssyncadd.s32 $0xFFFFE000  }
0x3e: {  	[spmem:s18] =	stream.linear.scatter [tilespmem:s23], [sflag:$0x4], $0x2000, $0x38;
	[tilespmem:$0x1A100] =	vst v63  }
0x3f: {  	_ =	swait.ge [sflag:s24], $0x2000  }
0x40: {  	[sflag:s24] =	ssyncset.done $0x0  }
0x41: {  	[sflag:s24] =	ssyncadd.s32 $0xFFFFE000  }
0x42: {  	[spmem:s19] =	stream.linear.scatter [tilespmem:s23], [sflag:$0x4], $0x2000, $0x38;
	[tilespmem:$0x1A100] =	vst v63  }
0x43: {  	_ =	swait.ge [sflag:s24], $0x2000  }
0x44: {  	[sflag:s24] =	ssyncset.done $0x0  }
0x45: {  	[sflag:s24] =	ssyncadd.s32 $0xFFFFE000  }
0x46: {  	s2 =	simm.s32 $0x0;
	s11 =	simm.s32 $0x0;
	[bflag:$0x0] =	sbarrier.arrive $0xFFFF  }
.LBB2_4:
0x47: {  	s12 =	sshll.u32 s11, $0x7  }
0x48: {  	s12 =	sadd.s32 s20, s12  }
0x49: {  	s13 =	sshrl.u32 s12, $0x3  }
0x4a: {  	s14 =	sadd.s32 s7, s13  }
0x4b: {  	[tilespmem:s2], [sflag:$0x1] =	stream.linear.gather [hbm4b:s14+s2], $0x80, $0x38;
	[tilespmem:$0x1A100] =	vst v63  }
0x4c: {  	s12 =	sshll.u32 s12, $0x3;
	s13 =	sadd.s32 s8, s13  }
0x4d: {  	[tilespmem:s25], [sflag:$0x2] =	stream.linear.gather [hbm4b:s13+s2], $0x80, $0x38;
	[tilespmem:$0x1A100] =	vst v63  }
0x4e: {  	s15 =	sadd.s32 s6, s12  }
0x4f: {  	[tilespmem:s23], [sflag:$0x3] =	stream.linear.gather [hbm4b:s15+s2], $0x2000, $0x38;
	[tilespmem:$0x1A100] =	vst v63  }
0x50: {  	_ =	swait.ge [sflag:s26], $0x80  }
0x51: {  	[sflag:s26] =	ssyncset.done $0x0  }
0x52: {  	[sflag:s26] =	ssyncadd.s32 $0xFFFFFF80  }
0x53: {  	_ =	swait.ge [sflag:s28], $0x80  }
0x54: {  	[sflag:s28] =	ssyncset.done $0x0  }
0x55: {  	[sflag:s28] =	ssyncadd.s32 $0xFFFFFF80  }
0x56: {  	[tilespmem:s29], [sflag:$0x1] =	stream.indirect.gather [hbm4b:s4+s25], $0x40, s2, s25, $0xb8;
	[tilespmem:$0x1A100] =	vst v63  }
0x57: {  	_ = 	snop  }
0x58: {  	[tilespmem:s30], [sflag:$0x2] =	stream.indirect.gather [hbm4b:s5+s25], $0x40, s25, s25, $0xb8;
	[tilespmem:$0x1A100] =	vst v63  }
0x59: {  	_ =	swait.ge [sflag:s26], $0x2000  }
0x5a: {  	[sflag:s26] =	ssyncset.done $0x0  }
0x5b: {  	[sflag:s26] =	ssyncadd.s32 $0xFFFFE000  }
0x5c: {  	_ =	swait.ge [sflag:s28], $0x2000  }
0x5d: {  	[sflag:s28] =	ssyncset.done $0x0  }
0x5e: {  	[sflag:s28] =	ssyncadd.s32 $0xFFFFE000  }
0x5f: {  	_ =	swait.ge [sflag:s31], $0x2000  }
0x60: {  	[sflag:s31] =	ssyncset.done $0x0  }
0x61: {  	s13 =	simm.s32 $0x0;
	[sflag:s31] =	ssyncadd.s32 $0xFFFFE000  }
0x62: {  	v1 =	vld [tilespmem:s13+$0x100]  }
0x63: {  	v3 =	vld [tilespmem:s13+$0x2100]  }
0x64: {  	v2 =	vld [tilespmem:s13+$0x110]  }
0x65: {  	v5 =	vld [tilespmem:s13+$0x2110]  }
0x66: {  	v4 =	vld [tilespmem:s13+$0x120]  }
0x67: {  	v7 =	vld [tilespmem:s13+$0x2120]  }
0x68: {  	v6 =	vld [tilespmem:s13+$0x130]  }
0x69: {  	v8 =	vld [tilespmem:s13+$0x2130]  }
0x6a: {  	s14 =	simm.s32 $0x100;
	v9 =	vld [tilespmem:s13+$0x4100]  }
.LBB2_5:
0x6b: {  	p0 =	sne.s32 s14, $0x7F00;
	v10 =	vld [tilespmem:s13+$0x4110]  }
0x6c: {  	v11 =	vld [tilespmem:s13+$0x4120]  }
0x6d: {  	s15 =	sshra.s32 s14, $0x2;
	v12 =	vadd.f32 v3, v1;
	v13 =	vld [tilespmem:s13+$0x4130]  }
0x6e: {  	v5 =	vadd.f32 v5, v2;
	v1 =	vld [tilespmem:s15+$0x100]  }
0x6f: {  	v4 =	vadd.f32 v7, v4;
	v3 =	vld [tilespmem:s15+$0x2100];
	v9 =	vadd.f32 v9, v12  }
0x70: {  	v6 =	vadd.f32 v8, v6;
	v2 =	vld [tilespmem:s15+$0x110];
	v7 =	vadd.f32 v10, v5  }
0x71: {  	v5 =	vld [tilespmem:s15+$0x2110];
	v8 =	vmax.f32 v9, $0.0e+00;
	v9 =	vadd.f32 v11, v4  }
.Ltmp1:
0x72: {  	v4 =	vld [tilespmem:s15+$0x120];
	[tilespmem:s13+$0x4100] =	vst v8;
	v8 =	vmax.f32 v7, $0.0e+00;
	v10 =	vadd.f32 v13, v6;
	(pc) =	sbr.rel @p0 .LBB2_5-.Ltmp1, $4  }
0x73: {  	v7 =	vld [tilespmem:s15+$0x2120];
	[tilespmem:s13+$0x4110] =	vst v8;
	v8 =	vmax.f32 v9, $0.0e+00  }
0x74: {  	v6 =	vld [tilespmem:s15+$0x130];
	[tilespmem:s13+$0x4120] =	vst v8;
	v9 =	vmax.f32 v10, $0.0e+00  }
0x75: {  	v8 =	vld [tilespmem:s15+$0x2130];
	[tilespmem:s13+$0x4130] =	vst v9;
	s13 =	smov.u32 s15  }
0x76: {  	s14 =	sadd.s32 $0x100, s14;
	v9 =	vld [tilespmem:s13+$0x4100]  }
0x77: {  	v10 =	vld [tilespmem:s13+$0x4110]  }
0x78: {  	v11 =	vld [tilespmem:s13+$0x4120]  }
0x79: {  	v1 =	vadd.f32 v3, v1;
	v3 =	vld [tilespmem:s13+$0x4130]  }
0x7a: {  	v2 =	vadd.f32 v5, v2  }
0x7b: {  	v4 =	vadd.f32 v7, v4;
	v1 =	vadd.f32 v9, v1  }
0x7c: {  	v63 =	vadd.f32 v8, v6;
	v2 =	vadd.f32 v10, v2  }
0x7d: {  	v4 =	vadd.f32 v11, v4;
	v1 =	vmax.f32 v1, $0.0e+00  }
0x7e: {  	[tilespmem:s13+$0x4100] =	vst v1;
	v1 =	vmax.f32 v2, $0.0e+00;
	v2 =	vadd.f32 v3, v63  }
0x7f: {  	[tilespmem:s13+$0x4110] =	vst v1;
	v1 =	vmax.f32 v4, $0.0e+00  }
0x80: {  	[tilespmem:s13+$0x4120] =	vst v1;
	v1 =	vmax.f32 v2, $0.0e+00  }
0x81: {  	s12 =	sadd.s32 s9, s12;
	[tilespmem:s13+$0x4130] =	vst v1  }
0x82: {  	[hbm4b:s12+s3] =	stream.linear.scatter [tilespmem:s23], [sflag:$0x1], $0x2000, $0x38;
	[tilespmem:$0x1A100] =	vst v63  }
0x83: {  	s11 =	sadd.s32 $0x1, s11  }
0x84: {  	[spmem:s1] =	stream.indirect.scatter.add.f32 [tilespmem:s23], [sflag:$0x2], $0x40, s25, s25, $0xb8;
	[tilespmem:$0x1A100] =	vst v63  }
0x85: {  	p0 =	sne.s32 s11, $0x9D;
	_ =	swait.ge [sflag:s26], $0x2000  }
.Ltmp2:
0x86: {  	[sflag:s26] =	ssyncset.done $0x0;
	(pc) =	sbr.rel @p0 .LBB2_4-.Ltmp2, $4  }
0x87: {  	[sflag:s26] =	ssyncadd.s32 $0xFFFFE000  }
0x88: {  	_ =	swait.ge [sflag:s28], $0x2000  }
0x89: {  	[sflag:s28] =	ssyncset.done $0x0  }
0x8a: {  	[sflag:s28] =	ssyncadd.s32 $0xFFFFE000  }
0x8b: {  	s2 =	stileid.u32;
	s0 =	sadd.s32 $0x1, s0  }
0x8c: {  	[bflag:$0x0] =	sbarrier.arrive $0xFFFF;
	s2 =	sshll.u32 s2, $0x6;
	p0 =	sne.s32 s0, s22  }
.Ltmp3:
0x8d: {  	s11 =	sshrl.u32 s10, $0x3;
	s2 =	sor.u32 $0x1C04, s2;
	(pc) =	sbr.rel @p0 .LBB2_1-.Ltmp3, $4  }
0x8e: {  	[hbm:s21], [sflag:s2] =	dma.local [spmem:s11], $0x2800  }
0x8f: {  	_ =	swait.ge [sflag:s24], $0x2800  }
0x90: {  	[sflag:s24] =	ssyncset.done $0x0  }
0x91: {  	[sflag:s24] =	ssyncadd.s32 $0xFFFFD800  }
0x92: {  	_ =	sfence.sel $0x180000  }
0x93: {  	[bflag:$0x0] =	sbarrier.arrive $0xFFFF  }
0x94: {  	_ =	strace $0x9000004D  }
0x95: {  	s0 =	stileid.u32;
	[bflag:$0x2] =	sbarrier.arrive $0xFFFF  }
0x96: {  	p0 =	sne.s32 s0, $0x0;
	s0 =	rddreg [dreg:$0x2]  }
0x97: {  	s0 =	sadd.s32 @!p0 $0x100000, s0  }
0x98: {  	[sflag:s0] =	ssyncadd.tile.s32 @!p0 $0x1;
	_ =	shalt  }
.Lfunc_end2:
_tile_overlayer_lowered:
.L_overlay_start_2:
0x99: {  	(tag) =	ssettag $0x2  }
0x9a: {  	s0 =	rddreg [dreg:$0x0];
	s2 =	stileid.u32  }
0x9b: {  	s1 =	rddreg [dreg:$0x1];
	p0 =	sne.s32 s2, $0x0  }
0x9c: {  	s3 =	rddreg [dreg:$0x2];
	[bflag:$0x3] =	sbarrier.arrive $0xFFFF;
	s2 =	simm.s32 @!p0 $0x1C04  }
0x9d: {  	[timem:s3], [sflag:s2] =	dma.local @!p0 [hbm:s0], s1  }
0x9e: {  	s0 =	simm.s32 @!p0 $0x4  }
0x9f: {  	_ =	swait.ge @!p0 [sflag:s0], s1  }
0xa0: {  	s1 =	ssub.s32 @!p0 $0x0, s1;
	[sflag:s0] =	ssyncset.done @!p0 $0x0  }
0xa1: {  	[sflag:s0] =	ssyncadd.s32 @!p0 s1  }
0xa2: {  	[bflag:$0x3] =	sbarrier.arrive $0xFFFF  }
0xa3: {  	_ =	shalt  }

// kernel: kernel.16.cloned.1.call-start
scs
__scs_entry_jumppad:
0x0: {  	(pc) =	sbr.rel $0x88, $3  }
0x1: {  	(tag) =	ssettag $0x0;
	lr =	simm.s32 $0x1  }
0x2: {  	[smem:$0x3F67] =	sst lr;
	_ =	strace $0xD0000000  }
0x3: {  	_ = 	snop  }
0x4: {  	_ = 	snop  }
0x5: {  	_ = 	snop  }
0x6: {  	_ = 	snop  }
0x7: {  	_ = 	snop  }
__scs_overlays_trampoline_lowered:
0x8: {  	[smem:$0x3F76] =	sst s0  }
0x9: {  	[smem:$0x3F77] =	sst s1  }
0xa: {  	[smem:$0x3F78] =	sst s2  }
0xb: {  	[smem:$0x3F79] =	sst s3  }
0xc: {  	[smem:$0x3F7A] =	sst s4  }
0xd: {  	[smem:$0x3F7B] =	sst s5  }
0xe: {  	[smem:$0x3F7C] =	sst s6  }
0xf: {  	[smem:$0x3F7D] =	sst s7  }
0x10: {  	[smem:$0x3F7E] =	sst s8  }
0x11: {  	[smem:$0x3F7F] =	sst s9;
	s0 =	simm.s32 @!p0 $0x0  }
0x12: {  	s1 =	sld [smem:$0x3F65];
	s0 =	simm.s32 @p0 $0x1  }
0x13: {  	[smem:$0x3F80] =	sst s0;
	s0 =	simm.s32 @!p1 $0x0  }
0x14: {  	s2 =	sld [smem:$0x3F64];
	s0 =	simm.s32 @p1 $0x1  }
0x15: {  	[smem:$0x3F81] =	sst s0;
	s0 =	simm.s32 @!p2 $0x0  }
0x16: {  	s3 =	sld [smem:$0x3FDB];
	s0 =	simm.s32 @p2 $0x1  }
0x17: {  	s4 =	simm.s32 $0x1BF5;
	[smem:$0x3F83] =	sst s0  }
0x18: {  	s0 =	sld [smem:$0x3F66];
	_ =	swait.ge [sflag:s4], $0x0  }
0x19: {  	s7 =	sld [smem:$0x3F67]  }
0x1a: {  	s8 =	sadd.s32 $0xFFFFE003, lr  }
0x1b: {  	s9 =	sadd.s32 $0xFFFFFEF7, lr;
	s5 =	simm.s32 $0xFFFFFFFF;
	p2 =	slt.u32 s8, $0xFFFFF086  }
0x1c: {  	p1 =	slt.u32 s9, $0xF7A;
	s5 =	simm.s32 @!p2 $0x0  }
0x1d: {  	s5 =	simm.s32 @p1 $0x1;
	p0 =	seq.s32 s7, s2  }
0x1e: {  	s7 =	smul.u32 @!p0 $0xF7A, s2;
	p2 =	seq.s32 @!p0 s5, $0x0  }
0x1f: {  	s9 =	smul.u32 $0xF7A, s1;
	s8 =	simm.s32 @!p0 $0x1BF5;
	p2 =	por !p2, p0  }
0x20: {  	[sflag:s8] =	ssyncset.s32 @!p0 $0xFFFFF086;
	s6 =	sadd.s32 @!p0 s3, s7;
	s7 =	simm.s32 @!p0 $0x108  }
0x21: {  	s3 =	sadd.s32 s3, s9;
	s6 =	sadd.s32 @!p0 $0x88, s6;
	s7 =	simm.s32 @p2 $0x1082  }
0x22: {  	[simem:s7], [sflag:s8] =	dma.local @!p0 [hbm:s6], $0xF7A  }
0x23: {  	s9 =	sor.u32 $0xD0000000, s2;
	s6 =	simm.s32 $0x108;
	_ =	swait.ge @!p0 [sflag:s8], $0x0  }
0x24: {  	s3 =	sadd.s32 $0x88, s3;
	s6 =	simm.s32 @!p1 $0x1082;
	[sflag:s4] =	ssyncset.s32 $0xFFFFF086  }
0x25: {  	[simem:s6], [sflag:s4] =	dma.local [hbm:s3], $0xF7A  }
0x26: {  	[smem:$0x3F67] =	sst s1;
	(tag) =	ssettag s2;
	_ =	strace s9  }
0x27: {  	s1 =	sld [smem:$0x3F77]  }
0x28: {  	s2 =	sld [smem:$0x3F78]  }
0x29: {  	s4 =	sld [smem:$0x3F7A]  }
0x2a: {  	p0 =	seq.s32 s5, $0x0;
	s5 =	sld [smem:$0x3F7B]  }
0x2b: {  	s6 =	sld [smem:$0x3F7C]  }
0x2c: {  	s7 =	sld [smem:$0x3F7D]  }
0x2d: {  	s3 =	simm.s32 $0x108;
	s8 =	sld [smem:$0x3F7E]  }
0x2e: {  	s3 =	simm.s32 @!p0 $0x1082;
	s9 =	sld [smem:$0x3F7F]  }
0x2f: {  	lr =	sadd.s32 s0, s3;
	s0 =	sld [smem:$0x3F76]  }
0x30: {  	s3 =	sld [smem:$0x3F79]  }
0x31: {  	[smem:$0x3F82] =	sst s10  }
0x32: {  	s10 =	sld [smem:$0x3F80];
	_ =	sdelay $0x3  }
0x33: {  	p0 =	seq.s32 s10, $0x1;
	s10 =	sld [smem:$0x3F82];
	_ =	sdelay $0x3  }
0x34: {  	[smem:$0x3F82] =	sst s10  }
0x35: {  	s10 =	sld [smem:$0x3F81];
	_ =	sdelay $0x3  }
0x36: {  	p1 =	seq.s32 s10, $0x1;
	s10 =	sld [smem:$0x3F82];
	_ =	sdelay $0x3  }
0x37: {  	[smem:$0x3F82] =	sst s10  }
0x38: {  	s10 =	sld [smem:$0x3F83]  }
0x39: {  	_ = 	snop;
	(pc) =	sbr.ind lr, $3  }
0x3a: {  	_ = 	snop  }
0x3b: {  	_ = 	snop  }
0x3c: {  	p2 =	seq.s32 s10, $0x1;
	s10 =	sld [smem:$0x3F82]  }
0x3d: {  	_ =	shalt  }
0x3e: {  	_ =	shalt  }
0x3f: {  	_ =	shalt  }
0x40: {  	_ =	shalt  }
0x41: {  	_ =	shalt  }
0x42: {  	_ =	shalt  }
0x43: {  	_ =	shalt  }
0x44: {  	_ =	shalt  }
0x45: {  	_ =	shalt  }
0x46: {  	_ =	shalt  }
0x47: {  	_ =	shalt  }
0x48: {  	_ =	shalt  }
0x49: {  	_ =	shalt  }
0x4a: {  	_ =	shalt  }
0x4b: {  	_ =	shalt  }
0x4c: {  	_ =	shalt  }
0x4d: {  	_ =	shalt  }
0x4e: {  	_ =	shalt  }
0x4f: {  	_ =	shalt  }
0x50: {  	_ =	shalt  }
0x51: {  	_ =	shalt  }
0x52: {  	_ =	shalt  }
0x53: {  	_ =	shalt  }
0x54: {  	_ =	shalt  }
0x55: {  	_ =	shalt  }
0x56: {  	_ =	shalt  }
0x57: {  	_ =	shalt  }
0x58: {  	_ =	shalt  }
0x59: {  	_ =	shalt  }
0x5a: {  	_ =	shalt  }
0x5b: {  	_ =	shalt  }
0x5c: {  	_ =	shalt  }
0x5d: {  	_ =	shalt  }
0x5e: {  	_ =	shalt  }
0x5f: {  	_ =	shalt  }
0x60: {  	_ =	shalt  }
0x61: {  	_ =	shalt  }
0x62: {  	_ =	shalt  }
0x63: {  	_ =	shalt  }
0x64: {  	_ =	shalt  }
0x65: {  	_ =	shalt  }
0x66: {  	_ =	shalt  }
0x67: {  	_ =	shalt  }
0x68: {  	_ =	shalt  }
0x69: {  	_ =	shalt  }
0x6a: {  	_ =	shalt  }
0x6b: {  	_ =	shalt  }
0x6c: {  	_ =	shalt  }
0x6d: {  	_ =	shalt  }
0x6e: {  	_ =	shalt  }
0x6f: {  	_ =	shalt  }
0x70: {  	_ =	shalt  }
0x71: {  	_ =	shalt  }
0x72: {  	_ =	shalt  }
0x73: {  	_ =	shalt  }
0x74: {  	_ =	shalt  }
0x75: {  	_ =	shalt  }
0x76: {  	_ =	shalt  }
0x77: {  	_ =	shalt  }
0x78: {  	_ =	shalt  }
0x79: {  	_ =	shalt  }
0x7a: {  	_ =	shalt  }
0x7b: {  	_ =	shalt  }
0x7c: {  	_ =	shalt  }
0x7d: {  	_ =	shalt  }
0x7e: {  	_ =	shalt  }
0x7f: {  	_ =	shalt  }
0x80: {  	_ =	shalt  }
0x81: {  	_ =	shalt  }
0x82: {  	_ =	shalt  }
0x83: {  	_ =	shalt  }
0x84: {  	_ =	shalt  }
0x85: {  	_ =	shalt  }
0x86: {  	_ =	shalt  }
0x87: {  	_ =	shalt  }
.Lfunc_end0:
.L_simem_size_0:
called_computation.2_lowered:
.L_overlay_start_0:
0x88: {  	s2 =	sld [smem:$0x3FD9]  }
0x89: {  	s3 =	sld [smem:$0x3FFE];
	_ =	sdelay $0x1  }
0x8a: {  	s1 =	srdreg.scid  }
0x8b: {  	s0 =	sand.u32 $0x1, s1  }
0x8c: {  	s17 =	sshll.u32 s0, $0xA;
	s2 =	sadd.s32 s3, s2  }
0x8d: {  	s2 =	sadd.s32 s2, s17  }
0x8e: {  	[smem:$0x3F8E] =	sst s2  }
0x8f: {  	_ = 	snop  }
0x90: {  	(tm) =	ssettm $0x1  }
0x91: {  	s18 =	sld [smem:$0x3FFB];
	_ =	sdelay $0x3  }
0x92: {  	_ =	strace s18  }
0x93: {  	s2 =	sld [smem:$0x3FFC];
	_ =	sdelay $0x3  }
0x94: {  	_ =	strace s2  }
0x95: {  	s2 =	sld [smem:$0x3FFD];
	_ =	sdelay $0x3  }
0x96: {  	_ =	strace s2  }
0x97: {  	_ =	strace $0x8FFFFFFF  }
0x98: {  	s19 =	sld [smem:$0x3FDB];
	_ =	sdelay $0x1  }
0x99: {  	s20 =	simm.s32 $_scs_section_size  }
0x9a: {  	s4 =	simm.s32 $_size__tile_overlayer_lowered;
	s5 =	simm.s32 $_tile_overlayer_lowered  }
0x9b: {  	s6 =	simm.s32 $0x1BFF;
	s21 =	sshll.u32 s5, $0x1;
	s3 =	sadd.s32 s20, s19  }
0x9c: {  	s22 =	simm.s32 $0x0;
	s4 =	sshll.u32 s4, $0x1;
	s5 =	sadd.s32 s21, s3  }
0x9d: {  	[timem:s22], [sflag:s6] =	dma.local [hbm:s5], s4  }
0x9e: {  	_ =	swait.ge [sflag:s6], s4  }
0x9f: {  	s4 =	ssub.s32 $0x0, s4;
	[sflag:s6] =	ssyncset.done $0x0  }
0xa0: {  	[sflag:s6] =	ssyncadd.s32 s4;
	_ =	sdelay $0x1  }
0xa1: {  	s23 =	simm.s32 $0x1B8B  }
0xa2: {  	_ =	swait.ge [sflag:s23], $0x1  }
0xa3: {  	[sflag:s23] =	ssyncset.done $0x0  }
0xa4: {  	[sflag:s23] =	ssyncadd.s32 $0xFFFFFFFF  }
0xa5: {  	s4 =	sld [smem:$0x0]  }
0xa6: {  	s5 =	sand.u32 $0xFFFFFFFE, s1  }
0xa7: {  	p0 =	sne.s32 s1, s5  }
0xa8: {  	s5 =	sshll.u32 @p0 s5, $0xE  }
0xa9: {  	s5 =	sadd.s32 @p0 $0x11B8D, s5;
	s6 =	sshll.u32 @p0 s4, $0x11  }
0xaa: {  	s5 =	sor.u32 @p0 s6, s5  }
0xab: {  	[sflag:s5] =	ssyncadd.remote.s32 @p0 $0x1;
	_ =	sdelay $0x1  }
0xac: {  	s5 =	simm.s32 @p0 $0x1B8D  }
0xad: {  	_ =	swait.eq @p0 [sflag:s5], $0x1  }
0xae: {  	[sflag:s5] =	ssyncadd.s32 @p0 $0xFFFFFFFF  }
0xaf: {  	s6 =	sshll.u32 @!p0 s1, $0xE  }
0xb0: {  	s6 =	sor.u32 @!p0 $0x4000, s6;
	s5 =	simm.s32 @!p0 $0x1B8D  }
0xb1: {  	s4 =	sshll.u32 @!p0 s4, $0x11;
	s6 =	sadd.s32 @!p0 $0x11B8D, s6;
	_ =	swait.eq @!p0 [sflag:s5], $0x1  }
0xb2: {  	s4 =	sor.u32 @!p0 s4, s6;
	[sflag:s5] =	ssyncadd.s32 @!p0 $0xFFFFFFFF  }
0xb3: {  	s25 =	simm.s32 $0x1B8E;
	s24 =	sld [smem:$0x3FFE];
	[sflag:s4] =	ssyncadd.remote.s32 @!p0 $0x1  }
0xb4: {  	s26 =	simm.s32 $execute0_lowered;
	[smem:$0x3FD2] =	sst s25  }
0xb5: {  	s5 =	sshll.u32 s26, $0x1;
	_ =	strace $0x80000049;
	[dreg:$0x1] =	wrdreg $0xFFFFFFFF  }
0xb6: {  	s28 =	simm.s32 $_size_execute0_lowered;
	s3 =	sadd.s32 s3, s5;
	[dreg:$0x0] =	wrdreg $0x0  }
0xb7: {  	s5 =	sshll.u32 s28, $0x1;
	[dreg:$0x2] =	wrdreg s3  }
0xb8: {  	[dreg:$0x3] =	wrdreg s5  }
0xb9: {  	[dreg:$0x4] =	wrdreg $0xC0  }
0xba: {  	_ =	task [dreg:s22], $0x5FFFF  }
0xbb: {  	[dreg:$0x1] =	wrdreg $0xFFFFFFFF  }
0xbc: {  	[dreg:$0x0] =	wrdreg $0x60  }
0xbd: {  	[dreg:$0x2] =	wrdreg s24  }
0xbe: {  	[dreg:$0x3] =	wrdreg $0x10800  }
0xbf: {  	[dreg:$0x4] =	wrdreg $0x9  }
0xc0: {  	_ =	task.clear_ibuf [dreg:s22], $0x5FFFF;
	_ =	strace $0x90000049  }
0xc1: {  	s29 =	simm.s32 $0x9;
	_ =	strace $0x8000004B  }
0xc2: {  	_ =	swait.ge [sflag:s29], $0x1  }
0xc3: {  	[sflag:s29] =	ssyncadd.s32 $0xFFFFFFFF  }
0xc4: {  	_ =	strace $0x9000004B  }
0xc5: {  	_ =	sfence  }
0xc6: {  	s30 =	sld [smem:$0x0];
	_ =	sdelay $0x2  }
0xc7: {  	s31 =	sshll.u32 s1, $0xD;
	s1 =	sshrl.u32 s1, $0x2  }
0xc8: {  	s4 =	sand.u32 $0x4000, s31;
	s1 =	sadd.s32 s1, s30  }
0xc9: {  	s0 =	sor.u32 s4, s0;
	s1 =	sshll.u32 s1, $0x11  }
0xca: {  	s0 =	sor.u32 s1, s0  }
0xcb: {  	s0 =	sadd.s32 $0x8F2B, s0  }
0xcc: {  	[sflag:s0] =	ssyncadd.remote.s32 $0x1  }
0xcd: {  	_ =	sfence.sel $0xFFFF  }
0xce: {  	[dreg:$0x0] =	wrdreg $0xFFFFFFFF;
	(pc) =	sbr.abs _section_cstart, $3  }
0xcf: {  	[dreg:$0x1] =	wrdreg $0xFFFFFFFF  }
0xd0: {  	_ =	task.clear_ibuf [dreg:s22], $0x2FFFF;
	_ =	strace $0x9FFFFFFF  }
0xd1: {  	(tm) =	ssettm $0x7FFFFFFF  }
tec
execute0_lowered:
.L_overlay_start_1:
0x0: {  	(tag) =	ssettag $0x1  }
0x1: {  	s1 =	srdreg.scid;
	s4 =	rddreg [dreg:$0x0]  }
0x2: {  	s0 =	stileid.u32;
	s2 =	rddreg [dreg:$0x1];
	s3 =	simm.s32 $0x0  }
0x3: {  	s17 =	simm.s32 $0x880;
	s18 =	simm.s32 $0x1;
	s6 =	smul.u32 $0x9D00, s0  }
0x4: {  	s19 =	simm.s32 $0x80;
	s21 =	simm.s32 $0x0;
	s8 =	smul.u32 $0x5000, s0  }
0x5: {  	s5 =	sand.u32 $0x1, s1;
	s1 =	rddreg [dreg:$0x2];
	s28 =	smul.u32 $0x14000, s0  }
0x6: {  	[smem:$0x7FF] =	sst s3;
	s20 =	sshll.u32 s0, $0x6;
	s7 =	smul.u32 $0x4E80, s5  }
0x7: {  	s9 =	smul.u32 $0x50000, s5;
	_ =	strace $0x8000004A;
	s5 =	ssub.s32 $0x2, s5  }
0x8: {  	s20 =	sor.u32 $0x1C01, s20;
	s30 =	sshrl.u32 s5, $0x1;
	s31 =	sshrl.u32 s28, $0x2  }
0x9: {  	s6 =	sadd.s32 s7, s6;
	s26 =	sadd.s32 s8, s9;
	s15 =	ssub.s32 s5, s30  }
0xa: {  	s13 =	sadd.s32 s31, s2;
	s6 =	sshrl.u32 s6, $0x3;
	s29 =	sshrl.u32 s26, $0x3  }
0xb: {  	s5 =	sadd.s32 $0x800, s13;
	s7 =	sadd.s32 $0x1800, s13;
	s9 =	sadd.s32 $0x2800, s13  }
0xc: {  	s10 =	sadd.s32 $0x3000, s13;
	s11 =	sadd.s32 $0x3800, s13;
	s12 =	sadd.s32 $0x4000, s13  }
0xd: {  	s16 =	sadd.s32 s6, s4;
	s14 =	sadd.s32 s29, s4;
	s4 =	sadd.s32 s8, s2  }
0xe: {  	s6 =	sadd.s32 $0x1000, s13;
	s8 =	sadd.s32 $0x2000, s13;
	s13 =	sadd.s32 $0x4800, s13  }
0xf: {  	v0 =	vimm.f32 $0.0e+00;
	v1 =	vimm.f32 $1.000000000e+00;
	s15 =	smax.u32 s15, $0x1;
	s14 =	sadd.s32 $0xB1EE00, s14;
	s16 =	sadd.s32 $0xB0B400, s16  }
.LBB2_1:
0x10: {  	s22 =	simm.s32 $0x40;
	s23 =	simm.s32 $0x0  }
.LBB2_2:
0x11: {  	p0 =	sne.s32 s22, $0x1FC0;
	[tilespmem:s23+$0x880] =	vst v0;
	s24 =	smov.u32 s22;
	s22 =	sadd.s32 $0x40, s22  }
.Ltmp0:
0x12: {  	[tilespmem:s23+$0x80] =	vst v1;
	(pc) =	sbr.rel @p0 .LBB2_2-.Ltmp0, $2  }
0x13: {  	_ =	sdelay $0x2  }
0x14: {  	s23 =	sshra.s32 s24, $0x2  }
0x15: {  	[tilespmem:s23+$0x880] =	vst v0  }
0x16: {  	[tilespmem:s23+$0x80] =	vst v1  }
0x17: {  	[spmem:s4] =	stream.linear.scatter [tilespmem:s17], [sflag:$0x1], $0x800, $0x38;
	[tilespmem:$0x6080] =	vst v63  }
0x18: {  	_ =	swait.ge [sflag:s18], $0x800  }
0x19: {  	[sflag:s18] =	ssyncset.done $0x0  }
0x1a: {  	[sflag:s18] =	ssyncadd.s32 $0xFFFFF800  }
0x1b: {  	[spmem:s5] =	stream.linear.scatter [tilespmem:s17], [sflag:$0x1], $0x800, $0x38;
	[tilespmem:$0x6080] =	vst v63  }
0x1c: {  	_ =	swait.ge [sflag:s18], $0x800  }
0x1d: {  	[sflag:s18] =	ssyncset.done $0x0  }
0x1e: {  	[sflag:s18] =	ssyncadd.s32 $0xFFFFF800  }
0x1f: {  	[spmem:s6] =	stream.linear.scatter [tilespmem:s17], [sflag:$0x1], $0x800, $0x38;
	[tilespmem:$0x6080] =	vst v63  }
0x20: {  	_ =	swait.ge [sflag:s18], $0x800  }
0x21: {  	[sflag:s18] =	ssyncset.done $0x0  }
0x22: {  	[sflag:s18] =	ssyncadd.s32 $0xFFFFF800  }
0x23: {  	[spmem:s7] =	stream.linear.scatter [tilespmem:s17], [sflag:$0x1], $0x800, $0x38;
	[tilespmem:$0x6080] =	vst v63  }
0x24: {  	_ =	swait.ge [sflag:s18], $0x800  }
0x25: {  	[sflag:s18] =	ssyncset.done $0x0  }
0x26: {  	[sflag:s18] =	ssyncadd.s32 $0xFFFFF800  }
0x27: {  	[spmem:s8] =	stream.linear.scatter [tilespmem:s17], [sflag:$0x1], $0x800, $0x38;
	[tilespmem:$0x6080] =	vst v63  }
0x28: {  	_ =	swait.ge [sflag:s18], $0x800  }
0x29: {  	[sflag:s18] =	ssyncset.done $0x0  }
0x2a: {  	[sflag:s18] =	ssyncadd.s32 $0xFFFFF800  }
0x2b: {  	[spmem:s9] =	stream.linear.scatter [tilespmem:s17], [sflag:$0x1], $0x800, $0x38;
	[tilespmem:$0x6080] =	vst v63  }
0x2c: {  	_ =	swait.ge [sflag:s18], $0x800  }
0x2d: {  	[sflag:s18] =	ssyncset.done $0x0  }
0x2e: {  	[sflag:s18] =	ssyncadd.s32 $0xFFFFF800  }
0x2f: {  	[spmem:s10] =	stream.linear.scatter [tilespmem:s17], [sflag:$0x1], $0x800, $0x38;
	[tilespmem:$0x6080] =	vst v63  }
0x30: {  	_ =	swait.ge [sflag:s18], $0x800  }
0x31: {  	[sflag:s18] =	ssyncset.done $0x0  }
0x32: {  	[sflag:s18] =	ssyncadd.s32 $0xFFFFF800  }
0x33: {  	[spmem:s11] =	stream.linear.scatter [tilespmem:s17], [sflag:$0x1], $0x800, $0x38;
	[tilespmem:$0x6080] =	vst v63  }
0x34: {  	_ =	swait.ge [sflag:s18], $0x800  }
0x35: {  	[sflag:s18] =	ssyncset.done $0x0  }
0x36: {  	[sflag:s18] =	ssyncadd.s32 $0xFFFFF800  }
0x37: {  	[spmem:s12] =	stream.linear.scatter [tilespmem:s17], [sflag:$0x1], $0x800, $0x38;
	[tilespmem:$0x6080] =	vst v63  }
0x38: {  	_ =	swait.ge [sflag:s18], $0x800  }
0x39: {  	[sflag:s18] =	ssyncset.done $0x0  }
0x3a: {  	[sflag:s18] =	ssyncadd.s32 $0xFFFFF800  }
0x3b: {  	[spmem:s13] =	stream.linear.scatter [tilespmem:s17], [sflag:$0x1], $0x800, $0x38;
	[tilespmem:$0x6080] =	vst v63  }
0x3c: {  	_ =	swait.ge [sflag:s18], $0x800  }
0x3d: {  	[sflag:s18] =	ssyncset.done $0x0  }
0x3e: {  	[sflag:s18] =	ssyncadd.s32 $0xFFFFF800  }
0x3f: {  	s22 =	sadd.s32 $0x0, s16;
	[bflag:$0x0] =	sbarrier.arrive $0xFFFF  }
0x40: {  	[tilespmem:s3], [sflag:$0x1] =	stream.linear.gather [hbm4b:s22+s3], $0x80, $0x38;
	[tilespmem:$0x6080] =	vst v63  }
0x41: {  	_ =	swait.ge [sflag:s18], $0x80  }
0x42: {  	[sflag:s18] =	ssyncset.done $0x0  }
0x43: {  	[sflag:s18] =	ssyncadd.s32 $0xFFFFFF80  }
0x44: {  	[spmem:s2] =	stream.indirect.scatter.add.f32 [tilespmem:s19], [sflag:$0x1], $0x10, s3, s19, $0xb8;
	[tilespmem:$0x6080] =	vst v63  }
0x45: {  	_ =	swait.ge [sflag:s18], $0x800  }
0x46: {  	s23 =	simm.s32 $0x20;
	s22 =	simm.s32 $0x10;
	[sflag:s18] =	ssyncset.done $0x0  }
.LBB2_4:
0x47: {  	s24 =	sadd.s32 s22, s16  }
0x48: {  	[sflag:s18] =	ssyncadd.s32 $0xFFFFF800;
	s22 =	smov.u32 s23;
	s25 =	sadd.s32 $0x10, s23  }
0x49: {  	[tilespmem:s3], [sflag:$0x1] =	stream.linear.gather [hbm4b:s24+s3], $0x80, $0x38;
	[tilespmem:$0x6080] =	vst v63  }
0x4a: {  	p0 =	sne.s32 s23, $0x9C0;
	_ =	swait.ge [sflag:s18], $0x80  }
.Ltmp1:
0x4b: {  	[sflag:s18] =	ssyncset.done $0x0;
	(pc) =	sbr.rel @p0 .LBB2_4-.Ltmp1, $4  }
0x4c: {  	[sflag:s18] =	ssyncadd.s32 $0xFFFFFF80  }
0x4d: {  	[spmem:s2] =	stream.indirect.scatter.add.f32 [tilespmem:s19], [sflag:$0x1], $0x10, s3, s19, $0xb8;
	[tilespmem:$0x6080] =	vst v63  }
0x4e: {  	_ =	swait.ge [sflag:s18], $0x800  }
0x4f: {  	s23 =	smov.u32 s25;
	[sflag:s18] =	ssyncset.done $0x0  }
0x50: {  	s22 =	sadd.s32 s22, s16;
	[sflag:s18] =	ssyncadd.s32 $0xFFFFF800  }
0x51: {  	[tilespmem:s3], [sflag:$0x1] =	stream.linear.gather [hbm4b:s22+s3], $0x80, $0x38;
	[tilespmem:$0x6080] =	vst v63  }
0x52: {  	_ =	swait.ge [sflag:s18], $0x80  }
0x53: {  	[sflag:s18] =	ssyncset.done $0x0  }
0x54: {  	[sflag:s18] =	ssyncadd.s32 $0xFFFFFF80  }
0x55: {  	[spmem:s2] =	stream.indirect.scatter.add.f32 [tilespmem:s19], [sflag:$0x1], $0x10, s3, s19, $0xb8;
	[tilespmem:$0x6080] =	vst v63  }
0x56: {  	_ =	swait.ge [sflag:s18], $0x800  }
0x57: {  	s21 =	sadd.s32 $0x1, s21;
	[sflag:s18] =	ssyncset.done $0x0  }
0x58: {  	p0 =	sne.s32 s21, s15;
	[sflag:s18] =	ssyncadd.s32 $0xFFFFF800  }
.Ltmp2:
0x59: {  	s31 =	sshrl.u32 s4, $0x3;
	[bflag:$0x0] =	sbarrier.arrive $0xFFFF;
	(pc) =	sbr.rel @p0 .LBB2_1-.Ltmp2, $4  }
0x5a: {  	[hbm:s14], [sflag:s20] =	dma.local [spmem:s31], $0xA00  }
0x5b: {  	_ =	swait.ge [sflag:s18], $0xA00  }
0x5c: {  	[sflag:s18] =	ssyncset.done $0x0  }
0x5d: {  	[sflag:s18] =	ssyncadd.s32 $0xFFFFF600  }
0x5e: {  	_ =	sfence.sel $0x180000  }
0x5f: {  	[bflag:$0x0] =	sbarrier.arrive $0xFFFF  }
0x60: {  	p0 =	sne.s32 s0, $0x0;
	_ =	strace $0x9000004A  }
0x61: {  	s0 =	sadd.s32 @!p0 $0x100000, s1;
	[bflag:$0x2] =	sbarrier.arrive $0xFFFF  }
0x62: {  	[sflag:s0] =	ssyncadd.tile.s32 @!p0 $0x1;
	_ =	shalt  }
.Lfunc_end2:
_tile_overlayer_lowered:
.L_overlay_start_2:
0x63: {  	(tag) =	ssettag $0x2  }
0x64: {  	s0 =	rddreg [dreg:$0x0];
	s2 =	stileid.u32  }
0x65: {  	s1 =	rddreg [dreg:$0x1];
	p0 =	sne.s32 s2, $0x0  }
0x66: {  	s3 =	rddreg [dreg:$0x2];
	[bflag:$0x3] =	sbarrier.arrive $0xFFFF;
	s2 =	simm.s32 @!p0 $0x1C01  }
0x67: {  	[timem:s3], [sflag:s2] =	dma.local @!p0 [hbm:s0], s1  }
0x68: {  	s0 =	simm.s32 @!p0 $0x1  }
0x69: {  	_ =	swait.ge @!p0 [sflag:s0], s1  }
0x6a: {  	s1 =	ssub.s32 @!p0 $0x0, s1;
	[sflag:s0] =	ssyncset.done @!p0 $0x0  }
0x6b: {  	[sflag:s0] =	ssyncadd.s32 @!p0 s1  }
0x6c: {  	[bflag:$0x3] =	sbarrier.arrive $0xFFFF  }
0x6d: {  	_ =	shalt  }

// kernel: kernel.19.cloned.1.call-start
scs
__scs_entry_jumppad:
0x0: {  	(pc) =	sbr.rel $0x88, $3  }
0x1: {  	(tag) =	ssettag $0x0;
	lr =	simm.s32 $0x1  }
0x2: {  	[smem:$0x3F67] =	sst lr;
	_ =	strace $0xD0000000  }
0x3: {  	_ = 	snop  }
0x4: {  	_ = 	snop  }
0x5: {  	_ = 	snop  }
0x6: {  	_ = 	snop  }
0x7: {  	_ = 	snop  }
__scs_overlays_trampoline_lowered:
0x8: {  	[smem:$0x3F76] =	sst s0  }
0x9: {  	[smem:$0x3F77] =	sst s1  }
0xa: {  	[smem:$0x3F78] =	sst s2  }
0xb: {  	[smem:$0x3F79] =	sst s3  }
0xc: {  	[smem:$0x3F7A] =	sst s4  }
0xd: {  	[smem:$0x3F7B] =	sst s5  }
0xe: {  	[smem:$0x3F7C] =	sst s6  }
0xf: {  	[smem:$0x3F7D] =	sst s7  }
0x10: {  	[smem:$0x3F7E] =	sst s8  }
0x11: {  	[smem:$0x3F7F] =	sst s9;
	s0 =	simm.s32 @!p0 $0x0  }
0x12: {  	s1 =	sld [smem:$0x3F65];
	s0 =	simm.s32 @p0 $0x1  }
0x13: {  	[smem:$0x3F80] =	sst s0;
	s0 =	simm.s32 @!p1 $0x0  }
0x14: {  	s2 =	sld [smem:$0x3F64];
	s0 =	simm.s32 @p1 $0x1  }
0x15: {  	[smem:$0x3F81] =	sst s0;
	s0 =	simm.s32 @!p2 $0x0  }
0x16: {  	s3 =	sld [smem:$0x3FDB];
	s0 =	simm.s32 @p2 $0x1  }
0x17: {  	s4 =	simm.s32 $0x1BF5;
	[smem:$0x3F83] =	sst s0  }
0x18: {  	s0 =	sld [smem:$0x3F66];
	_ =	swait.ge [sflag:s4], $0x0  }
0x19: {  	s7 =	sld [smem:$0x3F67]  }
0x1a: {  	s8 =	sadd.s32 $0xFFFFE003, lr  }
0x1b: {  	s9 =	sadd.s32 $0xFFFFFEF7, lr;
	s5 =	simm.s32 $0xFFFFFFFF;
	p2 =	slt.u32 s8, $0xFFFFF086  }
0x1c: {  	p1 =	slt.u32 s9, $0xF7A;
	s5 =	simm.s32 @!p2 $0x0  }
0x1d: {  	s5 =	simm.s32 @p1 $0x1;
	p0 =	seq.s32 s7, s2  }
0x1e: {  	s7 =	smul.u32 @!p0 $0xF7A, s2;
	p2 =	seq.s32 @!p0 s5, $0x0  }
0x1f: {  	s9 =	smul.u32 $0xF7A, s1;
	s8 =	simm.s32 @!p0 $0x1BF5;
	p2 =	por !p2, p0  }
0x20: {  	[sflag:s8] =	ssyncset.s32 @!p0 $0xFFFFF086;
	s6 =	sadd.s32 @!p0 s3, s7;
	s7 =	simm.s32 @!p0 $0x108  }
0x21: {  	s3 =	sadd.s32 s3, s9;
	s6 =	sadd.s32 @!p0 $0x88, s6;
	s7 =	simm.s32 @p2 $0x1082  }
0x22: {  	[simem:s7], [sflag:s8] =	dma.local @!p0 [hbm:s6], $0xF7A  }
0x23: {  	s9 =	sor.u32 $0xD0000000, s2;
	s6 =	simm.s32 $0x108;
	_ =	swait.ge @!p0 [sflag:s8], $0x0  }
0x24: {  	s3 =	sadd.s32 $0x88, s3;
	s6 =	simm.s32 @!p1 $0x1082;
	[sflag:s4] =	ssyncset.s32 $0xFFFFF086  }
0x25: {  	[simem:s6], [sflag:s4] =	dma.local [hbm:s3], $0xF7A  }
0x26: {  	[smem:$0x3F67] =	sst s1;
	(tag) =	ssettag s2;
	_ =	strace s9  }
0x27: {  	s1 =	sld [smem:$0x3F77]  }
0x28: {  	s2 =	sld [smem:$0x3F78]  }
0x29: {  	s4 =	sld [smem:$0x3F7A]  }
0x2a: {  	p0 =	seq.s32 s5, $0x0;
	s5 =	sld [smem:$0x3F7B]  }
0x2b: {  	s6 =	sld [smem:$0x3F7C]  }
0x2c: {  	s7 =	sld [smem:$0x3F7D]  }
0x2d: {  	s3 =	simm.s32 $0x108;
	s8 =	sld [smem:$0x3F7E]  }
0x2e: {  	s3 =	simm.s32 @!p0 $0x1082;
	s9 =	sld [smem:$0x3F7F]  }
0x2f: {  	lr =	sadd.s32 s0, s3;
	s0 =	sld [smem:$0x3F76]  }
0x30: {  	s3 =	sld [smem:$0x3F79]  }
0x31: {  	[smem:$0x3F82] =	sst s10  }
0x32: {  	s10 =	sld [smem:$0x3F80];
	_ =	sdelay $0x3  }
0x33: {  	p0 =	seq.s32 s10, $0x1;
	s10 =	sld [smem:$0x3F82];
	_ =	sdelay $0x3  }
0x34: {  	[smem:$0x3F82] =	sst s10  }
0x35: {  	s10 =	sld [smem:$0x3F81];
	_ =	sdelay $0x3  }
0x36: {  	p1 =	seq.s32 s10, $0x1;
	s10 =	sld [smem:$0x3F82];
	_ =	sdelay $0x3  }
0x37: {  	[smem:$0x3F82] =	sst s10  }
0x38: {  	s10 =	sld [smem:$0x3F83]  }
0x39: {  	_ = 	snop;
	(pc) =	sbr.ind lr, $3  }
0x3a: {  	_ = 	snop  }
0x3b: {  	_ = 	snop  }
0x3c: {  	p2 =	seq.s32 s10, $0x1;
	s10 =	sld [smem:$0x3F82]  }
0x3d: {  	_ =	shalt  }
0x3e: {  	_ =	shalt  }
0x3f: {  	_ =	shalt  }
0x40: {  	_ =	shalt  }
0x41: {  	_ =	shalt  }
0x42: {  	_ =	shalt  }
0x43: {  	_ =	shalt  }
0x44: {  	_ =	shalt  }
0x45: {  	_ =	shalt  }
0x46: {  	_ =	shalt  }
0x47: {  	_ =	shalt  }
0x48: {  	_ =	shalt  }
0x49: {  	_ =	shalt  }
0x4a: {  	_ =	shalt  }
0x4b: {  	_ =	shalt  }
0x4c: {  	_ =	shalt  }
0x4d: {  	_ =	shalt  }
0x4e: {  	_ =	shalt  }
0x4f: {  	_ =	shalt  }
0x50: {  	_ =	shalt  }
0x51: {  	_ =	shalt  }
0x52: {  	_ =	shalt  }
0x53: {  	_ =	shalt  }
0x54: {  	_ =	shalt  }
0x55: {  	_ =	shalt  }
0x56: {  	_ =	shalt  }
0x57: {  	_ =	shalt  }
0x58: {  	_ =	shalt  }
0x59: {  	_ =	shalt  }
0x5a: {  	_ =	shalt  }
0x5b: {  	_ =	shalt  }
0x5c: {  	_ =	shalt  }
0x5d: {  	_ =	shalt  }
0x5e: {  	_ =	shalt  }
0x5f: {  	_ =	shalt  }
0x60: {  	_ =	shalt  }
0x61: {  	_ =	shalt  }
0x62: {  	_ =	shalt  }
0x63: {  	_ =	shalt  }
0x64: {  	_ =	shalt  }
0x65: {  	_ =	shalt  }
0x66: {  	_ =	shalt  }
0x67: {  	_ =	shalt  }
0x68: {  	_ =	shalt  }
0x69: {  	_ =	shalt  }
0x6a: {  	_ =	shalt  }
0x6b: {  	_ =	shalt  }
0x6c: {  	_ =	shalt  }
0x6d: {  	_ =	shalt  }
0x6e: {  	_ =	shalt  }
0x6f: {  	_ =	shalt  }
0x70: {  	_ =	shalt  }
0x71: {  	_ =	shalt  }
0x72: {  	_ =	shalt  }
0x73: {  	_ =	shalt  }
0x74: {  	_ =	shalt  }
0x75: {  	_ =	shalt  }
0x76: {  	_ =	shalt  }
0x77: {  	_ =	shalt  }
0x78: {  	_ =	shalt  }
0x79: {  	_ =	shalt  }
0x7a: {  	_ =	shalt  }
0x7b: {  	_ =	shalt  }
0x7c: {  	_ =	shalt  }
0x7d: {  	_ =	shalt  }
0x7e: {  	_ =	shalt  }
0x7f: {  	_ =	shalt  }
0x80: {  	_ =	shalt  }
0x81: {  	_ =	shalt  }
0x82: {  	_ =	shalt  }
0x83: {  	_ =	shalt  }
0x84: {  	_ =	shalt  }
0x85: {  	_ =	shalt  }
0x86: {  	_ =	shalt  }
0x87: {  	_ =	shalt  }
.Lfunc_end0:
.L_simem_size_0:
called_computation.3_lowered:
.L_overlay_start_0:
0x88: {  	s2 =	sld [smem:$0x3FD9]  }
0x89: {  	s3 =	sld [smem:$0x3FFE];
	_ =	sdelay $0x1  }
0x8a: {  	s1 =	srdreg.scid  }
0x8b: {  	s0 =	sand.u32 $0x1, s1  }
0x8c: {  	s16 =	sshll.u32 s0, $0xA;
	s2 =	sadd.s32 s3, s2  }
0x8d: {  	s2 =	sadd.s32 s2, s16  }
0x8e: {  	[smem:$0x3F8E] =	sst s2  }
0x8f: {  	_ = 	snop  }
0x90: {  	(tm) =	ssettm $0x1  }
0x91: {  	s17 =	sld [smem:$0x3FFB];
	_ =	sdelay $0x3  }
0x92: {  	_ =	strace s17  }
0x93: {  	s2 =	sld [smem:$0x3FFC];
	_ =	sdelay $0x3  }
0x94: {  	_ =	strace s2  }
0x95: {  	s2 =	sld [smem:$0x3FFD];
	_ =	sdelay $0x3  }
0x96: {  	_ =	strace s2  }
0x97: {  	_ =	strace $0x8FFFFFFF  }
0x98: {  	s18 =	sld [smem:$0x3FDB];
	_ =	sdelay $0x1  }
0x99: {  	s19 =	simm.s32 $_scs_section_size  }
0x9a: {  	s4 =	simm.s32 $_size__tile_overlayer_lowered;
	s5 =	simm.s32 $_tile_overlayer_lowered  }
0x9b: {  	s22 =	simm.s32 $0x1BFF;
	s21 =	sshll.u32 s5, $0x1;
	s2 =	sadd.s32 s19, s18  }
0x9c: {  	s6 =	simm.s32 $0x0;
	s20 =	sshll.u32 s4, $0x1;
	s4 =	sadd.s32 s21, s2  }
0x9d: {  	[timem:s6], [sflag:s22] =	dma.local [hbm:s4], s20  }
0x9e: {  	_ =	swait.ge [sflag:s22], s20  }
0x9f: {  	s3 =	ssub.s32 $0x0, s20;
	[sflag:s22] =	ssyncset.done $0x0  }
0xa0: {  	[sflag:s22] =	ssyncadd.s32 s3;
	_ =	sdelay $0x1  }
0xa1: {  	s23 =	simm.s32 $0x1B8B  }
0xa2: {  	_ =	swait.ge [sflag:s23], $0x1  }
0xa3: {  	[sflag:s23] =	ssyncset.done $0x0  }
0xa4: {  	s25 =	simm.s32 $0x1B8E;
	s24 =	sld [smem:$0x3FFE];
	[sflag:s23] =	ssyncadd.s32 $0xFFFFFFFF  }
0xa5: {  	s26 =	simm.s32 $execute0_lowered;
	[smem:$0x3FD2] =	sst s25  }
0xa6: {  	s4 =	sshll.u32 s26, $0x1;
	_ =	strace $0x8000004F;
	[dreg:$0x1] =	wrdreg $0xFFFFFFFF  }
0xa7: {  	s28 =	simm.s32 $_size_execute0_lowered;
	s2 =	sadd.s32 s2, s4;
	[dreg:$0x0] =	wrdreg $0x0  }
0xa8: {  	s4 =	sshll.u32 s28, $0x1;
	[dreg:$0x2] =	wrdreg s2  }
0xa9: {  	[dreg:$0x3] =	wrdreg s4  }
0xaa: {  	[dreg:$0x4] =	wrdreg $0xC0  }
0xab: {  	_ =	task [dreg:s6], $0x5FFFF  }
0xac: {  	[dreg:$0x1] =	wrdreg $0xFFFFFFFF  }
0xad: {  	[dreg:$0x0] =	wrdreg $0x60  }
0xae: {  	[dreg:$0x2] =	wrdreg s24  }
0xaf: {  	[dreg:$0x3] =	wrdreg $0x61000  }
0xb0: {  	[dreg:$0x4] =	wrdreg $0x9  }
0xb1: {  	_ =	task.clear_ibuf [dreg:s6], $0x5FFFF;
	_ =	strace $0x9000004F  }
0xb2: {  	s29 =	simm.s32 $0x9;
	_ =	strace $0x80000051  }
0xb3: {  	_ =	swait.ge [sflag:s29], $0x1  }
0xb4: {  	[sflag:s29] =	ssyncadd.s32 $0xFFFFFFFF  }
0xb5: {  	_ =	strace $0x90000051  }
0xb6: {  	_ =	sfence  }
0xb7: {  	s30 =	sld [smem:$0x0];
	_ =	sdelay $0x2  }
0xb8: {  	s31 =	sshll.u32 s1, $0xD;
	s1 =	sshrl.u32 s1, $0x2  }
0xb9: {  	s3 =	sand.u32 $0x4000, s31;
	s1 =	sadd.s32 s1, s30  }
0xba: {  	s0 =	sor.u32 s3, s0;
	s1 =	sshll.u32 s1, $0x11  }
0xbb: {  	s0 =	sor.u32 s1, s0  }
0xbc: {  	s0 =	sadd.s32 $0x8F2B, s0  }
0xbd: {  	[sflag:s0] =	ssyncadd.remote.s32 $0x1  }
0xbe: {  	_ =	sfence.sel $0xFFFF  }
0xbf: {  	[dreg:$0x0] =	wrdreg $0xFFFFFFFF;
	(pc) =	sbr.abs _section_cstart, $3  }
0xc0: {  	[dreg:$0x1] =	wrdreg $0xFFFFFFFF  }
0xc1: {  	_ =	task.clear_ibuf [dreg:s6], $0x2FFFF;
	_ =	strace $0x9FFFFFFF  }
0xc2: {  	(tm) =	ssettm $0x7FFFFFFF  }
0xc3: {  	_ =	shalt  }
tec
execute0_lowered:
.L_overlay_start_1:
0x0: {  	(tag) =	ssettag $0x1  }
0x1: {  	s0 =	rddreg [dreg:$0x0]  }
0x2: {  	s1 =	rddreg [dreg:$0x1];
	s3 =	simm.s32 $0x0  }
0x3: {  	s2 =	srdreg.scid;
	s14 =	stileid.u32;
	s28 =	simm.s32 $0x2  }
0x4: {  	s29 =	simm.s32 $0x100;
	s30 =	simm.s32 $0x2100;
	s31 =	simm.s32 $0x3  }
0x5: {  	[smem:$0x7FF] =	sst s3;
	s2 =	sand.u32 $0x1, s2;
	s4 =	sadd.s32 $0xBD2E00, s0  }
0x6: {  	s10 =	smul.u32 $0x14000, s14;
	s5 =	sadd.s32 $0xBFAE00, s0;
	s6 =	sadd.s32 $0x5EC00, s0  }
0x7: {  	s7 =	sadd.s32 $0xC23000, s0;
	s8 =	sadd.s32 $0xB0B400, s0;
	s12 =	smul.u32 $0x50000, s14  }
0x8: {  	s21 =	sshll.u32 s14, $0x1;
	_ =	strace $0x80000050;
	s9 =	smul.u32 $0x140000, s2  }
0x9: {  	s11 =	ssub.s32 $0x2, s2;
	s2 =	sor.u32 s2, s21;
	s12 =	sshrl.u32 s12, $0x2  }
0xa: {  	s20 =	sshrl.u32 s11, $0x1;
	s9 =	sadd.s32 s10, s9;
	s22 =	sadd.s32 s12, s1  }
0xb: {  	s10 =	sadd.s32 s10, s1;
	s9 =	sshrl.u32 s9, $0x3;
	s12 =	sadd.s32 $0x2000, s22  }
0xc: {  	s23 =	sadd.s32 $0x4000, s22;
	s24 =	sadd.s32 $0x6000, s22;
	s25 =	sadd.s32 $0x8000, s22  }
0xd: {  	s26 =	sadd.s32 $0xA000, s22;
	s16 =	sadd.s32 $0xC000, s22;
	[dreg:$0x3] =	wrdreg s12  }
0xe: {  	s17 =	sadd.s32 $0xE000, s22;
	s18 =	sadd.s32 $0x10000, s22;
	[dreg:$0x4] =	wrdreg s23  }
0xf: {  	s19 =	sadd.s32 $0x12000, s22;
	s13 =	sadd.s32 s9, s0;
	[dreg:$0x5] =	wrdreg s24  }
0x10: {  	s9 =	sadd.s32 $0x5E7000, s0;
	s0 =	ssub.s32 s11, s20;
	[dreg:$0x6] =	wrdreg s25  }
0x11: {  	[dreg:$0x7] =	wrdreg s26;
	s20 =	smul.u32 $0x4E80, s2;
	s23 =	simm.s32 $0x4100  }
0x12: {  	s24 =	simm.s32 $0x4;
	s25 =	simm.s32 $0x80;
	s26 =	simm.s32 $0x1  }
0x13: {  	v0 =	vimm.f32 $0.0e+00;
	s21 =	sadd.s32 $0xB82E00, s13;
	s22 =	smax.u32 s0, $0x1;
	s0 =	simm.s32 $0x0  }
.LBB2_1:
0x14: {  	s11 =	simm.s32 $0x100;
	s2 =	simm.s32 $0x0  }
.LBB2_2:
0x15: {  	p0 =	sne.s32 s11, $0x7F00;
	[tilespmem:s2+$0x4130] =	vst v0;
	s12 =	smov.u32 s11;
	s11 =	sadd.s32 $0x100, s11  }
.Ltmp0:
0x16: {  	[tilespmem:s2+$0x4120] =	vst v0;
	(pc) =	sbr.rel @p0 .LBB2_2-.Ltmp0, $3  }
0x17: {  	[tilespmem:s2+$0x4100] =	vst v0  }
0x18: {  	[tilespmem:s2+$0x4110] =	vst v0;
	_ =	sdelay $0x1  }
0x19: {  	s2 =	sshra.s32 s12, $0x2  }
0x1a: {  	[tilespmem:s2+$0x4130] =	vst v0  }
0x1b: {  	[tilespmem:s2+$0x4120] =	vst v0  }
0x1c: {  	[tilespmem:s2+$0x4100] =	vst v0  }
0x1d: {  	[tilespmem:s2+$0x4110] =	vst v0  }
0x1e: {  	[spmem:s10] =	stream.linear.scatter [tilespmem:s23], [sflag:$0x4], $0x2000, $0x38;
	[tilespmem:$0x1A100] =	vst v63  }
0x1f: {  	_ =	swait.ge [sflag:s24], $0x2000  }
0x20: {  	[sflag:s24] =	ssyncset.done $0x0  }
0x21: {  	s11 =	rddreg [dreg:$0x3];
	[sflag:s24] =	ssyncadd.s32 $0xFFFFE000  }
0x22: {  	[spmem:s11] =	stream.linear.scatter [tilespmem:s23], [sflag:$0x4], $0x2000, $0x38;
	[tilespmem:$0x1A100] =	vst v63  }
0x23: {  	_ =	swait.ge [sflag:s24], $0x2000  }
0x24: {  	[sflag:s24] =	ssyncset.done $0x0  }
0x25: {  	s12 =	rddreg [dreg:$0x4];
	[sflag:s24] =	ssyncadd.s32 $0xFFFFE000  }
0x26: {  	[spmem:s12] =	stream.linear.scatter [tilespmem:s23], [sflag:$0x4], $0x2000, $0x38;
	[tilespmem:$0x1A100] =	vst v63  }
0x27: {  	_ =	swait.ge [sflag:s24], $0x2000  }
0x28: {  	[sflag:s24] =	ssyncset.done $0x0  }
0x29: {  	s13 =	rddreg [dreg:$0x5];
	[sflag:s24] =	ssyncadd.s32 $0xFFFFE000  }
0x2a: {  	[spmem:s13] =	stream.linear.scatter [tilespmem:s23], [sflag:$0x4], $0x2000, $0x38;
	[tilespmem:$0x1A100] =	vst v63  }
0x2b: {  	_ =	swait.ge [sflag:s24], $0x2000  }
0x2c: {  	[sflag:s24] =	ssyncset.done $0x0  }
0x2d: {  	s14 =	rddreg [dreg:$0x6];
	[sflag:s24] =	ssyncadd.s32 $0xFFFFE000  }
0x2e: {  	[spmem:s14] =	stream.linear.scatter [tilespmem:s23], [sflag:$0x4], $0x2000, $0x38;
	[tilespmem:$0x1A100] =	vst v63  }
0x2f: {  	_ =	swait.ge [sflag:s24], $0x2000  }
0x30: {  	[sflag:s24] =	ssyncset.done $0x0  }
0x31: {  	s15 =	rddreg [dreg:$0x7];
	[sflag:s24] =	ssyncadd.s32 $0xFFFFE000  }
0x32: {  	[spmem:s15] =	stream.linear.scatter [tilespmem:s23], [sflag:$0x4], $0x2000, $0x38;
	[tilespmem:$0x1A100] =	vst v63  }
0x33: {  	_ =	swait.ge [sflag:s24], $0x2000  }
0x34: {  	[sflag:s24] =	ssyncset.done $0x0  }
0x35: {  	[sflag:s24] =	ssyncadd.s32 $0xFFFFE000  }
0x36: {  	[spmem:s16] =	stream.linear.scatter [tilespmem:s23], [sflag:$0x4], $0x2000, $0x38;
	[tilespmem:$0x1A100] =	vst v63  }
0x37: {  	_ =	swait.ge [sflag:s24], $0x2000  }
0x38: {  	[sflag:s24] =	ssyncset.done $0x0  }
0x39: {  	[sflag:s24] =	ssyncadd.s32 $0xFFFFE000  }
0x3a: {  	[spmem:s17] =	stream.linear.scatter [tilespmem:s23], [sflag:$0x4], $0x2000, $0x38;
	[tilespmem:$0x1A100] =	vst v63  }
0x3b: {  	_ =	swait.ge [sflag:s24], $0x2000  }
0x3c: {  	[sflag:s24] =	ssyncset.done $0x0  }
0x3d: {  	[sflag:s24] =	ssyncadd.s32 $0xFFFFE000  }
0x3e: {  	[spmem:s18] =	stream.linear.scatter [tilespmem:s23], [sflag:$0x4], $0x2000, $0x38;
	[tilespmem:$0x1A100] =	vst v63  }
0x3f: {  	_ =	swait.ge [sflag:s24], $0x2000  }
0x40: {  	[sflag:s24] =	ssyncset.done $0x0  }
0x41: {  	[sflag:s24] =	ssyncadd.s32 $0xFFFFE000  }
0x42: {  	[spmem:s19] =	stream.linear.scatter [tilespmem:s23], [sflag:$0x4], $0x2000, $0x38;
	[tilespmem:$0x1A100] =	vst v63  }
0x43: {  	_ =	swait.ge [sflag:s24], $0x2000  }
0x44: {  	[sflag:s24] =	ssyncset.done $0x0  }
0x45: {  	[sflag:s24] =	ssyncadd.s32 $0xFFFFE000  }
0x46: {  	s2 =	simm.s32 $0x0;
	s11 =	simm.s32 $0x0;
	[bflag:$0x0] =	sbarrier.arrive $0xFFFF  }
.LBB2_4:
0x47: {  	s12 =	sshll.u32 s11, $0x7  }
0x48: {  	s12 =	sadd.s32 s20, s12  }
0x49: {  	s13 =	sshrl.u32 s12, $0x3  }
0x4a: {  	s14 =	sadd.s32 s7, s13  }
0x4b: {  	[tilespmem:s2], [sflag:$0x1] =	stream.linear.gather [hbm4b:s14+s2], $0x80, $0x38;
	[tilespmem:$0x1A100] =	vst v63  }
0x4c: {  	s12 =	sshll.u32 s12, $0x3;
	s13 =	sadd.s32 s8, s13  }
0x4d: {  	[tilespmem:s25], [sflag:$0x2] =	stream.linear.gather [hbm4b:s13+s2], $0x80, $0x38;
	[tilespmem:$0x1A100] =	vst v63  }
0x4e: {  	s15 =	sadd.s32 s6, s12  }
0x4f: {  	[tilespmem:s23], [sflag:$0x3] =	stream.linear.gather [hbm4b:s15+s2], $0x2000, $0x38;
	[tilespmem:$0x1A100] =	vst v63  }
0x50: {  	_ =	swait.ge [sflag:s26], $0x80  }
0x51: {  	[sflag:s26] =	ssyncset.done $0x0  }
0x52: {  	[sflag:s26] =	ssyncadd.s32 $0xFFFFFF80  }
0x53: {  	_ =	swait.ge [sflag:s28], $0x80  }
0x54: {  	[sflag:s28] =	ssyncset.done $0x0  }
0x55: {  	[sflag:s28] =	ssyncadd.s32 $0xFFFFFF80  }
0x56: {  	[tilespmem:s29], [sflag:$0x1] =	stream.indirect.gather [hbm4b:s4+s25], $0x40, s2, s25, $0xb8;
	[tilespmem:$0x1A100] =	vst v63  }
0x57: {  	_ = 	snop  }
0x58: {  	[tilespmem:s30], [sflag:$0x2] =	stream.indirect.gather [hbm4b:s5+s25], $0x40, s25, s25, $0xb8;
	[tilespmem:$0x1A100] =	vst v63  }
0x59: {  	_ =	swait.ge [sflag:s26], $0x2000  }
0x5a: {  	[sflag:s26] =	ssyncset.done $0x0  }
0x5b: {  	[sflag:s26] =	ssyncadd.s32 $0xFFFFE000  }
0x5c: {  	_ =	swait.ge [sflag:s28], $0x2000  }
0x5d: {  	[sflag:s28] =	ssyncset.done $0x0  }
0x5e: {  	[sflag:s28] =	ssyncadd.s32 $0xFFFFE000  }
0x5f: {  	_ =	swait.ge [sflag:s31], $0x2000  }
0x60: {  	[sflag:s31] =	ssyncset.done $0x0  }
0x61: {  	s13 =	simm.s32 $0x0;
	[sflag:s31] =	ssyncadd.s32 $0xFFFFE000  }
0x62: {  	v1 =	vld [tilespmem:s13+$0x100]  }
0x63: {  	v3 =	vld [tilespmem:s13+$0x2100]  }
0x64: {  	v2 =	vld [tilespmem:s13+$0x110]  }
0x65: {  	v5 =	vld [tilespmem:s13+$0x2110]  }
0x66: {  	v4 =	vld [tilespmem:s13+$0x120]  }
0x67: {  	v7 =	vld [tilespmem:s13+$0x2120]  }
0x68: {  	v6 =	vld [tilespmem:s13+$0x130]  }
0x69: {  	v8 =	vld [tilespmem:s13+$0x2130]  }
0x6a: {  	s14 =	simm.s32 $0x100;
	v9 =	vld [tilespmem:s13+$0x4100]  }
.LBB2_5:
0x6b: {  	p0 =	sne.s32 s14, $0x7F00;
	v10 =	vld [tilespmem:s13+$0x4110]  }
0x6c: {  	v11 =	vld [tilespmem:s13+$0x4120]  }
0x6d: {  	s15 =	sshra.s32 s14, $0x2;
	v12 =	vadd.f32 v3, v1;
	v13 =	vld [tilespmem:s13+$0x4130]  }
0x6e: {  	v5 =	vadd.f32 v5, v2;
	v1 =	vld [tilespmem:s15+$0x100]  }
0x6f: {  	v4 =	vadd.f32 v7, v4;
	v3 =	vld [tilespmem:s15+$0x2100];
	v9 =	vadd.f32 v9, v12  }
0x70: {  	v6 =	vadd.f32 v8, v6;
	v2 =	vld [tilespmem:s15+$0x110];
	v7 =	vadd.f32 v10, v5  }
0x71: {  	v5 =	vld [tilespmem:s15+$0x2110];
	v8 =	vmax.f32 v9, $0.0e+00;
	v9 =	vadd.f32 v11, v4  }
.Ltmp1:
0x72: {  	v4 =	vld [tilespmem:s15+$0x120];
	[tilespmem:s13+$0x4100] =	vst v8;
	v8 =	vmax.f32 v7, $0.0e+00;
	v10 =	vadd.f32 v13, v6;
	(pc) =	sbr.rel @p0 .LBB2_5-.Ltmp1, $4  }
0x73: {  	v7 =	vld [tilespmem:s15+$0x2120];
	[tilespmem:s13+$0x4110] =	vst v8;
	v8 =	vmax.f32 v9, $0.0e+00  }
0x74: {  	v6 =	vld [tilespmem:s15+$0x130];
	[tilespmem:s13+$0x4120] =	vst v8;
	v9 =	vmax.f32 v10, $0.0e+00  }
0x75: {  	v8 =	vld [tilespmem:s15+$0x2130];
	[tilespmem:s13+$0x4130] =	vst v9;
	s13 =	smov.u32 s15  }
0x76: {  	s14 =	sadd.s32 $0x100, s14;
	v9 =	vld [tilespmem:s13+$0x4100]  }
0x77: {  	v10 =	vld [tilespmem:s13+$0x4110]  }
0x78: {  	v11 =	vld [tilespmem:s13+$0x4120]  }
0x79: {  	v1 =	vadd.f32 v3, v1;
	v3 =	vld [tilespmem:s13+$0x4130]  }
0x7a: {  	v2 =	vadd.f32 v5, v2  }
0x7b: {  	v4 =	vadd.f32 v7, v4;
	v1 =	vadd.f32 v9, v1  }
0x7c: {  	v63 =	vadd.f32 v8, v6;
	v2 =	vadd.f32 v10, v2  }
0x7d: {  	v4 =	vadd.f32 v11, v4;
	v1 =	vmax.f32 v1, $0.0e+00  }
0x7e: {  	[tilespmem:s13+$0x4100] =	vst v1;
	v1 =	vmax.f32 v2, $0.0e+00;
	v2 =	vadd.f32 v3, v63  }
0x7f: {  	[tilespmem:s13+$0x4110] =	vst v1;
	v1 =	vmax.f32 v4, $0.0e+00  }
0x80: {  	[tilespmem:s13+$0x4120] =	vst v1;
	v1 =	vmax.f32 v2, $0.0e+00  }
0x81: {  	s12 =	sadd.s32 s9, s12;
	[tilespmem:s13+$0x4130] =	vst v1  }
0x82: {  	[hbm4b:s12+s3] =	stream.linear.scatter [tilespmem:s23], [sflag:$0x1], $0x2000, $0x38;
	[tilespmem:$0x1A100] =	vst v63  }
0x83: {  	s11 =	sadd.s32 $0x1, s11  }
0x84: {  	[spmem:s1] =	stream.indirect.scatter.add.f32 [tilespmem:s23], [sflag:$0x2], $0x40, s25, s25, $0xb8;
	[tilespmem:$0x1A100] =	vst v63  }
0x85: {  	p0 =	sne.s32 s11, $0x9D;
	_ =	swait.ge [sflag:s26], $0x2000  }
.Ltmp2:
0x86: {  	[sflag:s26] =	ssyncset.done $0x0;
	(pc) =	sbr.rel @p0 .LBB2_4-.Ltmp2, $4  }
0x87: {  	[sflag:s26] =	ssyncadd.s32 $0xFFFFE000  }
0x88: {  	_ =	swait.ge [sflag:s28], $0x2000  }
0x89: {  	[sflag:s28] =	ssyncset.done $0x0  }
0x8a: {  	[sflag:s28] =	ssyncadd.s32 $0xFFFFE000  }
0x8b: {  	s2 =	stileid.u32;
	s0 =	sadd.s32 $0x1, s0  }
0x8c: {  	[bflag:$0x0] =	sbarrier.arrive $0xFFFF;
	s2 =	sshll.u32 s2, $0x6;
	p0 =	sne.s32 s0, s22  }
.Ltmp3:
0x8d: {  	s11 =	sshrl.u32 s10, $0x3;
	s2 =	sor.u32 $0x1C04, s2;
	(pc) =	sbr.rel @p0 .LBB2_1-.Ltmp3, $4  }
0x8e: {  	[hbm:s21], [sflag:s2] =	dma.local [spmem:s11], $0x2800  }
0x8f: {  	_ =	swait.ge [sflag:s24], $0x2800  }
0x90: {  	[sflag:s24] =	ssyncset.done $0x0  }
0x91: {  	[sflag:s24] =	ssyncadd.s32 $0xFFFFD800  }
0x92: {  	_ =	sfence.sel $0x180000  }
0x93: {  	[bflag:$0x0] =	sbarrier.arrive $0xFFFF  }
0x94: {  	_ =	strace $0x90000050  }
0x95: {  	s0 =	stileid.u32;
	[bflag:$0x2] =	sbarrier.arrive $0xFFFF  }
0x96: {  	p0 =	sne.s32 s0, $0x0;
	s0 =	rddreg [dreg:$0x2]  }
0x97: {  	s0 =	sadd.s32 @!p0 $0x100000, s0  }
0x98: {  	[sflag:s0] =	ssyncadd.tile.s32 @!p0 $0x1;
	_ =	shalt  }
.Lfunc_end2:
_tile_overlayer_lowered:
.L_overlay_start_2:
0x99: {  	(tag) =	ssettag $0x2  }
0x9a: {  	s0 =	rddreg [dreg:$0x0];
	s2 =	stileid.u32  }
0x9b: {  	s1 =	rddreg [dreg:$0x1];
	p0 =	sne.s32 s2, $0x0  }
0x9c: {  	s3 =	rddreg [dreg:$0x2];
	[bflag:$0x3] =	sbarrier.arrive $0xFFFF;
	s2 =	simm.s32 @!p0 $0x1C04  }
0x9d: {  	[timem:s3], [sflag:s2] =	dma.local @!p0 [hbm:s0], s1  }
0x9e: {  	s0 =	simm.s32 @!p0 $0x4  }
0x9f: {  	_ =	swait.ge @!p0 [sflag:s0], s1  }
0xa0: {  	s1 =	ssub.s32 @!p0 $0x0, s1;
	[sflag:s0] =	ssyncset.done @!p0 $0x0  }
0xa1: {  	[sflag:s0] =	ssyncadd.s32 @!p0 s1  }
0xa2: {  	[bflag:$0x3] =	sbarrier.arrive $0xFFFF  }
0xa3: {  	_ =	shalt  }

// kernel: sparse-core-data-format-call.cloned.1.call-start
scs
called_computation_lowered:
.L_overlay_start_0:
0x0: {  	s1 =	sld [smem:$0x3FD9]  }
0x1: {  	s2 =	sld [smem:$0x3FFE];
	_ =	sdelay $0x1  }
0x2: {  	s3 =	srdreg.scid  }
0x3: {  	s0 =	sand.u32 $0x1, s3  }
0x4: {  	s17 =	sshll.u32 s0, $0xA;
	s1 =	sadd.s32 s2, s1  }
0x5: {  	s1 =	sadd.s32 s1, s17  }
0x6: {  	[smem:$0x3F8E] =	sst s1  }
0x7: {  	_ = 	snop  }
0x8: {  	(tm) =	ssettm $0x1  }
0x9: {  	s18 =	sld [smem:$0x3FFB];
	_ =	sdelay $0x3  }
0xa: {  	_ =	strace s18  }
0xb: {  	s1 =	sld [smem:$0x3FFC];
	_ =	sdelay $0x3  }
0xc: {  	_ =	strace s1  }
0xd: {  	s1 =	sld [smem:$0x3FFD];
	_ =	sdelay $0x3  }
0xe: {  	_ =	strace s1  }
0xf: {  	_ =	strace $0x8FFFFFFF  }
0x10: {  	s19 =	sld [smem:$0x3FDB];
	_ =	sdelay $0x1  }
0x11: {  	s20 =	simm.s32 $_scs_section_size  }
0x12: {  	s4 =	simm.s32 $_size__tile_overlayer_lowered;
	s5 =	simm.s32 $_tile_overlayer_lowered  }
0x13: {  	s23 =	simm.s32 $0x1BFF;
	s22 =	sshll.u32 s5, $0x1;
	s1 =	sadd.s32 s20, s19  }
0x14: {  	s6 =	simm.s32 $0x0;
	s21 =	sshll.u32 s4, $0x1;
	s4 =	sadd.s32 s22, s1  }
0x15: {  	[timem:s6], [sflag:s23] =	dma.local [hbm:s4], s21  }
0x16: {  	_ =	swait.ge [sflag:s23], s21  }
0x17: {  	s2 =	ssub.s32 $0x0, s21;
	[sflag:s23] =	ssyncset.done $0x0  }
0x18: {  	[sflag:s23] =	ssyncadd.s32 s2;
	_ =	sdelay $0x1  }
0x19: {  	s24 =	simm.s32 $0x1B8B  }
0x1a: {  	_ =	swait.ge [sflag:s24], $0x1  }
0x1b: {  	[sflag:s24] =	ssyncset.done $0x0  }
0x1c: {  	s26 =	simm.s32 $0x1B8E;
	s25 =	sld [smem:$0x3FFE];
	[sflag:s24] =	ssyncadd.s32 $0xFFFFFFFF  }
0x1d: {  	s27 =	simm.s32 $execute0_lowered;
	[smem:$0x3FD2] =	sst s26  }
0x1e: {  	s4 =	sshll.u32 s27, $0x1;
	_ =	strace $0x80000046;
	[dreg:$0x1] =	wrdreg $0xFFFFFFFF  }
0x1f: {  	s28 =	simm.s32 $_size_execute0_lowered;
	s1 =	sadd.s32 s1, s4;
	[dreg:$0x0] =	wrdreg $0x0  }
0x20: {  	s4 =	sshll.u32 s28, $0x1;
	[dreg:$0x2] =	wrdreg s1  }
0x21: {  	[dreg:$0x3] =	wrdreg s4  }
0x22: {  	[dreg:$0x4] =	wrdreg $0xC0  }
0x23: {  	_ =	task [dreg:s6], $0x5FFFF  }
0x24: {  	[dreg:$0x1] =	wrdreg $0xFFFFFFFF  }
0x25: {  	[dreg:$0x0] =	wrdreg $0x60  }
0x26: {  	[dreg:$0x2] =	wrdreg s25  }
0x27: {  	[dreg:$0x3] =	wrdreg $0xA  }
0x28: {  	_ =	task.clear_ibuf [dreg:s6], $0x4FFFF;
	_ =	strace $0x90000046  }
0x29: {  	s29 =	simm.s32 $0xA;
	_ =	strace $0x80000048  }
0x2a: {  	_ =	swait.ge [sflag:s29], $0x1  }
0x2b: {  	[sflag:s29] =	ssyncadd.s32 $0xFFFFFFFF  }
0x2c: {  	_ =	strace $0x90000048  }
0x2d: {  	_ =	sfence  }
0x2e: {  	s30 =	sld [smem:$0x0];
	_ =	sdelay $0x2  }
0x2f: {  	s31 =	sshll.u32 s3, $0xD;
	s3 =	sshrl.u32 s3, $0x2  }
0x30: {  	s2 =	sand.u32 $0x4000, s31;
	s1 =	sadd.s32 s3, s30  }
0x31: {  	s0 =	sor.u32 s2, s0;
	s1 =	sshll.u32 s1, $0x11  }
0x32: {  	s0 =	sor.u32 s1, s0  }
0x33: {  	s0 =	sadd.s32 $0x8F2B, s0  }
0x34: {  	[sflag:s0] =	ssyncadd.remote.s32 $0x1  }
0x35: {  	_ =	sfence.sel $0xFFFF  }
0x36: {  	[dreg:$0x0] =	wrdreg $0xFFFFFFFF;
	(pc) =	sbr.abs _section_cstart, $3  }
0x37: {  	[dreg:$0x1] =	wrdreg $0xFFFFFFFF  }
0x38: {  	_ =	task.clear_ibuf [dreg:s6], $0x2FFFF;
	_ =	strace $0x9FFFFFFF  }
0x39: {  	(tm) =	ssettm $0x7FFFFFFF  }
tec
execute0_lowered:
.L_overlay_start_1:
0x0: {  	(tag) =	ssettag $0x1  }
0x1: {  	s0 =	srdreg.scid  }
0x2: {  	s2 =	stileid.u32;
	s0 =	sshll.u32 s0, $0x4  }
0x3: {  	s1 =	rddreg [dreg:$0x0];
	_ =	strace $0x80000047;
	s0 =	sand.u32 $0x10, s0  }
0x4: {  	s31 =	simm.s32 $0x1;
	s5 =	simm.s32 $0x2;
	s0 =	sor.u32 s2, s0  }
0x5: {  	s13 =	simm.s32 $0x0;
	s10 =	simm.s32 $0x0;
	s6 =	sshll.u32 s0, $0xA  }
0x6: {  	s7 =	sadd.s32 $0xEC00, s1;
	s1 =	sadd.s32 $0x147400, s1;
	s0 =	ssub.s32 $0x9C400, s6  }
0x7: {  	s11 =	simm.s32 $0x0;
	[dreg:$0x4] =	wrdreg s1;
	s4 =	sand.u32 $0x7C00, s0  }
.Ltmp0:
0x8: {  	p0 =	sne.s32 s4, $0x0;
	s4 =	simm.s32 $0x1;
	(pc) =	sbr.rel .LBB1_1-.Ltmp0, $4  }
0x9: {  	[dreg:$0x3] =	wrdreg s7;
	s0 =	sshrl.u32 s0, $0xF;
	s4 =	simm.s32 @!p0 $0x0  }
0xa: {  	[sflag:s31] =	ssyncpa.u1 $0x0;
	[dreg:$0x2] =	wrdreg s6;
	s8 =	sadd.s32 s4, s0  }
0xb: {  	[sflag:s5] =	ssyncpa.u1 $0x0;
	s9 =	sadd.s32 $0x1, s8;
	[dreg:$0x5] =	wrdreg s8  }
0xc: {  	s2 =	simm.s32 $0x0;
	s12 =	smov.u32 s6;
	[dreg:$0x6] =	wrdreg s9  }
.LBB1_7:
0xd: {  	s0 =	sadd.s32 $0x8000, s12  }
0xe: {  	s2 =	sadd.s32 $0x10, s10;
	s3 =	smov.u32 s10;
	p1 =	sgt.s32 s0, $0x9C3FF  }
0xf: {  	s3 =	smov.u32 @p1 s2  }
0x10: {  	s0 =	smov.u32 @p1 s6;
	p1 =	sgt.s32 s3, $0xF  }
0x11: {  	s3 =	simm.s32 @p1 $0x0;
	p1 =	sne.s32 s11, s9  }
.Ltmp1:
0x12: {  	p0 =	slt.u32 s11, $0x2;
	(pc) =	sbr.rel @!p1 .LBB1_8-.Ltmp1, $4  }
0x13: {  	s1 =	simm.s32 @!p0 $0x2  }
0x14: {  	s13 =	smov.u32 s12;
	_ =	swait.ge @!p0 [sflag:s1], $0x4000  }
0x15: {  	s2 =	smov.u32 s10;
	[sflag:s1] =	ssyncset.done @!p0 $0x0;
	s12 =	smov.u32 s0  }
0x16: {  	s11 =	sadd.s32 $0x1, s11;
	[sflag:s1] =	ssyncadd.s32 @!p0 $0xFFFFC000;
	s10 =	smov.u32 s3  }
.LBB1_1:
0x17: {  	p0 =	sge.u32 s11, s8  }
0x18: {  	s0 =	sshrl.u32 @!p0 s10, $0x3  }
0x19: {  	s1 =	sshll.u32 @!p0 s12, $0x3;
	s4 =	sshll.u32 @!p0 s10, $0x7;
	s0 =	smul.u32 @!p0 $0x4E2000, s0  }
0x1a: {  	s5 =	sand.u32 @!p0 $0x7F, s12;
	s1 =	sand.u32 @!p0 $0xFFFFFC00, s1;
	s4 =	sand.u32 @!p0 $0x380, s4  }
0x1b: {  	s0 =	sadd.s32 @!p0 s0, s1;
	s1 =	sor.u32 @!p0 s5, s4  }
0x1c: {  	s1 =	sor.u32 @!p0 s0, s1  }
0x1d: {  	s4 =	smulhi.u32 @!p0 $0xD1B71759, s1;
	_ =	sdelay $0x1  }
0x1e: {  	s0 =	smulhi.u32 @!p0 $0xD1B71759, s0;
	s4 =	sshrl.u32 @!p0 s4, $0x13  }
0x1f: {  	s4 =	smul.u32 @!p0 $0x9C400, s4  }
0x20: {  	s31 =	sadd.s32 $0xFFFFFFFF, s11;
	s5 =	sxor.u32 @!p0 $0xFFFFFFFF, s11;
	s0 =	sshrl.u32 @!p0 s0, $0x13  }
0x21: {  	s5 =	sshll.u32 @!p0 s5, $0xE;
	s0 =	sand.u32 @!p0 $0xF, s0;
	s1 =	ssub.s32 @!p0 s1, s4  }
0x22: {  	s0 =	smul.u32 @!p0 $0x13880, s0;
	s4 =	sshrl.u32 @!p0 s1, $0x3;
	s1 =	sand.u32 @!p0 $0x7, s1  }
0x23: {  	s5 =	sand.u32 @!p0 $0x4000, s5;
	s4 =	sadd.s32 @!p0 s7, s4;
	s1 =	sshll.u32 @!p0 s1, $0x12  }
0x24: {  	s0 =	sadd.s32 @!p0 s0, s4;
	s1 =	sor.u32 @!p0 $0x2000, s1;
	s4 =	simm.s32 @!p0 $0x4E2000  }
0x25: {  	[tilespmem:s5], [sflag:$0x1] =	stream.strided.gather @!p0 [hbm4b:s0+s1], $0x4000, s4, s1, $0x38;
	[tilespmem:$0x10800] =	vst v63  }
0x26: {  	p0 =	sge.u32 s31, s8  }
.Ltmp2:
0x27: {  	_ = 	snop;
	(pc) =	sbr.rel @p0 .LBB1_7-.Ltmp2, $1  }
0x28: {  	_ =	sdelay $0x3  }
0x29: {  	[dreg:$0x9] =	wrdreg s13  }
0x2a: {  	[dreg:$0x8] =	wrdreg s2;
	s0 =	sand.u32 $0x1, s11  }
0x2b: {  	[dreg:$0x7] =	wrdreg s12;
	s31 =	simm.s32 $0x1;
	s1 =	smul.u32 $0x11000, s0  }
0x2c: {  	_ =	swait.ge [sflag:s31], $0x4000  }
0x2d: {  	s16 =	simm.s32 $0x0;
	[sflag:s31] =	ssyncset.done $0x0;
	s1 =	sshrl.u32 s1, $0x2  }
0x2e: {  	s15 =	sshll.u32 s0, $0xE;
	[sflag:s31] =	ssyncadd.s32 $0xFFFFC000;
	s14 =	sor.u32 $0x8000, s1  }
.LBB1_3:
0x2f: {  	s0 =	sshll.u32 s16, $0xA  }
0x30: {  	s1 =	sshll.u32 s16, $0x7;
	s0 =	sand.u32 $0x2000, s0  }
0x31: {  	s1 =	sand.u32 $0x380, s1;
	s0 =	sadd.s32 s0, s15  }
0x32: {  	s0 =	sadd.s32 s1, s0  }
0x33: {  	s17 =	sadd.s32 s16, s14;
	p0 =	por $0x1, $0x1;
	s18 =	simm.s32 $0x0;
	v0 =	vmov s0  }
.LBB1_4:
0x34: {  	s0 =	smul.u32 $0x44, s18;
	s1 =	sshll.u32 s18, $0x3;
	s4 =	sor.u32 $0x80, s18  }
0x35: {  	s9 =	sor.u32 $0x90, s18;
	s22 =	sor.u32 $0xA0, s18;
	s25 =	sor.u32 $0xB0, s18  }
0x36: {  	s2 =	sor.u32 $0xC0, s18;
	s3 =	sor.u32 $0xD0, s18;
	s7 =	smul.u32 $0x44, s4  }
0x37: {  	p1 =	por p0, p0;
	s29 =	sand.u32 $0x3FFFFFF8, s1;
	s13 =	smul.u32 $0x44, s9  }
0x38: {  	s8 =	sshll.u32 s4, $0x3;
	s21 =	sshll.u32 s9, $0x3;
	s5 =	smul.u32 $0x44, s22  }
0x39: {  	s24 =	sshll.u32 s22, $0x3;
	s27 =	smul.u32 $0x44, s25;
	s28 =	sshll.u32 s25, $0x3  }
0x3a: {  	s4 =	sshll.u32 s2, $0x3;
	s25 =	smul.u32 $0x44, s3;
	s0 =	sshra.s32 s0, $0x2  }
0x3b: {  	s30 =	sand.u32 $0x3FFFFFF8, s8;
	s31 =	sand.u32 $0x1400, s21;
	s1 =	sand.u32 $0x1400, s24  }
0x3c: {  	s24 =	smul.u32 $0x44, s2;
	s8 =	sand.u32 $0x1400, s4;
	s0 =	sadd.s32 s0, s14  }
0x3d: {  	s12 =	sshra.s32 s7, $0x2;
	s23 =	sshra.s32 s13, $0x2;
	s26 =	sshra.s32 s5, $0x2  }
0x3e: {  	s5 =	sshra.s32 s27, $0x2;
	s7 =	sshll.u32 s3, $0x3;
	s9 =	sshra.s32 s25, $0x2  }
0x3f: {  	s3 =	sor.u32 $0x100, s18;
	v55 =	vld.idx.msk [tilespmem:v0+s31+$0x10 ss:$0x1], $0xffff;
	s31 =	sor.u32 $0x140, s18;
	s19 =	sadd.s32 s16, s0  }
0x40: {  	s20 =	sadd.s32 s12, s17;
	s21 =	sadd.s32 s23, s17;
	s22 =	sadd.s32 s26, s17  }
0x41: {  	s0 =	sand.u32 $0x1400, s28;
	s23 =	sadd.s32 s5, s17;
	s6 =	sshra.s32 s24, $0x2  }
0x42: {  	v1 =	vld.idx.msk [tilespmem:v0+s29+$0x0 ss:$0x1], $0xffff;
	s26 =	sor.u32 $0xE0, s18;
	s5 =	sand.u32 $0x1400, s7;
	s25 =	sadd.s32 s9, s17  }
0x43: {  	v2 =	vld.idx.msk [tilespmem:v0+s29+$0x10 ss:$0x1], $0xffff;
	s28 =	sor.u32 $0xF0, s18;
	s24 =	sadd.s32 s6, s17;
	s27 =	smul.u32 $0x44, s26  }
0x44: {  	v3 =	vld.idx.msk [tilespmem:v0+s29+$0x20 ss:$0x1], $0xffff;
	s12 =	sshll.u32 s26, $0x3;
	s2 =	smul.u32 $0x44, s28;
	s28 =	sshll.u32 s28, $0x3  }
0x45: {  	s6 =	smul.u32 $0x44, s3;
	s3 =	sshll.u32 s3, $0x3;
	s4 =	sand.u32 $0x1400, s12  }
0x46: {  	v4 =	vld.idx.msk [tilespmem:v0+s29+$0x30 ss:$0x1], $0xffff;
	s7 =	sand.u32 $0x1400, s28;
	s3 =	sand.u32 $0x3FFFFFF8, s3;
	s13 =	sshra.s32 s27, $0x2  }
0x47: {  	v5 =	vld.idx.msk [tilespmem:v0+s29+$0x40 ss:$0x1], $0xffff;
	s27 =	sshra.s32 s2, $0x2;
	s2 =	sor.u32 $0x110, s18;
	s28 =	sshra.s32 s6, $0x2;
	[tilespmem:s19+$0x0 ss:$0x11] =	vst.msk $0xffff, v1  }
0x48: {  	v1 =	vld.idx.msk [tilespmem:v0+s29+$0x50 ss:$0x1], $0xffff;
	[tilespmem:s19+$0x110 ss:$0x11] =	vst.msk $0xffff, v2;
	s26 =	sadd.s32 s13, s17;
	s27 =	sadd.s32 s27, s17;
	s6 =	smul.u32 $0x44, s2  }
0x49: {  	v2 =	vld.idx.msk [tilespmem:v0+s29+$0x60 ss:$0x1], $0xffff;
	[tilespmem:s19+$0x220 ss:$0x11] =	vst.msk $0xffff, v3;
	s28 =	sadd.s32 s28, s17;
	s2 =	sshll.u32 s2, $0x3;
	s13 =	sor.u32 $0x120, s18  }
0x4a: {  	v3 =	vld.idx.msk [tilespmem:v0+s29+$0x70 ss:$0x1], $0xffff;
	[tilespmem:s21+$0x0 ss:$0x11] =	vst.msk $0xffff, v55;
	s21 =	sor.u32 $0x170, s18;
	s2 =	sand.u32 $0x1800, s2;
	s12 =	smul.u32 $0x44, s13  }
0x4b: {  	v54 =	vld.idx.msk [tilespmem:v0+s30+$0x0 ss:$0x1], $0xffff;
	[tilespmem:s19+$0x330 ss:$0x11] =	vst.msk $0xffff, v4;
	s9 =	sshll.u32 s13, $0x3;
	s13 =	sor.u32 $0x130, s18;
	s6 =	sshra.s32 s6, $0x2  }
0x4c: {  	[tilespmem:s19+$0x440 ss:$0x11] =	vst.msk $0xffff, v5;
	s29 =	sadd.s32 s6, s17;
	s6 =	sand.u32 $0x1800, s9;
	s12 =	sshra.s32 s12, $0x2  }
0x4d: {  	s9 =	smul.u32 $0x44, s13;
	s13 =	sshll.u32 s13, $0x3;
	s30 =	sadd.s32 s12, s17;
	[tilespmem:s19+$0x550 ss:$0x11] =	vst.msk $0xffff, v1;
	v1 =	vld.idx.msk [tilespmem:v0+s1+$0x20 ss:$0x1], $0xffff  }
0x4e: {  	s1 =	sand.u32 $0x1800, s13;
	s12 =	smul.u32 $0x44, s31;
	[tilespmem:s19+$0x660 ss:$0x11] =	vst.msk $0xffff, v2;
	v2 =	vld.idx.msk [tilespmem:v0+s0+$0x30 ss:$0x1], $0xffff;
	s13 =	sshll.u32 s31, $0x3  }
0x4f: {  	s31 =	sor.u32 $0x150, s18;
	[tilespmem:s19+$0x770 ss:$0x11] =	vst.msk $0xffff, v3;
	v3 =	vld.idx.msk [tilespmem:v0+s8+$0x40 ss:$0x1], $0xffff;
	s9 =	sshra.s32 s9, $0x2;
	s8 =	sand.u32 $0x1800, s13  }
0x50: {  	v56 =	vld.idx.msk [tilespmem:v0+s5+$0x50 ss:$0x1], $0xffff;
	[tilespmem:s20+$0x0 ss:$0x11] =	vst.msk $0xffff, v54;
	s19 =	smul.u32 $0x44, s31;
	s20 =	sshll.u32 s31, $0x3;
	s31 =	sor.u32 $0x160, s18  }
0x51: {  	v57 =	vld.idx.msk [tilespmem:v0+s4+$0x60 ss:$0x1], $0xffff;
	s0 =	sadd.s32 s9, s17;
	s12 =	sshra.s32 s12, $0x2;
	s4 =	sand.u32 $0x1800, s20  }
0x52: {  	s5 =	sadd.s32 s12, s17;
	s12 =	sshra.s32 s19, $0x2;
	s19 =	smul.u32 $0x44, s31  }
0x53: {  	s20 =	sshll.u32 s31, $0x3;
	s31 =	sor.u32 $0x180, s18;
	[tilespmem:s22+$0x0 ss:$0x11] =	vst.msk $0xffff, v1;
	v1 =	vld.idx.msk [tilespmem:v0+s7+$0x70 ss:$0x1], $0xffff;
	s7 =	sadd.s32 s12, s17  }
0x54: {  	[tilespmem:s23+$0x0 ss:$0x11] =	vst.msk $0xffff, v2;
	v2 =	vld.idx.msk [tilespmem:v0+s3+$0x0 ss:$0x1], $0xffff;
	s3 =	sand.u32 $0x1800, s20;
	s22 =	sshra.s32 s19, $0x2;
	s23 =	smul.u32 $0x44, s21  }
0x55: {  	[tilespmem:s24+$0x0 ss:$0x11] =	vst.msk $0xffff, v3;
	v3 =	vld.idx.msk [tilespmem:v0+s2+$0x10 ss:$0x1], $0xffff;
	s24 =	sshll.u32 s21, $0x3;
	s20 =	smul.u32 $0x44, s31;
	s21 =	sshll.u32 s31, $0x3  }
0x56: {  	[tilespmem:s25+$0x0 ss:$0x11] =	vst.msk $0xffff, v56;
	v58 =	vld.idx.msk [tilespmem:v0+s6+$0x20 ss:$0x1], $0xffff;
	s2 =	sadd.s32 s22, s17;
	s6 =	sand.u32 $0x1800, s24;
	s22 =	sor.u32 $0x190, s18  }
0x57: {  	[tilespmem:s26+$0x0 ss:$0x11] =	vst.msk $0xffff, v57;
	v59 =	vld.idx.msk [tilespmem:v0+s1+$0x30 ss:$0x1], $0xffff;
	s19 =	sshra.s32 s23, $0x2;
	s23 =	sand.u32 $0x3FFFFFF8, s21;
	s24 =	sshra.s32 s20, $0x2  }
0x58: {  	s25 =	smul.u32 $0x44, s22;
	s1 =	sadd.s32 s19, s17;
	s19 =	sor.u32 $0x1B0, s18;
	[tilespmem:s27+$0x0 ss:$0x11] =	vst.msk $0xffff, v1;
	v1 =	vld.idx.msk [tilespmem:v0+s8+$0x40 ss:$0x1], $0xffff  }
0x59: {  	s26 =	sshll.u32 s22, $0x3;
	s22 =	sshll.u32 s19, $0x3;
	[tilespmem:s28+$0x0 ss:$0x11] =	vst.msk $0xffff, v2;
	v2 =	vld.idx.msk [tilespmem:v0+s4+$0x50 ss:$0x1], $0xffff;
	s4 =	sadd.s32 s24, s17  }
0x5a: {  	s27 =	sor.u32 $0x1A0, s18;
	[tilespmem:s29+$0x0 ss:$0x11] =	vst.msk $0xffff, v3;
	v3 =	vld.idx.msk [tilespmem:v0+s3+$0x60 ss:$0x1], $0xffff;
	s28 =	sand.u32 $0x1C00, s26;
	s29 =	sshra.s32 s25, $0x2  }
0x5b: {  	[tilespmem:s30+$0x0 ss:$0x11] =	vst.msk $0xffff, v58;
	v60 =	vld.idx.msk [tilespmem:v0+s6+$0x70 ss:$0x1], $0xffff;
	s24 =	sand.u32 $0x1C00, s22;
	s25 =	sor.u32 $0x1C0, s18;
	s26 =	smul.u32 $0x44, s19  }
0x5c: {  	[tilespmem:s0+$0x0 ss:$0x11] =	vst.msk $0xffff, v59;
	v61 =	vld.idx.msk [tilespmem:v0+s23+$0x0 ss:$0x1], $0xffff;
	s31 =	smul.u32 $0x44, s27;
	s6 =	sadd.s32 s29, s17;
	s13 =	sshll.u32 s27, $0x3  }
0x5d: {  	s27 =	sshll.u32 s25, $0x3;
	s19 =	smul.u32 $0x44, s25;
	s20 =	sand.u32 $0x1C00, s13;
	[tilespmem:s5+$0x0 ss:$0x11] =	vst.msk $0xffff, v1;
	v1 =	vld.idx.msk [tilespmem:v0+s28+$0x10 ss:$0x1], $0xffff  }
0x5e: {  	s29 =	sand.u32 $0x1C00, s27;
	s21 =	sshra.s32 s31, $0x2;
	[tilespmem:s7+$0x0 ss:$0x11] =	vst.msk $0xffff, v2;
	v2 =	vld.idx.msk [tilespmem:v0+s20+$0x20 ss:$0x1], $0xffff;
	s28 =	sor.u32 $0x1D0, s18  }
0x5f: {  	s31 =	sor.u32 $0x1E0, s18;
	s23 =	sadd.s32 s21, s17;
	[tilespmem:s2+$0x0 ss:$0x11] =	vst.msk $0xffff, v3;
	v3 =	vld.idx.msk [tilespmem:v0+s24+$0x30 ss:$0x1], $0xffff;
	s30 =	sshll.u32 s28, $0x3  }
0x60: {  	[tilespmem:s1+$0x0 ss:$0x11] =	vst.msk $0xffff, v60;
	v62 =	vld.idx.msk [tilespmem:v0+s29+$0x40 ss:$0x1], $0xffff;
	s13 =	sshll.u32 s31, $0x3;
	s18 =	sor.u32 $0x1F0, s18;
	s12 =	sand.u32 $0x1C00, s30  }
0x61: {  	[tilespmem:s4+$0x0 ss:$0x11] =	vst.msk $0xffff, v61;
	s20 =	sand.u32 $0x1C00, s13;
	s24 =	smul.u32 $0x44, s31;
	s21 =	sshll.u32 s18, $0x3;
	v63 =	vld.idx.msk [tilespmem:v0+s12+$0x50 ss:$0x1], $0xffff  }
0x62: {  	s0 =	sshra.s32 s26, $0x2;
	s22 =	smul.u32 $0x44, s28;
	s2 =	sand.u32 $0x1C00, s21;
	[tilespmem:s6+$0x0 ss:$0x11] =	vst.msk $0xffff, v1;
	v1 =	vld.idx.msk [tilespmem:v0+s20+$0x60 ss:$0x1], $0xffff  }
0x63: {  	s0 =	sadd.s32 s0, s17;
	s26 =	smul.u32 $0x44, s18;
	[tilespmem:s23+$0x0 ss:$0x11] =	vst.msk $0xffff, v2;
	v2 =	vld.idx.msk [tilespmem:v0+s2+$0x70 ss:$0x1], $0xffff;
	s23 =	sshra.s32 s19, $0x2  }
.Ltmp3:
0x64: {  	s1 =	sshra.s32 s22, $0x2;
	[tilespmem:s0+$0x0 ss:$0x11] =	vst.msk $0xffff, v3;
	s25 =	sadd.s32 s23, s17;
	(pc) =	sbr.rel @p1 .LBB1_4-.Ltmp3, $4  }
0x65: {  	s28 =	sshra.s32 s24, $0x2;
	s27 =	sadd.s32 s1, s17;
	[tilespmem:s25+$0x0 ss:$0x11] =	vst.msk $0xffff, v62  }
0x66: {  	s29 =	sadd.s32 s28, s17;
	s30 =	sshra.s32 s26, $0x2;
	[tilespmem:s27+$0x0 ss:$0x11] =	vst.msk $0xffff, v63  }
0x67: {  	s31 =	sadd.s32 s30, s17;
	[tilespmem:s29+$0x0 ss:$0x11] =	vst.msk $0xffff, v1  }
0x68: {  	p0 =	por $0x0, $0x0;
	s18 =	simm.s32 $0x200;
	[tilespmem:s31+$0x0 ss:$0x11] =	vst.msk $0xffff, v2  }
0x69: {  	s16 =	sadd.s32 $0x1, s16  }
0x6a: {  	p0 =	sne.s32 s16, $0x10  }
.Ltmp4:
0x6b: {  	_ = 	snop;
	(pc) =	sbr.rel @p0 .LBB1_3-.Ltmp4, $1  }
0x6c: {  	_ =	sdelay $0x3  }
0x6d: {  	s0 =	rddreg [dreg:$0x9]  }
0x6e: {  	s3 =	rddreg [dreg:$0x8]  }
0x6f: {  	s0 =	sshll.u32 s0, $0x7;
	s1 =	sshll.u32 s3, $0x3  }
0x70: {  	s2 =	sand.u32 $0xFFFFFC00, s0;
	s1 =	sand.u32 $0xFFFFFC00, s1  }
0x71: {  	s0 =	sand.u32 $0x380, s0;
	s1 =	sadd.s32 s1, s2  }
0x72: {  	s0 =	sor.u32 s0, s1  }
0x73: {  	s0 =	sshrl.u32 s0, $0x7  }
0x74: {  	s29 =	rddreg [dreg:$0x4];
	s25 =	smulhi.u32 $0x1A36E2F, s0  }
0x75: {  	s6 =	rddreg [dreg:$0x2]  }
0x76: {  	s7 =	rddreg [dreg:$0x3];
	s1 =	sshrl.u32 s25, $0xC  }
0x77: {  	s31 =	simm.s32 $0x80;
	s8 =	rddreg [dreg:$0x5];
	s1 =	smul.u32 $0x9C400, s1  }
.Ltmp5:
0x78: {  	s9 =	rddreg [dreg:$0x6];
	s26 =	sshrl.u32 s3, $0x3;
	(pc) =	sbr.rel .LBB1_7-.Ltmp5, $4  }
0x79: {  	s28 =	sand.u32 $0x7, s3;
	s27 =	sand.u32 $0xF, s26;
	s0 =	ssub.s32 s0, s1  }
0x7a: {  	s2 =	sshll.u32 s28, $0x12;
	s1 =	sadd.s32 s29, s27;
	s0 =	sshll.u32 s0, $0x4  }
0x7b: {  	s12 =	rddreg [dreg:$0x7];
	s30 =	sor.u32 $0x10, s2;
	s0 =	sadd.s32 s0, s1  }
0x7c: {  	[hbm4b:s0+s30] =	stream.strided.scatter [tilespmem:s14], [sflag:$0x2], $0x4000, s31, s30, $0x8;
	[tilespmem:$0x10800] =	vst v63  }
.LBB1_8:
0x7d: {  	_ =	sfence.sel $0x180000  }
0x7e: {  	s0 =	simm.s32 $0x1;
	[bflag:$0x0] =	sbarrier.arrive $0xFFFF  }
0x7f: {  	s30 =	simm.s32 $0x2;
	[sflag:s0] =	ssyncpa.u1 $0x1  }
0x80: {  	[sflag:s30] =	ssyncpa.u1 $0x1  }
0x81: {  	_ =	strace $0x90000047  }
0x82: {  	s31 =	stileid.u32;
	[bflag:$0x2] =	sbarrier.arrive $0xFFFF  }
0x83: {  	p0 =	sne.s32 s31, $0x0;
	s0 =	rddreg [dreg:$0x1]  }
0x84: {  	s0 =	sadd.s32 @!p0 $0x100000, s0  }
0x85: {  	[sflag:s0] =	ssyncadd.tile.s32 @!p0 $0x1;
	_ =	shalt  }
.Lfunc_end1:
_tile_overlayer_lowered:
.L_overlay_start_2:
0x86: {  	(tag) =	ssettag $0x2  }
0x87: {  	s0 =	rddreg [dreg:$0x0];
	s2 =	stileid.u32  }
0x88: {  	s1 =	rddreg [dreg:$0x1];
	p0 =	sne.s32 s2, $0x0  }
0x89: {  	s3 =	rddreg [dreg:$0x2];
	[bflag:$0x3] =	sbarrier.arrive $0xFFFF;
	s2 =	simm.s32 @!p0 $0x1C01  }
0x8a: {  	[timem:s3], [sflag:s2] =	dma.local @!p0 [hbm:s0], s1  }
0x8b: {  	s0 =	simm.s32 @!p0 $0x1  }
0x8c: {  	_ =	swait.ge @!p0 [sflag:s0], s1  }
0x8d: {  	s1 =	ssub.s32 @!p0 $0x0, s1;
	[sflag:s0] =	ssyncset.done @!p0 $0x0  }
0x8e: {  	[sflag:s0] =	ssyncadd.s32 @!p0 s1  }
0x8f: {  	[bflag:$0x3] =	sbarrier.arrive $0xFFFF  }
0x90: {  	_ =	shalt  }

</sc_bundles>
